<compile_context>
chip_gen: v7x
topology: tpu7x:2x2x1
jax: 0.10.2.dev20260603
libtpu: 0.0.44.dev20260713+nightly
codegen_flags: <defaults>
</compile_context>

<pallas_src>
import functools

import jax
import jax.numpy as jnp
from jax import lax
from jax.experimental import pallas as pl
from jax.experimental.pallas import tpu as pltpu
from jax.experimental.pallas import tpu_sc as plsc

NC = 2
NS = 16
NW = NC * NS
NBUF = 4


def _make_sc_gather(n_rows: int, seq_len: int, dim: int):
    assert n_rows % (NW * seq_len) == 0
    rows_per_w = n_rows // NW
    nchunks = rows_per_w // seq_len
    assert nchunks % NBUF == 0 and nchunks >= 2 * NBUF
    mesh = plsc.VectorSubcoreMesh(core_axis_name="c", subcore_axis_name="s")

    @functools.partial(
        pl.kernel,
        out_type=jax.ShapeDtypeStruct((n_rows, dim), jnp.float32),
        mesh=mesh,
        scratch_types=[
            pltpu.VMEM((rows_per_w,), jnp.int32),
            pltpu.VMEM((seq_len, dim), jnp.float32),
            pltpu.VMEM((seq_len, dim), jnp.float32),
            pltpu.VMEM((seq_len, dim), jnp.float32),
            pltpu.VMEM((seq_len, dim), jnp.float32),
            pltpu.VMEM((seq_len, dim), jnp.float32),
            pltpu.SemaphoreType.DMA,
            pltpu.SemaphoreType.DMA,
        ],
        compiler_params=pltpu.CompilerParams(use_tc_tiling_on_sc=False),
    )
    def sc_kernel(tok_hbm, table_hbm, pos_hbm, out_hbm,
                  idx_all, r0, r1, r2, r3, pos_v, gsem, osem):
        rows = [r0, r1, r2, r3]
        wid = lax.axis_index("s") * NC + lax.axis_index("c")
        base0 = wid * rows_per_w
        pltpu.sync_copy(pos_hbm, pos_v)
        pltpu.sync_copy(tok_hbm.at[pl.ds(base0, rows_per_w)], idx_all)

        def idx_slice(g):
            return idx_all.at[pl.ds(g * seq_len, seq_len)]

        def issue_gather(g, b):
            pltpu.async_copy(table_hbm.at[idx_slice(g)], rows[b], gsem)

        def wait_gather(g, b):
            pltpu.make_async_copy(table_hbm.at[idx_slice(g)], rows[b],
                                  gsem).wait()

        def drain_out(b):
            pltpu.make_async_copy(rows[b], out_hbm.at[pl.ds(base0, seq_len)],
                                  osem).wait()

        def start_out(g, b):
            pltpu.async_copy(
                rows[b], out_hbm.at[pl.ds(base0 + g * seq_len, seq_len)], osem)

        def alu_add(b):
            rb = rows[b]
            runroll = 4

            def radd(i, c):
                r0 = i * runroll
                for u in range(runroll):
                    for d in range(dim // 16):
                        sl = pl.ds(d * 16, 16)
                        rb[r0 + u, sl] = rb[r0 + u, sl] + pos_v[r0 + u, sl]
                return c

            lax.fori_loop(0, seq_len // runroll, radd, 0)

        def half_iter(g, b, drain, prefetch):
            p = (b + NBUF - 1) % NBUF
            if drain:
                drain_out(p)
            if prefetch:
                issue_gather(g + NBUF - 1, p)
            wait_gather(g, b)
            alu_add(b)
            start_out(g, b)

        for b in range(NBUF - 1):
            issue_gather(b, b)

        half_iter(0, 0, False, True)
        for b in range(1, NBUF):
            half_iter(b, b, True, True)

        @pl.loop(1, nchunks // NBUF - 1)
        def _(go):
            g0 = go * NBUF
            for b in range(NBUF):
                half_iter(g0 + b, b, True, True)

        g0 = nchunks - NBUF
        half_iter(g0, 0, True, True)
        for b in range(1, NBUF):
            half_iter(g0 + b, b, True, False)
        drain_out(NBUF - 1)

    return sc_kernel


def kernel(tokens, token_table, pos_table):
    batch, seq_len = tokens.shape
    dim = token_table.shape[1]
    n_rows = batch * seq_len
    idx_flat = tokens.reshape(n_rows).astype(jnp.int32)
    out = _make_sc_gather(n_rows, seq_len, dim)(
        idx_flat, token_table, pos_table)
    return out.reshape(batch, seq_len, dim)

# --- scband reference (transcript-rebuilt; emitter-appended) ---
"""Pipeline reference for scband-token-and-position-embedding-72447508349422 (READ-ONLY COPY).

The authoritative reference and input builder live on the scoring server;
editing this copy changes nothing except your own understanding.
"""

import jax, jax.numpy as jnp
import numpy as np

VOCAB_SIZE = 1000000
MAX_LEN = 200
EMBED_DIM = 64
BATCH = 4096
SEQ_LEN = 200


def setup_inputs(seed: int = 0) -> dict:
    key = jax.random.key(seed)
    k_tok, k_emb, k_pos = jax.random.split(key, 3)
    tokens = jax.random.randint(k_tok, (BATCH, SEQ_LEN), 0, VOCAB_SIZE, dtype=jnp.int64 if jax.config.jax_enable_x64 else jnp.int32)
    token_table = jax.random.normal(k_emb, (VOCAB_SIZE, EMBED_DIM), dtype=jnp.float32)
    # padding_idx=0: zero out row 0 like nn.Embedding(padding_idx=0)
    token_table = token_table.at[0].set(0.0)
    pos_table = jax.random.normal(k_pos, (MAX_LEN, EMBED_DIM), dtype=jnp.float32)
    return {"tokens": tokens, "token_table": token_table, "pos_table": pos_table}


def reference(tokens, token_table, pos_table):
    # x = token_embedding(tokens)
    x = jnp.take(token_table, tokens, axis=0)  # [B, S, D]
    batch_size, seq_len = tokens.shape
    positions = jnp.arange(seq_len)[None, :]  # [1, S]
    positions = jnp.broadcast_to(positions, (batch_size, seq_len))  # [B, S]
    pos_emb = jnp.take(pos_table, positions, axis=0)  # [B, S, D]
    return x + pos_emb

if __name__ == "__main__":
    import jax
    _d = setup_inputs()
    print(jax.jit(kernel)(*tuple(_d.values())))

</pallas_src>

<mosaic_0001>
#map = affine_map<(d0, d1) -> (0)>
#map1 = affine_map<(d0, d1) -> (0, 0)>
module attributes {stable_mosaic.version = 14 : i64} {
  func.func @sc_kernel(%arg0: i32, %arg1: i32, %arg2: memref<819200xi32, #tpu.memory_space<hbm>>, %arg3: memref<1000000x64xf32, #tpu.memory_space<hbm>>, %arg4: memref<200x64xf32, #tpu.memory_space<hbm>>, %arg5: memref<819200x64xf32, #tpu.memory_space<hbm>>, %arg6: memref<25600xi32, #tpu.memory_space<vmem>>, %arg7: memref<200x64xf32, #tpu.memory_space<vmem>>, %arg8: memref<200x64xf32, #tpu.memory_space<vmem>>, %arg9: memref<200x64xf32, #tpu.memory_space<vmem>>, %arg10: memref<200x64xf32, #tpu.memory_space<vmem>>, %arg11: memref<200x64xf32, #tpu.memory_space<vmem>>, %arg12: memref<!tpu.dma_semaphore, #tpu.memory_space<semaphore_mem>>, %arg13: memref<!tpu.dma_semaphore, #tpu.memory_space<semaphore_mem>>) attributes {dimension_semantics = [#tpu.dimension_semantics<core_parallel>, #tpu.dimension_semantics<subcore_parallel>], iteration_bounds = array<i64: 2, 16>, scalar_prefetch = 0 : i64, scratch_operands = 8 : i64, tpu.core_type = #tpu.core_type<sc_vector_subcore>, window_params = [{transform_indices = #map}, {transform_indices = #map1}, {transform_indices = #map1}, {transform_indices = #map1}]} {
    %mul3A = arith.constant 2 : i32
    %mul3A_0 = arith.muli %arg1, %mul3A : i32
    %add3A = arith.addi %mul3A_0, %arg0 : i32
    %mul3A_1 = arith.constant 25600 : i32
    %mul3A_2 = arith.muli %add3A, %mul3A_1 : i32
    "tpu.region"() ({
      %run_scoped3A = tpu.sem_alloc : memref<!tpu.dma_semaphore, #tpu.memory_space<semaphore_mem>>
      tpu.enqueue_dma source(%arg4 : memref<200x64xf32, #tpu.memory_space<hbm>>) target(%arg11 : memref<200x64xf32, #tpu.memory_space<vmem>>) target_semaphore(%run_scoped3A : memref<!tpu.dma_semaphore, #tpu.memory_space<semaphore_mem>>)
      tpu.wait_dma2 semaphore(%run_scoped3A : memref<!tpu.dma_semaphore, #tpu.memory_space<semaphore_mem>>) src(%arg4 : memref<200x64xf32, #tpu.memory_space<hbm>>) dst(%arg11 : memref<200x64xf32, #tpu.memory_space<vmem>>)
      tpu.yield
    }) : () -> ()
    "tpu.region"() ({
      %run_scoped3A = tpu.sem_alloc : memref<!tpu.dma_semaphore, #tpu.memory_space<semaphore_mem>>
      %dma_start3A_213 = tpu.memref_slice %arg2[%mul3A_2] : memref<819200xi32, #tpu.memory_space<hbm>> -> memref<25600xi32, #tpu.memory_space<hbm>>
      %dma_start3A_214 = tpu.memref_slice %arg2[%mul3A_2] : memref<819200xi32, #tpu.memory_space<hbm>> -> memref<25600xi32, #tpu.memory_space<hbm>>
      tpu.enqueue_dma source(%dma_start3A_214 : memref<25600xi32, #tpu.memory_space<hbm>>) target(%arg6 : memref<25600xi32, #tpu.memory_space<vmem>>) target_semaphore(%run_scoped3A : memref<!tpu.dma_semaphore, #tpu.memory_space<semaphore_mem>>)
      %dma_wait3A_215 = tpu.memref_slice %arg2[%mul3A_2] : memref<819200xi32, #tpu.memory_space<hbm>> -> memref<25600xi32, #tpu.memory_space<hbm>>
      %dma_wait3A_216 = tpu.memref_slice %arg2[%mul3A_2] : memref<819200xi32, #tpu.memory_space<hbm>> -> memref<25600xi32, #tpu.memory_space<hbm>>
      tpu.wait_dma2 semaphore(%run_scoped3A : memref<!tpu.dma_semaphore, #tpu.memory_space<semaphore_mem>>) src(%dma_wait3A_216 : memref<25600xi32, #tpu.memory_space<hbm>>) dst(%arg6 : memref<25600xi32, #tpu.memory_space<vmem>>)
      tpu.yield
    }) : () -> ()
    %dma_start3A = arith.constant 0 : i32
    %dma_start3A_3 = tpu.memref_slice %arg6[%dma_start3A] : memref<25600xi32, #tpu.memory_space<vmem>> -> memref<200xi32, #tpu.memory_space<vmem>>
    %dma_start3A_4 = arith.constant 0 : i32
    %dma_start3A_5 = arith.constant 0 : i32
    %dma_start3A_6 = tpu.memref_slice %arg3[%dma_start3A_4, %dma_start3A_5] : memref<1000000x64xf32, #tpu.memory_space<hbm>> -> memref<1000000x64xf32, #tpu.memory_space<hbm>>
    tpu.enqueue_indirect_dma source(%dma_start3A_6 : memref<1000000x64xf32, #tpu.memory_space<hbm>>) target(%arg7 : memref<200x64xf32, #tpu.memory_space<vmem>>) offsets(%dma_start3A_3 : memref<200xi32, #tpu.memory_space<vmem>>) semaphore(%arg12 : memref<!tpu.dma_semaphore, #tpu.memory_space<semaphore_mem>>)
    %dma_start3A_7 = arith.constant 200 : i32
    %dma_start3A_8 = tpu.memref_slice %arg6[%dma_start3A_7] : memref<25600xi32, #tpu.memory_space<vmem>> -> memref<200xi32, #tpu.memory_space<vmem>>
    %dma_start3A_9 = arith.constant 0 : i32
    %dma_start3A_10 = arith.constant 0 : i32
    %dma_start3A_11 = tpu.memref_slice %arg3[%dma_start3A_9, %dma_start3A_10] : memref<1000000x64xf32, #tpu.memory_space<hbm>> -> memref<1000000x64xf32, #tpu.memory_space<hbm>>
    tpu.enqueue_indirect_dma source(%dma_start3A_11 : memref<1000000x64xf32, #tpu.memory_space<hbm>>) target(%arg8 : memref<200x64xf32, #tpu.memory_space<vmem>>) offsets(%dma_start3A_8 : memref<200xi32, #tpu.memory_space<vmem>>) semaphore(%arg12 : memref<!tpu.dma_semaphore, #tpu.memory_space<semaphore_mem>>)
    %dma_start3A_12 = arith.constant 400 : i32
    %dma_start3A_13 = tpu.memref_slice %arg6[%dma_start3A_12] : memref<25600xi32, #tpu.memory_space<vmem>> -> memref<200xi32, #tpu.memory_space<vmem>>
    %dma_start3A_14 = arith.constant 0 : i32
    %dma_start3A_15 = arith.constant 0 : i32
    %dma_start3A_16 = tpu.memref_slice %arg3[%dma_start3A_14, %dma_start3A_15] : memref<1000000x64xf32, #tpu.memory_space<hbm>> -> memref<1000000x64xf32, #tpu.memory_space<hbm>>
    tpu.enqueue_indirect_dma source(%dma_start3A_16 : memref<1000000x64xf32, #tpu.memory_space<hbm>>) target(%arg9 : memref<200x64xf32, #tpu.memory_space<vmem>>) offsets(%dma_start3A_13 : memref<200xi32, #tpu.memory_space<vmem>>) semaphore(%arg12 : memref<!tpu.dma_semaphore, #tpu.memory_space<semaphore_mem>>)
    %dma_start3A_17 = arith.constant 600 : i32
    %dma_start3A_18 = tpu.memref_slice %arg6[%dma_start3A_17] : memref<25600xi32, #tpu.memory_space<vmem>> -> memref<200xi32, #tpu.memory_space<vmem>>
    %dma_start3A_19 = arith.constant 0 : i32
    %dma_start3A_20 = arith.constant 0 : i32
    %dma_start3A_21 = tpu.memref_slice %arg3[%dma_start3A_19, %dma_start3A_20] : memref<1000000x64xf32, #tpu.memory_space<hbm>> -> memref<1000000x64xf32, #tpu.memory_space<hbm>>
    tpu.enqueue_indirect_dma source(%dma_start3A_21 : memref<1000000x64xf32, #tpu.memory_space<hbm>>) target(%arg10 : memref<200x64xf32, #tpu.memory_space<vmem>>) offsets(%dma_start3A_18 : memref<200xi32, #tpu.memory_space<vmem>>) semaphore(%arg12 : memref<!tpu.dma_semaphore, #tpu.memory_space<semaphore_mem>>)
    %dma_wait3A = arith.constant 0 : i32
    %dma_wait3A_22 = tpu.memref_slice %arg6[%dma_wait3A] : memref<25600xi32, #tpu.memory_space<vmem>> -> memref<200xi32, #tpu.memory_space<vmem>>
    %dma_wait3A_23 = arith.constant 0 : i32
    %dma_wait3A_24 = arith.constant 0 : i32
    %dma_wait3A_25 = tpu.memref_slice %arg3[%dma_wait3A_23, %dma_wait3A_24] : memref<1000000x64xf32, #tpu.memory_space<hbm>> -> memref<1000000x64xf32, #tpu.memory_space<hbm>>
    tpu.wait_indirect_dma semaphore(%arg12 : memref<!tpu.dma_semaphore, #tpu.memory_space<semaphore_mem>>) src(%dma_wait3A_25 : memref<1000000x64xf32, #tpu.memory_space<hbm>>) dst(%arg7 : memref<200x64xf32, #tpu.memory_space<vmem>>)
    %scan3A = arith.constant 0 : i32
    %scan3A_26 = arith.constant 0 : i32
    %scan3A_27 = arith.constant 50 : i32
    %scan3A_28 = arith.addi %scan3A_26, %scan3A_27 : i32
    %scan3A_29 = arith.constant 1 : i32
    scf.for %scan3A_213 = %scan3A_26 to %scan3A_28 step %scan3A_29  : i32 {
      %mul3A_214 = arith.constant 4 : i32
      %mul3A_215 = arith.muli %scan3A_213, %mul3A_214 : i32
      %add3A_216 = arith.constant 0 : i32
      %add3A_217 = arith.addi %mul3A_215, %add3A_216 : i32
      %get3A = arith.index_cast %add3A_217 : i32 to index
      %get3A_218 = arith.constant 0 : index
      %get3A_219 = tpu.vector_load %arg7[%get3A, %get3A_218] {strides = array<i32>} : memref<200x64xf32, #tpu.memory_space<vmem>>, vector<1x16xf32>,
      %get3A_220 = vector.shape_cast %get3A_219 : vector<1x16xf32> to vector<16xf32>
      %add3A_221 = arith.constant 0 : i32
      %add3A_222 = arith.addi %mul3A_215, %add3A_221 : i32
      %get3A_223 = arith.index_cast %add3A_222 : i32 to index
      %get3A_224 = arith.constant 0 : index
      %get3A_225 = tpu.vector_load %arg11[%get3A_223, %get3A_224] {strides = array<i32>} : memref<200x64xf32, #tpu.memory_space<vmem>>, vector<1x16xf32>,
      %get3A_226 = vector.shape_cast %get3A_225 : vector<1x16xf32> to vector<16xf32>
      %add3A_227 = arith.addf %get3A_220, %get3A_226 : vector<16xf32>
      %add3A_228 = arith.constant 0 : i32
      %add3A_229 = arith.addi %mul3A_215, %add3A_228 : i32
      %swap3A = arith.index_cast %add3A_229 : i32 to index
      %swap3A_230 = arith.constant 0 : index
      %swap3A_231 = tpu.vector_load %arg7[%swap3A, %swap3A_230] {strides = array<i32>} : memref<200x64xf32, #tpu.memory_space<vmem>>, vector<1x16xf32>,
      %swap3A_232 = vector.shape_cast %swap3A_231 : vector<1x16xf32> to vector<16xf32>
      %swap3A_233 = vector.shape_cast %add3A_227 : vector<16xf32> to vector<1x16xf32>
      tpu.vector_store %arg7[%swap3A, %swap3A_230], %swap3A_233 {strides = array<i32>} : memref<200x64xf32, #tpu.memory_space<vmem>>, vector<1x16xf32>,
      %add3A_234 = arith.constant 0 : i32
      %add3A_235 = arith.addi %mul3A_215, %add3A_234 : i32
      %get3A_236 = arith.index_cast %add3A_235 : i32 to index
      %get3A_237 = arith.constant 16 : index
      %get3A_238 = tpu.vector_load %arg7[%get3A_236, %get3A_237] {strides = array<i32>} : memref<200x64xf32, #tpu.memory_space<vmem>>, vector<1x16xf32>,
      %get3A_239 = vector.shape_cast %get3A_238 : vector<1x16xf32> to vector<16xf32>
      %add3A_240 = arith.constant 0 : i32
      %add3A_241 = arith.addi %mul3A_215, %add3A_240 : i32
      %get3A_242 = arith.index_cast %add3A_241 : i32 to index
      %get3A_243 = arith.constant 16 : index
      %get3A_244 = tpu.vector_load %arg11[%get3A_242, %get3A_243] {strides = array<i32>} : memref<200x64xf32, #tpu.memory_space<vmem>>, vector<1x16xf32>,
      %get3A_245 = vector.shape_cast %get3A_244 : vector<1x16xf32> to vector<16xf32>
      %add3A_246 = arith.addf %get3A_239, %get3A_245 : vector<16xf32>
      %add3A_247 = arith.constant 0 : i32
      %add3A_248 = arith.addi %mul3A_215, %add3A_247 : i32
      %swap3A_249 = arith.index_cast %add3A_248 : i32 to index
      %swap3A_250 = arith.constant 16 : index
      %swap3A_251 = tpu.vector_load %arg7[%swap3A_249, %swap3A_250] {strides = array<i32>} : memref<200x64xf32, #tpu.memory_space<vmem>>, vector<1x16xf32>,
      %swap3A_252 = vector.shape_cast %swap3A_251 : vector<1x16xf32> to vector<16xf32>
      %swap3A_253 = vector.shape_cast %add3A_246 : vector<16xf32> to vector<1x16xf32>
      tpu.vector_store %arg7[%swap3A_249, %swap3A_250], %swap3A_253 {strides = array<i32>} : memref<200x64xf32, #tpu.memory_space<vmem>>, vector<1x16xf32>,
      %add3A_254 = arith.constant 0 : i32
      %add3A_255 = arith.addi %mul3A_215, %add3A_254 : i32
      %get3A_256 = arith.index_cast %add3A_255 : i32 to index
      %get3A_257 = arith.constant 32 : index
      %get3A_258 = tpu.vector_load %arg7[%get3A_256, %get3A_257] {strides = array<i32>} : memref<200x64xf32, #tpu.memory_space<vmem>>, vector<1x16xf32>,
      %get3A_259 = vector.shape_cast %get3A_258 : vector<1x16xf32> to vector<16xf32>
      %add3A_260 = arith.constant 0 : i32
      %add3A_261 = arith.addi %mul3A_215, %add3A_260 : i32
      %get3A_262 = arith.index_cast %add3A_261 : i32 to index
      %get3A_263 = arith.constant 32 : index
      %get3A_264 = tpu.vector_load %arg11[%get3A_262, %get3A_263] {strides = array<i32>} : memref<200x64xf32, #tpu.memory_space<vmem>>, vector<1x16xf32>,
      %get3A_265 = vector.shape_cast %get3A_264 : vector<1x16xf32> to vector<16xf32>
      %add3A_266 = arith.addf %get3A_259, %get3A_265 : vector<16xf32>
      %add3A_267 = arith.constant 0 : i32
      %add3A_268 = arith.addi %mul3A_215, %add3A_267 : i32
      %swap3A_269 = arith.index_cast %add3A_268 : i32 to index
      %swap3A_270 = arith.constant 32 : index
      %swap3A_271 = tpu.vector_load %arg7[%swap3A_269, %swap3A_270] {strides = array<i32>} : memref<200x64xf32, #tpu.memory_space<vmem>>, vector<1x16xf32>,
      %swap3A_272 = vector.shape_cast %swap3A_271 : vector<1x16xf32> to vector<16xf32>
      %swap3A_273 = vector.shape_cast %add3A_266 : vector<16xf32> to vector<1x16xf32>
      tpu.vector_store %arg7[%swap3A_269, %swap3A_270], %swap3A_273 {strides = array<i32>} : memref<200x64xf32, #tpu.memory_space<vmem>>, vector<1x16xf32>,
      %add3A_274 = arith.constant 0 : i32
      %add3A_275 = arith.addi %mul3A_215, %add3A_274 : i32
      %get3A_276 = arith.index_cast %add3A_275 : i32 to index
      %get3A_277 = arith.constant 48 : index
      %get3A_278 = tpu.vector_load %arg7[%get3A_276, %get3A_277] {strides = array<i32>} : memref<200x64xf32, #tpu.memory_space<vmem>>, vector<1x16xf32>,
      %get3A_279 = vector.shape_cast %get3A_278 : vector<1x16xf32> to vector<16xf32>
      %add3A_280 = arith.constant 0 : i32
      %add3A_281 = arith.addi %mul3A_215, %add3A_280 : i32
      %get3A_282 = arith.index_cast %add3A_281 : i32 to index
      %get3A_283 = arith.constant 48 : index
      %get3A_284 = tpu.vector_load %arg11[%get3A_282, %get3A_283] {strides = array<i32>} : memref<200x64xf32, #tpu.memory_space<vmem>>, vector<1x16xf32>,
      %get3A_285 = vector.shape_cast %get3A_284 : vector<1x16xf32> to vector<16xf32>
      %add3A_286 = arith.addf %get3A_279, %get3A_285 : vector<16xf32>
      %add3A_287 = arith.constant 0 : i32
      %add3A_288 = arith.addi %mul3A_215, %add3A_287 : i32
      %swap3A_289 = arith.index_cast %add3A_288 : i32 to index
      %swap3A_290 = arith.constant 48 : index
      %swap3A_291 = tpu.vector_load %arg7[%swap3A_289, %swap3A_290] {strides = array<i32>} : memref<200x64xf32, #tpu.memory_space<vmem>>, vector<1x16xf32>,
      %swap3A_292 = vector.shape_cast %swap3A_291 : vector<1x16xf32> to vector<16xf32>
      %swap3A_293 = vector.shape_cast %add3A_286 : vector<16xf32> to vector<1x16xf32>
      tpu.vector_store %arg7[%swap3A_289, %swap3A_290], %swap3A_293 {strides = array<i32>} : memref<200x64xf32, #tpu.memory_space<vmem>>, vector<1x16xf32>,
      %add3A_294 = arith.constant 1 : i32
      %add3A_295 = arith.addi %mul3A_215, %add3A_294 : i32
      %get3A_296 = arith.index_cast %add3A_295 : i32 to index
      %get3A_297 = arith.constant 0 : index
      %get3A_298 = tpu.vector_load %arg7[%get3A_296, %get3A_297] {strides = array<i32>} : memref<200x64xf32, #tpu.memory_space<vmem>>, vector<1x16xf32>,
      %get3A_299 = vector.shape_cast %get3A_298 : vector<1x16xf32> to vector<16xf32>
      %add3A_300 = arith.constant 1 : i32
      %add3A_301 = arith.addi %mul3A_215, %add3A_300 : i32
      %get3A_302 = arith.index_cast %add3A_301 : i32 to index
      %get3A_303 = arith.constant 0 : index
      %get3A_304 = tpu.vector_load %arg11[%get3A_302, %get3A_303] {strides = array<i32>} : memref<200x64xf32, #tpu.memory_space<vmem>>, vector<1x16xf32>,
      %get3A_305 = vector.shape_cast %get3A_304 : vector<1x16xf32> to vector<16xf32>
      %add3A_306 = arith.addf %get3A_299, %get3A_305 : vector<16xf32>
      %add3A_307 = arith.constant 1 : i32
      %add3A_308 = arith.addi %mul3A_215, %add3A_307 : i32
      %swap3A_309 = arith.index_cast %add3A_308 : i32 to index
      %swap3A_310 = arith.constant 0 : index
      %swap3A_311 = tpu.vector_load %arg7[%swap3A_309, %swap3A_310] {strides = array<i32>} : memref<200x64xf32, #tpu.memory_space<vmem>>, vector<1x16xf32>,
      %swap3A_312 = vector.shape_cast %swap3A_311 : vector<1x16xf32> to vector<16xf32>
      %swap3A_313 = vector.shape_cast %add3A_306 : vector<16xf32> to vector<1x16xf32>
      tpu.vector_store %arg7[%swap3A_309, %swap3A_310], %swap3A_313 {strides = array<i32>} : memref<200x64xf32, #tpu.memory_space<vmem>>, vector<1x16xf32>,
      %add3A_314 = arith.constant 1 : i32
      %add3A_315 = arith.addi %mul3A_215, %add3A_314 : i32
      %get3A_316 = arith.index_cast %add3A_315 : i32 to index
      %get3A_317 = arith.constant 16 : index
      %get3A_318 = tpu.vector_load %arg7[%get3A_316, %get3A_317] {strides = array<i32>} : memref<200x64xf32, #tpu.memory_space<vmem>>, vector<1x16xf32>,
      %get3A_319 = vector.shape_cast %get3A_318 : vector<1x16xf32> to vector<16xf32>
      %add3A_320 = arith.constant 1 : i32
      %add3A_321 = arith.addi %mul3A_215, %add3A_320 : i32
      %get3A_322 = arith.index_cast %add3A_321 : i32 to index
      %get3A_323 = arith.constant 16 : index
      %get3A_324 = tpu.vector_load %arg11[%get3A_322, %get3A_323] {strides = array<i32>} : memref<200x64xf32, #tpu.memory_space<vmem>>, vector<1x16xf32>,
      %get3A_325 = vector.shape_cast %get3A_324 : vector<1x16xf32> to vector<16xf32>
      %add3A_326 = arith.addf %get3A_319, %get3A_325 : vector<16xf32>
      %add3A_327 = arith.constant 1 : i32
      %add3A_328 = arith.addi %mul3A_215, %add3A_327 : i32
      %swap3A_329 = arith.index_cast %add3A_328 : i32 to index
      %swap3A_330 = arith.constant 16 : index
      %swap3A_331 = tpu.vector_load %arg7[%swap3A_329, %swap3A_330] {strides = array<i32>} : memref<200x64xf32, #tpu.memory_space<vmem>>, vector<1x16xf32>,
      %swap3A_332 = vector.shape_cast %swap3A_331 : vector<1x16xf32> to vector<16xf32>
      %swap3A_333 = vector.shape_cast %add3A_326 : vector<16xf32> to vector<1x16xf32>
      tpu.vector_store %arg7[%swap3A_329, %swap3A_330], %swap3A_333 {strides = array<i32>} : memref<200x64xf32, #tpu.memory_space<vmem>>, vector<1x16xf32>,
      %add3A_334 = arith.constant 1 : i32
      %add3A_335 = arith.addi %mul3A_215, %add3A_334 : i32
      %get3A_336 = arith.index_cast %add3A_335 : i32 to index
      %get3A_337 = arith.constant 32 : index
      %get3A_338 = tpu.vector_load %arg7[%get3A_336, %get3A_337] {strides = array<i32>} : memref<200x64xf32, #tpu.memory_space<vmem>>, vector<1x16xf32>,
      %get3A_339 = vector.shape_cast %get3A_338 : vector<1x16xf32> to vector<16xf32>
      %add3A_340 = arith.constant 1 : i32
      %add3A_341 = arith.addi %mul3A_215, %add3A_340 : i32
      %get3A_342 = arith.index_cast %add3A_341 : i32 to index
      %get3A_343 = arith.constant 32 : index
      %get3A_344 = tpu.vector_load %arg11[%get3A_342, %get3A_343] {strides = array<i32>} : memref<200x64xf32, #tpu.memory_space<vmem>>, vector<1x16xf32>,
      %get3A_345 = vector.shape_cast %get3A_344 : vector<1x16xf32> to vector<16xf32>
      %add3A_346 = arith.addf %get3A_339, %get3A_345 : vector<16xf32>
      %add3A_347 = arith.constant 1 : i32
      %add3A_348 = arith.addi %mul3A_215, %add3A_347 : i32
      %swap3A_349 = arith.index_cast %add3A_348 : i32 to index
      %swap3A_350 = arith.constant 32 : index
      %swap3A_351 = tpu.vector_load %arg7[%swap3A_349, %swap3A_350] {strides = array<i32>} : memref<200x64xf32, #tpu.memory_space<vmem>>, vector<1x16xf32>,
      %swap3A_352 = vector.shape_cast %swap3A_351 : vector<1x16xf32> to vector<16xf32>
      %swap3A_353 = vector.shape_cast %add3A_346 : vector<16xf32> to vector<1x16xf32>
      tpu.vector_store %arg7[%swap3A_349, %swap3A_350], %swap3A_353 {strides = array<i32>} : memref<200x64xf32, #tpu.memory_space<vmem>>, vector<1x16xf32>,
      %add3A_354 = arith.constant 1 : i32
      %add3A_355 = arith.addi %mul3A_215, %add3A_354 : i32
      %get3A_356 = arith.index_cast %add3A_355 : i32 to index
      %get3A_357 = arith.constant 48 : index
      %get3A_358 = tpu.vector_load %arg7[%get3A_356, %get3A_357] {strides = array<i32>} : memref<200x64xf32, #tpu.memory_space<vmem>>, vector<1x16xf32>,
      %get3A_359 = vector.shape_cast %get3A_358 : vector<1x16xf32> to vector<16xf32>
      %add3A_360 = arith.constant 1 : i32
      %add3A_361 = arith.addi %mul3A_215, %add3A_360 : i32
      %get3A_362 = arith.index_cast %add3A_361 : i32 to index
      %get3A_363 = arith.constant 48 : index
      %get3A_364 = tpu.vector_load %arg11[%get3A_362, %get3A_363] {strides = array<i32>} : memref<200x64xf32, #tpu.memory_space<vmem>>, vector<1x16xf32>,
      %get3A_365 = vector.shape_cast %get3A_364 : vector<1x16xf32> to vector<16xf32>
      %add3A_366 = arith.addf %get3A_359, %get3A_365 : vector<16xf32>
      %add3A_367 = arith.constant 1 : i32
      %add3A_368 = arith.addi %mul3A_215, %add3A_367 : i32
      %swap3A_369 = arith.index_cast %add3A_368 : i32 to index
      %swap3A_370 = arith.constant 48 : index
      %swap3A_371 = tpu.vector_load %arg7[%swap3A_369, %swap3A_370] {strides = array<i32>} : memref<200x64xf32, #tpu.memory_space<vmem>>, vector<1x16xf32>,
      %swap3A_372 = vector.shape_cast %swap3A_371 : vector<1x16xf32> to vector<16xf32>
      %swap3A_373 = vector.shape_cast %add3A_366 : vector<16xf32> to vector<1x16xf32>
      tpu.vector_store %arg7[%swap3A_369, %swap3A_370], %swap3A_373 {strides = array<i32>} : memref<200x64xf32, #tpu.memory_space<vmem>>, vector<1x16xf32>,
      %add3A_374 = arith.constant 2 : i32
      %add3A_375 = arith.addi %mul3A_215, %add3A_374 : i32
      %get3A_376 = arith.index_cast %add3A_375 : i32 to index
      %get3A_377 = arith.constant 0 : index
      %get3A_378 = tpu.vector_load %arg7[%get3A_376, %get3A_377] {strides = array<i32>} : memref<200x64xf32, #tpu.memory_space<vmem>>, vector<1x16xf32>,
      %get3A_379 = vector.shape_cast %get3A_378 : vector<1x16xf32> to vector<16xf32>
      %add3A_380 = arith.constant 2 : i32
      %add3A_381 = arith.addi %mul3A_215, %add3A_380 : i32
      %get3A_382 = arith.index_cast %add3A_381 : i32 to index
      %get3A_383 = arith.constant 0 : index
      %get3A_384 = tpu.vector_load %arg11[%get3A_382, %get3A_383] {strides = array<i32>} : memref<200x64xf32, #tpu.memory_space<vmem>>, vector<1x16xf32>,
      %get3A_385 = vector.shape_cast %get3A_384 : vector<1x16xf32> to vector<16xf32>
      %add3A_386 = arith.addf %get3A_379, %get3A_385 : vector<16xf32>
      %add3A_387 = arith.constant 2 : i32
      %add3A_388 = arith.addi %mul3A_215, %add3A_387 : i32
      %swap3A_389 = arith.index_cast %add3A_388 : i32 to index
      %swap3A_390 = arith.constant 0 : index
      %swap3A_391 = tpu.vector_load %arg7[%swap3A_389, %swap3A_390] {strides = array<i32>} : memref<200x64xf32, #tpu.memory_space<vmem>>, vector<1x16xf32>,
      %swap3A_392 = vector.shape_cast %swap3A_391 : vector<1x16xf32> to vector<16xf32>
      %swap3A_393 = vector.shape_cast %add3A_386 : vector<16xf32> to vector<1x16xf32>
      tpu.vector_store %arg7[%swap3A_389, %swap3A_390], %swap3A_393 {strides = array<i32>} : memref<200x64xf32, #tpu.memory_space<vmem>>, vector<1x16xf32>,
      %add3A_394 = arith.constant 2 : i32
      %add3A_395 = arith.addi %mul3A_215, %add3A_394 : i32
      %get3A_396 = arith.index_cast %add3A_395 : i32 to index
      %get3A_397 = arith.constant 16 : index
      %get3A_398 = tpu.vector_load %arg7[%get3A_396, %get3A_397] {strides = array<i32>} : memref<200x64xf32, #tpu.memory_space<vmem>>, vector<1x16xf32>,
      %get3A_399 = vector.shape_cast %get3A_398 : vector<1x16xf32> to vector<16xf32>
      %add3A_400 = arith.constant 2 : i32
      %add3A_401 = arith.addi %mul3A_215, %add3A_400 : i32
      %get3A_402 = arith.index_cast %add3A_401 : i32 to index
      %get3A_403 = arith.constant 16 : index
      %get3A_404 = tpu.vector_load %arg11[%get3A_402, %get3A_403] {strides = array<i32>} : memref<200x64xf32, #tpu.memory_space<vmem>>, vector<1x16xf32>,
      %get3A_405 = vector.shape_cast %get3A_404 : vector<1x16xf32> to vector<16xf32>
      %add3A_406 = arith.addf %get3A_399, %get3A_405 : vector<16xf32>
      %add3A_407 = arith.constant 2 : i32
      %add3A_408 = arith.addi %mul3A_215, %add3A_407 : i32
      %swap3A_409 = arith.index_cast %add3A_408 : i32 to index
      %swap3A_410 = arith.constant 16 : index
      %swap3A_411 = tpu.vector_load %arg7[%swap3A_409, %swap3A_410] {strides = array<i32>} : memref<200x64xf32, #tpu.memory_space<vmem>>, vector<1x16xf32>,
      %swap3A_412 = vector.shape_cast %swap3A_411 : vector<1x16xf32> to vector<16xf32>
      %swap3A_413 = vector.shape_cast %add3A_406 : vector<16xf32> to vector<1x16xf32>
      tpu.vector_store %arg7[%swap3A_409, %swap3A_410], %swap3A_413 {strides = array<i32>} : memref<200x64xf32, #tpu.memory_space<vmem>>, vector<1x16xf32>,
      %add3A_414 = arith.constant 2 : i32
      %add3A_415 = arith.addi %mul3A_215, %add3A_414 : i32
      %get3A_416 = arith.index_cast %add3A_415 : i32 to index
      %get3A_417 = arith.constant 32 : index
      %get3A_418 = tpu.vector_load %arg7[%get3A_416, %get3A_417] {strides = array<i32>} : memref<200x64xf32, #tpu.memory_space<vmem>>, vector<1x16xf32>,
      %get3A_419 = vector.shape_cast %get3A_418 : vector<1x16xf32> to vector<16xf32>
      %add3A_420 = arith.constant 2 : i32
      %add3A_421 = arith.addi %mul3A_215, %add3A_420 : i32
      %get3A_422 = arith.index_cast %add3A_421 : i32 to index
      %get3A_423 = arith.constant 32 : index
      %get3A_424 = tpu.vector_load %arg11[%get3A_422, %get3A_423] {strides = array<i32>} : memref<200x64xf32, #tpu.memory_space<vmem>>, vector<1x16xf32>,
      %get3A_425 = vector.shape_cast %get3A_424 : vector<1x16xf32> to vector<16xf32>
      %add3A_426 = arith.addf %get3A_419, %get3A_425 : vector<16xf32>
      %add3A_427 = arith.constant 2 : i32
      %add3A_428 = arith.addi %mul3A_215, %add3A_427 : i32
      %swap3A_429 = arith.index_cast %add3A_428 : i32 to index
      %swap3A_430 = arith.constant 32 : index
      %swap3A_431 = tpu.vector_load %arg7[%swap3A_429, %swap3A_430] {strides = array<i32>} : memref<200x64xf32, #tpu.memory_space<vmem>>, vector<1x16xf32>,
      %swap3A_432 = vector.shape_cast %swap3A_431 : vector<1x16xf32> to vector<16xf32>
      %swap3A_433 = vector.shape_cast %add3A_426 : vector<16xf32> to vector<1x16xf32>
      tpu.vector_store %arg7[%swap3A_429, %swap3A_430], %swap3A_433 {strides = array<i32>} : memref<200x64xf32, #tpu.memory_space<vmem>>, vector<1x16xf32>,
      %add3A_434 = arith.constant 2 : i32
      %add3A_435 = arith.addi %mul3A_215, %add3A_434 : i32
      %get3A_436 = arith.index_cast %add3A_435 : i32 to index
      %get3A_437 = arith.constant 48 : index
      %get3A_438 = tpu.vector_load %arg7[%get3A_436, %get3A_437] {strides = array<i32>} : memref<200x64xf32, #tpu.memory_space<vmem>>, vector<1x16xf32>,
      %get3A_439 = vector.shape_cast %get3A_438 : vector<1x16xf32> to vector<16xf32>
      %add3A_440 = arith.constant 2 : i32
      %add3A_441 = arith.addi %mul3A_215, %add3A_440 : i32
      %get3A_442 = arith.index_cast %add3A_441 : i32 to index
      %get3A_443 = arith.constant 48 : index
      %get3A_444 = tpu.vector_load %arg11[%get3A_442, %get3A_443] {strides = array<i32>} : memref<200x64xf32, #tpu.memory_space<vmem>>, vector<1x16xf32>,
      %get3A_445 = vector.shape_cast %get3A_444 : vector<1x16xf32> to vector<16xf32>
      %add3A_446 = arith.addf %get3A_439, %get3A_445 : vector<16xf32>
      %add3A_447 = arith.constant 2 : i32
      %add3A_448 = arith.addi %mul3A_215, %add3A_447 : i32
      %swap3A_449 = arith.index_cast %add3A_448 : i32 to index
      %swap3A_450 = arith.constant 48 : index
      %swap3A_451 = tpu.vector_load %arg7[%swap3A_449, %swap3A_450] {strides = array<i32>} : memref<200x64xf32, #tpu.memory_space<vmem>>, vector<1x16xf32>,
      %swap3A_452 = vector.shape_cast %swap3A_451 : vector<1x16xf32> to vector<16xf32>
      %swap3A_453 = vector.shape_cast %add3A_446 : vector<16xf32> to vector<1x16xf32>
      tpu.vector_store %arg7[%swap3A_449, %swap3A_450], %swap3A_453 {strides = array<i32>} : memref<200x64xf32, #tpu.memory_space<vmem>>, vector<1x16xf32>,
      %add3A_454 = arith.constant 3 : i32
      %add3A_455 = arith.addi %mul3A_215, %add3A_454 : i32
      %get3A_456 = arith.index_cast %add3A_455 : i32 to index
      %get3A_457 = arith.constant 0 : index
      %get3A_458 = tpu.vector_load %arg7[%get3A_456, %get3A_457] {strides = array<i32>} : memref<200x64xf32, #tpu.memory_space<vmem>>, vector<1x16xf32>,
      %get3A_459 = vector.shape_cast %get3A_458 : vector<1x16xf32> to vector<16xf32>
      %add3A_460 = arith.constant 3 : i32
      %add3A_461 = arith.addi %mul3A_215, %add3A_460 : i32
      %get3A_462 = arith.index_cast %add3A_461 : i32 to index
      %get3A_463 = arith.constant 0 : index
      %get3A_464 = tpu.vector_load %arg11[%get3A_462, %get3A_463] {strides = array<i32>} : memref<200x64xf32, #tpu.memory_space<vmem>>, vector<1x16xf32>,
      %get3A_465 = vector.shape_cast %get3A_464 : vector<1x16xf32> to vector<16xf32>
      %add3A_466 = arith.addf %get3A_459, %get3A_465 : vector<16xf32>
      %add3A_467 = arith.constant 3 : i32
      %add3A_468 = arith.addi %mul3A_215, %add3A_467 : i32
      %swap3A_469 = arith.index_cast %add3A_468 : i32 to index
      %swap3A_470 = arith.constant 0 : index
      %swap3A_471 = tpu.vector_load %arg7[%swap3A_469, %swap3A_470] {strides = array<i32>} : memref<200x64xf32, #tpu.memory_space<vmem>>, vector<1x16xf32>,
      %swap3A_472 = vector.shape_cast %swap3A_471 : vector<1x16xf32> to vector<16xf32>
      %swap3A_473 = vector.shape_cast %add3A_466 : vector<16xf32> to vector<1x16xf32>
      tpu.vector_store %arg7[%swap3A_469, %swap3A_470], %swap3A_473 {strides = array<i32>} : memref<200x64xf32, #tpu.memory_space<vmem>>, vector<1x16xf32>,
      %add3A_474 = arith.constant 3 : i32
      %add3A_475 = arith.addi %mul3A_215, %add3A_474 : i32
      %get3A_476 = arith.index_cast %add3A_475 : i32 to index
      %get3A_477 = arith.constant 16 : index
      %get3A_478 = tpu.vector_load %arg7[%get3A_476, %get3A_477] {strides = array<i32>} : memref<200x64xf32, #tpu.memory_space<vmem>>, vector<1x16xf32>,
      %get3A_479 = vector.shape_cast %get3A_478 : vector<1x16xf32> to vector<16xf32>
      %add3A_480 = arith.constant 3 : i32
      %add3A_481 = arith.addi %mul3A_215, %add3A_480 : i32
      %get3A_482 = arith.index_cast %add3A_481 : i32 to index
      %get3A_483 = arith.constant 16 : index
      %get3A_484 = tpu.vector_load %arg11[%get3A_482, %get3A_483] {strides = array<i32>} : memref<200x64xf32, #tpu.memory_space<vmem>>, vector<1x16xf32>,
      %get3A_485 = vector.shape_cast %get3A_484 : vector<1x16xf32> to vector<16xf32>
      %add3A_486 = arith.addf %get3A_479, %get3A_485 : vector<16xf32>
      %add3A_487 = arith.constant 3 : i32
      %add3A_488 = arith.addi %mul3A_215, %add3A_487 : i32
      %swap3A_489 = arith.index_cast %add3A_488 : i32 to index
      %swap3A_490 = arith.constant 16 : index
      %swap3A_491 = tpu.vector_load %arg7[%swap3A_489, %swap3A_490] {strides = array<i32>} : memref<200x64xf32, #tpu.memory_space<vmem>>, vector<1x16xf32>,
      %swap3A_492 = vector.shape_cast %swap3A_491 : vector<1x16xf32> to vector<16xf32>
      %swap3A_493 = vector.shape_cast %add3A_486 : vector<16xf32> to vector<1x16xf32>
      tpu.vector_store %arg7[%swap3A_489, %swap3A_490], %swap3A_493 {strides = array<i32>} : memref<200x64xf32, #tpu.memory_space<vmem>>, vector<1x16xf32>,
      %add3A_494 = arith.constant 3 : i32
      %add3A_495 = arith.addi %mul3A_215, %add3A_494 : i32
      %get3A_496 = arith.index_cast %add3A_495 : i32 to index
      %get3A_497 = arith.constant 32 : index
      %get3A_498 = tpu.vector_load %arg7[%get3A_496, %get3A_497] {strides = array<i32>} : memref<200x64xf32, #tpu.memory_space<vmem>>, vector<1x16xf32>,
      %get3A_499 = vector.shape_cast %get3A_498 : vector<1x16xf32> to vector<16xf32>
      %add3A_500 = arith.constant 3 : i32
      %add3A_501 = arith.addi %mul3A_215, %add3A_500 : i32
      %get3A_502 = arith.index_cast %add3A_501 : i32 to index
      %get3A_503 = arith.constant 32 : index
      %get3A_504 = tpu.vector_load %arg11[%get3A_502, %get3A_503] {strides = array<i32>} : memref<200x64xf32, #tpu.memory_space<vmem>>, vector<1x16xf32>,
      %get3A_505 = vector.shape_cast %get3A_504 : vector<1x16xf32> to vector<16xf32>
      %add3A_506 = arith.addf %get3A_499, %get3A_505 : vector<16xf32>
      %add3A_507 = arith.constant 3 : i32
      %add3A_508 = arith.addi %mul3A_215, %add3A_507 : i32
      %swap3A_509 = arith.index_cast %add3A_508 : i32 to index
      %swap3A_510 = arith.constant 32 : index
      %swap3A_511 = tpu.vector_load %arg7[%swap3A_509, %swap3A_510] {strides = array<i32>} : memref<200x64xf32, #tpu.memory_space<vmem>>, vector<1x16xf32>,
      %swap3A_512 = vector.shape_cast %swap3A_511 : vector<1x16xf32> to vector<16xf32>
      %swap3A_513 = vector.shape_cast %add3A_506 : vector<16xf32> to vector<1x16xf32>
      tpu.vector_store %arg7[%swap3A_509, %swap3A_510], %swap3A_513 {strides = array<i32>} : memref<200x64xf32, #tpu.memory_space<vmem>>, vector<1x16xf32>,
      %add3A_514 = arith.constant 3 : i32
      %add3A_515 = arith.addi %mul3A_215, %add3A_514 : i32
      %get3A_516 = arith.index_cast %add3A_515 : i32 to index
      %get3A_517 = arith.constant 48 : index
      %get3A_518 = tpu.vector_load %arg7[%get3A_516, %get3A_517] {strides = array<i32>} : memref<200x64xf32, #tpu.memory_space<vmem>>, vector<1x16xf32>,
      %get3A_519 = vector.shape_cast %get3A_518 : vector<1x16xf32> to vector<16xf32>
      %add3A_520 = arith.constant 3 : i32
      %add3A_521 = arith.addi %mul3A_215, %add3A_520 : i32
      %get3A_522 = arith.index_cast %add3A_521 : i32 to index
      %get3A_523 = arith.constant 48 : index
      %get3A_524 = tpu.vector_load %arg11[%get3A_522, %get3A_523] {strides = array<i32>} : memref<200x64xf32, #tpu.memory_space<vmem>>, vector<1x16xf32>,
      %get3A_525 = vector.shape_cast %get3A_524 : vector<1x16xf32> to vector<16xf32>
      %add3A_526 = arith.addf %get3A_519, %get3A_525 : vector<16xf32>
      %add3A_527 = arith.constant 3 : i32
      %add3A_528 = arith.addi %mul3A_215, %add3A_527 : i32
      %swap3A_529 = arith.index_cast %add3A_528 : i32 to index
      %swap3A_530 = arith.constant 48 : index
      %swap3A_531 = tpu.vector_load %arg7[%swap3A_529, %swap3A_530] {strides = array<i32>} : memref<200x64xf32, #tpu.memory_space<vmem>>, vector<1x16xf32>,
      %swap3A_532 = vector.shape_cast %swap3A_531 : vector<1x16xf32> to vector<16xf32>
      %swap3A_533 = vector.shape_cast %add3A_526 : vector<16xf32> to vector<1x16xf32>
      tpu.vector_store %arg7[%swap3A_529, %swap3A_530], %swap3A_533 {strides = array<i32>} : memref<200x64xf32, #tpu.memory_space<vmem>>, vector<1x16xf32>,
    }
    %scan3A_30 = arith.constant 50 : i32
    %add3A_31 = arith.constant 0 : i32
    %add3A_32 = arith.addi %mul3A_2, %add3A_31 : i32
    %dma_start3A_33 = arith.constant 0 : i32
    %dma_start3A_34 = tpu.memref_slice %arg5[%add3A_32, %dma_start3A_33] : memref<819200x64xf32, #tpu.memory_space<hbm>> -> memref<200x64xf32, #tpu.memory_space<hbm>>
    %dma_start3A_35 = arith.constant 0 : i32
    %dma_start3A_36 = tpu.memref_slice %arg5[%add3A_32, %dma_start3A_35] : memref<819200x64xf32, #tpu.memory_space<hbm>> -> memref<200x64xf32, #tpu.memory_space<hbm>>
    tpu.enqueue_dma source(%arg7 : memref<200x64xf32, #tpu.memory_space<vmem>>) target(%dma_start3A_36 : memref<200x64xf32, #tpu.memory_space<hbm>>) target_semaphore(%arg13 : memref<!tpu.dma_semaphore, #tpu.memory_space<semaphore_mem>>)
    %dma_wait3A_37 = arith.constant 0 : i32
    %dma_wait3A_38 = tpu.memref_slice %arg5[%mul3A_2, %dma_wait3A_37] : memref<819200x64xf32, #tpu.memory_space<hbm>> -> memref<200x64xf32, #tpu.memory_space<hbm>>
    %dma_wait3A_39 = arith.constant 0 : i32
    %dma_wait3A_40 = tpu.memref_slice %arg5[%mul3A_2, %dma_wait3A_39] : memref<819200x64xf32, #tpu.memory_space<hbm>> -> memref<200x64xf32, #tpu.memory_space<hbm>>
    tpu.wait_dma2 semaphore(%arg13 : memref<!tpu.dma_semaphore, #tpu.memory_space<semaphore_mem>>) src(%arg7 : memref<200x64xf32, #tpu.memory_space<vmem>>) dst(%dma_wait3A_40 : memref<200x64xf32, #tpu.memory_space<hbm>>)
    %dma_start3A_41 = arith.constant 800 : i32
    %dma_start3A_42 = tpu.memref_slice %arg6[%dma_start3A_41] : memref<25600xi32, #tpu.memory_space<vmem>> -> memref<200xi32, #tpu.memory_space<vmem>>
    %dma_start3A_43 = arith.constant 0 : i32
    %dma_start3A_44 = arith.constant 0 : i32
    %dma_start3A_45 = tpu.memref_slice %arg3[%dma_start3A_43, %dma_start3A_44] : memref<1000000x64xf32, #tpu.memory_space<hbm>> -> memref<1000000x64xf32, #tpu.memory_space<hbm>>
    tpu.enqueue_indirect_dma source(%dma_start3A_45 : memref<1000000x64xf32, #tpu.memory_space<hbm>>) target(%arg7 : memref<200x64xf32, #tpu.memory_space<vmem>>) offsets(%dma_start3A_42 : memref<200xi32, #tpu.memory_space<vmem>>) semaphore(%arg12 : memref<!tpu.dma_semaphore, #tpu.memory_space<semaphore_mem>>)
    %dma_wait3A_46 = arith.constant 200 : i32
    %dma_wait3A_47 = tpu.memref_slice %arg6[%dma_wait3A_46] : memref<25600xi32, #tpu.memory_space<vmem>> -> memref<200xi32, #tpu.memory_space<vmem>>
    %dma_wait3A_48 = arith.constant 0 : i32
    %dma_wait3A_49 = arith.constant 0 : i32
    %dma_wait3A_50 = tpu.memref_slice %arg3[%dma_wait3A_48, %dma_wait3A_49] : memref<1000000x64xf32, #tpu.memory_space<hbm>> -> memref<1000000x64xf32, #tpu.memory_space<hbm>>
    tpu.wait_indirect_dma semaphore(%arg12 : memref<!tpu.dma_semaphore, #tpu.memory_space<semaphore_mem>>) src(%dma_wait3A_50 : memref<1000000x64xf32, #tpu.memory_space<hbm>>) dst(%arg8 : memref<200x64xf32, #tpu.memory_space<vmem>>)
    %scan3A_51 = arith.constant 0 : i32
    %scan3A_52 = arith.constant 0 : i32
    %scan3A_53 = arith.constant 50 : i32
    %scan3A_54 = arith.addi %scan3A_52, %scan3A_53 : i32
    %scan3A_55 = arith.constant 1 : i32
    scf.for %scan3A_213 = %scan3A_52 to %scan3A_54 step %scan3A_55  : i32 {
      %mul3A_214 = arith.constant 4 : i32
      %mul3A_215 = arith.muli %scan3A_213, %mul3A_214 : i32
      %add3A_216 = arith.constant 0 : i32
      %add3A_217 = arith.addi %mul3A_215, %add3A_216 : i32
      %get3A = arith.index_cast %add3A_217 : i32 to index
      %get3A_218 = arith.constant 0 : index
      %get3A_219 = tpu.vector_load %arg8[%get3A, %get3A_218] {strides = array<i32>} : memref<200x64xf32, #tpu.memory_space<vmem>>, vector<1x16xf32>,
      %get3A_220 = vector.shape_cast %get3A_219 : vector<1x16xf32> to vector<16xf32>
      %add3A_221 = arith.constant 0 : i32
      %add3A_222 = arith.addi %mul3A_215, %add3A_221 : i32
      %get3A_223 = arith.index_cast %add3A_222 : i32 to index
      %get3A_224 = arith.constant 0 : index
      %get3A_225 = tpu.vector_load %arg11[%get3A_223, %get3A_224] {strides = array<i32>} : memref<200x64xf32, #tpu.memory_space<vmem>>, vector<1x16xf32>,
      %get3A_226 = vector.shape_cast %get3A_225 : vector<1x16xf32> to vector<16xf32>
      %add3A_227 = arith.addf %get3A_220, %get3A_226 : vector<16xf32>
      %add3A_228 = arith.constant 0 : i32
      %add3A_229 = arith.addi %mul3A_215, %add3A_228 : i32
      %swap3A = arith.index_cast %add3A_229 : i32 to index
      %swap3A_230 = arith.constant 0 : index
      %swap3A_231 = tpu.vector_load %arg8[%swap3A, %swap3A_230] {strides = array<i32>} : memref<200x64xf32, #tpu.memory_space<vmem>>, vector<1x16xf32>,
      %swap3A_232 = vector.shape_cast %swap3A_231 : vector<1x16xf32> to vector<16xf32>
      %swap3A_233 = vector.shape_cast %add3A_227 : vector<16xf32> to vector<1x16xf32>
      tpu.vector_store %arg8[%swap3A, %swap3A_230], %swap3A_233 {strides = array<i32>} : memref<200x64xf32, #tpu.memory_space<vmem>>, vector<1x16xf32>,
      %add3A_234 = arith.constant 0 : i32
      %add3A_235 = arith.addi %mul3A_215, %add3A_234 : i32
      %get3A_236 = arith.index_cast %add3A_235 : i32 to index
      %get3A_237 = arith.constant 16 : index
      %get3A_238 = tpu.vector_load %arg8[%get3A_236, %get3A_237] {strides = array<i32>} : memref<200x64xf32, #tpu.memory_space<vmem>>, vector<1x16xf32>,
      %get3A_239 = vector.shape_cast %get3A_238 : vector<1x16xf32> to vector<16xf32>
      %add3A_240 = arith.constant 0 : i32
      %add3A_241 = arith.addi %mul3A_215, %add3A_240 : i32
      %get3A_242 = arith.index_cast %add3A_241 : i32 to index
      %get3A_243 = arith.constant 16 : index
      %get3A_244 = tpu.vector_load %arg11[%get3A_242, %get3A_243] {strides = array<i32>} : memref<200x64xf32, #tpu.memory_space<vmem>>, vector<1x16xf32>,
      %get3A_245 = vector.shape_cast %get3A_244 : vector<1x16xf32> to vector<16xf32>
      %add3A_246 = arith.addf %get3A_239, %get3A_245 : vector<16xf32>
      %add3A_247 = arith.constant 0 : i32
      %add3A_248 = arith.addi %mul3A_215, %add3A_247 : i32
      %swap3A_249 = arith.index_cast %add3A_248 : i32 to index
      %swap3A_250 = arith.constant 16 : index
      %swap3A_251 = tpu.vector_load %arg8[%swap3A_249, %swap3A_250] {strides = array<i32>} : memref<200x64xf32, #tpu.memory_space<vmem>>, vector<1x16xf32>,
      %swap3A_252 = vector.shape_cast %swap3A_251 : vector<1x16xf32> to vector<16xf32>
      %swap3A_253 = vector.shape_cast %add3A_246 : vector<16xf32> to vector<1x16xf32>
      tpu.vector_store %arg8[%swap3A_249, %swap3A_250], %swap3A_253 {strides = array<i32>} : memref<200x64xf32, #tpu.memory_space<vmem>>, vector<1x16xf32>,
      %add3A_254 = arith.constant 0 : i32
      %add3A_255 = arith.addi %mul3A_215, %add3A_254 : i32
      %get3A_256 = arith.index_cast %add3A_255 : i32 to index
      %get3A_257 = arith.constant 32 : index
      %get3A_258 = tpu.vector_load %arg8[%get3A_256, %get3A_257] {strides = array<i32>} : memref<200x64xf32, #tpu.memory_space<vmem>>, vector<1x16xf32>,
      %get3A_259 = vector.shape_cast %get3A_258 : vector<1x16xf32> to vector<16xf32>
      %add3A_260 = arith.constant 0 : i32
      %add3A_261 = arith.addi %mul3A_215, %add3A_260 : i32
      %get3A_262 = arith.index_cast %add3A_261 : i32 to index
      %get3A_263 = arith.constant 32 : index
      %get3A_264 = tpu.vector_load %arg11[%get3A_262, %get3A_263] {strides = array<i32>} : memref<200x64xf32, #tpu.memory_space<vmem>>, vector<1x16xf32>,
      %get3A_265 = vector.shape_cast %get3A_264 : vector<1x16xf32> to vector<16xf32>
      %add3A_266 = arith.addf %get3A_259, %get3A_265 : vector<16xf32>
      %add3A_267 = arith.constant 0 : i32
      %add3A_268 = arith.addi %mul3A_215, %add3A_267 : i32
      %swap3A_269 = arith.index_cast %add3A_268 : i32 to index
      %swap3A_270 = arith.constant 32 : index
      %swap3A_271 = tpu.vector_load %arg8[%swap3A_269, %swap3A_270] {strides = array<i32>} : memref<200x64xf32, #tpu.memory_space<vmem>>, vector<1x16xf32>,
      %swap3A_272 = vector.shape_cast %swap3A_271 : vector<1x16xf32> to vector<16xf32>
      %swap3A_273 = vector.shape_cast %add3A_266 : vector<16xf32> to vector<1x16xf32>
      tpu.vector_store %arg8[%swap3A_269, %swap3A_270], %swap3A_273 {strides = array<i32>} : memref<200x64xf32, #tpu.memory_space<vmem>>, vector<1x16xf32>,
      %add3A_274 = arith.constant 0 : i32
      %add3A_275 = arith.addi %mul3A_215, %add3A_274 : i32
      %get3A_276 = arith.index_cast %add3A_275 : i32 to index
      %get3A_277 = arith.constant 48 : index
      %get3A_278 = tpu.vector_load %arg8[%get3A_276, %get3A_277] {strides = array<i32>} : memref<200x64xf32, #tpu.memory_space<vmem>>, vector<1x16xf32>,
      %get3A_279 = vector.shape_cast %get3A_278 : vector<1x16xf32> to vector<16xf32>
      %add3A_280 = arith.constant 0 : i32
      %add3A_281 = arith.addi %mul3A_215, %add3A_280 : i32
      %get3A_282 = arith.index_cast %add3A_281 : i32 to index
      %get3A_283 = arith.constant 48 : index
      %get3A_284 = tpu.vector_load %arg11[%get3A_282, %get3A_283] {strides = array<i32>} : memref<200x64xf32, #tpu.memory_space<vmem>>, vector<1x16xf32>,
      %get3A_285 = vector.shape_cast %get3A_284 : vector<1x16xf32> to vector<16xf32>
      %add3A_286 = arith.addf %get3A_279, %get3A_285 : vector<16xf32>
      %add3A_287 = arith.constant 0 : i32
      %add3A_288 = arith.addi %mul3A_215, %add3A_287 : i32
      %swap3A_289 = arith.index_cast %add3A_288 : i32 to index
      %swap3A_290 = arith.constant 48 : index
      %swap3A_291 = tpu.vector_load %arg8[%swap3A_289, %swap3A_290] {strides = array<i32>} : memref<200x64xf32, #tpu.memory_space<vmem>>, vector<1x16xf32>,
      %swap3A_292 = vector.shape_cast %swap3A_291 : vector<1x16xf32> to vector<16xf32>
      %swap3A_293 = vector.shape_cast %add3A_286 : vector<16xf32> to vector<1x16xf32>
      tpu.vector_store %arg8[%swap3A_289, %swap3A_290], %swap3A_293 {strides = array<i32>} : memref<200x64xf32, #tpu.memory_space<vmem>>, vector<1x16xf32>,
      %add3A_294 = arith.constant 1 : i32
      %add3A_295 = arith.addi %mul3A_215, %add3A_294 : i32
      %get3A_296 = arith.index_cast %add3A_295 : i32 to index
      %get3A_297 = arith.constant 0 : index
      %get3A_298 = tpu.vector_load %arg8[%get3A_296, %get3A_297] {strides = array<i32>} : memref<200x64xf32, #tpu.memory_space<vmem>>, vector<1x16xf32>,
      %get3A_299 = vector.shape_cast %get3A_298 : vector<1x16xf32> to vector<16xf32>
      %add3A_300 = arith.constant 1 : i32
      %add3A_301 = arith.addi %mul3A_215, %add3A_300 : i32
      %get3A_302 = arith.index_cast %add3A_301 : i32 to index
      %get3A_303 = arith.constant 0 : index
      %get3A_304 = tpu.vector_load %arg11[%get3A_302, %get3A_303] {strides = array<i32>} : memref<200x64xf32, #tpu.memory_space<vmem>>, vector<1x16xf32>,
      %get3A_305 = vector.shape_cast %get3A_304 : vector<1x16xf32> to vector<16xf32>
      %add3A_306 = arith.addf %get3A_299, %get3A_305 : vector<16xf32>
      %add3A_307 = arith.constant 1 : i32
      %add3A_308 = arith.addi %mul3A_215, %add3A_307 : i32
      %swap3A_309 = arith.index_cast %add3A_308 : i32 to index
      %swap3A_310 = arith.constant 0 : index
      %swap3A_311 = tpu.vector_load %arg8[%swap3A_309, %swap3A_310] {strides = array<i32>} : memref<200x64xf32, #tpu.memory_space<vmem>>, vector<1x16xf32>,
      %swap3A_312 = vector.shape_cast %swap3A_311 : vector<1x16xf32> to vector<16xf32>
      %swap3A_313 = vector.shape_cast %add3A_306 : vector<16xf32> to vector<1x16xf32>
      tpu.vector_store %arg8[%swap3A_309, %swap3A_310], %swap3A_313 {strides = array<i32>} : memref<200x64xf32, #tpu.memory_space<vmem>>, vector<1x16xf32>,
      %add3A_314 = arith.constant 1 : i32
      %add3A_315 = arith.addi %mul3A_215, %add3A_314 : i32
      %get3A_316 = arith.index_cast %add3A_315 : i32 to index
      %get3A_317 = arith.constant 16 : index
      %get3A_318 = tpu.vector_load %arg8[%get3A_316, %get3A_317] {strides = array<i32>} : memref<200x64xf32, #tpu.memory_space<vmem>>, vector<1x16xf32>,
      %get3A_319 = vector.shape_cast %get3A_318 : vector<1x16xf32> to vector<16xf32>
      %add3A_320 = arith.constant 1 : i32
      %add3A_321 = arith.addi %mul3A_215, %add3A_320 : i32
      %get3A_322 = arith.index_cast %add3A_321 : i32 to index
      %get3A_323 = arith.constant 16 : index
      %get3A_324 = tpu.vector_load %arg11[%get3A_322, %get3A_323] {strides = array<i32>} : memref<200x64xf32, #tpu.memory_space<vmem>>, vector<1x16xf32>,
      %get3A_325 = vector.shape_cast %get3A_324 : vector<1x16xf32> to vector<16xf32>
      %add3A_326 = arith.addf %get3A_319, %get3A_325 : vector<16xf32>
      %add3A_327 = arith.constant 1 : i32
      %add3A_328 = arith.addi %mul3A_215, %add3A_327 : i32
      %swap3A_329 = arith.index_cast %add3A_328 : i32 to index
      %swap3A_330 = arith.constant 16 : index
      %swap3A_331 = tpu.vector_load %arg8[%swap3A_329, %swap3A_330] {strides = array<i32>} : memref<200x64xf32, #tpu.memory_space<vmem>>, vector<1x16xf32>,
      %swap3A_332 = vector.shape_cast %swap3A_331 : vector<1x16xf32> to vector<16xf32>
      %swap3A_333 = vector.shape_cast %add3A_326 : vector<16xf32> to vector<1x16xf32>
      tpu.vector_store %arg8[%swap3A_329, %swap3A_330], %swap3A_333 {strides = array<i32>} : memref<200x64xf32, #tpu.memory_space<vmem>>, vector<1x16xf32>,
      %add3A_334 = arith.constant 1 : i32
      %add3A_335 = arith.addi %mul3A_215, %add3A_334 : i32
      %get3A_336 = arith.index_cast %add3A_335 : i32 to index
      %get3A_337 = arith.constant 32 : index
      %get3A_338 = tpu.vector_load %arg8[%get3A_336, %get3A_337] {strides = array<i32>} : memref<200x64xf32, #tpu.memory_space<vmem>>, vector<1x16xf32>,
      %get3A_339 = vector.shape_cast %get3A_338 : vector<1x16xf32> to vector<16xf32>
      %add3A_340 = arith.constant 1 : i32
      %add3A_341 = arith.addi %mul3A_215, %add3A_340 : i32
      %get3A_342 = arith.index_cast %add3A_341 : i32 to index
      %get3A_343 = arith.constant 32 : index
      %get3A_344 = tpu.vector_load %arg11[%get3A_342, %get3A_343] {strides = array<i32>} : memref<200x64xf32, #tpu.memory_space<vmem>>, vector<1x16xf32>,
      %get3A_345 = vector.shape_cast %get3A_344 : vector<1x16xf32> to vector<16xf32>
      %add3A_346 = arith.addf %get3A_339, %get3A_345 : vector<16xf32>
      %add3A_347 = arith.constant 1 : i32
      %add3A_348 = arith.addi %mul3A_215, %add3A_347 : i32
      %swap3A_349 = arith.index_cast %add3A_348 : i32 to index
      %swap3A_350 = arith.constant 32 : index
      %swap3A_351 = tpu.vector_load %arg8[%swap3A_349, %swap3A_350] {strides = array<i32>} : memref<200x64xf32, #tpu.memory_space<vmem>>, vector<1x16xf32>,
      %swap3A_352 = vector.shape_cast %swap3A_351 : vector<1x16xf32> to vector<16xf32>
      %swap3A_353 = vector.shape_cast %add3A_346 : vector<16xf32> to vector<1x16xf32>
      tpu.vector_store %arg8[%swap3A_349, %swap3A_350], %swap3A_353 {strides = array<i32>} : memref<200x64xf32, #tpu.memory_space<vmem>>, vector<1x16xf32>,
      %add3A_354 = arith.constant 1 : i32
      %add3A_355 = arith.addi %mul3A_215, %add3A_354 : i32
      %get3A_356 = arith.index_cast %add3A_355 : i32 to index
      %get3A_357 = arith.constant 48 : index
      %get3A_358 = tpu.vector_load %arg8[%get3A_356, %get3A_357] {strides = array<i32>} : memref<200x64xf32, #tpu.memory_space<vmem>>, vector<1x16xf32>,
      %get3A_359 = vector.shape_cast %get3A_358 : vector<1x16xf32> to vector<16xf32>
      %add3A_360 = arith.constant 1 : i32
      %add3A_361 = arith.addi %mul3A_215, %add3A_360 : i32
      %get3A_362 = arith.index_cast %add3A_361 : i32 to index
      %get3A_363 = arith.constant 48 : index
      %get3A_364 = tpu.vector_load %arg11[%get3A_362, %get3A_363] {strides = array<i32>} : memref<200x64xf32, #tpu.memory_space<vmem>>, vector<1x16xf32>,
      %get3A_365 = vector.shape_cast %get3A_364 : vector<1x16xf32> to vector<16xf32>
      %add3A_366 = arith.addf %get3A_359, %get3A_365 : vector<16xf32>
      %add3A_367 = arith.constant 1 : i32
      %add3A_368 = arith.addi %mul3A_215, %add3A_367 : i32
      %swap3A_369 = arith.index_cast %add3A_368 : i32 to index
      %swap3A_370 = arith.constant 48 : index
      %swap3A_371 = tpu.vector_load %arg8[%swap3A_369, %swap3A_370] {strides = array<i32>} : memref<200x64xf32, #tpu.memory_space<vmem>>, vector<1x16xf32>,
      %swap3A_372 = vector.shape_cast %swap3A_371 : vector<1x16xf32> to vector<16xf32>
      %swap3A_373 = vector.shape_cast %add3A_366 : vector<16xf32> to vector<1x16xf32>
      tpu.vector_store %arg8[%swap3A_369, %swap3A_370], %swap3A_373 {strides = array<i32>} : memref<200x64xf32, #tpu.memory_space<vmem>>, vector<1x16xf32>,
      %add3A_374 = arith.constant 2 : i32
      %add3A_375 = arith.addi %mul3A_215, %add3A_374 : i32
      %get3A_376 = arith.index_cast %add3A_375 : i32 to index
      %get3A_377 = arith.constant 0 : index
      %get3A_378 = tpu.vector_load %arg8[%get3A_376, %get3A_377] {strides = array<i32>} : memref<200x64xf32, #tpu.memory_space<vmem>>, vector<1x16xf32>,
      %get3A_379 = vector.shape_cast %get3A_378 : vector<1x16xf32> to vector<16xf32>
      %add3A_380 = arith.constant 2 : i32
      %add3A_381 = arith.addi %mul3A_215, %add3A_380 : i32
      %get3A_382 = arith.index_cast %add3A_381 : i32 to index
      %get3A_383 = arith.constant 0 : index
      %get3A_384 = tpu.vector_load %arg11[%get3A_382, %get3A_383] {strides = array<i32>} : memref<200x64xf32, #tpu.memory_space<vmem>>, vector<1x16xf32>,
      %get3A_385 = vector.shape_cast %get3A_384 : vector<1x16xf32> to vector<16xf32>
      %add3A_386 = arith.addf %get3A_379, %get3A_385 : vector<16xf32>
      %add3A_387 = arith.constant 2 : i32
      %add3A_388 = arith.addi %mul3A_215, %add3A_387 : i32
      %swap3A_389 = arith.index_cast %add3A_388 : i32 to index
      %swap3A_390 = arith.constant 0 : index
      %swap3A_391 = tpu.vector_load %arg8[%swap3A_389, %swap3A_390] {strides = array<i32>} : memref<200x64xf32, #tpu.memory_space<vmem>>, vector<1x16xf32>,
      %swap3A_392 = vector.shape_cast %swap3A_391 : vector<1x16xf32> to vector<16xf32>
      %swap3A_393 = vector.shape_cast %add3A_386 : vector<16xf32> to vector<1x16xf32>
      tpu.vector_store %arg8[%swap3A_389, %swap3A_390], %swap3A_393 {strides = array<i32>} : memref<200x64xf32, #tpu.memory_space<vmem>>, vector<1x16xf32>,
      %add3A_394 = arith.constant 2 : i32
      %add3A_395 = arith.addi %mul3A_215, %add3A_394 : i32
      %get3A_396 = arith.index_cast %add3A_395 : i32 to index
      %get3A_397 = arith.constant 16 : index
      %get3A_398 = tpu.vector_load %arg8[%get3A_396, %get3A_397] {strides = array<i32>} : memref<200x64xf32, #tpu.memory_space<vmem>>, vector<1x16xf32>,
      %get3A_399 = vector.shape_cast %get3A_398 : vector<1x16xf32> to vector<16xf32>
      %add3A_400 = arith.constant 2 : i32
      %add3A_401 = arith.addi %mul3A_215, %add3A_400 : i32
      %get3A_402 = arith.index_cast %add3A_401 : i32 to index
      %get3A_403 = arith.constant 16 : index
      %get3A_404 = tpu.vector_load %arg11[%get3A_402, %get3A_403] {strides = array<i32>} : memref<200x64xf32, #tpu.memory_space<vmem>>, vector<1x16xf32>,
      %get3A_405 = vector.shape_cast %get3A_404 : vector<1x16xf32> to vector<16xf32>
      %add3A_406 = arith.addf %get3A_399, %get3A_405 : vector<16xf32>
      %add3A_407 = arith.constant 2 : i32
      %add3A_408 = arith.addi %mul3A_215, %add3A_407 : i32
      %swap3A_409 = arith.index_cast %add3A_408 : i32 to index
      %swap3A_410 = arith.constant 16 : index
      %swap3A_411 = tpu.vector_load %arg8[%swap3A_409, %swap3A_410] {strides = array<i32>} : memref<200x64xf32, #tpu.memory_space<vmem>>, vector<1x16xf32>,
      %swap3A_412 = vector.shape_cast %swap3A_411 : vector<1x16xf32> to vector<16xf32>
      %swap3A_413 = vector.shape_cast %add3A_406 : vector<16xf32> to vector<1x16xf32>
      tpu.vector_store %arg8[%swap3A_409, %swap3A_410], %swap3A_413 {strides = array<i32>} : memref<200x64xf32, #tpu.memory_space<vmem>>, vector<1x16xf32>,
      %add3A_414 = arith.constant 2 : i32
      %add3A_415 = arith.addi %mul3A_215, %add3A_414 : i32
      %get3A_416 = arith.index_cast %add3A_415 : i32 to index
      %get3A_417 = arith.constant 32 : index
      %get3A_418 = tpu.vector_load %arg8[%get3A_416, %get3A_417] {strides = array<i32>} : memref<200x64xf32, #tpu.memory_space<vmem>>, vector<1x16xf32>,
      %get3A_419 = vector.shape_cast %get3A_418 : vector<1x16xf32> to vector<16xf32>
      %add3A_420 = arith.constant 2 : i32
      %add3A_421 = arith.addi %mul3A_215, %add3A_420 : i32
      %get3A_422 = arith.index_cast %add3A_421 : i32 to index
      %get3A_423 = arith.constant 32 : index
      %get3A_424 = tpu.vector_load %arg11[%get3A_422, %get3A_423] {strides = array<i32>} : memref<200x64xf32, #tpu.memory_space<vmem>>, vector<1x16xf32>,
      %get3A_425 = vector.shape_cast %get3A_424 : vector<1x16xf32> to vector<16xf32>
      %add3A_426 = arith.addf %get3A_419, %get3A_425 : vector<16xf32>
      %add3A_427 = arith.constant 2 : i32
      %add3A_428 = arith.addi %mul3A_215, %add3A_427 : i32
      %swap3A_429 = arith.index_cast %add3A_428 : i32 to index
      %swap3A_430 = arith.constant 32 : index
      %swap3A_431 = tpu.vector_load %arg8[%swap3A_429, %swap3A_430] {strides = array<i32>} : memref<200x64xf32, #tpu.memory_space<vmem>>, vector<1x16xf32>,
      %swap3A_432 = vector.shape_cast %swap3A_431 : vector<1x16xf32> to vector<16xf32>
      %swap3A_433 = vector.shape_cast %add3A_426 : vector<16xf32> to vector<1x16xf32>
      tpu.vector_store %arg8[%swap3A_429, %swap3A_430], %swap3A_433 {strides = array<i32>} : memref<200x64xf32, #tpu.memory_space<vmem>>, vector<1x16xf32>,
      %add3A_434 = arith.constant 2 : i32
      %add3A_435 = arith.addi %mul3A_215, %add3A_434 : i32
      %get3A_436 = arith.index_cast %add3A_435 : i32 to index
      %get3A_437 = arith.constant 48 : index
      %get3A_438 = tpu.vector_load %arg8[%get3A_436, %get3A_437] {strides = array<i32>} : memref<200x64xf32, #tpu.memory_space<vmem>>, vector<1x16xf32>,
      %get3A_439 = vector.shape_cast %get3A_438 : vector<1x16xf32> to vector<16xf32>
      %add3A_440 = arith.constant 2 : i32
      %add3A_441 = arith.addi %mul3A_215, %add3A_440 : i32
      %get3A_442 = arith.index_cast %add3A_441 : i32 to index
      %get3A_443 = arith.constant 48 : index
      %get3A_444 = tpu.vector_load %arg11[%get3A_442, %get3A_443] {strides = array<i32>} : memref<200x64xf32, #tpu.memory_space<vmem>>, vector<1x16xf32>,
      %get3A_445 = vector.shape_cast %get3A_444 : vector<1x16xf32> to vector<16xf32>
      %add3A_446 = arith.addf %get3A_439, %get3A_445 : vector<16xf32>
      %add3A_447 = arith.constant 2 : i32
      %add3A_448 = arith.addi %mul3A_215, %add3A_447 : i32
      %swap3A_449 = arith.index_cast %add3A_448 : i32 to index
      %swap3A_450 = arith.constant 48 : index
      %swap3A_451 = tpu.vector_load %arg8[%swap3A_449, %swap3A_450] {strides = array<i32>} : memref<200x64xf32, #tpu.memory_space<vmem>>, vector<1x16xf32>,
      %swap3A_452 = vector.shape_cast %swap3A_451 : vector<1x16xf32> to vector<16xf32>
      %swap3A_453 = vector.shape_cast %add3A_446 : vector<16xf32> to vector<1x16xf32>
      tpu.vector_store %arg8[%swap3A_449, %swap3A_450], %swap3A_453 {strides = array<i32>} : memref<200x64xf32, #tpu.memory_space<vmem>>, vector<1x16xf32>,
      %add3A_454 = arith.constant 3 : i32
      %add3A_455 = arith.addi %mul3A_215, %add3A_454 : i32
      %get3A_456 = arith.index_cast %add3A_455 : i32 to index
      %get3A_457 = arith.constant 0 : index
      %get3A_458 = tpu.vector_load %arg8[%get3A_456, %get3A_457] {strides = array<i32>} : memref<200x64xf32, #tpu.memory_space<vmem>>, vector<1x16xf32>,
      %get3A_459 = vector.shape_cast %get3A_458 : vector<1x16xf32> to vector<16xf32>
      %add3A_460 = arith.constant 3 : i32
      %add3A_461 = arith.addi %mul3A_215, %add3A_460 : i32
      %get3A_462 = arith.index_cast %add3A_461 : i32 to index
      %get3A_463 = arith.constant 0 : index
      %get3A_464 = tpu.vector_load %arg11[%get3A_462, %get3A_463] {strides = array<i32>} : memref<200x64xf32, #tpu.memory_space<vmem>>, vector<1x16xf32>,
      %get3A_465 = vector.shape_cast %get3A_464 : vector<1x16xf32> to vector<16xf32>
      %add3A_466 = arith.addf %get3A_459, %get3A_465 : vector<16xf32>
      %add3A_467 = arith.constant 3 : i32
      %add3A_468 = arith.addi %mul3A_215, %add3A_467 : i32
      %swap3A_469 = arith.index_cast %add3A_468 : i32 to index
      %swap3A_470 = arith.constant 0 : index
      %swap3A_471 = tpu.vector_load %arg8[%swap3A_469, %swap3A_470] {strides = array<i32>} : memref<200x64xf32, #tpu.memory_space<vmem>>, vector<1x16xf32>,
      %swap3A_472 = vector.shape_cast %swap3A_471 : vector<1x16xf32> to vector<16xf32>
      %swap3A_473 = vector.shape_cast %add3A_466 : vector<16xf32> to vector<1x16xf32>
      tpu.vector_store %arg8[%swap3A_469, %swap3A_470], %swap3A_473 {strides = array<i32>} : memref<200x64xf32, #tpu.memory_space<vmem>>, vector<1x16xf32>,
      %add3A_474 = arith.constant 3 : i32
      %add3A_475 = arith.addi %mul3A_215, %add3A_474 : i32
      %get3A_476 = arith.index_cast %add3A_475 : i32 to index
      %get3A_477 = arith.constant 16 : index
      %get3A_478 = tpu.vector_load %arg8[%get3A_476, %get3A_477] {strides = array<i32>} : memref<200x64xf32, #tpu.memory_space<vmem>>, vector<1x16xf32>,
      %get3A_479 = vector.shape_cast %get3A_478 : vector<1x16xf32> to vector<16xf32>
      %add3A_480 = arith.constant 3 : i32
      %add3A_481 = arith.addi %mul3A_215, %add3A_480 : i32
      %get3A_482 = arith.index_cast %add3A_481 : i32 to index
      %get3A_483 = arith.constant 16 : index
      %get3A_484 = tpu.vector_load %arg11[%get3A_482, %get3A_483] {strides = array<i32>} : memref<200x64xf32, #tpu.memory_space<vmem>>, vector<1x16xf32>,
      %get3A_485 = vector.shape_cast %get3A_484 : vector<1x16xf32> to vector<16xf32>
      %add3A_486 = arith.addf %get3A_479, %get3A_485 : vector<16xf32>
      %add3A_487 = arith.constant 3 : i32
      %add3A_488 = arith.addi %mul3A_215, %add3A_487 : i32
      %swap3A_489 = arith.index_cast %add3A_488 : i32 to index
      %swap3A_490 = arith.constant 16 : index
      %swap3A_491 = tpu.vector_load %arg8[%swap3A_489, %swap3A_490] {strides = array<i32>} : memref<200x64xf32, #tpu.memory_space<vmem>>, vector<1x16xf32>,
      %swap3A_492 = vector.shape_cast %swap3A_491 : vector<1x16xf32> to vector<16xf32>
      %swap3A_493 = vector.shape_cast %add3A_486 : vector<16xf32> to vector<1x16xf32>
      tpu.vector_store %arg8[%swap3A_489, %swap3A_490], %swap3A_493 {strides = array<i32>} : memref<200x64xf32, #tpu.memory_space<vmem>>, vector<1x16xf32>,
      %add3A_494 = arith.constant 3 : i32
      %add3A_495 = arith.addi %mul3A_215, %add3A_494 : i32
      %get3A_496 = arith.index_cast %add3A_495 : i32 to index
      %get3A_497 = arith.constant 32 : index
      %get3A_498 = tpu.vector_load %arg8[%get3A_496, %get3A_497] {strides = array<i32>} : memref<200x64xf32, #tpu.memory_space<vmem>>, vector<1x16xf32>,
      %get3A_499 = vector.shape_cast %get3A_498 : vector<1x16xf32> to vector<16xf32>
      %add3A_500 = arith.constant 3 : i32
      %add3A_501 = arith.addi %mul3A_215, %add3A_500 : i32
      %get3A_502 = arith.index_cast %add3A_501 : i32 to index
      %get3A_503 = arith.constant 32 : index
      %get3A_504 = tpu.vector_load %arg11[%get3A_502, %get3A_503] {strides = array<i32>} : memref<200x64xf32, #tpu.memory_space<vmem>>, vector<1x16xf32>,
      %get3A_505 = vector.shape_cast %get3A_504 : vector<1x16xf32> to vector<16xf32>
      %add3A_506 = arith.addf %get3A_499, %get3A_505 : vector<16xf32>
      %add3A_507 = arith.constant 3 : i32
      %add3A_508 = arith.addi %mul3A_215, %add3A_507 : i32
      %swap3A_509 = arith.index_cast %add3A_508 : i32 to index
      %swap3A_510 = arith.constant 32 : index
      %swap3A_511 = tpu.vector_load %arg8[%swap3A_509, %swap3A_510] {strides = array<i32>} : memref<200x64xf32, #tpu.memory_space<vmem>>, vector<1x16xf32>,
      %swap3A_512 = vector.shape_cast %swap3A_511 : vector<1x16xf32> to vector<16xf32>
      %swap3A_513 = vector.shape_cast %add3A_506 : vector<16xf32> to vector<1x16xf32>
      tpu.vector_store %arg8[%swap3A_509, %swap3A_510], %swap3A_513 {strides = array<i32>} : memref<200x64xf32, #tpu.memory_space<vmem>>, vector<1x16xf32>,
      %add3A_514 = arith.constant 3 : i32
      %add3A_515 = arith.addi %mul3A_215, %add3A_514 : i32
      %get3A_516 = arith.index_cast %add3A_515 : i32 to index
      %get3A_517 = arith.constant 48 : index
      %get3A_518 = tpu.vector_load %arg8[%get3A_516, %get3A_517] {strides = array<i32>} : memref<200x64xf32, #tpu.memory_space<vmem>>, vector<1x16xf32>,
      %get3A_519 = vector.shape_cast %get3A_518 : vector<1x16xf32> to vector<16xf32>
      %add3A_520 = arith.constant 3 : i32
      %add3A_521 = arith.addi %mul3A_215, %add3A_520 : i32
      %get3A_522 = arith.index_cast %add3A_521 : i32 to index
      %get3A_523 = arith.constant 48 : index
      %get3A_524 = tpu.vector_load %arg11[%get3A_522, %get3A_523] {strides = array<i32>} : memref<200x64xf32, #tpu.memory_space<vmem>>, vector<1x16xf32>,
      %get3A_525 = vector.shape_cast %get3A_524 : vector<1x16xf32> to vector<16xf32>
      %add3A_526 = arith.addf %get3A_519, %get3A_525 : vector<16xf32>
      %add3A_527 = arith.constant 3 : i32
      %add3A_528 = arith.addi %mul3A_215, %add3A_527 : i32
      %swap3A_529 = arith.index_cast %add3A_528 : i32 to index
      %swap3A_530 = arith.constant 48 : index
      %swap3A_531 = tpu.vector_load %arg8[%swap3A_529, %swap3A_530] {strides = array<i32>} : memref<200x64xf32, #tpu.memory_space<vmem>>, vector<1x16xf32>,
      %swap3A_532 = vector.shape_cast %swap3A_531 : vector<1x16xf32> to vector<16xf32>
      %swap3A_533 = vector.shape_cast %add3A_526 : vector<16xf32> to vector<1x16xf32>
      tpu.vector_store %arg8[%swap3A_529, %swap3A_530], %swap3A_533 {strides = array<i32>} : memref<200x64xf32, #tpu.memory_space<vmem>>, vector<1x16xf32>,
    }
    %scan3A_56 = arith.constant 50 : i32
    %add3A_57 = arith.constant 200 : i32
    %add3A_58 = arith.addi %mul3A_2, %add3A_57 : i32
    %dma_start3A_59 = arith.constant 0 : i32
    %dma_start3A_60 = tpu.memref_slice %arg5[%add3A_58, %dma_start3A_59] : memref<819200x64xf32, #tpu.memory_space<hbm>> -> memref<200x64xf32, #tpu.memory_space<hbm>>
    %dma_start3A_61 = arith.constant 0 : i32
    %dma_start3A_62 = tpu.memref_slice %arg5[%add3A_58, %dma_start3A_61] : memref<819200x64xf32, #tpu.memory_space<hbm>> -> memref<200x64xf32, #tpu.memory_space<hbm>>
    tpu.enqueue_dma source(%arg8 : memref<200x64xf32, #tpu.memory_space<vmem>>) target(%dma_start3A_62 : memref<200x64xf32, #tpu.memory_space<hbm>>) target_semaphore(%arg13 : memref<!tpu.dma_semaphore, #tpu.memory_space<semaphore_mem>>)
    %dma_wait3A_63 = arith.constant 0 : i32
    %dma_wait3A_64 = tpu.memref_slice %arg5[%mul3A_2, %dma_wait3A_63] : memref<819200x64xf32, #tpu.memory_space<hbm>> -> memref<200x64xf32, #tpu.memory_space<hbm>>
    %dma_wait3A_65 = arith.constant 0 : i32
    %dma_wait3A_66 = tpu.memref_slice %arg5[%mul3A_2, %dma_wait3A_65] : memref<819200x64xf32, #tpu.memory_space<hbm>> -> memref<200x64xf32, #tpu.memory_space<hbm>>
    tpu.wait_dma2 semaphore(%arg13 : memref<!tpu.dma_semaphore, #tpu.memory_space<semaphore_mem>>) src(%arg8 : memref<200x64xf32, #tpu.memory_space<vmem>>) dst(%dma_wait3A_66 : memref<200x64xf32, #tpu.memory_space<hbm>>)
    %dma_start3A_67 = arith.constant 1000 : i32
    %dma_start3A_68 = tpu.memref_slice %arg6[%dma_start3A_67] : memref<25600xi32, #tpu.memory_space<vmem>> -> memref<200xi32, #tpu.memory_space<vmem>>
    %dma_start3A_69 = arith.constant 0 : i32
    %dma_start3A_70 = arith.constant 0 : i32
    %dma_start3A_71 = tpu.memref_slice %arg3[%dma_start3A_69, %dma_start3A_70] : memref<1000000x64xf32, #tpu.memory_space<hbm>> -> memref<1000000x64xf32, #tpu.memory_space<hbm>>
    tpu.enqueue_indirect_dma source(%dma_start3A_71 : memref<1000000x64xf32, #tpu.memory_space<hbm>>) target(%arg8 : memref<200x64xf32, #tpu.memory_space<vmem>>) offsets(%dma_start3A_68 : memref<200xi32, #tpu.memory_space<vmem>>) semaphore(%arg12 : memref<!tpu.dma_semaphore, #tpu.memory_space<semaphore_mem>>)
    %dma_wait3A_72 = arith.constant 400 : i32
    %dma_wait3A_73 = tpu.memref_slice %arg6[%dma_wait3A_72] : memref<25600xi32, #tpu.memory_space<vmem>> -> memref<200xi32, #tpu.memory_space<vmem>>
    %dma_wait3A_74 = arith.constant 0 : i32
    %dma_wait3A_75 = arith.constant 0 : i32
    %dma_wait3A_76 = tpu.memref_slice %arg3[%dma_wait3A_74, %dma_wait3A_75] : memref<1000000x64xf32, #tpu.memory_space<hbm>> -> memref<1000000x64xf32, #tpu.memory_space<hbm>>
    tpu.wait_indirect_dma semaphore(%arg12 : memref<!tpu.dma_semaphore, #tpu.memory_space<semaphore_mem>>) src(%dma_wait3A_76 : memref<1000000x64xf32, #tpu.memory_space<hbm>>) dst(%arg9 : memref<200x64xf32, #tpu.memory_space<vmem>>)
    %scan3A_77 = arith.constant 0 : i32
    %scan3A_78 = arith.constant 0 : i32
    %scan3A_79 = arith.constant 50 : i32
    %scan3A_80 = arith.addi %scan3A_78, %scan3A_79 : i32
    %scan3A_81 = arith.constant 1 : i32
    scf.for %scan3A_213 = %scan3A_78 to %scan3A_80 step %scan3A_81  : i32 {
      %mul3A_214 = arith.constant 4 : i32
      %mul3A_215 = arith.muli %scan3A_213, %mul3A_214 : i32
      %add3A_216 = arith.constant 0 : i32
      %add3A_217 = arith.addi %mul3A_215, %add3A_216 : i32
      %get3A = arith.index_cast %add3A_217 : i32 to index
      %get3A_218 = arith.constant 0 : index
      %get3A_219 = tpu.vector_load %arg9[%get3A, %get3A_218] {strides = array<i32>} : memref<200x64xf32, #tpu.memory_space<vmem>>, vector<1x16xf32>,
      %get3A_220 = vector.shape_cast %get3A_219 : vector<1x16xf32> to vector<16xf32>
      %add3A_221 = arith.constant 0 : i32
      %add3A_222 = arith.addi %mul3A_215, %add3A_221 : i32
      %get3A_223 = arith.index_cast %add3A_222 : i32 to index
      %get3A_224 = arith.constant 0 : index
      %get3A_225 = tpu.vector_load %arg11[%get3A_223, %get3A_224] {strides = array<i32>} : memref<200x64xf32, #tpu.memory_space<vmem>>, vector<1x16xf32>,
      %get3A_226 = vector.shape_cast %get3A_225 : vector<1x16xf32> to vector<16xf32>
      %add3A_227 = arith.addf %get3A_220, %get3A_226 : vector<16xf32>
      %add3A_228 = arith.constant 0 : i32
      %add3A_229 = arith.addi %mul3A_215, %add3A_228 : i32
      %swap3A = arith.index_cast %add3A_229 : i32 to index
      %swap3A_230 = arith.constant 0 : index
      %swap3A_231 = tpu.vector_load %arg9[%swap3A, %swap3A_230] {strides = array<i32>} : memref<200x64xf32, #tpu.memory_space<vmem>>, vector<1x16xf32>,
      %swap3A_232 = vector.shape_cast %swap3A_231 : vector<1x16xf32> to vector<16xf32>
      %swap3A_233 = vector.shape_cast %add3A_227 : vector<16xf32> to vector<1x16xf32>
      tpu.vector_store %arg9[%swap3A, %swap3A_230], %swap3A_233 {strides = array<i32>} : memref<200x64xf32, #tpu.memory_space<vmem>>, vector<1x16xf32>,
      %add3A_234 = arith.constant 0 : i32
      %add3A_235 = arith.addi %mul3A_215, %add3A_234 : i32
      %get3A_236 = arith.index_cast %add3A_235 : i32 to index
      %get3A_237 = arith.constant 16 : index
      %get3A_238 = tpu.vector_load %arg9[%get3A_236, %get3A_237] {strides = array<i32>} : memref<200x64xf32, #tpu.memory_space<vmem>>, vector<1x16xf32>,
      %get3A_239 = vector.shape_cast %get3A_238 : vector<1x16xf32> to vector<16xf32>
      %add3A_240 = arith.constant 0 : i32
      %add3A_241 = arith.addi %mul3A_215, %add3A_240 : i32
      %get3A_242 = arith.index_cast %add3A_241 : i32 to index
      %get3A_243 = arith.constant 16 : index
      %get3A_244 = tpu.vector_load %arg11[%get3A_242, %get3A_243] {strides = array<i32>} : memref<200x64xf32, #tpu.memory_space<vmem>>, vector<1x16xf32>,
      %get3A_245 = vector.shape_cast %get3A_244 : vector<1x16xf32> to vector<16xf32>
      %add3A_246 = arith.addf %get3A_239, %get3A_245 : vector<16xf32>
      %add3A_247 = arith.constant 0 : i32
      %add3A_248 = arith.addi %mul3A_215, %add3A_247 : i32
      %swap3A_249 = arith.index_cast %add3A_248 : i32 to index
      %swap3A_250 = arith.constant 16 : index
      %swap3A_251 = tpu.vector_load %arg9[%swap3A_249, %swap3A_250] {strides = array<i32>} : memref<200x64xf32, #tpu.memory_space<vmem>>, vector<1x16xf32>,
      %swap3A_252 = vector.shape_cast %swap3A_251 : vector<1x16xf32> to vector<16xf32>
      %swap3A_253 = vector.shape_cast %add3A_246 : vector<16xf32> to vector<1x16xf32>
      tpu.vector_store %arg9[%swap3A_249, %swap3A_250], %swap3A_253 {strides = array<i32>} : memref<200x64xf32, #tpu.memory_space<vmem>>, vector<1x16xf32>,
      %add3A_254 = arith.constant 0 : i32
      %add3A_255 = arith.addi %mul3A_215, %add3A_254 : i32
      %get3A_256 = arith.index_cast %add3A_255 : i32 to index
      %get3A_257 = arith.constant 32 : index
      %get3A_258 = tpu.vector_load %arg9[%get3A_256, %get3A_257] {strides = array<i32>} : memref<200x64xf32, #tpu.memory_space<vmem>>, vector<1x16xf32>,
      %get3A_259 = vector.shape_cast %get3A_258 : vector<1x16xf32> to vector<16xf32>
      %add3A_260 = arith.constant 0 : i32
      %add3A_261 = arith.addi %mul3A_215, %add3A_260 : i32
      %get3A_262 = arith.index_cast %add3A_261 : i32 to index
      %get3A_263 = arith.constant 32 : index
      %get3A_264 = tpu.vector_load %arg11[%get3A_262, %get3A_263] {strides = array<i32>} : memref<200x64xf32, #tpu.memory_space<vmem>>, vector<1x16xf32>,
      %get3A_265 = vector.shape_cast %get3A_264 : vector<1x16xf32> to vector<16xf32>
      %add3A_266 = arith.addf %get3A_259, %get3A_265 : vector<16xf32>
      %add3A_267 = arith.constant 0 : i32
      %add3A_268 = arith.addi %mul3A_215, %add3A_267 : i32
      %swap3A_269 = arith.index_cast %add3A_268 : i32 to index
      %swap3A_270 = arith.constant 32 : index
      %swap3A_271 = tpu.vector_load %arg9[%swap3A_269, %swap3A_270] {strides = array<i32>} : memref<200x64xf32, #tpu.memory_space<vmem>>, vector<1x16xf32>,
      %swap3A_272 = vector.shape_cast %swap3A_271 : vector<1x16xf32> to vector<16xf32>
      %swap3A_273 = vector.shape_cast %add3A_266 : vector<16xf32> to vector<1x16xf32>
      tpu.vector_store %arg9[%swap3A_269, %swap3A_270], %swap3A_273 {strides = array<i32>} : memref<200x64xf32, #tpu.memory_space<vmem>>, vector<1x16xf32>,
      %add3A_274 = arith.constant 0 : i32
      %add3A_275 = arith.addi %mul3A_215, %add3A_274 : i32
      %get3A_276 = arith.index_cast %add3A_275 : i32 to index
      %get3A_277 = arith.constant 48 : index
      %get3A_278 = tpu.vector_load %arg9[%get3A_276, %get3A_277] {strides = array<i32>} : memref<200x64xf32, #tpu.memory_space<vmem>>, vector<1x16xf32>,
      %get3A_279 = vector.shape_cast %get3A_278 : vector<1x16xf32> to vector<16xf32>
      %add3A_280 = arith.constant 0 : i32
      %add3A_281 = arith.addi %mul3A_215, %add3A_280 : i32
      %get3A_282 = arith.index_cast %add3A_281 : i32 to index
      %get3A_283 = arith.constant 48 : index
      %get3A_284 = tpu.vector_load %arg11[%get3A_282, %get3A_283] {strides = array<i32>} : memref<200x64xf32, #tpu.memory_space<vmem>>, vector<1x16xf32>,
      %get3A_285 = vector.shape_cast %get3A_284 : vector<1x16xf32> to vector<16xf32>
      %add3A_286 = arith.addf %get3A_279, %get3A_285 : vector<16xf32>
      %add3A_287 = arith.constant 0 : i32
      %add3A_288 = arith.addi %mul3A_215, %add3A_287 : i32
      %swap3A_289 = arith.index_cast %add3A_288 : i32 to index
      %swap3A_290 = arith.constant 48 : index
      %swap3A_291 = tpu.vector_load %arg9[%swap3A_289, %swap3A_290] {strides = array<i32>} : memref<200x64xf32, #tpu.memory_space<vmem>>, vector<1x16xf32>,
      %swap3A_292 = vector.shape_cast %swap3A_291 : vector<1x16xf32> to vector<16xf32>
      %swap3A_293 = vector.shape_cast %add3A_286 : vector<16xf32> to vector<1x16xf32>
      tpu.vector_store %arg9[%swap3A_289, %swap3A_290], %swap3A_293 {strides = array<i32>} : memref<200x64xf32, #tpu.memory_space<vmem>>, vector<1x16xf32>,
      %add3A_294 = arith.constant 1 : i32
      %add3A_295 = arith.addi %mul3A_215, %add3A_294 : i32
      %get3A_296 = arith.index_cast %add3A_295 : i32 to index
      %get3A_297 = arith.constant 0 : index
      %get3A_298 = tpu.vector_load %arg9[%get3A_296, %get3A_297] {strides = array<i32>} : memref<200x64xf32, #tpu.memory_space<vmem>>, vector<1x16xf32>,
      %get3A_299 = vector.shape_cast %get3A_298 : vector<1x16xf32> to vector<16xf32>
      %add3A_300 = arith.constant 1 : i32
      %add3A_301 = arith.addi %mul3A_215, %add3A_300 : i32
      %get3A_302 = arith.index_cast %add3A_301 : i32 to index
      %get3A_303 = arith.constant 0 : index
      %get3A_304 = tpu.vector_load %arg11[%get3A_302, %get3A_303] {strides = array<i32>} : memref<200x64xf32, #tpu.memory_space<vmem>>, vector<1x16xf32>,
      %get3A_305 = vector.shape_cast %get3A_304 : vector<1x16xf32> to vector<16xf32>
      %add3A_306 = arith.addf %get3A_299, %get3A_305 : vector<16xf32>
      %add3A_307 = arith.constant 1 : i32
      %add3A_308 = arith.addi %mul3A_215, %add3A_307 : i32
      %swap3A_309 = arith.index_cast %add3A_308 : i32 to index
      %swap3A_310 = arith.constant 0 : index
      %swap3A_311 = tpu.vector_load %arg9[%swap3A_309, %swap3A_310] {strides = array<i32>} : memref<200x64xf32, #tpu.memory_space<vmem>>, vector<1x16xf32>,
      %swap3A_312 = vector.shape_cast %swap3A_311 : vector<1x16xf32> to vector<16xf32>
      %swap3A_313 = vector.shape_cast %add3A_306 : vector<16xf32> to vector<1x16xf32>
      tpu.vector_store %arg9[%swap3A_309, %swap3A_310], %swap3A_313 {strides = array<i32>} : memref<200x64xf32, #tpu.memory_space<vmem>>, vector<1x16xf32>,
      %add3A_314 = arith.constant 1 : i32
      %add3A_315 = arith.addi %mul3A_215, %add3A_314 : i32
      %get3A_316 = arith.index_cast %add3A_315 : i32 to index
      %get3A_317 = arith.constant 16 : index
      %get3A_318 = tpu.vector_load %arg9[%get3A_316, %get3A_317] {strides = array<i32>} : memref<200x64xf32, #tpu.memory_space<vmem>>, vector<1x16xf32>,
      %get3A_319 = vector.shape_cast %get3A_318 : vector<1x16xf32> to vector<16xf32>
      %add3A_320 = arith.constant 1 : i32
      %add3A_321 = arith.addi %mul3A_215, %add3A_320 : i32
      %get3A_322 = arith.index_cast %add3A_321 : i32 to index
      %get3A_323 = arith.constant 16 : index
      %get3A_324 = tpu.vector_load %arg11[%get3A_322, %get3A_323] {strides = array<i32>} : memref<200x64xf32, #tpu.memory_space<vmem>>, vector<1x16xf32>,
      %get3A_325 = vector.shape_cast %get3A_324 : vector<1x16xf32> to vector<16xf32>
      %add3A_326 = arith.addf %get3A_319, %get3A_325 : vector<16xf32>
      %add3A_327 = arith.constant 1 : i32
      %add3A_328 = arith.addi %mul3A_215, %add3A_327 : i32
      %swap3A_329 = arith.index_cast %add3A_328 : i32 to index
      %swap3A_330 = arith.constant 16 : index
      %swap3A_331 = tpu.vector_load %arg9[%swap3A_329, %swap3A_330] {strides = array<i32>} : memref<200x64xf32, #tpu.memory_space<vmem>>, vector<1x16xf32>,
      %swap3A_332 = vector.shape_cast %swap3A_331 : vector<1x16xf32> to vector<16xf32>
      %swap3A_333 = vector.shape_cast %add3A_326 : vector<16xf32> to vector<1x16xf32>
      tpu.vector_store %arg9[%swap3A_329, %swap3A_330], %swap3A_333 {strides = array<i32>} : memref<200x64xf32, #tpu.memory_space<vmem>>, vector<1x16xf32>,
      %add3A_334 = arith.constant 1 : i32
      %add3A_335 = arith.addi %mul3A_215, %add3A_334 : i32
      %get3A_336 = arith.index_cast %add3A_335 : i32 to index
      %get3A_337 = arith.constant 32 : index
      %get3A_338 = tpu.vector_load %arg9[%get3A_336, %get3A_337] {strides = array<i32>} : memref<200x64xf32, #tpu.memory_space<vmem>>, vector<1x16xf32>,
      %get3A_339 = vector.shape_cast %get3A_338 : vector<1x16xf32> to vector<16xf32>
      %add3A_340 = arith.constant 1 : i32
      %add3A_341 = arith.addi %mul3A_215, %add3A_340 : i32
      %get3A_342 = arith.index_cast %add3A_341 : i32 to index
      %get3A_343 = arith.constant 32 : index
      %get3A_344 = tpu.vector_load %arg11[%get3A_342, %get3A_343] {strides = array<i32>} : memref<200x64xf32, #tpu.memory_space<vmem>>, vector<1x16xf32>,
      %get3A_345 = vector.shape_cast %get3A_344 : vector<1x16xf32> to vector<16xf32>
      %add3A_346 = arith.addf %get3A_339, %get3A_345 : vector<16xf32>
      %add3A_347 = arith.constant 1 : i32
      %add3A_348 = arith.addi %mul3A_215, %add3A_347 : i32
      %swap3A_349 = arith.index_cast %add3A_348 : i32 to index
      %swap3A_350 = arith.constant 32 : index
      %swap3A_351 = tpu.vector_load %arg9[%swap3A_349, %swap3A_350] {strides = array<i32>} : memref<200x64xf32, #tpu.memory_space<vmem>>, vector<1x16xf32>,
      %swap3A_352 = vector.shape_cast %swap3A_351 : vector<1x16xf32> to vector<16xf32>
      %swap3A_353 = vector.shape_cast %add3A_346 : vector<16xf32> to vector<1x16xf32>
      tpu.vector_store %arg9[%swap3A_349, %swap3A_350], %swap3A_353 {strides = array<i32>} : memref<200x64xf32, #tpu.memory_space<vmem>>, vector<1x16xf32>,
      %add3A_354 = arith.constant 1 : i32
      %add3A_355 = arith.addi %mul3A_215, %add3A_354 : i32
      %get3A_356 = arith.index_cast %add3A_355 : i32 to index
      %get3A_357 = arith.constant 48 : index
      %get3A_358 = tpu.vector_load %arg9[%get3A_356, %get3A_357] {strides = array<i32>} : memref<200x64xf32, #tpu.memory_space<vmem>>, vector<1x16xf32>,
      %get3A_359 = vector.shape_cast %get3A_358 : vector<1x16xf32> to vector<16xf32>
      %add3A_360 = arith.constant 1 : i32
      %add3A_361 = arith.addi %mul3A_215, %add3A_360 : i32
      %get3A_362 = arith.index_cast %add3A_361 : i32 to index
      %get3A_363 = arith.constant 48 : index
      %get3A_364 = tpu.vector_load %arg11[%get3A_362, %get3A_363] {strides = array<i32>} : memref<200x64xf32, #tpu.memory_space<vmem>>, vector<1x16xf32>,
      %get3A_365 = vector.shape_cast %get3A_364 : vector<1x16xf32> to vector<16xf32>
      %add3A_366 = arith.addf %get3A_359, %get3A_365 : vector<16xf32>
      %add3A_367 = arith.constant 1 : i32
      %add3A_368 = arith.addi %mul3A_215, %add3A_367 : i32
      %swap3A_369 = arith.index_cast %add3A_368 : i32 to index
      %swap3A_370 = arith.constant 48 : index
      %swap3A_371 = tpu.vector_load %arg9[%swap3A_369, %swap3A_370] {strides = array<i32>} : memref<200x64xf32, #tpu.memory_space<vmem>>, vector<1x16xf32>,
      %swap3A_372 = vector.shape_cast %swap3A_371 : vector<1x16xf32> to vector<16xf32>
      %swap3A_373 = vector.shape_cast %add3A_366 : vector<16xf32> to vector<1x16xf32>
      tpu.vector_store %arg9[%swap3A_369, %swap3A_370], %swap3A_373 {strides = array<i32>} : memref<200x64xf32, #tpu.memory_space<vmem>>, vector<1x16xf32>,
      %add3A_374 = arith.constant 2 : i32
      %add3A_375 = arith.addi %mul3A_215, %add3A_374 : i32
      %get3A_376 = arith.index_cast %add3A_375 : i32 to index
      %get3A_377 = arith.constant 0 : index
      %get3A_378 = tpu.vector_load %arg9[%get3A_376, %get3A_377] {strides = array<i32>} : memref<200x64xf32, #tpu.memory_space<vmem>>, vector<1x16xf32>,
      %get3A_379 = vector.shape_cast %get3A_378 : vector<1x16xf32> to vector<16xf32>
      %add3A_380 = arith.constant 2 : i32
      %add3A_381 = arith.addi %mul3A_215, %add3A_380 : i32
      %get3A_382 = arith.index_cast %add3A_381 : i32 to index
      %get3A_383 = arith.constant 0 : index
      %get3A_384 = tpu.vector_load %arg11[%get3A_382, %get3A_383] {strides = array<i32>} : memref<200x64xf32, #tpu.memory_space<vmem>>, vector<1x16xf32>,
      %get3A_385 = vector.shape_cast %get3A_384 : vector<1x16xf32> to vector<16xf32>
      %add3A_386 = arith.addf %get3A_379, %get3A_385 : vector<16xf32>
      %add3A_387 = arith.constant 2 : i32
      %add3A_388 = arith.addi %mul3A_215, %add3A_387 : i32
      %swap3A_389 = arith.index_cast %add3A_388 : i32 to index
      %swap3A_390 = arith.constant 0 : index
      %swap3A_391 = tpu.vector_load %arg9[%swap3A_389, %swap3A_390] {strides = array<i32>} : memref<200x64xf32, #tpu.memory_space<vmem>>, vector<1x16xf32>,
      %swap3A_392 = vector.shape_cast %swap3A_391 : vector<1x16xf32> to vector<16xf32>
      %swap3A_393 = vector.shape_cast %add3A_386 : vector<16xf32> to vector<1x16xf32>
      tpu.vector_store %arg9[%swap3A_389, %swap3A_390], %swap3A_393 {strides = array<i32>} : memref<200x64xf32, #tpu.memory_space<vmem>>, vector<1x16xf32>,
      %add3A_394 = arith.constant 2 : i32
      %add3A_395 = arith.addi %mul3A_215, %add3A_394 : i32
      %get3A_396 = arith.index_cast %add3A_395 : i32 to index
      %get3A_397 = arith.constant 16 : index
      %get3A_398 = tpu.vector_load %arg9[%get3A_396, %get3A_397] {strides = array<i32>} : memref<200x64xf32, #tpu.memory_space<vmem>>, vector<1x16xf32>,
      %get3A_399 = vector.shape_cast %get3A_398 : vector<1x16xf32> to vector<16xf32>
      %add3A_400 = arith.constant 2 : i32
      %add3A_401 = arith.addi %mul3A_215, %add3A_400 : i32
      %get3A_402 = arith.index_cast %add3A_401 : i32 to index
      %get3A_403 = arith.constant 16 : index
      %get3A_404 = tpu.vector_load %arg11[%get3A_402, %get3A_403] {strides = array<i32>} : memref<200x64xf32, #tpu.memory_space<vmem>>, vector<1x16xf32>,
      %get3A_405 = vector.shape_cast %get3A_404 : vector<1x16xf32> to vector<16xf32>
      %add3A_406 = arith.addf %get3A_399, %get3A_405 : vector<16xf32>
      %add3A_407 = arith.constant 2 : i32
      %add3A_408 = arith.addi %mul3A_215, %add3A_407 : i32
      %swap3A_409 = arith.index_cast %add3A_408 : i32 to index
      %swap3A_410 = arith.constant 16 : index
      %swap3A_411 = tpu.vector_load %arg9[%swap3A_409, %swap3A_410] {strides = array<i32>} : memref<200x64xf32, #tpu.memory_space<vmem>>, vector<1x16xf32>,
      %swap3A_412 = vector.shape_cast %swap3A_411 : vector<1x16xf32> to vector<16xf32>
      %swap3A_413 = vector.shape_cast %add3A_406 : vector<16xf32> to vector<1x16xf32>
      tpu.vector_store %arg9[%swap3A_409, %swap3A_410], %swap3A_413 {strides = array<i32>} : memref<200x64xf32, #tpu.memory_space<vmem>>, vector<1x16xf32>,
      %add3A_414 = arith.constant 2 : i32
      %add3A_415 = arith.addi %mul3A_215, %add3A_414 : i32
      %get3A_416 = arith.index_cast %add3A_415 : i32 to index
      %get3A_417 = arith.constant 32 : index
      %get3A_418 = tpu.vector_load %arg9[%get3A_416, %get3A_417] {strides = array<i32>} : memref<200x64xf32, #tpu.memory_space<vmem>>, vector<1x16xf32>,
      %get3A_419 = vector.shape_cast %get3A_418 : vector<1x16xf32> to vector<16xf32>
      %add3A_420 = arith.constant 2 : i32
      %add3A_421 = arith.addi %mul3A_215, %add3A_420 : i32
      %get3A_422 = arith.index_cast %add3A_421 : i32 to index
      %get3A_423 = arith.constant 32 : index
      %get3A_424 = tpu.vector_load %arg11[%get3A_422, %get3A_423] {strides = array<i32>} : memref<200x64xf32, #tpu.memory_space<vmem>>, vector<1x16xf32>,
      %get3A_425 = vector.shape_cast %get3A_424 : vector<1x16xf32> to vector<16xf32>
      %add3A_426 = arith.addf %get3A_419, %get3A_425 : vector<16xf32>
      %add3A_427 = arith.constant 2 : i32
      %add3A_428 = arith.addi %mul3A_215, %add3A_427 : i32
      %swap3A_429 = arith.index_cast %add3A_428 : i32 to index
      %swap3A_430 = arith.constant 32 : index
      %swap3A_431 = tpu.vector_load %arg9[%swap3A_429, %swap3A_430] {strides = array<i32>} : memref<200x64xf32, #tpu.memory_space<vmem>>, vector<1x16xf32>,
      %swap3A_432 = vector.shape_cast %swap3A_431 : vector<1x16xf32> to vector<16xf32>
      %swap3A_433 = vector.shape_cast %add3A_426 : vector<16xf32> to vector<1x16xf32>
      tpu.vector_store %arg9[%swap3A_429, %swap3A_430], %swap3A_433 {strides = array<i32>} : memref<200x64xf32, #tpu.memory_space<vmem>>, vector<1x16xf32>,
      %add3A_434 = arith.constant 2 : i32
      %add3A_435 = arith.addi %mul3A_215, %add3A_434 : i32
      %get3A_436 = arith.index_cast %add3A_435 : i32 to index
      %get3A_437 = arith.constant 48 : index
      %get3A_438 = tpu.vector_load %arg9[%get3A_436, %get3A_437] {strides = array<i32>} : memref<200x64xf32, #tpu.memory_space<vmem>>, vector<1x16xf32>,
      %get3A_439 = vector.shape_cast %get3A_438 : vector<1x16xf32> to vector<16xf32>
      %add3A_440 = arith.constant 2 : i32
      %add3A_441 = arith.addi %mul3A_215, %add3A_440 : i32
      %get3A_442 = arith.index_cast %add3A_441 : i32 to index
      %get3A_443 = arith.constant 48 : index
      %get3A_444 = tpu.vector_load %arg11[%get3A_442, %get3A_443] {strides = array<i32>} : memref<200x64xf32, #tpu.memory_space<vmem>>, vector<1x16xf32>,
      %get3A_445 = vector.shape_cast %get3A_444 : vector<1x16xf32> to vector<16xf32>
      %add3A_446 = arith.addf %get3A_439, %get3A_445 : vector<16xf32>
      %add3A_447 = arith.constant 2 : i32
      %add3A_448 = arith.addi %mul3A_215, %add3A_447 : i32
      %swap3A_449 = arith.index_cast %add3A_448 : i32 to index
      %swap3A_450 = arith.constant 48 : index
      %swap3A_451 = tpu.vector_load %arg9[%swap3A_449, %swap3A_450] {strides = array<i32>} : memref<200x64xf32, #tpu.memory_space<vmem>>, vector<1x16xf32>,
      %swap3A_452 = vector.shape_cast %swap3A_451 : vector<1x16xf32> to vector<16xf32>
      %swap3A_453 = vector.shape_cast %add3A_446 : vector<16xf32> to vector<1x16xf32>
      tpu.vector_store %arg9[%swap3A_449, %swap3A_450], %swap3A_453 {strides = array<i32>} : memref<200x64xf32, #tpu.memory_space<vmem>>, vector<1x16xf32>,
      %add3A_454 = arith.constant 3 : i32
      %add3A_455 = arith.addi %mul3A_215, %add3A_454 : i32
      %get3A_456 = arith.index_cast %add3A_455 : i32 to index
      %get3A_457 = arith.constant 0 : index
      %get3A_458 = tpu.vector_load %arg9[%get3A_456, %get3A_457] {strides = array<i32>} : memref<200x64xf32, #tpu.memory_space<vmem>>, vector<1x16xf32>,
      %get3A_459 = vector.shape_cast %get3A_458 : vector<1x16xf32> to vector<16xf32>
      %add3A_460 = arith.constant 3 : i32
      %add3A_461 = arith.addi %mul3A_215, %add3A_460 : i32
      %get3A_462 = arith.index_cast %add3A_461 : i32 to index
      %get3A_463 = arith.constant 0 : index
      %get3A_464 = tpu.vector_load %arg11[%get3A_462, %get3A_463] {strides = array<i32>} : memref<200x64xf32, #tpu.memory_space<vmem>>, vector<1x16xf32>,
      %get3A_465 = vector.shape_cast %get3A_464 : vector<1x16xf32> to vector<16xf32>
      %add3A_466 = arith.addf %get3A_459, %get3A_465 : vector<16xf32>
      %add3A_467 = arith.constant 3 : i32
      %add3A_468 = arith.addi %mul3A_215, %add3A_467 : i32
      %swap3A_469 = arith.index_cast %add3A_468 : i32 to index
      %swap3A_470 = arith.constant 0 : index
      %swap3A_471 = tpu.vector_load %arg9[%swap3A_469, %swap3A_470] {strides = array<i32>} : memref<200x64xf32, #tpu.memory_space<vmem>>, vector<1x16xf32>,
      %swap3A_472 = vector.shape_cast %swap3A_471 : vector<1x16xf32> to vector<16xf32>
      %swap3A_473 = vector.shape_cast %add3A_466 : vector<16xf32> to vector<1x16xf32>
      tpu.vector_store %arg9[%swap3A_469, %swap3A_470], %swap3A_473 {strides = array<i32>} : memref<200x64xf32, #tpu.memory_space<vmem>>, vector<1x16xf32>,
      %add3A_474 = arith.constant 3 : i32
      %add3A_475 = arith.addi %mul3A_215, %add3A_474 : i32
      %get3A_476 = arith.index_cast %add3A_475 : i32 to index
      %get3A_477 = arith.constant 16 : index
      %get3A_478 = tpu.vector_load %arg9[%get3A_476, %get3A_477] {strides = array<i32>} : memref<200x64xf32, #tpu.memory_space<vmem>>, vector<1x16xf32>,
      %get3A_479 = vector.shape_cast %get3A_478 : vector<1x16xf32> to vector<16xf32>
      %add3A_480 = arith.constant 3 : i32
      %add3A_481 = arith.addi %mul3A_215, %add3A_480 : i32
      %get3A_482 = arith.index_cast %add3A_481 : i32 to index
      %get3A_483 = arith.constant 16 : index
      %get3A_484 = tpu.vector_load %arg11[%get3A_482, %get3A_483] {strides = array<i32>} : memref<200x64xf32, #tpu.memory_space<vmem>>, vector<1x16xf32>,
      %get3A_485 = vector.shape_cast %get3A_484 : vector<1x16xf32> to vector<16xf32>
      %add3A_486 = arith.addf %get3A_479, %get3A_485 : vector<16xf32>
      %add3A_487 = arith.constant 3 : i32
      %add3A_488 = arith.addi %mul3A_215, %add3A_487 : i32
      %swap3A_489 = arith.index_cast %add3A_488 : i32 to index
      %swap3A_490 = arith.constant 16 : index
      %swap3A_491 = tpu.vector_load %arg9[%swap3A_489, %swap3A_490] {strides = array<i32>} : memref<200x64xf32, #tpu.memory_space<vmem>>, vector<1x16xf32>,
      %swap3A_492 = vector.shape_cast %swap3A_491 : vector<1x16xf32> to vector<16xf32>
      %swap3A_493 = vector.shape_cast %add3A_486 : vector<16xf32> to vector<1x16xf32>
      tpu.vector_store %arg9[%swap3A_489, %swap3A_490], %swap3A_493 {strides = array<i32>} : memref<200x64xf32, #tpu.memory_space<vmem>>, vector<1x16xf32>,
      %add3A_494 = arith.constant 3 : i32
      %add3A_495 = arith.addi %mul3A_215, %add3A_494 : i32
      %get3A_496 = arith.index_cast %add3A_495 : i32 to index
      %get3A_497 = arith.constant 32 : index
      %get3A_498 = tpu.vector_load %arg9[%get3A_496, %get3A_497] {strides = array<i32>} : memref<200x64xf32, #tpu.memory_space<vmem>>, vector<1x16xf32>,
      %get3A_499 = vector.shape_cast %get3A_498 : vector<1x16xf32> to vector<16xf32>
      %add3A_500 = arith.constant 3 : i32
      %add3A_501 = arith.addi %mul3A_215, %add3A_500 : i32
      %get3A_502 = arith.index_cast %add3A_501 : i32 to index
      %get3A_503 = arith.constant 32 : index
      %get3A_504 = tpu.vector_load %arg11[%get3A_502, %get3A_503] {strides = array<i32>} : memref<200x64xf32, #tpu.memory_space<vmem>>, vector<1x16xf32>,
      %get3A_505 = vector.shape_cast %get3A_504 : vector<1x16xf32> to vector<16xf32>
      %add3A_506 = arith.addf %get3A_499, %get3A_505 : vector<16xf32>
      %add3A_507 = arith.constant 3 : i32
      %add3A_508 = arith.addi %mul3A_215, %add3A_507 : i32
      %swap3A_509 = arith.index_cast %add3A_508 : i32 to index
      %swap3A_510 = arith.constant 32 : index
      %swap3A_511 = tpu.vector_load %arg9[%swap3A_509, %swap3A_510] {strides = array<i32>} : memref<200x64xf32, #tpu.memory_space<vmem>>, vector<1x16xf32>,
      %swap3A_512 = vector.shape_cast %swap3A_511 : vector<1x16xf32> to vector<16xf32>
      %swap3A_513 = vector.shape_cast %add3A_506 : vector<16xf32> to vector<1x16xf32>
      tpu.vector_store %arg9[%swap3A_509, %swap3A_510], %swap3A_513 {strides = array<i32>} : memref<200x64xf32, #tpu.memory_space<vmem>>, vector<1x16xf32>,
      %add3A_514 = arith.constant 3 : i32
      %add3A_515 = arith.addi %mul3A_215, %add3A_514 : i32
      %get3A_516 = arith.index_cast %add3A_515 : i32 to index
      %get3A_517 = arith.constant 48 : index
      %get3A_518 = tpu.vector_load %arg9[%get3A_516, %get3A_517] {strides = array<i32>} : memref<200x64xf32, #tpu.memory_space<vmem>>, vector<1x16xf32>,
      %get3A_519 = vector.shape_cast %get3A_518 : vector<1x16xf32> to vector<16xf32>
      %add3A_520 = arith.constant 3 : i32
      %add3A_521 = arith.addi %mul3A_215, %add3A_520 : i32
      %get3A_522 = arith.index_cast %add3A_521 : i32 to index
      %get3A_523 = arith.constant 48 : index
      %get3A_524 = tpu.vector_load %arg11[%get3A_522, %get3A_523] {strides = array<i32>} : memref<200x64xf32, #tpu.memory_space<vmem>>, vector<1x16xf32>,
      %get3A_525 = vector.shape_cast %get3A_524 : vector<1x16xf32> to vector<16xf32>
      %add3A_526 = arith.addf %get3A_519, %get3A_525 : vector<16xf32>
      %add3A_527 = arith.constant 3 : i32
      %add3A_528 = arith.addi %mul3A_215, %add3A_527 : i32
      %swap3A_529 = arith.index_cast %add3A_528 : i32 to index
      %swap3A_530 = arith.constant 48 : index
      %swap3A_531 = tpu.vector_load %arg9[%swap3A_529, %swap3A_530] {strides = array<i32>} : memref<200x64xf32, #tpu.memory_space<vmem>>, vector<1x16xf32>,
      %swap3A_532 = vector.shape_cast %swap3A_531 : vector<1x16xf32> to vector<16xf32>
      %swap3A_533 = vector.shape_cast %add3A_526 : vector<16xf32> to vector<1x16xf32>
      tpu.vector_store %arg9[%swap3A_529, %swap3A_530], %swap3A_533 {strides = array<i32>} : memref<200x64xf32, #tpu.memory_space<vmem>>, vector<1x16xf32>,
    }
    %scan3A_82 = arith.constant 50 : i32
    %add3A_83 = arith.constant 400 : i32
    %add3A_84 = arith.addi %mul3A_2, %add3A_83 : i32
    %dma_start3A_85 = arith.constant 0 : i32
    %dma_start3A_86 = tpu.memref_slice %arg5[%add3A_84, %dma_start3A_85] : memref<819200x64xf32, #tpu.memory_space<hbm>> -> memref<200x64xf32, #tpu.memory_space<hbm>>
    %dma_start3A_87 = arith.constant 0 : i32
    %dma_start3A_88 = tpu.memref_slice %arg5[%add3A_84, %dma_start3A_87] : memref<819200x64xf32, #tpu.memory_space<hbm>> -> memref<200x64xf32, #tpu.memory_space<hbm>>
    tpu.enqueue_dma source(%arg9 : memref<200x64xf32, #tpu.memory_space<vmem>>) target(%dma_start3A_88 : memref<200x64xf32, #tpu.memory_space<hbm>>) target_semaphore(%arg13 : memref<!tpu.dma_semaphore, #tpu.memory_space<semaphore_mem>>)
    %dma_wait3A_89 = arith.constant 0 : i32
    %dma_wait3A_90 = tpu.memref_slice %arg5[%mul3A_2, %dma_wait3A_89] : memref<819200x64xf32, #tpu.memory_space<hbm>> -> memref<200x64xf32, #tpu.memory_space<hbm>>
    %dma_wait3A_91 = arith.constant 0 : i32
    %dma_wait3A_92 = tpu.memref_slice %arg5[%mul3A_2, %dma_wait3A_91] : memref<819200x64xf32, #tpu.memory_space<hbm>> -> memref<200x64xf32, #tpu.memory_space<hbm>>
    tpu.wait_dma2 semaphore(%arg13 : memref<!tpu.dma_semaphore, #tpu.memory_space<semaphore_mem>>) src(%arg9 : memref<200x64xf32, #tpu.memory_space<vmem>>) dst(%dma_wait3A_92 : memref<200x64xf32, #tpu.memory_space<hbm>>)
    %dma_start3A_93 = arith.constant 1200 : i32
    %dma_start3A_94 = tpu.memref_slice %arg6[%dma_start3A_93] : memref<25600xi32, #tpu.memory_space<vmem>> -> memref<200xi32, #tpu.memory_space<vmem>>
    %dma_start3A_95 = arith.constant 0 : i32
    %dma_start3A_96 = arith.constant 0 : i32
    %dma_start3A_97 = tpu.memref_slice %arg3[%dma_start3A_95, %dma_start3A_96] : memref<1000000x64xf32, #tpu.memory_space<hbm>> -> memref<1000000x64xf32, #tpu.memory_space<hbm>>
    tpu.enqueue_indirect_dma source(%dma_start3A_97 : memref<1000000x64xf32, #tpu.memory_space<hbm>>) target(%arg9 : memref<200x64xf32, #tpu.memory_space<vmem>>) offsets(%dma_start3A_94 : memref<200xi32, #tpu.memory_space<vmem>>) semaphore(%arg12 : memref<!tpu.dma_semaphore, #tpu.memory_space<semaphore_mem>>)
    %dma_wait3A_98 = arith.constant 600 : i32
    %dma_wait3A_99 = tpu.memref_slice %arg6[%dma_wait3A_98] : memref<25600xi32, #tpu.memory_space<vmem>> -> memref<200xi32, #tpu.memory_space<vmem>>
    %dma_wait3A_100 = arith.constant 0 : i32
    %dma_wait3A_101 = arith.constant 0 : i32
    %dma_wait3A_102 = tpu.memref_slice %arg3[%dma_wait3A_100, %dma_wait3A_101] : memref<1000000x64xf32, #tpu.memory_space<hbm>> -> memref<1000000x64xf32, #tpu.memory_space<hbm>>
    tpu.wait_indirect_dma semaphore(%arg12 : memref<!tpu.dma_semaphore, #tpu.memory_space<semaphore_mem>>) src(%dma_wait3A_102 : memref<1000000x64xf32, #tpu.memory_space<hbm>>) dst(%arg10 : memref<200x64xf32, #tpu.memory_space<vmem>>)
    %scan3A_103 = arith.constant 0 : i32
    %scan3A_104 = arith.constant 0 : i32
    %scan3A_105 = arith.constant 50 : i32
    %scan3A_106 = arith.addi %scan3A_104, %scan3A_105 : i32
    %scan3A_107 = arith.constant 1 : i32
    scf.for %scan3A_213 = %scan3A_104 to %scan3A_106 step %scan3A_107  : i32 {
      %mul3A_214 = arith.constant 4 : i32
      %mul3A_215 = arith.muli %scan3A_213, %mul3A_214 : i32
      %add3A_216 = arith.constant 0 : i32
      %add3A_217 = arith.addi %mul3A_215, %add3A_216 : i32
      %get3A = arith.index_cast %add3A_217 : i32 to index
      %get3A_218 = arith.constant 0 : index
      %get3A_219 = tpu.vector_load %arg10[%get3A, %get3A_218] {strides = array<i32>} : memref<200x64xf32, #tpu.memory_space<vmem>>, vector<1x16xf32>,
      %get3A_220 = vector.shape_cast %get3A_219 : vector<1x16xf32> to vector<16xf32>
      %add3A_221 = arith.constant 0 : i32
      %add3A_222 = arith.addi %mul3A_215, %add3A_221 : i32
      %get3A_223 = arith.index_cast %add3A_222 : i32 to index
      %get3A_224 = arith.constant 0 : index
      %get3A_225 = tpu.vector_load %arg11[%get3A_223, %get3A_224] {strides = array<i32>} : memref<200x64xf32, #tpu.memory_space<vmem>>, vector<1x16xf32>,
      %get3A_226 = vector.shape_cast %get3A_225 : vector<1x16xf32> to vector<16xf32>
      %add3A_227 = arith.addf %get3A_220, %get3A_226 : vector<16xf32>
      %add3A_228 = arith.constant 0 : i32
      %add3A_229 = arith.addi %mul3A_215, %add3A_228 : i32
      %swap3A = arith.index_cast %add3A_229 : i32 to index
      %swap3A_230 = arith.constant 0 : index
      %swap3A_231 = tpu.vector_load %arg10[%swap3A, %swap3A_230] {strides = array<i32>} : memref<200x64xf32, #tpu.memory_space<vmem>>, vector<1x16xf32>,
      %swap3A_232 = vector.shape_cast %swap3A_231 : vector<1x16xf32> to vector<16xf32>
      %swap3A_233 = vector.shape_cast %add3A_227 : vector<16xf32> to vector<1x16xf32>
      tpu.vector_store %arg10[%swap3A, %swap3A_230], %swap3A_233 {strides = array<i32>} : memref<200x64xf32, #tpu.memory_space<vmem>>, vector<1x16xf32>,
      %add3A_234 = arith.constant 0 : i32
      %add3A_235 = arith.addi %mul3A_215, %add3A_234 : i32
      %get3A_236 = arith.index_cast %add3A_235 : i32 to index
      %get3A_237 = arith.constant 16 : index
      %get3A_238 = tpu.vector_load %arg10[%get3A_236, %get3A_237] {strides = array<i32>} : memref<200x64xf32, #tpu.memory_space<vmem>>, vector<1x16xf32>,
      %get3A_239 = vector.shape_cast %get3A_238 : vector<1x16xf32> to vector<16xf32>
      %add3A_240 = arith.constant 0 : i32
      %add3A_241 = arith.addi %mul3A_215, %add3A_240 : i32
      %get3A_242 = arith.index_cast %add3A_241 : i32 to index
      %get3A_243 = arith.constant 16 : index
      %get3A_244 = tpu.vector_load %arg11[%get3A_242, %get3A_243] {strides = array<i32>} : memref<200x64xf32, #tpu.memory_space<vmem>>, vector<1x16xf32>,
      %get3A_245 = vector.shape_cast %get3A_244 : vector<1x16xf32> to vector<16xf32>
      %add3A_246 = arith.addf %get3A_239, %get3A_245 : vector<16xf32>
      %add3A_247 = arith.constant 0 : i32
      %add3A_248 = arith.addi %mul3A_215, %add3A_247 : i32
      %swap3A_249 = arith.index_cast %add3A_248 : i32 to index
      %swap3A_250 = arith.constant 16 : index
      %swap3A_251 = tpu.vector_load %arg10[%swap3A_249, %swap3A_250] {strides = array<i32>} : memref<200x64xf32, #tpu.memory_space<vmem>>, vector<1x16xf32>,
      %swap3A_252 = vector.shape_cast %swap3A_251 : vector<1x16xf32> to vector<16xf32>
      %swap3A_253 = vector.shape_cast %add3A_246 : vector<16xf32> to vector<1x16xf32>
      tpu.vector_store %arg10[%swap3A_249, %swap3A_250], %swap3A_253 {strides = array<i32>} : memref<200x64xf32, #tpu.memory_space<vmem>>, vector<1x16xf32>,
      %add3A_254 = arith.constant 0 : i32
      %add3A_255 = arith.addi %mul3A_215, %add3A_254 : i32
      %get3A_256 = arith.index_cast %add3A_255 : i32 to index
      %get3A_257 = arith.constant 32 : index
      %get3A_258 = tpu.vector_load %arg10[%get3A_256, %get3A_257] {strides = array<i32>} : memref<200x64xf32, #tpu.memory_space<vmem>>, vector<1x16xf32>,
      %get3A_259 = vector.shape_cast %get3A_258 : vector<1x16xf32> to vector<16xf32>
      %add3A_260 = arith.constant 0 : i32
      %add3A_261 = arith.addi %mul3A_215, %add3A_260 : i32
      %get3A_262 = arith.index_cast %add3A_261 : i32 to index
      %get3A_263 = arith.constant 32 : index
      %get3A_264 = tpu.vector_load %arg11[%get3A_262, %get3A_263] {strides = array<i32>} : memref<200x64xf32, #tpu.memory_space<vmem>>, vector<1x16xf32>,
      %get3A_265 = vector.shape_cast %get3A_264 : vector<1x16xf32> to vector<16xf32>
      %add3A_266 = arith.addf %get3A_259, %get3A_265 : vector<16xf32>
      %add3A_267 = arith.constant 0 : i32
      %add3A_268 = arith.addi %mul3A_215, %add3A_267 : i32
      %swap3A_269 = arith.index_cast %add3A_268 : i32 to index
      %swap3A_270 = arith.constant 32 : index
      %swap3A_271 = tpu.vector_load %arg10[%swap3A_269, %swap3A_270] {strides = array<i32>} : memref<200x64xf32, #tpu.memory_space<vmem>>, vector<1x16xf32>,
      %swap3A_272 = vector.shape_cast %swap3A_271 : vector<1x16xf32> to vector<16xf32>
      %swap3A_273 = vector.shape_cast %add3A_266 : vector<16xf32> to vector<1x16xf32>
      tpu.vector_store %arg10[%swap3A_269, %swap3A_270], %swap3A_273 {strides = array<i32>} : memref<200x64xf32, #tpu.memory_space<vmem>>, vector<1x16xf32>,
      %add3A_274 = arith.constant 0 : i32
      %add3A_275 = arith.addi %mul3A_215, %add3A_274 : i32
      %get3A_276 = arith.index_cast %add3A_275 : i32 to index
      %get3A_277 = arith.constant 48 : index
      %get3A_278 = tpu.vector_load %arg10[%get3A_276, %get3A_277] {strides = array<i32>} : memref<200x64xf32, #tpu.memory_space<vmem>>, vector<1x16xf32>,
      %get3A_279 = vector.shape_cast %get3A_278 : vector<1x16xf32> to vector<16xf32>
      %add3A_280 = arith.constant 0 : i32
      %add3A_281 = arith.addi %mul3A_215, %add3A_280 : i32
      %get3A_282 = arith.index_cast %add3A_281 : i32 to index
      %get3A_283 = arith.constant 48 : index
      %get3A_284 = tpu.vector_load %arg11[%get3A_282, %get3A_283] {strides = array<i32>} : memref<200x64xf32, #tpu.memory_space<vmem>>, vector<1x16xf32>,
      %get3A_285 = vector.shape_cast %get3A_284 : vector<1x16xf32> to vector<16xf32>
      %add3A_286 = arith.addf %get3A_279, %get3A_285 : vector<16xf32>
      %add3A_287 = arith.constant 0 : i32
      %add3A_288 = arith.addi %mul3A_215, %add3A_287 : i32
      %swap3A_289 = arith.index_cast %add3A_288 : i32 to index
      %swap3A_290 = arith.constant 48 : index
      %swap3A_291 = tpu.vector_load %arg10[%swap3A_289, %swap3A_290] {strides = array<i32>} : memref<200x64xf32, #tpu.memory_space<vmem>>, vector<1x16xf32>,
      %swap3A_292 = vector.shape_cast %swap3A_291 : vector<1x16xf32> to vector<16xf32>
      %swap3A_293 = vector.shape_cast %add3A_286 : vector<16xf32> to vector<1x16xf32>
      tpu.vector_store %arg10[%swap3A_289, %swap3A_290], %swap3A_293 {strides = array<i32>} : memref<200x64xf32, #tpu.memory_space<vmem>>, vector<1x16xf32>,
      %add3A_294 = arith.constant 1 : i32
      %add3A_295 = arith.addi %mul3A_215, %add3A_294 : i32
      %get3A_296 = arith.index_cast %add3A_295 : i32 to index
      %get3A_297 = arith.constant 0 : index
      %get3A_298 = tpu.vector_load %arg10[%get3A_296, %get3A_297] {strides = array<i32>} : memref<200x64xf32, #tpu.memory_space<vmem>>, vector<1x16xf32>,
      %get3A_299 = vector.shape_cast %get3A_298 : vector<1x16xf32> to vector<16xf32>
      %add3A_300 = arith.constant 1 : i32
      %add3A_301 = arith.addi %mul3A_215, %add3A_300 : i32
      %get3A_302 = arith.index_cast %add3A_301 : i32 to index
      %get3A_303 = arith.constant 0 : index
      %get3A_304 = tpu.vector_load %arg11[%get3A_302, %get3A_303] {strides = array<i32>} : memref<200x64xf32, #tpu.memory_space<vmem>>, vector<1x16xf32>,
      %get3A_305 = vector.shape_cast %get3A_304 : vector<1x16xf32> to vector<16xf32>
      %add3A_306 = arith.addf %get3A_299, %get3A_305 : vector<16xf32>
      %add3A_307 = arith.constant 1 : i32
      %add3A_308 = arith.addi %mul3A_215, %add3A_307 : i32
      %swap3A_309 = arith.index_cast %add3A_308 : i32 to index
      %swap3A_310 = arith.constant 0 : index
      %swap3A_311 = tpu.vector_load %arg10[%swap3A_309, %swap3A_310] {strides = array<i32>} : memref<200x64xf32, #tpu.memory_space<vmem>>, vector<1x16xf32>,
      %swap3A_312 = vector.shape_cast %swap3A_311 : vector<1x16xf32> to vector<16xf32>
      %swap3A_313 = vector.shape_cast %add3A_306 : vector<16xf32> to vector<1x16xf32>
      tpu.vector_store %arg10[%swap3A_309, %swap3A_310], %swap3A_313 {strides = array<i32>} : memref<200x64xf32, #tpu.memory_space<vmem>>, vector<1x16xf32>,
      %add3A_314 = arith.constant 1 : i32
      %add3A_315 = arith.addi %mul3A_215, %add3A_314 : i32
      %get3A_316 = arith.index_cast %add3A_315 : i32 to index
      %get3A_317 = arith.constant 16 : index
      %get3A_318 = tpu.vector_load %arg10[%get3A_316, %get3A_317] {strides = array<i32>} : memref<200x64xf32, #tpu.memory_space<vmem>>, vector<1x16xf32>,
      %get3A_319 = vector.shape_cast %get3A_318 : vector<1x16xf32> to vector<16xf32>
      %add3A_320 = arith.constant 1 : i32
      %add3A_321 = arith.addi %mul3A_215, %add3A_320 : i32
      %get3A_322 = arith.index_cast %add3A_321 : i32 to index
      %get3A_323 = arith.constant 16 : index
      %get3A_324 = tpu.vector_load %arg11[%get3A_322, %get3A_323] {strides = array<i32>} : memref<200x64xf32, #tpu.memory_space<vmem>>, vector<1x16xf32>,
      %get3A_325 = vector.shape_cast %get3A_324 : vector<1x16xf32> to vector<16xf32>
      %add3A_326 = arith.addf %get3A_319, %get3A_325 : vector<16xf32>
      %add3A_327 = arith.constant 1 : i32
      %add3A_328 = arith.addi %mul3A_215, %add3A_327 : i32
      %swap3A_329 = arith.index_cast %add3A_328 : i32 to index
      %swap3A_330 = arith.constant 16 : index
      %swap3A_331 = tpu.vector_load %arg10[%swap3A_329, %swap3A_330] {strides = array<i32>} : memref<200x64xf32, #tpu.memory_space<vmem>>, vector<1x16xf32>,
      %swap3A_332 = vector.shape_cast %swap3A_331 : vector<1x16xf32> to vector<16xf32>
      %swap3A_333 = vector.shape_cast %add3A_326 : vector<16xf32> to vector<1x16xf32>
      tpu.vector_store %arg10[%swap3A_329, %swap3A_330], %swap3A_333 {strides = array<i32>} : memref<200x64xf32, #tpu.memory_space<vmem>>, vector<1x16xf32>,
      %add3A_334 = arith.constant 1 : i32
      %add3A_335 = arith.addi %mul3A_215, %add3A_334 : i32
      %get3A_336 = arith.index_cast %add3A_335 : i32 to index
      %get3A_337 = arith.constant 32 : index
      %get3A_338 = tpu.vector_load %arg10[%get3A_336, %get3A_337] {strides = array<i32>} : memref<200x64xf32, #tpu.memory_space<vmem>>, vector<1x16xf32>,
      %get3A_339 = vector.shape_cast %get3A_338 : vector<1x16xf32> to vector<16xf32>
      %add3A_340 = arith.constant 1 : i32
      %add3A_341 = arith.addi %mul3A_215, %add3A_340 : i32
      %get3A_342 = arith.index_cast %add3A_341 : i32 to index
      %get3A_343 = arith.constant 32 : index
      %get3A_344 = tpu.vector_load %arg11[%get3A_342, %get3A_343] {strides = array<i32>} : memref<200x64xf32, #tpu.memory_space<vmem>>, vector<1x16xf32>,
      %get3A_345 = vector.shape_cast %get3A_344 : vector<1x16xf32> to vector<16xf32>
      %add3A_346 = arith.addf %get3A_339, %get3A_345 : vector<16xf32>
      %add3A_347 = arith.constant 1 : i32
      %add3A_348 = arith.addi %mul3A_215, %add3A_347 : i32
      %swap3A_349 = arith.index_cast %add3A_348 : i32 to index
      %swap3A_350 = arith.constant 32 : index
      %swap3A_351 = tpu.vector_load %arg10[%swap3A_349, %swap3A_350] {strides = array<i32>} : memref<200x64xf32, #tpu.memory_space<vmem>>, vector<1x16xf32>,
      %swap3A_352 = vector.shape_cast %swap3A_351 : vector<1x16xf32> to vector<16xf32>
      %swap3A_353 = vector.shape_cast %add3A_346 : vector<16xf32> to vector<1x16xf32>
      tpu.vector_store %arg10[%swap3A_349, %swap3A_350], %swap3A_353 {strides = array<i32>} : memref<200x64xf32, #tpu.memory_space<vmem>>, vector<1x16xf32>,
      %add3A_354 = arith.constant 1 : i32
      %add3A_355 = arith.addi %mul3A_215, %add3A_354 : i32
      %get3A_356 = arith.index_cast %add3A_355 : i32 to index
      %get3A_357 = arith.constant 48 : index
      %get3A_358 = tpu.vector_load %arg10[%get3A_356, %get3A_357] {strides = array<i32>} : memref<200x64xf32, #tpu.memory_space<vmem>>, vector<1x16xf32>,
      %get3A_359 = vector.shape_cast %get3A_358 : vector<1x16xf32> to vector<16xf32>
      %add3A_360 = arith.constant 1 : i32
      %add3A_361 = arith.addi %mul3A_215, %add3A_360 : i32
      %get3A_362 = arith.index_cast %add3A_361 : i32 to index
      %get3A_363 = arith.constant 48 : index
      %get3A_364 = tpu.vector_load %arg11[%get3A_362, %get3A_363] {strides = array<i32>} : memref<200x64xf32, #tpu.memory_space<vmem>>, vector<1x16xf32>,
      %get3A_365 = vector.shape_cast %get3A_364 : vector<1x16xf32> to vector<16xf32>
      %add3A_366 = arith.addf %get3A_359, %get3A_365 : vector<16xf32>
      %add3A_367 = arith.constant 1 : i32
      %add3A_368 = arith.addi %mul3A_215, %add3A_367 : i32
      %swap3A_369 = arith.index_cast %add3A_368 : i32 to index
      %swap3A_370 = arith.constant 48 : index
      %swap3A_371 = tpu.vector_load %arg10[%swap3A_369, %swap3A_370] {strides = array<i32>} : memref<200x64xf32, #tpu.memory_space<vmem>>, vector<1x16xf32>,
      %swap3A_372 = vector.shape_cast %swap3A_371 : vector<1x16xf32> to vector<16xf32>
      %swap3A_373 = vector.shape_cast %add3A_366 : vector<16xf32> to vector<1x16xf32>
      tpu.vector_store %arg10[%swap3A_369, %swap3A_370], %swap3A_373 {strides = array<i32>} : memref<200x64xf32, #tpu.memory_space<vmem>>, vector<1x16xf32>,
      %add3A_374 = arith.constant 2 : i32
      %add3A_375 = arith.addi %mul3A_215, %add3A_374 : i32
      %get3A_376 = arith.index_cast %add3A_375 : i32 to index
      %get3A_377 = arith.constant 0 : index
      %get3A_378 = tpu.vector_load %arg10[%get3A_376, %get3A_377] {strides = array<i32>} : memref<200x64xf32, #tpu.memory_space<vmem>>, vector<1x16xf32>,
      %get3A_379 = vector.shape_cast %get3A_378 : vector<1x16xf32> to vector<16xf32>
      %add3A_380 = arith.constant 2 : i32
      %add3A_381 = arith.addi %mul3A_215, %add3A_380 : i32
      %get3A_382 = arith.index_cast %add3A_381 : i32 to index
      %get3A_383 = arith.constant 0 : index
      %get3A_384 = tpu.vector_load %arg11[%get3A_382, %get3A_383] {strides = array<i32>} : memref<200x64xf32, #tpu.memory_space<vmem>>, vector<1x16xf32>,
      %get3A_385 = vector.shape_cast %get3A_384 : vector<1x16xf32> to vector<16xf32>
      %add3A_386 = arith.addf %get3A_379, %get3A_385 : vector<16xf32>
      %add3A_387 = arith.constant 2 : i32
      %add3A_388 = arith.addi %mul3A_215, %add3A_387 : i32
      %swap3A_389 = arith.index_cast %add3A_388 : i32 to index
      %swap3A_390 = arith.constant 0 : index
      %swap3A_391 = tpu.vector_load %arg10[%swap3A_389, %swap3A_390] {strides = array<i32>} : memref<200x64xf32, #tpu.memory_space<vmem>>, vector<1x16xf32>,
      %swap3A_392 = vector.shape_cast %swap3A_391 : vector<1x16xf32> to vector<16xf32>
      %swap3A_393 = vector.shape_cast %add3A_386 : vector<16xf32> to vector<1x16xf32>
      tpu.vector_store %arg10[%swap3A_389, %swap3A_390], %swap3A_393 {strides = array<i32>} : memref<200x64xf32, #tpu.memory_space<vmem>>, vector<1x16xf32>,
      %add3A_394 = arith.constant 2 : i32
      %add3A_395 = arith.addi %mul3A_215, %add3A_394 : i32
      %get3A_396 = arith.index_cast %add3A_395 : i32 to index
      %get3A_397 = arith.constant 16 : index
      %get3A_398 = tpu.vector_load %arg10[%get3A_396, %get3A_397] {strides = array<i32>} : memref<200x64xf32, #tpu.memory_space<vmem>>, vector<1x16xf32>,
      %get3A_399 = vector.shape_cast %get3A_398 : vector<1x16xf32> to vector<16xf32>
      %add3A_400 = arith.constant 2 : i32
      %add3A_401 = arith.addi %mul3A_215, %add3A_400 : i32
      %get3A_402 = arith.index_cast %add3A_401 : i32 to index
      %get3A_403 = arith.constant 16 : index
      %get3A_404 = tpu.vector_load %arg11[%get3A_402, %get3A_403] {strides = array<i32>} : memref<200x64xf32, #tpu.memory_space<vmem>>, vector<1x16xf32>,
      %get3A_405 = vector.shape_cast %get3A_404 : vector<1x16xf32> to vector<16xf32>
      %add3A_406 = arith.addf %get3A_399, %get3A_405 : vector<16xf32>
      %add3A_407 = arith.constant 2 : i32
      %add3A_408 = arith.addi %mul3A_215, %add3A_407 : i32
      %swap3A_409 = arith.index_cast %add3A_408 : i32 to index
      %swap3A_410 = arith.constant 16 : index
      %swap3A_411 = tpu.vector_load %arg10[%swap3A_409, %swap3A_410] {strides = array<i32>} : memref<200x64xf32, #tpu.memory_space<vmem>>, vector<1x16xf32>,
      %swap3A_412 = vector.shape_cast %swap3A_411 : vector<1x16xf32> to vector<16xf32>
      %swap3A_413 = vector.shape_cast %add3A_406 : vector<16xf32> to vector<1x16xf32>
      tpu.vector_store %arg10[%swap3A_409, %swap3A_410], %swap3A_413 {strides = array<i32>} : memref<200x64xf32, #tpu.memory_space<vmem>>, vector<1x16xf32>,
      %add3A_414 = arith.constant 2 : i32
      %add3A_415 = arith.addi %mul3A_215, %add3A_414 : i32
      %get3A_416 = arith.index_cast %add3A_415 : i32 to index
      %get3A_417 = arith.constant 32 : index
      %get3A_418 = tpu.vector_load %arg10[%get3A_416, %get3A_417] {strides = array<i32>} : memref<200x64xf32, #tpu.memory_space<vmem>>, vector<1x16xf32>,
      %get3A_419 = vector.shape_cast %get3A_418 : vector<1x16xf32> to vector<16xf32>
      %add3A_420 = arith.constant 2 : i32
      %add3A_421 = arith.addi %mul3A_215, %add3A_420 : i32
      %get3A_422 = arith.index_cast %add3A_421 : i32 to index
      %get3A_423 = arith.constant 32 : index
      %get3A_424 = tpu.vector_load %arg11[%get3A_422, %get3A_423] {strides = array<i32>} : memref<200x64xf32, #tpu.memory_space<vmem>>, vector<1x16xf32>,
      %get3A_425 = vector.shape_cast %get3A_424 : vector<1x16xf32> to vector<16xf32>
      %add3A_426 = arith.addf %get3A_419, %get3A_425 : vector<16xf32>
      %add3A_427 = arith.constant 2 : i32
      %add3A_428 = arith.addi %mul3A_215, %add3A_427 : i32
      %swap3A_429 = arith.index_cast %add3A_428 : i32 to index
      %swap3A_430 = arith.constant 32 : index
      %swap3A_431 = tpu.vector_load %arg10[%swap3A_429, %swap3A_430] {strides = array<i32>} : memref<200x64xf32, #tpu.memory_space<vmem>>, vector<1x16xf32>,
      %swap3A_432 = vector.shape_cast %swap3A_431 : vector<1x16xf32> to vector<16xf32>
      %swap3A_433 = vector.shape_cast %add3A_426 : vector<16xf32> to vector<1x16xf32>
      tpu.vector_store %arg10[%swap3A_429, %swap3A_430], %swap3A_433 {strides = array<i32>} : memref<200x64xf32, #tpu.memory_space<vmem>>, vector<1x16xf32>,
      %add3A_434 = arith.constant 2 : i32
      %add3A_435 = arith.addi %mul3A_215, %add3A_434 : i32
      %get3A_436 = arith.index_cast %add3A_435 : i32 to index
      %get3A_437 = arith.constant 48 : index
      %get3A_438 = tpu.vector_load %arg10[%get3A_436, %get3A_437] {strides = array<i32>} : memref<200x64xf32, #tpu.memory_space<vmem>>, vector<1x16xf32>,
      %get3A_439 = vector.shape_cast %get3A_438 : vector<1x16xf32> to vector<16xf32>
      %add3A_440 = arith.constant 2 : i32
      %add3A_441 = arith.addi %mul3A_215, %add3A_440 : i32
      %get3A_442 = arith.index_cast %add3A_441 : i32 to index
      %get3A_443 = arith.constant 48 : index
      %get3A_444 = tpu.vector_load %arg11[%get3A_442, %get3A_443] {strides = array<i32>} : memref<200x64xf32, #tpu.memory_space<vmem>>, vector<1x16xf32>,
      %get3A_445 = vector.shape_cast %get3A_444 : vector<1x16xf32> to vector<16xf32>
      %add3A_446 = arith.addf %get3A_439, %get3A_445 : vector<16xf32>
      %add3A_447 = arith.constant 2 : i32
      %add3A_448 = arith.addi %mul3A_215, %add3A_447 : i32
      %swap3A_449 = arith.index_cast %add3A_448 : i32 to index
      %swap3A_450 = arith.constant 48 : index
      %swap3A_451 = tpu.vector_load %arg10[%swap3A_449, %swap3A_450] {strides = array<i32>} : memref<200x64xf32, #tpu.memory_space<vmem>>, vector<1x16xf32>,
      %swap3A_452 = vector.shape_cast %swap3A_451 : vector<1x16xf32> to vector<16xf32>
      %swap3A_453 = vector.shape_cast %add3A_446 : vector<16xf32> to vector<1x16xf32>
      tpu.vector_store %arg10[%swap3A_449, %swap3A_450], %swap3A_453 {strides = array<i32>} : memref<200x64xf32, #tpu.memory_space<vmem>>, vector<1x16xf32>,
      %add3A_454 = arith.constant 3 : i32
      %add3A_455 = arith.addi %mul3A_215, %add3A_454 : i32
      %get3A_456 = arith.index_cast %add3A_455 : i32 to index
      %get3A_457 = arith.constant 0 : index
      %get3A_458 = tpu.vector_load %arg10[%get3A_456, %get3A_457] {strides = array<i32>} : memref<200x64xf32, #tpu.memory_space<vmem>>, vector<1x16xf32>,
      %get3A_459 = vector.shape_cast %get3A_458 : vector<1x16xf32> to vector<16xf32>
      %add3A_460 = arith.constant 3 : i32
      %add3A_461 = arith.addi %mul3A_215, %add3A_460 : i32
      %get3A_462 = arith.index_cast %add3A_461 : i32 to index
      %get3A_463 = arith.constant 0 : index
      %get3A_464 = tpu.vector_load %arg11[%get3A_462, %get3A_463] {strides = array<i32>} : memref<200x64xf32, #tpu.memory_space<vmem>>, vector<1x16xf32>,
      %get3A_465 = vector.shape_cast %get3A_464 : vector<1x16xf32> to vector<16xf32>
      %add3A_466 = arith.addf %get3A_459, %get3A_465 : vector<16xf32>
      %add3A_467 = arith.constant 3 : i32
      %add3A_468 = arith.addi %mul3A_215, %add3A_467 : i32
      %swap3A_469 = arith.index_cast %add3A_468 : i32 to index
      %swap3A_470 = arith.constant 0 : index
      %swap3A_471 = tpu.vector_load %arg10[%swap3A_469, %swap3A_470] {strides = array<i32>} : memref<200x64xf32, #tpu.memory_space<vmem>>, vector<1x16xf32>,
      %swap3A_472 = vector.shape_cast %swap3A_471 : vector<1x16xf32> to vector<16xf32>
      %swap3A_473 = vector.shape_cast %add3A_466 : vector<16xf32> to vector<1x16xf32>
      tpu.vector_store %arg10[%swap3A_469, %swap3A_470], %swap3A_473 {strides = array<i32>} : memref<200x64xf32, #tpu.memory_space<vmem>>, vector<1x16xf32>,
      %add3A_474 = arith.constant 3 : i32
      %add3A_475 = arith.addi %mul3A_215, %add3A_474 : i32
      %get3A_476 = arith.index_cast %add3A_475 : i32 to index
      %get3A_477 = arith.constant 16 : index
      %get3A_478 = tpu.vector_load %arg10[%get3A_476, %get3A_477] {strides = array<i32>} : memref<200x64xf32, #tpu.memory_space<vmem>>, vector<1x16xf32>,
      %get3A_479 = vector.shape_cast %get3A_478 : vector<1x16xf32> to vector<16xf32>
      %add3A_480 = arith.constant 3 : i32
      %add3A_481 = arith.addi %mul3A_215, %add3A_480 : i32
      %get3A_482 = arith.index_cast %add3A_481 : i32 to index
      %get3A_483 = arith.constant 16 : index
      %get3A_484 = tpu.vector_load %arg11[%get3A_482, %get3A_483] {strides = array<i32>} : memref<200x64xf32, #tpu.memory_space<vmem>>, vector<1x16xf32>,
      %get3A_485 = vector.shape_cast %get3A_484 : vector<1x16xf32> to vector<16xf32>
      %add3A_486 = arith.addf %get3A_479, %get3A_485 : vector<16xf32>
      %add3A_487 = arith.constant 3 : i32
      %add3A_488 = arith.addi %mul3A_215, %add3A_487 : i32
      %swap3A_489 = arith.index_cast %add3A_488 : i32 to index
      %swap3A_490 = arith.constant 16 : index
      %swap3A_491 = tpu.vector_load %arg10[%swap3A_489, %swap3A_490] {strides = array<i32>} : memref<200x64xf32, #tpu.memory_space<vmem>>, vector<1x16xf32>,
      %swap3A_492 = vector.shape_cast %swap3A_491 : vector<1x16xf32> to vector<16xf32>
      %swap3A_493 = vector.shape_cast %add3A_486 : vector<16xf32> to vector<1x16xf32>
      tpu.vector_store %arg10[%swap3A_489, %swap3A_490], %swap3A_493 {strides = array<i32>} : memref<200x64xf32, #tpu.memory_space<vmem>>, vector<1x16xf32>,
      %add3A_494 = arith.constant 3 : i32
      %add3A_495 = arith.addi %mul3A_215, %add3A_494 : i32
      %get3A_496 = arith.index_cast %add3A_495 : i32 to index
      %get3A_497 = arith.constant 32 : index
      %get3A_498 = tpu.vector_load %arg10[%get3A_496, %get3A_497] {strides = array<i32>} : memref<200x64xf32, #tpu.memory_space<vmem>>, vector<1x16xf32>,
      %get3A_499 = vector.shape_cast %get3A_498 : vector<1x16xf32> to vector<16xf32>
      %add3A_500 = arith.constant 3 : i32
      %add3A_501 = arith.addi %mul3A_215, %add3A_500 : i32
      %get3A_502 = arith.index_cast %add3A_501 : i32 to index
      %get3A_503 = arith.constant 32 : index
      %get3A_504 = tpu.vector_load %arg11[%get3A_502, %get3A_503] {strides = array<i32>} : memref<200x64xf32, #tpu.memory_space<vmem>>, vector<1x16xf32>,
      %get3A_505 = vector.shape_cast %get3A_504 : vector<1x16xf32> to vector<16xf32>
      %add3A_506 = arith.addf %get3A_499, %get3A_505 : vector<16xf32>
      %add3A_507 = arith.constant 3 : i32
      %add3A_508 = arith.addi %mul3A_215, %add3A_507 : i32
      %swap3A_509 = arith.index_cast %add3A_508 : i32 to index
      %swap3A_510 = arith.constant 32 : index
      %swap3A_511 = tpu.vector_load %arg10[%swap3A_509, %swap3A_510] {strides = array<i32>} : memref<200x64xf32, #tpu.memory_space<vmem>>, vector<1x16xf32>,
      %swap3A_512 = vector.shape_cast %swap3A_511 : vector<1x16xf32> to vector<16xf32>
      %swap3A_513 = vector.shape_cast %add3A_506 : vector<16xf32> to vector<1x16xf32>
      tpu.vector_store %arg10[%swap3A_509, %swap3A_510], %swap3A_513 {strides = array<i32>} : memref<200x64xf32, #tpu.memory_space<vmem>>, vector<1x16xf32>,
      %add3A_514 = arith.constant 3 : i32
      %add3A_515 = arith.addi %mul3A_215, %add3A_514 : i32
      %get3A_516 = arith.index_cast %add3A_515 : i32 to index
      %get3A_517 = arith.constant 48 : index
      %get3A_518 = tpu.vector_load %arg10[%get3A_516, %get3A_517] {strides = array<i32>} : memref<200x64xf32, #tpu.memory_space<vmem>>, vector<1x16xf32>,
      %get3A_519 = vector.shape_cast %get3A_518 : vector<1x16xf32> to vector<16xf32>
      %add3A_520 = arith.constant 3 : i32
      %add3A_521 = arith.addi %mul3A_215, %add3A_520 : i32
      %get3A_522 = arith.index_cast %add3A_521 : i32 to index
      %get3A_523 = arith.constant 48 : index
      %get3A_524 = tpu.vector_load %arg11[%get3A_522, %get3A_523] {strides = array<i32>} : memref<200x64xf32, #tpu.memory_space<vmem>>, vector<1x16xf32>,
      %get3A_525 = vector.shape_cast %get3A_524 : vector<1x16xf32> to vector<16xf32>
      %add3A_526 = arith.addf %get3A_519, %get3A_525 : vector<16xf32>
      %add3A_527 = arith.constant 3 : i32
      %add3A_528 = arith.addi %mul3A_215, %add3A_527 : i32
      %swap3A_529 = arith.index_cast %add3A_528 : i32 to index
      %swap3A_530 = arith.constant 48 : index
      %swap3A_531 = tpu.vector_load %arg10[%swap3A_529, %swap3A_530] {strides = array<i32>} : memref<200x64xf32, #tpu.memory_space<vmem>>, vector<1x16xf32>,
      %swap3A_532 = vector.shape_cast %swap3A_531 : vector<1x16xf32> to vector<16xf32>
      %swap3A_533 = vector.shape_cast %add3A_526 : vector<16xf32> to vector<1x16xf32>
      tpu.vector_store %arg10[%swap3A_529, %swap3A_530], %swap3A_533 {strides = array<i32>} : memref<200x64xf32, #tpu.memory_space<vmem>>, vector<1x16xf32>,
    }
    %scan3A_108 = arith.constant 50 : i32
    %add3A_109 = arith.constant 600 : i32
    %add3A_110 = arith.addi %mul3A_2, %add3A_109 : i32
    %dma_start3A_111 = arith.constant 0 : i32
    %dma_start3A_112 = tpu.memref_slice %arg5[%add3A_110, %dma_start3A_111] : memref<819200x64xf32, #tpu.memory_space<hbm>> -> memref<200x64xf32, #tpu.memory_space<hbm>>
    %dma_start3A_113 = arith.constant 0 : i32
    %dma_start3A_114 = tpu.memref_slice %arg5[%add3A_110, %dma_start3A_113] : memref<819200x64xf32, #tpu.memory_space<hbm>> -> memref<200x64xf32, #tpu.memory_space<hbm>>
    tpu.enqueue_dma source(%arg10 : memref<200x64xf32, #tpu.memory_space<vmem>>) target(%dma_start3A_114 : memref<200x64xf32, #tpu.memory_space<hbm>>) target_semaphore(%arg13 : memref<!tpu.dma_semaphore, #tpu.memory_space<semaphore_mem>>)
    %scan3A_115 = arith.constant 0 : i32
    %scan3A_116 = arith.constant 30 : i32
    %scan3A_117 = arith.addi %scan3A_115, %scan3A_116 : i32
    %scan3A_118 = arith.constant 1 : i32
    scf.for %scan3A_213 = %scan3A_115 to %scan3A_117 step %scan3A_118  : i32 {
      %mul3A_214 = arith.constant 1 : i32
      %mul3A_215 = arith.muli %scan3A_213, %mul3A_214 : i32
      %add3A_216 = arith.constant 1 : i32
      %add3A_217 = arith.addi %add3A_216, %mul3A_215 : i32
      %mul3A_218 = arith.constant 4 : i32
      %mul3A_219 = arith.muli %add3A_217, %mul3A_218 : i32
      %add3A_220 = arith.constant 0 : i32
      %add3A_221 = arith.addi %mul3A_219, %add3A_220 : i32
      %dma_wait3A_222 = arith.constant 0 : i32
      %dma_wait3A_223 = tpu.memref_slice %arg5[%mul3A_2, %dma_wait3A_222] : memref<819200x64xf32, #tpu.memory_space<hbm>> -> memref<200x64xf32, #tpu.memory_space<hbm>>
      %dma_wait3A_224 = arith.constant 0 : i32
      %dma_wait3A_225 = tpu.memref_slice %arg5[%mul3A_2, %dma_wait3A_224] : memref<819200x64xf32, #tpu.memory_space<hbm>> -> memref<200x64xf32, #tpu.memory_space<hbm>>
      tpu.wait_dma2 semaphore(%arg13 : memref<!tpu.dma_semaphore, #tpu.memory_space<semaphore_mem>>) src(%arg10 : memref<200x64xf32, #tpu.memory_space<vmem>>) dst(%dma_wait3A_225 : memref<200x64xf32, #tpu.memory_space<hbm>>)
      %add3A_226 = arith.constant 4 : i32
      %add3A_227 = arith.addi %add3A_221, %add3A_226 : i32
      %sub3A = arith.constant 1 : i32
      %sub3A_228 = arith.subi %add3A_227, %sub3A : i32
      %mul3A_229 = arith.constant 200 : i32
      %mul3A_230 = arith.muli %sub3A_228, %mul3A_229 : i32
      %dma_start3A_231 = tpu.memref_slice %arg6[%mul3A_230] : memref<25600xi32, #tpu.memory_space<vmem>> -> memref<200xi32, #tpu.memory_space<vmem>>
      %dma_start3A_232 = arith.constant 0 : i32
      %dma_start3A_233 = arith.constant 0 : i32
      %dma_start3A_234 = tpu.memref_slice %arg3[%dma_start3A_232, %dma_start3A_233] : memref<1000000x64xf32, #tpu.memory_space<hbm>> -> memref<1000000x64xf32, #tpu.memory_space<hbm>>
      tpu.enqueue_indirect_dma source(%dma_start3A_234 : memref<1000000x64xf32, #tpu.memory_space<hbm>>) target(%arg10 : memref<200x64xf32, #tpu.memory_space<vmem>>) offsets(%dma_start3A_231 : memref<200xi32, #tpu.memory_space<vmem>>) semaphore(%arg12 : memref<!tpu.dma_semaphore, #tpu.memory_space<semaphore_mem>>)
      %mul3A_235 = arith.constant 200 : i32
      %mul3A_236 = arith.muli %add3A_221, %mul3A_235 : i32
      %dma_wait3A_237 = tpu.memref_slice %arg6[%mul3A_236] : memref<25600xi32, #tpu.memory_space<vmem>> -> memref<200xi32, #tpu.memory_space<vmem>>
      %dma_wait3A_238 = arith.constant 0 : i32
      %dma_wait3A_239 = arith.constant 0 : i32
      %dma_wait3A_240 = tpu.memref_slice %arg3[%dma_wait3A_238, %dma_wait3A_239] : memref<1000000x64xf32, #tpu.memory_space<hbm>> -> memref<1000000x64xf32, #tpu.memory_space<hbm>>
      tpu.wait_indirect_dma semaphore(%arg12 : memref<!tpu.dma_semaphore, #tpu.memory_space<semaphore_mem>>) src(%dma_wait3A_240 : memref<1000000x64xf32, #tpu.memory_space<hbm>>) dst(%arg7 : memref<200x64xf32, #tpu.memory_space<vmem>>)
      %scan3A_241 = arith.constant 0 : i32
      %scan3A_242 = arith.constant 0 : i32
      %scan3A_243 = arith.constant 50 : i32
      %scan3A_244 = arith.addi %scan3A_242, %scan3A_243 : i32
      %scan3A_245 = arith.constant 1 : i32
      scf.for %scan3A_359 = %scan3A_242 to %scan3A_244 step %scan3A_245  : i32 {
        %mul3A_360 = arith.constant 4 : i32
        %mul3A_361 = arith.muli %scan3A_359, %mul3A_360 : i32
        %add3A_362 = arith.constant 0 : i32
        %add3A_363 = arith.addi %mul3A_361, %add3A_362 : i32
        %get3A = arith.index_cast %add3A_363 : i32 to index
        %get3A_364 = arith.constant 0 : index
        %get3A_365 = tpu.vector_load %arg7[%get3A, %get3A_364] {strides = array<i32>} : memref<200x64xf32, #tpu.memory_space<vmem>>, vector<1x16xf32>,
        %get3A_366 = vector.shape_cast %get3A_365 : vector<1x16xf32> to vector<16xf32>
        %add3A_367 = arith.constant 0 : i32
        %add3A_368 = arith.addi %mul3A_361, %add3A_367 : i32
        %get3A_369 = arith.index_cast %add3A_368 : i32 to index
        %get3A_370 = arith.constant 0 : index
        %get3A_371 = tpu.vector_load %arg11[%get3A_369, %get3A_370] {strides = array<i32>} : memref<200x64xf32, #tpu.memory_space<vmem>>, vector<1x16xf32>,
        %get3A_372 = vector.shape_cast %get3A_371 : vector<1x16xf32> to vector<16xf32>
        %add3A_373 = arith.addf %get3A_366, %get3A_372 : vector<16xf32>
        %add3A_374 = arith.constant 0 : i32
        %add3A_375 = arith.addi %mul3A_361, %add3A_374 : i32
        %swap3A = arith.index_cast %add3A_375 : i32 to index
        %swap3A_376 = arith.constant 0 : index
        %swap3A_377 = tpu.vector_load %arg7[%swap3A, %swap3A_376] {strides = array<i32>} : memref<200x64xf32, #tpu.memory_space<vmem>>, vector<1x16xf32>,
        %swap3A_378 = vector.shape_cast %swap3A_377 : vector<1x16xf32> to vector<16xf32>
        %swap3A_379 = vector.shape_cast %add3A_373 : vector<16xf32> to vector<1x16xf32>
        tpu.vector_store %arg7[%swap3A, %swap3A_376], %swap3A_379 {strides = array<i32>} : memref<200x64xf32, #tpu.memory_space<vmem>>, vector<1x16xf32>,
        %add3A_380 = arith.constant 0 : i32
        %add3A_381 = arith.addi %mul3A_361, %add3A_380 : i32
        %get3A_382 = arith.index_cast %add3A_381 : i32 to index
        %get3A_383 = arith.constant 16 : index
        %get3A_384 = tpu.vector_load %arg7[%get3A_382, %get3A_383] {strides = array<i32>} : memref<200x64xf32, #tpu.memory_space<vmem>>, vector<1x16xf32>,
        %get3A_385 = vector.shape_cast %get3A_384 : vector<1x16xf32> to vector<16xf32>
        %add3A_386 = arith.constant 0 : i32
        %add3A_387 = arith.addi %mul3A_361, %add3A_386 : i32
        %get3A_388 = arith.index_cast %add3A_387 : i32 to index
        %get3A_389 = arith.constant 16 : index
        %get3A_390 = tpu.vector_load %arg11[%get3A_388, %get3A_389] {strides = array<i32>} : memref<200x64xf32, #tpu.memory_space<vmem>>, vector<1x16xf32>,
        %get3A_391 = vector.shape_cast %get3A_390 : vector<1x16xf32> to vector<16xf32>
        %add3A_392 = arith.addf %get3A_385, %get3A_391 : vector<16xf32>
        %add3A_393 = arith.constant 0 : i32
        %add3A_394 = arith.addi %mul3A_361, %add3A_393 : i32
        %swap3A_395 = arith.index_cast %add3A_394 : i32 to index
        %swap3A_396 = arith.constant 16 : index
        %swap3A_397 = tpu.vector_load %arg7[%swap3A_395, %swap3A_396] {strides = array<i32>} : memref<200x64xf32, #tpu.memory_space<vmem>>, vector<1x16xf32>,
        %swap3A_398 = vector.shape_cast %swap3A_397 : vector<1x16xf32> to vector<16xf32>
        %swap3A_399 = vector.shape_cast %add3A_392 : vector<16xf32> to vector<1x16xf32>
        tpu.vector_store %arg7[%swap3A_395, %swap3A_396], %swap3A_399 {strides = array<i32>} : memref<200x64xf32, #tpu.memory_space<vmem>>, vector<1x16xf32>,
        %add3A_400 = arith.constant 0 : i32
        %add3A_401 = arith.addi %mul3A_361, %add3A_400 : i32
        %get3A_402 = arith.index_cast %add3A_401 : i32 to index
        %get3A_403 = arith.constant 32 : index
        %get3A_404 = tpu.vector_load %arg7[%get3A_402, %get3A_403] {strides = array<i32>} : memref<200x64xf32, #tpu.memory_space<vmem>>, vector<1x16xf32>,
        %get3A_405 = vector.shape_cast %get3A_404 : vector<1x16xf32> to vector<16xf32>
        %add3A_406 = arith.constant 0 : i32
        %add3A_407 = arith.addi %mul3A_361, %add3A_406 : i32
        %get3A_408 = arith.index_cast %add3A_407 : i32 to index
        %get3A_409 = arith.constant 32 : index
        %get3A_410 = tpu.vector_load %arg11[%get3A_408, %get3A_409] {strides = array<i32>} : memref<200x64xf32, #tpu.memory_space<vmem>>, vector<1x16xf32>,
        %get3A_411 = vector.shape_cast %get3A_410 : vector<1x16xf32> to vector<16xf32>
        %add3A_412 = arith.addf %get3A_405, %get3A_411 : vector<16xf32>
        %add3A_413 = arith.constant 0 : i32
        %add3A_414 = arith.addi %mul3A_361, %add3A_413 : i32
        %swap3A_415 = arith.index_cast %add3A_414 : i32 to index
        %swap3A_416 = arith.constant 32 : index
        %swap3A_417 = tpu.vector_load %arg7[%swap3A_415, %swap3A_416] {strides = array<i32>} : memref<200x64xf32, #tpu.memory_space<vmem>>, vector<1x16xf32>,
        %swap3A_418 = vector.shape_cast %swap3A_417 : vector<1x16xf32> to vector<16xf32>
        %swap3A_419 = vector.shape_cast %add3A_412 : vector<16xf32> to vector<1x16xf32>
        tpu.vector_store %arg7[%swap3A_415, %swap3A_416], %swap3A_419 {strides = array<i32>} : memref<200x64xf32, #tpu.memory_space<vmem>>, vector<1x16xf32>,
        %add3A_420 = arith.constant 0 : i32
        %add3A_421 = arith.addi %mul3A_361, %add3A_420 : i32
        %get3A_422 = arith.index_cast %add3A_421 : i32 to index
        %get3A_423 = arith.constant 48 : index
        %get3A_424 = tpu.vector_load %arg7[%get3A_422, %get3A_423] {strides = array<i32>} : memref<200x64xf32, #tpu.memory_space<vmem>>, vector<1x16xf32>,
        %get3A_425 = vector.shape_cast %get3A_424 : vector<1x16xf32> to vector<16xf32>
        %add3A_426 = arith.constant 0 : i32
        %add3A_427 = arith.addi %mul3A_361, %add3A_426 : i32
        %get3A_428 = arith.index_cast %add3A_427 : i32 to index
        %get3A_429 = arith.constant 48 : index
        %get3A_430 = tpu.vector_load %arg11[%get3A_428, %get3A_429] {strides = array<i32>} : memref<200x64xf32, #tpu.memory_space<vmem>>, vector<1x16xf32>,
        %get3A_431 = vector.shape_cast %get3A_430 : vector<1x16xf32> to vector<16xf32>
        %add3A_432 = arith.addf %get3A_425, %get3A_431 : vector<16xf32>
        %add3A_433 = arith.constant 0 : i32
        %add3A_434 = arith.addi %mul3A_361, %add3A_433 : i32
        %swap3A_435 = arith.index_cast %add3A_434 : i32 to index
        %swap3A_436 = arith.constant 48 : index
        %swap3A_437 = tpu.vector_load %arg7[%swap3A_435, %swap3A_436] {strides = array<i32>} : memref<200x64xf32, #tpu.memory_space<vmem>>, vector<1x16xf32>,
        %swap3A_438 = vector.shape_cast %swap3A_437 : vector<1x16xf32> to vector<16xf32>
        %swap3A_439 = vector.shape_cast %add3A_432 : vector<16xf32> to vector<1x16xf32>
        tpu.vector_store %arg7[%swap3A_435, %swap3A_436], %swap3A_439 {strides = array<i32>} : memref<200x64xf32, #tpu.memory_space<vmem>>, vector<1x16xf32>,
        %add3A_440 = arith.constant 1 : i32
        %add3A_441 = arith.addi %mul3A_361, %add3A_440 : i32
        %get3A_442 = arith.index_cast %add3A_441 : i32 to index
        %get3A_443 = arith.constant 0 : index
        %get3A_444 = tpu.vector_load %arg7[%get3A_442, %get3A_443] {strides = array<i32>} : memref<200x64xf32, #tpu.memory_space<vmem>>, vector<1x16xf32>,
        %get3A_445 = vector.shape_cast %get3A_444 : vector<1x16xf32> to vector<16xf32>
        %add3A_446 = arith.constant 1 : i32
        %add3A_447 = arith.addi %mul3A_361, %add3A_446 : i32
        %get3A_448 = arith.index_cast %add3A_447 : i32 to index
        %get3A_449 = arith.constant 0 : index
        %get3A_450 = tpu.vector_load %arg11[%get3A_448, %get3A_449] {strides = array<i32>} : memref<200x64xf32, #tpu.memory_space<vmem>>, vector<1x16xf32>,
        %get3A_451 = vector.shape_cast %get3A_450 : vector<1x16xf32> to vector<16xf32>
        %add3A_452 = arith.addf %get3A_445, %get3A_451 : vector<16xf32>
        %add3A_453 = arith.constant 1 : i32
        %add3A_454 = arith.addi %mul3A_361, %add3A_453 : i32
        %swap3A_455 = arith.index_cast %add3A_454 : i32 to index
        %swap3A_456 = arith.constant 0 : index
        %swap3A_457 = tpu.vector_load %arg7[%swap3A_455, %swap3A_456] {strides = array<i32>} : memref<200x64xf32, #tpu.memory_space<vmem>>, vector<1x16xf32>,
        %swap3A_458 = vector.shape_cast %swap3A_457 : vector<1x16xf32> to vector<16xf32>
        %swap3A_459 = vector.shape_cast %add3A_452 : vector<16xf32> to vector<1x16xf32>
        tpu.vector_store %arg7[%swap3A_455, %swap3A_456], %swap3A_459 {strides = array<i32>} : memref<200x64xf32, #tpu.memory_space<vmem>>, vector<1x16xf32>,
        %add3A_460 = arith.constant 1 : i32
        %add3A_461 = arith.addi %mul3A_361, %add3A_460 : i32
        %get3A_462 = arith.index_cast %add3A_461 : i32 to index
        %get3A_463 = arith.constant 16 : index
        %get3A_464 = tpu.vector_load %arg7[%get3A_462, %get3A_463] {strides = array<i32>} : memref<200x64xf32, #tpu.memory_space<vmem>>, vector<1x16xf32>,
        %get3A_465 = vector.shape_cast %get3A_464 : vector<1x16xf32> to vector<16xf32>
        %add3A_466 = arith.constant 1 : i32
        %add3A_467 = arith.addi %mul3A_361, %add3A_466 : i32
        %get3A_468 = arith.index_cast %add3A_467 : i32 to index
        %get3A_469 = arith.constant 16 : index
        %get3A_470 = tpu.vector_load %arg11[%get3A_468, %get3A_469] {strides = array<i32>} : memref<200x64xf32, #tpu.memory_space<vmem>>, vector<1x16xf32>,
        %get3A_471 = vector.shape_cast %get3A_470 : vector<1x16xf32> to vector<16xf32>
        %add3A_472 = arith.addf %get3A_465, %get3A_471 : vector<16xf32>
        %add3A_473 = arith.constant 1 : i32
        %add3A_474 = arith.addi %mul3A_361, %add3A_473 : i32
        %swap3A_475 = arith.index_cast %add3A_474 : i32 to index
        %swap3A_476 = arith.constant 16 : index
        %swap3A_477 = tpu.vector_load %arg7[%swap3A_475, %swap3A_476] {strides = array<i32>} : memref<200x64xf32, #tpu.memory_space<vmem>>, vector<1x16xf32>,
        %swap3A_478 = vector.shape_cast %swap3A_477 : vector<1x16xf32> to vector<16xf32>
        %swap3A_479 = vector.shape_cast %add3A_472 : vector<16xf32> to vector<1x16xf32>
        tpu.vector_store %arg7[%swap3A_475, %swap3A_476], %swap3A_479 {strides = array<i32>} : memref<200x64xf32, #tpu.memory_space<vmem>>, vector<1x16xf32>,
        %add3A_480 = arith.constant 1 : i32
        %add3A_481 = arith.addi %mul3A_361, %add3A_480 : i32
        %get3A_482 = arith.index_cast %add3A_481 : i32 to index
        %get3A_483 = arith.constant 32 : index
        %get3A_484 = tpu.vector_load %arg7[%get3A_482, %get3A_483] {strides = array<i32>} : memref<200x64xf32, #tpu.memory_space<vmem>>, vector<1x16xf32>,
        %get3A_485 = vector.shape_cast %get3A_484 : vector<1x16xf32> to vector<16xf32>
        %add3A_486 = arith.constant 1 : i32
        %add3A_487 = arith.addi %mul3A_361, %add3A_486 : i32
        %get3A_488 = arith.index_cast %add3A_487 : i32 to index
        %get3A_489 = arith.constant 32 : index
        %get3A_490 = tpu.vector_load %arg11[%get3A_488, %get3A_489] {strides = array<i32>} : memref<200x64xf32, #tpu.memory_space<vmem>>, vector<1x16xf32>,
        %get3A_491 = vector.shape_cast %get3A_490 : vector<1x16xf32> to vector<16xf32>
        %add3A_492 = arith.addf %get3A_485, %get3A_491 : vector<16xf32>
        %add3A_493 = arith.constant 1 : i32
        %add3A_494 = arith.addi %mul3A_361, %add3A_493 : i32
        %swap3A_495 = arith.index_cast %add3A_494 : i32 to index
        %swap3A_496 = arith.constant 32 : index
        %swap3A_497 = tpu.vector_load %arg7[%swap3A_495, %swap3A_496] {strides = array<i32>} : memref<200x64xf32, #tpu.memory_space<vmem>>, vector<1x16xf32>,
        %swap3A_498 = vector.shape_cast %swap3A_497 : vector<1x16xf32> to vector<16xf32>
        %swap3A_499 = vector.shape_cast %add3A_492 : vector<16xf32> to vector<1x16xf32>
        tpu.vector_store %arg7[%swap3A_495, %swap3A_496], %swap3A_499 {strides = array<i32>} : memref<200x64xf32, #tpu.memory_space<vmem>>, vector<1x16xf32>,
        %add3A_500 = arith.constant 1 : i32
        %add3A_501 = arith.addi %mul3A_361, %add3A_500 : i32
        %get3A_502 = arith.index_cast %add3A_501 : i32 to index
        %get3A_503 = arith.constant 48 : index
        %get3A_504 = tpu.vector_load %arg7[%get3A_502, %get3A_503] {strides = array<i32>} : memref<200x64xf32, #tpu.memory_space<vmem>>, vector<1x16xf32>,
        %get3A_505 = vector.shape_cast %get3A_504 : vector<1x16xf32> to vector<16xf32>
        %add3A_506 = arith.constant 1 : i32
        %add3A_507 = arith.addi %mul3A_361, %add3A_506 : i32
        %get3A_508 = arith.index_cast %add3A_507 : i32 to index
        %get3A_509 = arith.constant 48 : index
        %get3A_510 = tpu.vector_load %arg11[%get3A_508, %get3A_509] {strides = array<i32>} : memref<200x64xf32, #tpu.memory_space<vmem>>, vector<1x16xf32>,
        %get3A_511 = vector.shape_cast %get3A_510 : vector<1x16xf32> to vector<16xf32>
        %add3A_512 = arith.addf %get3A_505, %get3A_511 : vector<16xf32>
        %add3A_513 = arith.constant 1 : i32
        %add3A_514 = arith.addi %mul3A_361, %add3A_513 : i32
        %swap3A_515 = arith.index_cast %add3A_514 : i32 to index
        %swap3A_516 = arith.constant 48 : index
        %swap3A_517 = tpu.vector_load %arg7[%swap3A_515, %swap3A_516] {strides = array<i32>} : memref<200x64xf32, #tpu.memory_space<vmem>>, vector<1x16xf32>,
        %swap3A_518 = vector.shape_cast %swap3A_517 : vector<1x16xf32> to vector<16xf32>
        %swap3A_519 = vector.shape_cast %add3A_512 : vector<16xf32> to vector<1x16xf32>
        tpu.vector_store %arg7[%swap3A_515, %swap3A_516], %swap3A_519 {strides = array<i32>} : memref<200x64xf32, #tpu.memory_space<vmem>>, vector<1x16xf32>,
        %add3A_520 = arith.constant 2 : i32
        %add3A_521 = arith.addi %mul3A_361, %add3A_520 : i32
        %get3A_522 = arith.index_cast %add3A_521 : i32 to index
        %get3A_523 = arith.constant 0 : index
        %get3A_524 = tpu.vector_load %arg7[%get3A_522, %get3A_523] {strides = array<i32>} : memref<200x64xf32, #tpu.memory_space<vmem>>, vector<1x16xf32>,
        %get3A_525 = vector.shape_cast %get3A_524 : vector<1x16xf32> to vector<16xf32>
        %add3A_526 = arith.constant 2 : i32
        %add3A_527 = arith.addi %mul3A_361, %add3A_526 : i32
        %get3A_528 = arith.index_cast %add3A_527 : i32 to index
        %get3A_529 = arith.constant 0 : index
        %get3A_530 = tpu.vector_load %arg11[%get3A_528, %get3A_529] {strides = array<i32>} : memref<200x64xf32, #tpu.memory_space<vmem>>, vector<1x16xf32>,
        %get3A_531 = vector.shape_cast %get3A_530 : vector<1x16xf32> to vector<16xf32>
        %add3A_532 = arith.addf %get3A_525, %get3A_531 : vector<16xf32>
        %add3A_533 = arith.constant 2 : i32
        %add3A_534 = arith.addi %mul3A_361, %add3A_533 : i32
        %swap3A_535 = arith.index_cast %add3A_534 : i32 to index
        %swap3A_536 = arith.constant 0 : index
        %swap3A_537 = tpu.vector_load %arg7[%swap3A_535, %swap3A_536] {strides = array<i32>} : memref<200x64xf32, #tpu.memory_space<vmem>>, vector<1x16xf32>,
        %swap3A_538 = vector.shape_cast %swap3A_537 : vector<1x16xf32> to vector<16xf32>
        %swap3A_539 = vector.shape_cast %add3A_532 : vector<16xf32> to vector<1x16xf32>
        tpu.vector_store %arg7[%swap3A_535, %swap3A_536], %swap3A_539 {strides = array<i32>} : memref<200x64xf32, #tpu.memory_space<vmem>>, vector<1x16xf32>,
        %add3A_540 = arith.constant 2 : i32
        %add3A_541 = arith.addi %mul3A_361, %add3A_540 : i32
        %get3A_542 = arith.index_cast %add3A_541 : i32 to index
        %get3A_543 = arith.constant 16 : index
        %get3A_544 = tpu.vector_load %arg7[%get3A_542, %get3A_543] {strides = array<i32>} : memref<200x64xf32, #tpu.memory_space<vmem>>, vector<1x16xf32>,
        %get3A_545 = vector.shape_cast %get3A_544 : vector<1x16xf32> to vector<16xf32>
        %add3A_546 = arith.constant 2 : i32
        %add3A_547 = arith.addi %mul3A_361, %add3A_546 : i32
        %get3A_548 = arith.index_cast %add3A_547 : i32 to index
        %get3A_549 = arith.constant 16 : index
        %get3A_550 = tpu.vector_load %arg11[%get3A_548, %get3A_549] {strides = array<i32>} : memref<200x64xf32, #tpu.memory_space<vmem>>, vector<1x16xf32>,
        %get3A_551 = vector.shape_cast %get3A_550 : vector<1x16xf32> to vector<16xf32>
        %add3A_552 = arith.addf %get3A_545, %get3A_551 : vector<16xf32>
        %add3A_553 = arith.constant 2 : i32
        %add3A_554 = arith.addi %mul3A_361, %add3A_553 : i32
        %swap3A_555 = arith.index_cast %add3A_554 : i32 to index
        %swap3A_556 = arith.constant 16 : index
        %swap3A_557 = tpu.vector_load %arg7[%swap3A_555, %swap3A_556] {strides = array<i32>} : memref<200x64xf32, #tpu.memory_space<vmem>>, vector<1x16xf32>,
        %swap3A_558 = vector.shape_cast %swap3A_557 : vector<1x16xf32> to vector<16xf32>
        %swap3A_559 = vector.shape_cast %add3A_552 : vector<16xf32> to vector<1x16xf32>
        tpu.vector_store %arg7[%swap3A_555, %swap3A_556], %swap3A_559 {strides = array<i32>} : memref<200x64xf32, #tpu.memory_space<vmem>>, vector<1x16xf32>,
        %add3A_560 = arith.constant 2 : i32
        %add3A_561 = arith.addi %mul3A_361, %add3A_560 : i32
        %get3A_562 = arith.index_cast %add3A_561 : i32 to index
        %get3A_563 = arith.constant 32 : index
        %get3A_564 = tpu.vector_load %arg7[%get3A_562, %get3A_563] {strides = array<i32>} : memref<200x64xf32, #tpu.memory_space<vmem>>, vector<1x16xf32>,
        %get3A_565 = vector.shape_cast %get3A_564 : vector<1x16xf32> to vector<16xf32>
        %add3A_566 = arith.constant 2 : i32
        %add3A_567 = arith.addi %mul3A_361, %add3A_566 : i32
        %get3A_568 = arith.index_cast %add3A_567 : i32 to index
        %get3A_569 = arith.constant 32 : index
        %get3A_570 = tpu.vector_load %arg11[%get3A_568, %get3A_569] {strides = array<i32>} : memref<200x64xf32, #tpu.memory_space<vmem>>, vector<1x16xf32>,
        %get3A_571 = vector.shape_cast %get3A_570 : vector<1x16xf32> to vector<16xf32>
        %add3A_572 = arith.addf %get3A_565, %get3A_571 : vector<16xf32>
        %add3A_573 = arith.constant 2 : i32
        %add3A_574 = arith.addi %mul3A_361, %add3A_573 : i32
        %swap3A_575 = arith.index_cast %add3A_574 : i32 to index
        %swap3A_576 = arith.constant 32 : index
        %swap3A_577 = tpu.vector_load %arg7[%swap3A_575, %swap3A_576] {strides = array<i32>} : memref<200x64xf32, #tpu.memory_space<vmem>>, vector<1x16xf32>,
        %swap3A_578 = vector.shape_cast %swap3A_577 : vector<1x16xf32> to vector<16xf32>
        %swap3A_579 = vector.shape_cast %add3A_572 : vector<16xf32> to vector<1x16xf32>
        tpu.vector_store %arg7[%swap3A_575, %swap3A_576], %swap3A_579 {strides = array<i32>} : memref<200x64xf32, #tpu.memory_space<vmem>>, vector<1x16xf32>,
        %add3A_580 = arith.constant 2 : i32
        %add3A_581 = arith.addi %mul3A_361, %add3A_580 : i32
        %get3A_582 = arith.index_cast %add3A_581 : i32 to index
        %get3A_583 = arith.constant 48 : index
        %get3A_584 = tpu.vector_load %arg7[%get3A_582, %get3A_583] {strides = array<i32>} : memref<200x64xf32, #tpu.memory_space<vmem>>, vector<1x16xf32>,
        %get3A_585 = vector.shape_cast %get3A_584 : vector<1x16xf32> to vector<16xf32>
        %add3A_586 = arith.constant 2 : i32
        %add3A_587 = arith.addi %mul3A_361, %add3A_586 : i32
        %get3A_588 = arith.index_cast %add3A_587 : i32 to index
        %get3A_589 = arith.constant 48 : index
        %get3A_590 = tpu.vector_load %arg11[%get3A_588, %get3A_589] {strides = array<i32>} : memref<200x64xf32, #tpu.memory_space<vmem>>, vector<1x16xf32>,
        %get3A_591 = vector.shape_cast %get3A_590 : vector<1x16xf32> to vector<16xf32>
        %add3A_592 = arith.addf %get3A_585, %get3A_591 : vector<16xf32>
        %add3A_593 = arith.constant 2 : i32
        %add3A_594 = arith.addi %mul3A_361, %add3A_593 : i32
        %swap3A_595 = arith.index_cast %add3A_594 : i32 to index
        %swap3A_596 = arith.constant 48 : index
        %swap3A_597 = tpu.vector_load %arg7[%swap3A_595, %swap3A_596] {strides = array<i32>} : memref<200x64xf32, #tpu.memory_space<vmem>>, vector<1x16xf32>,
        %swap3A_598 = vector.shape_cast %swap3A_597 : vector<1x16xf32> to vector<16xf32>
        %swap3A_599 = vector.shape_cast %add3A_592 : vector<16xf32> to vector<1x16xf32>
        tpu.vector_store %arg7[%swap3A_595, %swap3A_596], %swap3A_599 {strides = array<i32>} : memref<200x64xf32, #tpu.memory_space<vmem>>, vector<1x16xf32>,
        %add3A_600 = arith.constant 3 : i32
        %add3A_601 = arith.addi %mul3A_361, %add3A_600 : i32
        %get3A_602 = arith.index_cast %add3A_601 : i32 to index
        %get3A_603 = arith.constant 0 : index
        %get3A_604 = tpu.vector_load %arg7[%get3A_602, %get3A_603] {strides = array<i32>} : memref<200x64xf32, #tpu.memory_space<vmem>>, vector<1x16xf32>,
        %get3A_605 = vector.shape_cast %get3A_604 : vector<1x16xf32> to vector<16xf32>
        %add3A_606 = arith.constant 3 : i32
        %add3A_607 = arith.addi %mul3A_361, %add3A_606 : i32
        %get3A_608 = arith.index_cast %add3A_607 : i32 to index
        %get3A_609 = arith.constant 0 : index
        %get3A_610 = tpu.vector_load %arg11[%get3A_608, %get3A_609] {strides = array<i32>} : memref<200x64xf32, #tpu.memory_space<vmem>>, vector<1x16xf32>,
        %get3A_611 = vector.shape_cast %get3A_610 : vector<1x16xf32> to vector<16xf32>
        %add3A_612 = arith.addf %get3A_605, %get3A_611 : vector<16xf32>
        %add3A_613 = arith.constant 3 : i32
        %add3A_614 = arith.addi %mul3A_361, %add3A_613 : i32
        %swap3A_615 = arith.index_cast %add3A_614 : i32 to index
        %swap3A_616 = arith.constant 0 : index
        %swap3A_617 = tpu.vector_load %arg7[%swap3A_615, %swap3A_616] {strides = array<i32>} : memref<200x64xf32, #tpu.memory_space<vmem>>, vector<1x16xf32>,
        %swap3A_618 = vector.shape_cast %swap3A_617 : vector<1x16xf32> to vector<16xf32>
        %swap3A_619 = vector.shape_cast %add3A_612 : vector<16xf32> to vector<1x16xf32>
        tpu.vector_store %arg7[%swap3A_615, %swap3A_616], %swap3A_619 {strides = array<i32>} : memref<200x64xf32, #tpu.memory_space<vmem>>, vector<1x16xf32>,
        %add3A_620 = arith.constant 3 : i32
        %add3A_621 = arith.addi %mul3A_361, %add3A_620 : i32
        %get3A_622 = arith.index_cast %add3A_621 : i32 to index
        %get3A_623 = arith.constant 16 : index
        %get3A_624 = tpu.vector_load %arg7[%get3A_622, %get3A_623] {strides = array<i32>} : memref<200x64xf32, #tpu.memory_space<vmem>>, vector<1x16xf32>,
        %get3A_625 = vector.shape_cast %get3A_624 : vector<1x16xf32> to vector<16xf32>
        %add3A_626 = arith.constant 3 : i32
        %add3A_627 = arith.addi %mul3A_361, %add3A_626 : i32
        %get3A_628 = arith.index_cast %add3A_627 : i32 to index
        %get3A_629 = arith.constant 16 : index
        %get3A_630 = tpu.vector_load %arg11[%get3A_628, %get3A_629] {strides = array<i32>} : memref<200x64xf32, #tpu.memory_space<vmem>>, vector<1x16xf32>,
        %get3A_631 = vector.shape_cast %get3A_630 : vector<1x16xf32> to vector<16xf32>
        %add3A_632 = arith.addf %get3A_625, %get3A_631 : vector<16xf32>
        %add3A_633 = arith.constant 3 : i32
        %add3A_634 = arith.addi %mul3A_361, %add3A_633 : i32
        %swap3A_635 = arith.index_cast %add3A_634 : i32 to index
        %swap3A_636 = arith.constant 16 : index
        %swap3A_637 = tpu.vector_load %arg7[%swap3A_635, %swap3A_636] {strides = array<i32>} : memref<200x64xf32, #tpu.memory_space<vmem>>, vector<1x16xf32>,
        %swap3A_638 = vector.shape_cast %swap3A_637 : vector<1x16xf32> to vector<16xf32>
        %swap3A_639 = vector.shape_cast %add3A_632 : vector<16xf32> to vector<1x16xf32>
        tpu.vector_store %arg7[%swap3A_635, %swap3A_636], %swap3A_639 {strides = array<i32>} : memref<200x64xf32, #tpu.memory_space<vmem>>, vector<1x16xf32>,
        %add3A_640 = arith.constant 3 : i32
        %add3A_641 = arith.addi %mul3A_361, %add3A_640 : i32
        %get3A_642 = arith.index_cast %add3A_641 : i32 to index
        %get3A_643 = arith.constant 32 : index
        %get3A_644 = tpu.vector_load %arg7[%get3A_642, %get3A_643] {strides = array<i32>} : memref<200x64xf32, #tpu.memory_space<vmem>>, vector<1x16xf32>,
        %get3A_645 = vector.shape_cast %get3A_644 : vector<1x16xf32> to vector<16xf32>
        %add3A_646 = arith.constant 3 : i32
        %add3A_647 = arith.addi %mul3A_361, %add3A_646 : i32
        %get3A_648 = arith.index_cast %add3A_647 : i32 to index
        %get3A_649 = arith.constant 32 : index
        %get3A_650 = tpu.vector_load %arg11[%get3A_648, %get3A_649] {strides = array<i32>} : memref<200x64xf32, #tpu.memory_space<vmem>>, vector<1x16xf32>,
        %get3A_651 = vector.shape_cast %get3A_650 : vector<1x16xf32> to vector<16xf32>
        %add3A_652 = arith.addf %get3A_645, %get3A_651 : vector<16xf32>
        %add3A_653 = arith.constant 3 : i32
        %add3A_654 = arith.addi %mul3A_361, %add3A_653 : i32
        %swap3A_655 = arith.index_cast %add3A_654 : i32 to index
        %swap3A_656 = arith.constant 32 : index
        %swap3A_657 = tpu.vector_load %arg7[%swap3A_655, %swap3A_656] {strides = array<i32>} : memref<200x64xf32, #tpu.memory_space<vmem>>, vector<1x16xf32>,
        %swap3A_658 = vector.shape_cast %swap3A_657 : vector<1x16xf32> to vector<16xf32>
        %swap3A_659 = vector.shape_cast %add3A_652 : vector<16xf32> to vector<1x16xf32>
        tpu.vector_store %arg7[%swap3A_655, %swap3A_656], %swap3A_659 {strides = array<i32>} : memref<200x64xf32, #tpu.memory_space<vmem>>, vector<1x16xf32>,
        %add3A_660 = arith.constant 3 : i32
        %add3A_661 = arith.addi %mul3A_361, %add3A_660 : i32
        %get3A_662 = arith.index_cast %add3A_661 : i32 to index
        %get3A_663 = arith.constant 48 : index
        %get3A_664 = tpu.vector_load %arg7[%get3A_662, %get3A_663] {strides = array<i32>} : memref<200x64xf32, #tpu.memory_space<vmem>>, vector<1x16xf32>,
        %get3A_665 = vector.shape_cast %get3A_664 : vector<1x16xf32> to vector<16xf32>
        %add3A_666 = arith.constant 3 : i32
        %add3A_667 = arith.addi %mul3A_361, %add3A_666 : i32
        %get3A_668 = arith.index_cast %add3A_667 : i32 to index
        %get3A_669 = arith.constant 48 : index
        %get3A_670 = tpu.vector_load %arg11[%get3A_668, %get3A_669] {strides = array<i32>} : memref<200x64xf32, #tpu.memory_space<vmem>>, vector<1x16xf32>,
        %get3A_671 = vector.shape_cast %get3A_670 : vector<1x16xf32> to vector<16xf32>
        %add3A_672 = arith.addf %get3A_665, %get3A_671 : vector<16xf32>
        %add3A_673 = arith.constant 3 : i32
        %add3A_674 = arith.addi %mul3A_361, %add3A_673 : i32
        %swap3A_675 = arith.index_cast %add3A_674 : i32 to index
        %swap3A_676 = arith.constant 48 : index
        %swap3A_677 = tpu.vector_load %arg7[%swap3A_675, %swap3A_676] {strides = array<i32>} : memref<200x64xf32, #tpu.memory_space<vmem>>, vector<1x16xf32>,
        %swap3A_678 = vector.shape_cast %swap3A_677 : vector<1x16xf32> to vector<16xf32>
        %swap3A_679 = vector.shape_cast %add3A_672 : vector<16xf32> to vector<1x16xf32>
        tpu.vector_store %arg7[%swap3A_675, %swap3A_676], %swap3A_679 {strides = array<i32>} : memref<200x64xf32, #tpu.memory_space<vmem>>, vector<1x16xf32>,
      }
      %scan3A_246 = arith.constant 50 : i32
      %mul3A_247 = arith.constant 200 : i32
      %mul3A_248 = arith.muli %add3A_221, %mul3A_247 : i32
      %add3A_249 = arith.addi %mul3A_2, %mul3A_248 : i32
      %dma_start3A_250 = arith.constant 0 : i32
      %dma_start3A_251 = tpu.memref_slice %arg5[%add3A_249, %dma_start3A_250] : memref<819200x64xf32, #tpu.memory_space<hbm>> -> memref<200x64xf32, #tpu.memory_space<hbm>>
      %dma_start3A_252 = arith.constant 0 : i32
      %dma_start3A_253 = tpu.memref_slice %arg5[%add3A_249, %dma_start3A_252] : memref<819200x64xf32, #tpu.memory_space<hbm>> -> memref<200x64xf32, #tpu.memory_space<hbm>>
      tpu.enqueue_dma source(%arg7 : memref<200x64xf32, #tpu.memory_space<vmem>>) target(%dma_start3A_253 : memref<200x64xf32, #tpu.memory_space<hbm>>) target_semaphore(%arg13 : memref<!tpu.dma_semaphore, #tpu.memory_space<semaphore_mem>>)
      %add3A_254 = arith.constant 1 : i32
      %add3A_255 = arith.addi %mul3A_219, %add3A_254 : i32
      %dma_wait3A_256 = arith.constant 0 : i32
      %dma_wait3A_257 = tpu.memref_slice %arg5[%mul3A_2, %dma_wait3A_256] : memref<819200x64xf32, #tpu.memory_space<hbm>> -> memref<200x64xf32, #tpu.memory_space<hbm>>
      %dma_wait3A_258 = arith.constant 0 : i32
      %dma_wait3A_259 = tpu.memref_slice %arg5[%mul3A_2, %dma_wait3A_258] : memref<819200x64xf32, #tpu.memory_space<hbm>> -> memref<200x64xf32, #tpu.memory_space<hbm>>
      tpu.wait_dma2 semaphore(%arg13 : memref<!tpu.dma_semaphore, #tpu.memory_space<semaphore_mem>>) src(%arg7 : memref<200x64xf32, #tpu.memory_space<vmem>>) dst(%dma_wait3A_259 : memref<200x64xf32, #tpu.memory_space<hbm>>)
      %add3A_260 = arith.constant 4 : i32
      %add3A_261 = arith.addi %add3A_255, %add3A_260 : i32
      %sub3A_262 = arith.constant 1 : i32
      %sub3A_263 = arith.subi %add3A_261, %sub3A_262 : i32
      %mul3A_264 = arith.constant 200 : i32
      %mul3A_265 = arith.muli %sub3A_263, %mul3A_264 : i32
      %dma_start3A_266 = tpu.memref_slice %arg6[%mul3A_265] : memref<25600xi32, #tpu.memory_space<vmem>> -> memref<200xi32, #tpu.memory_space<vmem>>
      %dma_start3A_267 = arith.constant 0 : i32
      %dma_start3A_268 = arith.constant 0 : i32
      %dma_start3A_269 = tpu.memref_slice %arg3[%dma_start3A_267, %dma_start3A_268] : memref<1000000x64xf32, #tpu.memory_space<hbm>> -> memref<1000000x64xf32, #tpu.memory_space<hbm>>
      tpu.enqueue_indirect_dma source(%dma_start3A_269 : memref<1000000x64xf32, #tpu.memory_space<hbm>>) target(%arg7 : memref<200x64xf32, #tpu.memory_space<vmem>>) offsets(%dma_start3A_266 : memref<200xi32, #tpu.memory_space<vmem>>) semaphore(%arg12 : memref<!tpu.dma_semaphore, #tpu.memory_space<semaphore_mem>>)
      %mul3A_270 = arith.constant 200 : i32
      %mul3A_271 = arith.muli %add3A_255, %mul3A_270 : i32
      %dma_wait3A_272 = tpu.memref_slice %arg6[%mul3A_271] : memref<25600xi32, #tpu.memory_space<vmem>> -> memref<200xi32, #tpu.memory_space<vmem>>
      %dma_wait3A_273 = arith.constant 0 : i32
      %dma_wait3A_274 = arith.constant 0 : i32
      %dma_wait3A_275 = tpu.memref_slice %arg3[%dma_wait3A_273, %dma_wait3A_274] : memref<1000000x64xf32, #tpu.memory_space<hbm>> -> memref<1000000x64xf32, #tpu.memory_space<hbm>>
      tpu.wait_indirect_dma semaphore(%arg12 : memref<!tpu.dma_semaphore, #tpu.memory_space<semaphore_mem>>) src(%dma_wait3A_275 : memref<1000000x64xf32, #tpu.memory_space<hbm>>) dst(%arg8 : memref<200x64xf32, #tpu.memory_space<vmem>>)
      %scan3A_276 = arith.constant 0 : i32
      %scan3A_277 = arith.constant 0 : i32
      %scan3A_278 = arith.constant 50 : i32
      %scan3A_279 = arith.addi %scan3A_277, %scan3A_278 : i32
      %scan3A_280 = arith.constant 1 : i32
      scf.for %scan3A_359 = %scan3A_277 to %scan3A_279 step %scan3A_280  : i32 {
        %mul3A_360 = arith.constant 4 : i32
        %mul3A_361 = arith.muli %scan3A_359, %mul3A_360 : i32
        %add3A_362 = arith.constant 0 : i32
        %add3A_363 = arith.addi %mul3A_361, %add3A_362 : i32
        %get3A = arith.index_cast %add3A_363 : i32 to index
        %get3A_364 = arith.constant 0 : index
        %get3A_365 = tpu.vector_load %arg8[%get3A, %get3A_364] {strides = array<i32>} : memref<200x64xf32, #tpu.memory_space<vmem>>, vector<1x16xf32>,
        %get3A_366 = vector.shape_cast %get3A_365 : vector<1x16xf32> to vector<16xf32>
        %add3A_367 = arith.constant 0 : i32
        %add3A_368 = arith.addi %mul3A_361, %add3A_367 : i32
        %get3A_369 = arith.index_cast %add3A_368 : i32 to index
        %get3A_370 = arith.constant 0 : index
        %get3A_371 = tpu.vector_load %arg11[%get3A_369, %get3A_370] {strides = array<i32>} : memref<200x64xf32, #tpu.memory_space<vmem>>, vector<1x16xf32>,
        %get3A_372 = vector.shape_cast %get3A_371 : vector<1x16xf32> to vector<16xf32>
        %add3A_373 = arith.addf %get3A_366, %get3A_372 : vector<16xf32>
        %add3A_374 = arith.constant 0 : i32
        %add3A_375 = arith.addi %mul3A_361, %add3A_374 : i32
        %swap3A = arith.index_cast %add3A_375 : i32 to index
        %swap3A_376 = arith.constant 0 : index
        %swap3A_377 = tpu.vector_load %arg8[%swap3A, %swap3A_376] {strides = array<i32>} : memref<200x64xf32, #tpu.memory_space<vmem>>, vector<1x16xf32>,
        %swap3A_378 = vector.shape_cast %swap3A_377 : vector<1x16xf32> to vector<16xf32>
        %swap3A_379 = vector.shape_cast %add3A_373 : vector<16xf32> to vector<1x16xf32>
        tpu.vector_store %arg8[%swap3A, %swap3A_376], %swap3A_379 {strides = array<i32>} : memref<200x64xf32, #tpu.memory_space<vmem>>, vector<1x16xf32>,
        %add3A_380 = arith.constant 0 : i32
        %add3A_381 = arith.addi %mul3A_361, %add3A_380 : i32
        %get3A_382 = arith.index_cast %add3A_381 : i32 to index
        %get3A_383 = arith.constant 16 : index
        %get3A_384 = tpu.vector_load %arg8[%get3A_382, %get3A_383] {strides = array<i32>} : memref<200x64xf32, #tpu.memory_space<vmem>>, vector<1x16xf32>,
        %get3A_385 = vector.shape_cast %get3A_384 : vector<1x16xf32> to vector<16xf32>
        %add3A_386 = arith.constant 0 : i32
        %add3A_387 = arith.addi %mul3A_361, %add3A_386 : i32
        %get3A_388 = arith.index_cast %add3A_387 : i32 to index
        %get3A_389 = arith.constant 16 : index
        %get3A_390 = tpu.vector_load %arg11[%get3A_388, %get3A_389] {strides = array<i32>} : memref<200x64xf32, #tpu.memory_space<vmem>>, vector<1x16xf32>,
        %get3A_391 = vector.shape_cast %get3A_390 : vector<1x16xf32> to vector<16xf32>
        %add3A_392 = arith.addf %get3A_385, %get3A_391 : vector<16xf32>
        %add3A_393 = arith.constant 0 : i32
        %add3A_394 = arith.addi %mul3A_361, %add3A_393 : i32
        %swap3A_395 = arith.index_cast %add3A_394 : i32 to index
        %swap3A_396 = arith.constant 16 : index
        %swap3A_397 = tpu.vector_load %arg8[%swap3A_395, %swap3A_396] {strides = array<i32>} : memref<200x64xf32, #tpu.memory_space<vmem>>, vector<1x16xf32>,
        %swap3A_398 = vector.shape_cast %swap3A_397 : vector<1x16xf32> to vector<16xf32>
        %swap3A_399 = vector.shape_cast %add3A_392 : vector<16xf32> to vector<1x16xf32>
        tpu.vector_store %arg8[%swap3A_395, %swap3A_396], %swap3A_399 {strides = array<i32>} : memref<200x64xf32, #tpu.memory_space<vmem>>, vector<1x16xf32>,
        %add3A_400 = arith.constant 0 : i32
        %add3A_401 = arith.addi %mul3A_361, %add3A_400 : i32
        %get3A_402 = arith.index_cast %add3A_401 : i32 to index
        %get3A_403 = arith.constant 32 : index
        %get3A_404 = tpu.vector_load %arg8[%get3A_402, %get3A_403] {strides = array<i32>} : memref<200x64xf32, #tpu.memory_space<vmem>>, vector<1x16xf32>,
        %get3A_405 = vector.shape_cast %get3A_404 : vector<1x16xf32> to vector<16xf32>
        %add3A_406 = arith.constant 0 : i32
        %add3A_407 = arith.addi %mul3A_361, %add3A_406 : i32
        %get3A_408 = arith.index_cast %add3A_407 : i32 to index
        %get3A_409 = arith.constant 32 : index
        %get3A_410 = tpu.vector_load %arg11[%get3A_408, %get3A_409] {strides = array<i32>} : memref<200x64xf32, #tpu.memory_space<vmem>>, vector<1x16xf32>,
        %get3A_411 = vector.shape_cast %get3A_410 : vector<1x16xf32> to vector<16xf32>
        %add3A_412 = arith.addf %get3A_405, %get3A_411 : vector<16xf32>
        %add3A_413 = arith.constant 0 : i32
        %add3A_414 = arith.addi %mul3A_361, %add3A_413 : i32
        %swap3A_415 = arith.index_cast %add3A_414 : i32 to index
        %swap3A_416 = arith.constant 32 : index
        %swap3A_417 = tpu.vector_load %arg8[%swap3A_415, %swap3A_416] {strides = array<i32>} : memref<200x64xf32, #tpu.memory_space<vmem>>, vector<1x16xf32>,
        %swap3A_418 = vector.shape_cast %swap3A_417 : vector<1x16xf32> to vector<16xf32>
        %swap3A_419 = vector.shape_cast %add3A_412 : vector<16xf32> to vector<1x16xf32>
        tpu.vector_store %arg8[%swap3A_415, %swap3A_416], %swap3A_419 {strides = array<i32>} : memref<200x64xf32, #tpu.memory_space<vmem>>, vector<1x16xf32>,
        %add3A_420 = arith.constant 0 : i32
        %add3A_421 = arith.addi %mul3A_361, %add3A_420 : i32
        %get3A_422 = arith.index_cast %add3A_421 : i32 to index
        %get3A_423 = arith.constant 48 : index
        %get3A_424 = tpu.vector_load %arg8[%get3A_422, %get3A_423] {strides = array<i32>} : memref<200x64xf32, #tpu.memory_space<vmem>>, vector<1x16xf32>,
        %get3A_425 = vector.shape_cast %get3A_424 : vector<1x16xf32> to vector<16xf32>
        %add3A_426 = arith.constant 0 : i32
        %add3A_427 = arith.addi %mul3A_361, %add3A_426 : i32
        %get3A_428 = arith.index_cast %add3A_427 : i32 to index
        %get3A_429 = arith.constant 48 : index
        %get3A_430 = tpu.vector_load %arg11[%get3A_428, %get3A_429] {strides = array<i32>} : memref<200x64xf32, #tpu.memory_space<vmem>>, vector<1x16xf32>,
        %get3A_431 = vector.shape_cast %get3A_430 : vector<1x16xf32> to vector<16xf32>
        %add3A_432 = arith.addf %get3A_425, %get3A_431 : vector<16xf32>
        %add3A_433 = arith.constant 0 : i32
        %add3A_434 = arith.addi %mul3A_361, %add3A_433 : i32
        %swap3A_435 = arith.index_cast %add3A_434 : i32 to index
        %swap3A_436 = arith.constant 48 : index
        %swap3A_437 = tpu.vector_load %arg8[%swap3A_435, %swap3A_436] {strides = array<i32>} : memref<200x64xf32, #tpu.memory_space<vmem>>, vector<1x16xf32>,
        %swap3A_438 = vector.shape_cast %swap3A_437 : vector<1x16xf32> to vector<16xf32>
        %swap3A_439 = vector.shape_cast %add3A_432 : vector<16xf32> to vector<1x16xf32>
        tpu.vector_store %arg8[%swap3A_435, %swap3A_436], %swap3A_439 {strides = array<i32>} : memref<200x64xf32, #tpu.memory_space<vmem>>, vector<1x16xf32>,
        %add3A_440 = arith.constant 1 : i32
        %add3A_441 = arith.addi %mul3A_361, %add3A_440 : i32
        %get3A_442 = arith.index_cast %add3A_441 : i32 to index
        %get3A_443 = arith.constant 0 : index
        %get3A_444 = tpu.vector_load %arg8[%get3A_442, %get3A_443] {strides = array<i32>} : memref<200x64xf32, #tpu.memory_space<vmem>>, vector<1x16xf32>,
        %get3A_445 = vector.shape_cast %get3A_444 : vector<1x16xf32> to vector<16xf32>
        %add3A_446 = arith.constant 1 : i32
        %add3A_447 = arith.addi %mul3A_361, %add3A_446 : i32
        %get3A_448 = arith.index_cast %add3A_447 : i32 to index
        %get3A_449 = arith.constant 0 : index
        %get3A_450 = tpu.vector_load %arg11[%get3A_448, %get3A_449] {strides = array<i32>} : memref<200x64xf32, #tpu.memory_space<vmem>>, vector<1x16xf32>,
        %get3A_451 = vector.shape_cast %get3A_450 : vector<1x16xf32> to vector<16xf32>
        %add3A_452 = arith.addf %get3A_445, %get3A_451 : vector<16xf32>
        %add3A_453 = arith.constant 1 : i32
        %add3A_454 = arith.addi %mul3A_361, %add3A_453 : i32
        %swap3A_455 = arith.index_cast %add3A_454 : i32 to index
        %swap3A_456 = arith.constant 0 : index
        %swap3A_457 = tpu.vector_load %arg8[%swap3A_455, %swap3A_456] {strides = array<i32>} : memref<200x64xf32, #tpu.memory_space<vmem>>, vector<1x16xf32>,
        %swap3A_458 = vector.shape_cast %swap3A_457 : vector<1x16xf32> to vector<16xf32>
        %swap3A_459 = vector.shape_cast %add3A_452 : vector<16xf32> to vector<1x16xf32>
        tpu.vector_store %arg8[%swap3A_455, %swap3A_456], %swap3A_459 {strides = array<i32>} : memref<200x64xf32, #tpu.memory_space<vmem>>, vector<1x16xf32>,
        %add3A_460 = arith.constant 1 : i32
        %add3A_461 = arith.addi %mul3A_361, %add3A_460 : i32
        %get3A_462 = arith.index_cast %add3A_461 : i32 to index
        %get3A_463 = arith.constant 16 : index
        %get3A_464 = tpu.vector_load %arg8[%get3A_462, %get3A_463] {strides = array<i32>} : memref<200x64xf32, #tpu.memory_space<vmem>>, vector<1x16xf32>,
        %get3A_465 = vector.shape_cast %get3A_464 : vector<1x16xf32> to vector<16xf32>
        %add3A_466 = arith.constant 1 : i32
        %add3A_467 = arith.addi %mul3A_361, %add3A_466 : i32
        %get3A_468 = arith.index_cast %add3A_467 : i32 to index
        %get3A_469 = arith.constant 16 : index
        %get3A_470 = tpu.vector_load %arg11[%get3A_468, %get3A_469] {strides = array<i32>} : memref<200x64xf32, #tpu.memory_space<vmem>>, vector<1x16xf32>,
        %get3A_471 = vector.shape_cast %get3A_470 : vector<1x16xf32> to vector<16xf32>
        %add3A_472 = arith.addf %get3A_465, %get3A_471 : vector<16xf32>
        %add3A_473 = arith.constant 1 : i32
        %add3A_474 = arith.addi %mul3A_361, %add3A_473 : i32
        %swap3A_475 = arith.index_cast %add3A_474 : i32 to index
        %swap3A_476 = arith.constant 16 : index
        %swap3A_477 = tpu.vector_load %arg8[%swap3A_475, %swap3A_476] {strides = array<i32>} : memref<200x64xf32, #tpu.memory_space<vmem>>, vector<1x16xf32>,
        %swap3A_478 = vector.shape_cast %swap3A_477 : vector<1x16xf32> to vector<16xf32>
        %swap3A_479 = vector.shape_cast %add3A_472 : vector<16xf32> to vector<1x16xf32>
        tpu.vector_store %arg8[%swap3A_475, %swap3A_476], %swap3A_479 {strides = array<i32>} : memref<200x64xf32, #tpu.memory_space<vmem>>, vector<1x16xf32>,
        %add3A_480 = arith.constant 1 : i32
        %add3A_481 = arith.addi %mul3A_361, %add3A_480 : i32
        %get3A_482 = arith.index_cast %add3A_481 : i32 to index
        %get3A_483 = arith.constant 32 : index
        %get3A_484 = tpu.vector_load %arg8[%get3A_482, %get3A_483] {strides = array<i32>} : memref<200x64xf32, #tpu.memory_space<vmem>>, vector<1x16xf32>,
        %get3A_485 = vector.shape_cast %get3A_484 : vector<1x16xf32> to vector<16xf32>
        %add3A_486 = arith.constant 1 : i32
        %add3A_487 = arith.addi %mul3A_361, %add3A_486 : i32
        %get3A_488 = arith.index_cast %add3A_487 : i32 to index
        %get3A_489 = arith.constant 32 : index
        %get3A_490 = tpu.vector_load %arg11[%get3A_488, %get3A_489] {strides = array<i32>} : memref<200x64xf32, #tpu.memory_space<vmem>>, vector<1x16xf32>,
        %get3A_491 = vector.shape_cast %get3A_490 : vector<1x16xf32> to vector<16xf32>
        %add3A_492 = arith.addf %get3A_485, %get3A_491 : vector<16xf32>
        %add3A_493 = arith.constant 1 : i32
        %add3A_494 = arith.addi %mul3A_361, %add3A_493 : i32
        %swap3A_495 = arith.index_cast %add3A_494 : i32 to index
        %swap3A_496 = arith.constant 32 : index
        %swap3A_497 = tpu.vector_load %arg8[%swap3A_495, %swap3A_496] {strides = array<i32>} : memref<200x64xf32, #tpu.memory_space<vmem>>, vector<1x16xf32>,
        %swap3A_498 = vector.shape_cast %swap3A_497 : vector<1x16xf32> to vector<16xf32>
        %swap3A_499 = vector.shape_cast %add3A_492 : vector<16xf32> to vector<1x16xf32>
        tpu.vector_store %arg8[%swap3A_495, %swap3A_496], %swap3A_499 {strides = array<i32>} : memref<200x64xf32, #tpu.memory_space<vmem>>, vector<1x16xf32>,
        %add3A_500 = arith.constant 1 : i32
        %add3A_501 = arith.addi %mul3A_361, %add3A_500 : i32
        %get3A_502 = arith.index_cast %add3A_501 : i32 to index
        %get3A_503 = arith.constant 48 : index
        %get3A_504 = tpu.vector_load %arg8[%get3A_502, %get3A_503] {strides = array<i32>} : memref<200x64xf32, #tpu.memory_space<vmem>>, vector<1x16xf32>,
        %get3A_505 = vector.shape_cast %get3A_504 : vector<1x16xf32> to vector<16xf32>
        %add3A_506 = arith.constant 1 : i32
        %add3A_507 = arith.addi %mul3A_361, %add3A_506 : i32
        %get3A_508 = arith.index_cast %add3A_507 : i32 to index
        %get3A_509 = arith.constant 48 : index
        %get3A_510 = tpu.vector_load %arg11[%get3A_508, %get3A_509] {strides = array<i32>} : memref<200x64xf32, #tpu.memory_space<vmem>>, vector<1x16xf32>,
        %get3A_511 = vector.shape_cast %get3A_510 : vector<1x16xf32> to vector<16xf32>
        %add3A_512 = arith.addf %get3A_505, %get3A_511 : vector<16xf32>
        %add3A_513 = arith.constant 1 : i32
        %add3A_514 = arith.addi %mul3A_361, %add3A_513 : i32
        %swap3A_515 = arith.index_cast %add3A_514 : i32 to index
        %swap3A_516 = arith.constant 48 : index
        %swap3A_517 = tpu.vector_load %arg8[%swap3A_515, %swap3A_516] {strides = array<i32>} : memref<200x64xf32, #tpu.memory_space<vmem>>, vector<1x16xf32>,
        %swap3A_518 = vector.shape_cast %swap3A_517 : vector<1x16xf32> to vector<16xf32>
        %swap3A_519 = vector.shape_cast %add3A_512 : vector<16xf32> to vector<1x16xf32>
        tpu.vector_store %arg8[%swap3A_515, %swap3A_516], %swap3A_519 {strides = array<i32>} : memref<200x64xf32, #tpu.memory_space<vmem>>, vector<1x16xf32>,
        %add3A_520 = arith.constant 2 : i32
        %add3A_521 = arith.addi %mul3A_361, %add3A_520 : i32
        %get3A_522 = arith.index_cast %add3A_521 : i32 to index
        %get3A_523 = arith.constant 0 : index
        %get3A_524 = tpu.vector_load %arg8[%get3A_522, %get3A_523] {strides = array<i32>} : memref<200x64xf32, #tpu.memory_space<vmem>>, vector<1x16xf32>,
        %get3A_525 = vector.shape_cast %get3A_524 : vector<1x16xf32> to vector<16xf32>
        %add3A_526 = arith.constant 2 : i32
        %add3A_527 = arith.addi %mul3A_361, %add3A_526 : i32
        %get3A_528 = arith.index_cast %add3A_527 : i32 to index
        %get3A_529 = arith.constant 0 : index
        %get3A_530 = tpu.vector_load %arg11[%get3A_528, %get3A_529] {strides = array<i32>} : memref<200x64xf32, #tpu.memory_space<vmem>>, vector<1x16xf32>,
        %get3A_531 = vector.shape_cast %get3A_530 : vector<1x16xf32> to vector<16xf32>
        %add3A_532 = arith.addf %get3A_525, %get3A_531 : vector<16xf32>
        %add3A_533 = arith.constant 2 : i32
        %add3A_534 = arith.addi %mul3A_361, %add3A_533 : i32
        %swap3A_535 = arith.index_cast %add3A_534 : i32 to index
        %swap3A_536 = arith.constant 0 : index
        %swap3A_537 = tpu.vector_load %arg8[%swap3A_535, %swap3A_536] {strides = array<i32>} : memref<200x64xf32, #tpu.memory_space<vmem>>, vector<1x16xf32>,
        %swap3A_538 = vector.shape_cast %swap3A_537 : vector<1x16xf32> to vector<16xf32>
        %swap3A_539 = vector.shape_cast %add3A_532 : vector<16xf32> to vector<1x16xf32>
        tpu.vector_store %arg8[%swap3A_535, %swap3A_536], %swap3A_539 {strides = array<i32>} : memref<200x64xf32, #tpu.memory_space<vmem>>, vector<1x16xf32>,
        %add3A_540 = arith.constant 2 : i32
        %add3A_541 = arith.addi %mul3A_361, %add3A_540 : i32
        %get3A_542 = arith.index_cast %add3A_541 : i32 to index
        %get3A_543 = arith.constant 16 : index
        %get3A_544 = tpu.vector_load %arg8[%get3A_542, %get3A_543] {strides = array<i32>} : memref<200x64xf32, #tpu.memory_space<vmem>>, vector<1x16xf32>,
        %get3A_545 = vector.shape_cast %get3A_544 : vector<1x16xf32> to vector<16xf32>
        %add3A_546 = arith.constant 2 : i32
        %add3A_547 = arith.addi %mul3A_361, %add3A_546 : i32
        %get3A_548 = arith.index_cast %add3A_547 : i32 to index
        %get3A_549 = arith.constant 16 : index
        %get3A_550 = tpu.vector_load %arg11[%get3A_548, %get3A_549] {strides = array<i32>} : memref<200x64xf32, #tpu.memory_space<vmem>>, vector<1x16xf32>,
        %get3A_551 = vector.shape_cast %get3A_550 : vector<1x16xf32> to vector<16xf32>
        %add3A_552 = arith.addf %get3A_545, %get3A_551 : vector<16xf32>
        %add3A_553 = arith.constant 2 : i32
        %add3A_554 = arith.addi %mul3A_361, %add3A_553 : i32
        %swap3A_555 = arith.index_cast %add3A_554 : i32 to index
        %swap3A_556 = arith.constant 16 : index
        %swap3A_557 = tpu.vector_load %arg8[%swap3A_555, %swap3A_556] {strides = array<i32>} : memref<200x64xf32, #tpu.memory_space<vmem>>, vector<1x16xf32>,
        %swap3A_558 = vector.shape_cast %swap3A_557 : vector<1x16xf32> to vector<16xf32>
        %swap3A_559 = vector.shape_cast %add3A_552 : vector<16xf32> to vector<1x16xf32>
        tpu.vector_store %arg8[%swap3A_555, %swap3A_556], %swap3A_559 {strides = array<i32>} : memref<200x64xf32, #tpu.memory_space<vmem>>, vector<1x16xf32>,
        %add3A_560 = arith.constant 2 : i32
        %add3A_561 = arith.addi %mul3A_361, %add3A_560 : i32
        %get3A_562 = arith.index_cast %add3A_561 : i32 to index
        %get3A_563 = arith.constant 32 : index
        %get3A_564 = tpu.vector_load %arg8[%get3A_562, %get3A_563] {strides = array<i32>} : memref<200x64xf32, #tpu.memory_space<vmem>>, vector<1x16xf32>,
        %get3A_565 = vector.shape_cast %get3A_564 : vector<1x16xf32> to vector<16xf32>
        %add3A_566 = arith.constant 2 : i32
        %add3A_567 = arith.addi %mul3A_361, %add3A_566 : i32
        %get3A_568 = arith.index_cast %add3A_567 : i32 to index
        %get3A_569 = arith.constant 32 : index
        %get3A_570 = tpu.vector_load %arg11[%get3A_568, %get3A_569] {strides = array<i32>} : memref<200x64xf32, #tpu.memory_space<vmem>>, vector<1x16xf32>,
        %get3A_571 = vector.shape_cast %get3A_570 : vector<1x16xf32> to vector<16xf32>
        %add3A_572 = arith.addf %get3A_565, %get3A_571 : vector<16xf32>
        %add3A_573 = arith.constant 2 : i32
        %add3A_574 = arith.addi %mul3A_361, %add3A_573 : i32
        %swap3A_575 = arith.index_cast %add3A_574 : i32 to index
        %swap3A_576 = arith.constant 32 : index
        %swap3A_577 = tpu.vector_load %arg8[%swap3A_575, %swap3A_576] {strides = array<i32>} : memref<200x64xf32, #tpu.memory_space<vmem>>, vector<1x16xf32>,
        %swap3A_578 = vector.shape_cast %swap3A_577 : vector<1x16xf32> to vector<16xf32>
        %swap3A_579 = vector.shape_cast %add3A_572 : vector<16xf32> to vector<1x16xf32>
        tpu.vector_store %arg8[%swap3A_575, %swap3A_576], %swap3A_579 {strides = array<i32>} : memref<200x64xf32, #tpu.memory_space<vmem>>, vector<1x16xf32>,
        %add3A_580 = arith.constant 2 : i32
        %add3A_581 = arith.addi %mul3A_361, %add3A_580 : i32
        %get3A_582 = arith.index_cast %add3A_581 : i32 to index
        %get3A_583 = arith.constant 48 : index
        %get3A_584 = tpu.vector_load %arg8[%get3A_582, %get3A_583] {strides = array<i32>} : memref<200x64xf32, #tpu.memory_space<vmem>>, vector<1x16xf32>,
        %get3A_585 = vector.shape_cast %get3A_584 : vector<1x16xf32> to vector<16xf32>
        %add3A_586 = arith.constant 2 : i32
        %add3A_587 = arith.addi %mul3A_361, %add3A_586 : i32
        %get3A_588 = arith.index_cast %add3A_587 : i32 to index
        %get3A_589 = arith.constant 48 : index
        %get3A_590 = tpu.vector_load %arg11[%get3A_588, %get3A_589] {strides = array<i32>} : memref<200x64xf32, #tpu.memory_space<vmem>>, vector<1x16xf32>,
        %get3A_591 = vector.shape_cast %get3A_590 : vector<1x16xf32> to vector<16xf32>
        %add3A_592 = arith.addf %get3A_585, %get3A_591 : vector<16xf32>
        %add3A_593 = arith.constant 2 : i32
        %add3A_594 = arith.addi %mul3A_361, %add3A_593 : i32
        %swap3A_595 = arith.index_cast %add3A_594 : i32 to index
        %swap3A_596 = arith.constant 48 : index
        %swap3A_597 = tpu.vector_load %arg8[%swap3A_595, %swap3A_596] {strides = array<i32>} : memref<200x64xf32, #tpu.memory_space<vmem>>, vector<1x16xf32>,
        %swap3A_598 = vector.shape_cast %swap3A_597 : vector<1x16xf32> to vector<16xf32>
        %swap3A_599 = vector.shape_cast %add3A_592 : vector<16xf32> to vector<1x16xf32>
        tpu.vector_store %arg8[%swap3A_595, %swap3A_596], %swap3A_599 {strides = array<i32>} : memref<200x64xf32, #tpu.memory_space<vmem>>, vector<1x16xf32>,
        %add3A_600 = arith.constant 3 : i32
        %add3A_601 = arith.addi %mul3A_361, %add3A_600 : i32
        %get3A_602 = arith.index_cast %add3A_601 : i32 to index
        %get3A_603 = arith.constant 0 : index
        %get3A_604 = tpu.vector_load %arg8[%get3A_602, %get3A_603] {strides = array<i32>} : memref<200x64xf32, #tpu.memory_space<vmem>>, vector<1x16xf32>,
        %get3A_605 = vector.shape_cast %get3A_604 : vector<1x16xf32> to vector<16xf32>
        %add3A_606 = arith.constant 3 : i32
        %add3A_607 = arith.addi %mul3A_361, %add3A_606 : i32
        %get3A_608 = arith.index_cast %add3A_607 : i32 to index
        %get3A_609 = arith.constant 0 : index
        %get3A_610 = tpu.vector_load %arg11[%get3A_608, %get3A_609] {strides = array<i32>} : memref<200x64xf32, #tpu.memory_space<vmem>>, vector<1x16xf32>,
        %get3A_611 = vector.shape_cast %get3A_610 : vector<1x16xf32> to vector<16xf32>
        %add3A_612 = arith.addf %get3A_605, %get3A_611 : vector<16xf32>
        %add3A_613 = arith.constant 3 : i32
        %add3A_614 = arith.addi %mul3A_361, %add3A_613 : i32
        %swap3A_615 = arith.index_cast %add3A_614 : i32 to index
        %swap3A_616 = arith.constant 0 : index
        %swap3A_617 = tpu.vector_load %arg8[%swap3A_615, %swap3A_616] {strides = array<i32>} : memref<200x64xf32, #tpu.memory_space<vmem>>, vector<1x16xf32>,
        %swap3A_618 = vector.shape_cast %swap3A_617 : vector<1x16xf32> to vector<16xf32>
        %swap3A_619 = vector.shape_cast %add3A_612 : vector<16xf32> to vector<1x16xf32>
        tpu.vector_store %arg8[%swap3A_615, %swap3A_616], %swap3A_619 {strides = array<i32>} : memref<200x64xf32, #tpu.memory_space<vmem>>, vector<1x16xf32>,
        %add3A_620 = arith.constant 3 : i32
        %add3A_621 = arith.addi %mul3A_361, %add3A_620 : i32
        %get3A_622 = arith.index_cast %add3A_621 : i32 to index
        %get3A_623 = arith.constant 16 : index
        %get3A_624 = tpu.vector_load %arg8[%get3A_622, %get3A_623] {strides = array<i32>} : memref<200x64xf32, #tpu.memory_space<vmem>>, vector<1x16xf32>,
        %get3A_625 = vector.shape_cast %get3A_624 : vector<1x16xf32> to vector<16xf32>
        %add3A_626 = arith.constant 3 : i32
        %add3A_627 = arith.addi %mul3A_361, %add3A_626 : i32
        %get3A_628 = arith.index_cast %add3A_627 : i32 to index
        %get3A_629 = arith.constant 16 : index
        %get3A_630 = tpu.vector_load %arg11[%get3A_628, %get3A_629] {strides = array<i32>} : memref<200x64xf32, #tpu.memory_space<vmem>>, vector<1x16xf32>,
        %get3A_631 = vector.shape_cast %get3A_630 : vector<1x16xf32> to vector<16xf32>
        %add3A_632 = arith.addf %get3A_625, %get3A_631 : vector<16xf32>
        %add3A_633 = arith.constant 3 : i32
        %add3A_634 = arith.addi %mul3A_361, %add3A_633 : i32
        %swap3A_635 = arith.index_cast %add3A_634 : i32 to index
        %swap3A_636 = arith.constant 16 : index
        %swap3A_637 = tpu.vector_load %arg8[%swap3A_635, %swap3A_636] {strides = array<i32>} : memref<200x64xf32, #tpu.memory_space<vmem>>, vector<1x16xf32>,
        %swap3A_638 = vector.shape_cast %swap3A_637 : vector<1x16xf32> to vector<16xf32>
        %swap3A_639 = vector.shape_cast %add3A_632 : vector<16xf32> to vector<1x16xf32>
        tpu.vector_store %arg8[%swap3A_635, %swap3A_636], %swap3A_639 {strides = array<i32>} : memref<200x64xf32, #tpu.memory_space<vmem>>, vector<1x16xf32>,
        %add3A_640 = arith.constant 3 : i32
        %add3A_641 = arith.addi %mul3A_361, %add3A_640 : i32
        %get3A_642 = arith.index_cast %add3A_641 : i32 to index
        %get3A_643 = arith.constant 32 : index
        %get3A_644 = tpu.vector_load %arg8[%get3A_642, %get3A_643] {strides = array<i32>} : memref<200x64xf32, #tpu.memory_space<vmem>>, vector<1x16xf32>,
        %get3A_645 = vector.shape_cast %get3A_644 : vector<1x16xf32> to vector<16xf32>
        %add3A_646 = arith.constant 3 : i32
        %add3A_647 = arith.addi %mul3A_361, %add3A_646 : i32
        %get3A_648 = arith.index_cast %add3A_647 : i32 to index
        %get3A_649 = arith.constant 32 : index
        %get3A_650 = tpu.vector_load %arg11[%get3A_648, %get3A_649] {strides = array<i32>} : memref<200x64xf32, #tpu.memory_space<vmem>>, vector<1x16xf32>,
        %get3A_651 = vector.shape_cast %get3A_650 : vector<1x16xf32> to vector<16xf32>
        %add3A_652 = arith.addf %get3A_645, %get3A_651 : vector<16xf32>
        %add3A_653 = arith.constant 3 : i32
        %add3A_654 = arith.addi %mul3A_361, %add3A_653 : i32
        %swap3A_655 = arith.index_cast %add3A_654 : i32 to index
        %swap3A_656 = arith.constant 32 : index
        %swap3A_657 = tpu.vector_load %arg8[%swap3A_655, %swap3A_656] {strides = array<i32>} : memref<200x64xf32, #tpu.memory_space<vmem>>, vector<1x16xf32>,
        %swap3A_658 = vector.shape_cast %swap3A_657 : vector<1x16xf32> to vector<16xf32>
        %swap3A_659 = vector.shape_cast %add3A_652 : vector<16xf32> to vector<1x16xf32>
        tpu.vector_store %arg8[%swap3A_655, %swap3A_656], %swap3A_659 {strides = array<i32>} : memref<200x64xf32, #tpu.memory_space<vmem>>, vector<1x16xf32>,
        %add3A_660 = arith.constant 3 : i32
        %add3A_661 = arith.addi %mul3A_361, %add3A_660 : i32
        %get3A_662 = arith.index_cast %add3A_661 : i32 to index
        %get3A_663 = arith.constant 48 : index
        %get3A_664 = tpu.vector_load %arg8[%get3A_662, %get3A_663] {strides = array<i32>} : memref<200x64xf32, #tpu.memory_space<vmem>>, vector<1x16xf32>,
        %get3A_665 = vector.shape_cast %get3A_664 : vector<1x16xf32> to vector<16xf32>
        %add3A_666 = arith.constant 3 : i32
        %add3A_667 = arith.addi %mul3A_361, %add3A_666 : i32
        %get3A_668 = arith.index_cast %add3A_667 : i32 to index
        %get3A_669 = arith.constant 48 : index
        %get3A_670 = tpu.vector_load %arg11[%get3A_668, %get3A_669] {strides = array<i32>} : memref<200x64xf32, #tpu.memory_space<vmem>>, vector<1x16xf32>,
        %get3A_671 = vector.shape_cast %get3A_670 : vector<1x16xf32> to vector<16xf32>
        %add3A_672 = arith.addf %get3A_665, %get3A_671 : vector<16xf32>
        %add3A_673 = arith.constant 3 : i32
        %add3A_674 = arith.addi %mul3A_361, %add3A_673 : i32
        %swap3A_675 = arith.index_cast %add3A_674 : i32 to index
        %swap3A_676 = arith.constant 48 : index
        %swap3A_677 = tpu.vector_load %arg8[%swap3A_675, %swap3A_676] {strides = array<i32>} : memref<200x64xf32, #tpu.memory_space<vmem>>, vector<1x16xf32>,
        %swap3A_678 = vector.shape_cast %swap3A_677 : vector<1x16xf32> to vector<16xf32>
        %swap3A_679 = vector.shape_cast %add3A_672 : vector<16xf32> to vector<1x16xf32>
        tpu.vector_store %arg8[%swap3A_675, %swap3A_676], %swap3A_679 {strides = array<i32>} : memref<200x64xf32, #tpu.memory_space<vmem>>, vector<1x16xf32>,
      }
      %scan3A_281 = arith.constant 50 : i32
      %mul3A_282 = arith.constant 200 : i32
      %mul3A_283 = arith.muli %add3A_255, %mul3A_282 : i32
      %add3A_284 = arith.addi %mul3A_2, %mul3A_283 : i32
      %dma_start3A_285 = arith.constant 0 : i32
      %dma_start3A_286 = tpu.memref_slice %arg5[%add3A_284, %dma_start3A_285] : memref<819200x64xf32, #tpu.memory_space<hbm>> -> memref<200x64xf32, #tpu.memory_space<hbm>>
      %dma_start3A_287 = arith.constant 0 : i32
      %dma_start3A_288 = tpu.memref_slice %arg5[%add3A_284, %dma_start3A_287] : memref<819200x64xf32, #tpu.memory_space<hbm>> -> memref<200x64xf32, #tpu.memory_space<hbm>>
      tpu.enqueue_dma source(%arg8 : memref<200x64xf32, #tpu.memory_space<vmem>>) target(%dma_start3A_288 : memref<200x64xf32, #tpu.memory_space<hbm>>) target_semaphore(%arg13 : memref<!tpu.dma_semaphore, #tpu.memory_space<semaphore_mem>>)
      %add3A_289 = arith.constant 2 : i32
      %add3A_290 = arith.addi %mul3A_219, %add3A_289 : i32
      %dma_wait3A_291 = arith.constant 0 : i32
      %dma_wait3A_292 = tpu.memref_slice %arg5[%mul3A_2, %dma_wait3A_291] : memref<819200x64xf32, #tpu.memory_space<hbm>> -> memref<200x64xf32, #tpu.memory_space<hbm>>
      %dma_wait3A_293 = arith.constant 0 : i32
      %dma_wait3A_294 = tpu.memref_slice %arg5[%mul3A_2, %dma_wait3A_293] : memref<819200x64xf32, #tpu.memory_space<hbm>> -> memref<200x64xf32, #tpu.memory_space<hbm>>
      tpu.wait_dma2 semaphore(%arg13 : memref<!tpu.dma_semaphore, #tpu.memory_space<semaphore_mem>>) src(%arg8 : memref<200x64xf32, #tpu.memory_space<vmem>>) dst(%dma_wait3A_294 : memref<200x64xf32, #tpu.memory_space<hbm>>)
      %add3A_295 = arith.constant 4 : i32
      %add3A_296 = arith.addi %add3A_290, %add3A_295 : i32
      %sub3A_297 = arith.constant 1 : i32
      %sub3A_298 = arith.subi %add3A_296, %sub3A_297 : i32
      %mul3A_299 = arith.constant 200 : i32
      %mul3A_300 = arith.muli %sub3A_298, %mul3A_299 : i32
      %dma_start3A_301 = tpu.memref_slice %arg6[%mul3A_300] : memref<25600xi32, #tpu.memory_space<vmem>> -> memref<200xi32, #tpu.memory_space<vmem>>
      %dma_start3A_302 = arith.constant 0 : i32
      %dma_start3A_303 = arith.constant 0 : i32
      %dma_start3A_304 = tpu.memref_slice %arg3[%dma_start3A_302, %dma_start3A_303] : memref<1000000x64xf32, #tpu.memory_space<hbm>> -> memref<1000000x64xf32, #tpu.memory_space<hbm>>
      tpu.enqueue_indirect_dma source(%dma_start3A_304 : memref<1000000x64xf32, #tpu.memory_space<hbm>>) target(%arg8 : memref<200x64xf32, #tpu.memory_space<vmem>>) offsets(%dma_start3A_301 : memref<200xi32, #tpu.memory_space<vmem>>) semaphore(%arg12 : memref<!tpu.dma_semaphore, #tpu.memory_space<semaphore_mem>>)
      %mul3A_305 = arith.constant 200 : i32
      %mul3A_306 = arith.muli %add3A_290, %mul3A_305 : i32
      %dma_wait3A_307 = tpu.memref_slice %arg6[%mul3A_306] : memref<25600xi32, #tpu.memory_space<vmem>> -> memref<200xi32, #tpu.memory_space<vmem>>
      %dma_wait3A_308 = arith.constant 0 : i32
      %dma_wait3A_309 = arith.constant 0 : i32
      %dma_wait3A_310 = tpu.memref_slice %arg3[%dma_wait3A_308, %dma_wait3A_309] : memref<1000000x64xf32, #tpu.memory_space<hbm>> -> memref<1000000x64xf32, #tpu.memory_space<hbm>>
      tpu.wait_indirect_dma semaphore(%arg12 : memref<!tpu.dma_semaphore, #tpu.memory_space<semaphore_mem>>) src(%dma_wait3A_310 : memref<1000000x64xf32, #tpu.memory_space<hbm>>) dst(%arg9 : memref<200x64xf32, #tpu.memory_space<vmem>>)
      %scan3A_311 = arith.constant 0 : i32
      %scan3A_312 = arith.constant 0 : i32
      %scan3A_313 = arith.constant 50 : i32
      %scan3A_314 = arith.addi %scan3A_312, %scan3A_313 : i32
      %scan3A_315 = arith.constant 1 : i32
      scf.for %scan3A_359 = %scan3A_312 to %scan3A_314 step %scan3A_315  : i32 {
        %mul3A_360 = arith.constant 4 : i32
        %mul3A_361 = arith.muli %scan3A_359, %mul3A_360 : i32
        %add3A_362 = arith.constant 0 : i32
        %add3A_363 = arith.addi %mul3A_361, %add3A_362 : i32
        %get3A = arith.index_cast %add3A_363 : i32 to index
        %get3A_364 = arith.constant 0 : index
        %get3A_365 = tpu.vector_load %arg9[%get3A, %get3A_364] {strides = array<i32>} : memref<200x64xf32, #tpu.memory_space<vmem>>, vector<1x16xf32>,
        %get3A_366 = vector.shape_cast %get3A_365 : vector<1x16xf32> to vector<16xf32>
        %add3A_367 = arith.constant 0 : i32
        %add3A_368 = arith.addi %mul3A_361, %add3A_367 : i32
        %get3A_369 = arith.index_cast %add3A_368 : i32 to index
        %get3A_370 = arith.constant 0 : index
        %get3A_371 = tpu.vector_load %arg11[%get3A_369, %get3A_370] {strides = array<i32>} : memref<200x64xf32, #tpu.memory_space<vmem>>, vector<1x16xf32>,
        %get3A_372 = vector.shape_cast %get3A_371 : vector<1x16xf32> to vector<16xf32>
        %add3A_373 = arith.addf %get3A_366, %get3A_372 : vector<16xf32>
        %add3A_374 = arith.constant 0 : i32
        %add3A_375 = arith.addi %mul3A_361, %add3A_374 : i32
        %swap3A = arith.index_cast %add3A_375 : i32 to index
        %swap3A_376 = arith.constant 0 : index
        %swap3A_377 = tpu.vector_load %arg9[%swap3A, %swap3A_376] {strides = array<i32>} : memref<200x64xf32, #tpu.memory_space<vmem>>, vector<1x16xf32>,
        %swap3A_378 = vector.shape_cast %swap3A_377 : vector<1x16xf32> to vector<16xf32>
        %swap3A_379 = vector.shape_cast %add3A_373 : vector<16xf32> to vector<1x16xf32>
        tpu.vector_store %arg9[%swap3A, %swap3A_376], %swap3A_379 {strides = array<i32>} : memref<200x64xf32, #tpu.memory_space<vmem>>, vector<1x16xf32>,
        %add3A_380 = arith.constant 0 : i32
        %add3A_381 = arith.addi %mul3A_361, %add3A_380 : i32
        %get3A_382 = arith.index_cast %add3A_381 : i32 to index
        %get3A_383 = arith.constant 16 : index
        %get3A_384 = tpu.vector_load %arg9[%get3A_382, %get3A_383] {strides = array<i32>} : memref<200x64xf32, #tpu.memory_space<vmem>>, vector<1x16xf32>,
        %get3A_385 = vector.shape_cast %get3A_384 : vector<1x16xf32> to vector<16xf32>
        %add3A_386 = arith.constant 0 : i32
        %add3A_387 = arith.addi %mul3A_361, %add3A_386 : i32
        %get3A_388 = arith.index_cast %add3A_387 : i32 to index
        %get3A_389 = arith.constant 16 : index
        %get3A_390 = tpu.vector_load %arg11[%get3A_388, %get3A_389] {strides = array<i32>} : memref<200x64xf32, #tpu.memory_space<vmem>>, vector<1x16xf32>,
        %get3A_391 = vector.shape_cast %get3A_390 : vector<1x16xf32> to vector<16xf32>
        %add3A_392 = arith.addf %get3A_385, %get3A_391 : vector<16xf32>
        %add3A_393 = arith.constant 0 : i32
        %add3A_394 = arith.addi %mul3A_361, %add3A_393 : i32
        %swap3A_395 = arith.index_cast %add3A_394 : i32 to index
        %swap3A_396 = arith.constant 16 : index
        %swap3A_397 = tpu.vector_load %arg9[%swap3A_395, %swap3A_396] {strides = array<i32>} : memref<200x64xf32, #tpu.memory_space<vmem>>, vector<1x16xf32>,
        %swap3A_398 = vector.shape_cast %swap3A_397 : vector<1x16xf32> to vector<16xf32>
        %swap3A_399 = vector.shape_cast %add3A_392 : vector<16xf32> to vector<1x16xf32>
        tpu.vector_store %arg9[%swap3A_395, %swap3A_396], %swap3A_399 {strides = array<i32>} : memref<200x64xf32, #tpu.memory_space<vmem>>, vector<1x16xf32>,
        %add3A_400 = arith.constant 0 : i32
        %add3A_401 = arith.addi %mul3A_361, %add3A_400 : i32
        %get3A_402 = arith.index_cast %add3A_401 : i32 to index
        %get3A_403 = arith.constant 32 : index
        %get3A_404 = tpu.vector_load %arg9[%get3A_402, %get3A_403] {strides = array<i32>} : memref<200x64xf32, #tpu.memory_space<vmem>>, vector<1x16xf32>,
        %get3A_405 = vector.shape_cast %get3A_404 : vector<1x16xf32> to vector<16xf32>
        %add3A_406 = arith.constant 0 : i32
        %add3A_407 = arith.addi %mul3A_361, %add3A_406 : i32
        %get3A_408 = arith.index_cast %add3A_407 : i32 to index
        %get3A_409 = arith.constant 32 : index
        %get3A_410 = tpu.vector_load %arg11[%get3A_408, %get3A_409] {strides = array<i32>} : memref<200x64xf32, #tpu.memory_space<vmem>>, vector<1x16xf32>,
        %get3A_411 = vector.shape_cast %get3A_410 : vector<1x16xf32> to vector<16xf32>
        %add3A_412 = arith.addf %get3A_405, %get3A_411 : vector<16xf32>
        %add3A_413 = arith.constant 0 : i32
        %add3A_414 = arith.addi %mul3A_361, %add3A_413 : i32
        %swap3A_415 = arith.index_cast %add3A_414 : i32 to index
        %swap3A_416 = arith.constant 32 : index
        %swap3A_417 = tpu.vector_load %arg9[%swap3A_415, %swap3A_416] {strides = array<i32>} : memref<200x64xf32, #tpu.memory_space<vmem>>, vector<1x16xf32>,
        %swap3A_418 = vector.shape_cast %swap3A_417 : vector<1x16xf32> to vector<16xf32>
        %swap3A_419 = vector.shape_cast %add3A_412 : vector<16xf32> to vector<1x16xf32>
        tpu.vector_store %arg9[%swap3A_415, %swap3A_416], %swap3A_419 {strides = array<i32>} : memref<200x64xf32, #tpu.memory_space<vmem>>, vector<1x16xf32>,
        %add3A_420 = arith.constant 0 : i32
        %add3A_421 = arith.addi %mul3A_361, %add3A_420 : i32
        %get3A_422 = arith.index_cast %add3A_421 : i32 to index
        %get3A_423 = arith.constant 48 : index
        %get3A_424 = tpu.vector_load %arg9[%get3A_422, %get3A_423] {strides = array<i32>} : memref<200x64xf32, #tpu.memory_space<vmem>>, vector<1x16xf32>,
        %get3A_425 = vector.shape_cast %get3A_424 : vector<1x16xf32> to vector<16xf32>
        %add3A_426 = arith.constant 0 : i32
        %add3A_427 = arith.addi %mul3A_361, %add3A_426 : i32
        %get3A_428 = arith.index_cast %add3A_427 : i32 to index
        %get3A_429 = arith.constant 48 : index
        %get3A_430 = tpu.vector_load %arg11[%get3A_428, %get3A_429] {strides = array<i32>} : memref<200x64xf32, #tpu.memory_space<vmem>>, vector<1x16xf32>,
        %get3A_431 = vector.shape_cast %get3A_430 : vector<1x16xf32> to vector<16xf32>
        %add3A_432 = arith.addf %get3A_425, %get3A_431 : vector<16xf32>
        %add3A_433 = arith.constant 0 : i32
        %add3A_434 = arith.addi %mul3A_361, %add3A_433 : i32
        %swap3A_435 = arith.index_cast %add3A_434 : i32 to index
        %swap3A_436 = arith.constant 48 : index
        %swap3A_437 = tpu.vector_load %arg9[%swap3A_435, %swap3A_436] {strides = array<i32>} : memref<200x64xf32, #tpu.memory_space<vmem>>, vector<1x16xf32>,
        %swap3A_438 = vector.shape_cast %swap3A_437 : vector<1x16xf32> to vector<16xf32>
        %swap3A_439 = vector.shape_cast %add3A_432 : vector<16xf32> to vector<1x16xf32>
        tpu.vector_store %arg9[%swap3A_435, %swap3A_436], %swap3A_439 {strides = array<i32>} : memref<200x64xf32, #tpu.memory_space<vmem>>, vector<1x16xf32>,
        %add3A_440 = arith.constant 1 : i32
        %add3A_441 = arith.addi %mul3A_361, %add3A_440 : i32
        %get3A_442 = arith.index_cast %add3A_441 : i32 to index
        %get3A_443 = arith.constant 0 : index
        %get3A_444 = tpu.vector_load %arg9[%get3A_442, %get3A_443] {strides = array<i32>} : memref<200x64xf32, #tpu.memory_space<vmem>>, vector<1x16xf32>,
        %get3A_445 = vector.shape_cast %get3A_444 : vector<1x16xf32> to vector<16xf32>
        %add3A_446 = arith.constant 1 : i32
        %add3A_447 = arith.addi %mul3A_361, %add3A_446 : i32
        %get3A_448 = arith.index_cast %add3A_447 : i32 to index
        %get3A_449 = arith.constant 0 : index
        %get3A_450 = tpu.vector_load %arg11[%get3A_448, %get3A_449] {strides = array<i32>} : memref<200x64xf32, #tpu.memory_space<vmem>>, vector<1x16xf32>,
        %get3A_451 = vector.shape_cast %get3A_450 : vector<1x16xf32> to vector<16xf32>
        %add3A_452 = arith.addf %get3A_445, %get3A_451 : vector<16xf32>
        %add3A_453 = arith.constant 1 : i32
        %add3A_454 = arith.addi %mul3A_361, %add3A_453 : i32
        %swap3A_455 = arith.index_cast %add3A_454 : i32 to index
        %swap3A_456 = arith.constant 0 : index
        %swap3A_457 = tpu.vector_load %arg9[%swap3A_455, %swap3A_456] {strides = array<i32>} : memref<200x64xf32, #tpu.memory_space<vmem>>, vector<1x16xf32>,
        %swap3A_458 = vector.shape_cast %swap3A_457 : vector<1x16xf32> to vector<16xf32>
        %swap3A_459 = vector.shape_cast %add3A_452 : vector<16xf32> to vector<1x16xf32>
        tpu.vector_store %arg9[%swap3A_455, %swap3A_456], %swap3A_459 {strides = array<i32>} : memref<200x64xf32, #tpu.memory_space<vmem>>, vector<1x16xf32>,
        %add3A_460 = arith.constant 1 : i32
        %add3A_461 = arith.addi %mul3A_361, %add3A_460 : i32
        %get3A_462 = arith.index_cast %add3A_461 : i32 to index
        %get3A_463 = arith.constant 16 : index
        %get3A_464 = tpu.vector_load %arg9[%get3A_462, %get3A_463] {strides = array<i32>} : memref<200x64xf32, #tpu.memory_space<vmem>>, vector<1x16xf32>,
        %get3A_465 = vector.shape_cast %get3A_464 : vector<1x16xf32> to vector<16xf32>
        %add3A_466 = arith.constant 1 : i32
        %add3A_467 = arith.addi %mul3A_361, %add3A_466 : i32
        %get3A_468 = arith.index_cast %add3A_467 : i32 to index
        %get3A_469 = arith.constant 16 : index
        %get3A_470 = tpu.vector_load %arg11[%get3A_468, %get3A_469] {strides = array<i32>} : memref<200x64xf32, #tpu.memory_space<vmem>>, vector<1x16xf32>,
        %get3A_471 = vector.shape_cast %get3A_470 : vector<1x16xf32> to vector<16xf32>
        %add3A_472 = arith.addf %get3A_465, %get3A_471 : vector<16xf32>
        %add3A_473 = arith.constant 1 : i32
        %add3A_474 = arith.addi %mul3A_361, %add3A_473 : i32
        %swap3A_475 = arith.index_cast %add3A_474 : i32 to index
        %swap3A_476 = arith.constant 16 : index
        %swap3A_477 = tpu.vector_load %arg9[%swap3A_475, %swap3A_476] {strides = array<i32>} : memref<200x64xf32, #tpu.memory_space<vmem>>, vector<1x16xf32>,
        %swap3A_478 = vector.shape_cast %swap3A_477 : vector<1x16xf32> to vector<16xf32>
        %swap3A_479 = vector.shape_cast %add3A_472 : vector<16xf32> to vector<1x16xf32>
        tpu.vector_store %arg9[%swap3A_475, %swap3A_476], %swap3A_479 {strides = array<i32>} : memref<200x64xf32, #tpu.memory_space<vmem>>, vector<1x16xf32>,
        %add3A_480 = arith.constant 1 : i32
        %add3A_481 = arith.addi %mul3A_361, %add3A_480 : i32
        %get3A_482 = arith.index_cast %add3A_481 : i32 to index
        %get3A_483 = arith.constant 32 : index
        %get3A_484 = tpu.vector_load %arg9[%get3A_482, %get3A_483] {strides = array<i32>} : memref<200x64xf32, #tpu.memory_space<vmem>>, vector<1x16xf32>,
        %get3A_485 = vector.shape_cast %get3A_484 : vector<1x16xf32> to vector<16xf32>
        %add3A_486 = arith.constant 1 : i32
        %add3A_487 = arith.addi %mul3A_361, %add3A_486 : i32
        %get3A_488 = arith.index_cast %add3A_487 : i32 to index
        %get3A_489 = arith.constant 32 : index
        %get3A_490 = tpu.vector_load %arg11[%get3A_488, %get3A_489] {strides = array<i32>} : memref<200x64xf32, #tpu.memory_space<vmem>>, vector<1x16xf32>,
        %get3A_491 = vector.shape_cast %get3A_490 : vector<1x16xf32> to vector<16xf32>
        %add3A_492 = arith.addf %get3A_485, %get3A_491 : vector<16xf32>
        %add3A_493 = arith.constant 1 : i32
        %add3A_494 = arith.addi %mul3A_361, %add3A_493 : i32
        %swap3A_495 = arith.index_cast %add3A_494 : i32 to index
        %swap3A_496 = arith.constant 32 : index
        %swap3A_497 = tpu.vector_load %arg9[%swap3A_495, %swap3A_496] {strides = array<i32>} : memref<200x64xf32, #tpu.memory_space<vmem>>, vector<1x16xf32>,
        %swap3A_498 = vector.shape_cast %swap3A_497 : vector<1x16xf32> to vector<16xf32>
        %swap3A_499 = vector.shape_cast %add3A_492 : vector<16xf32> to vector<1x16xf32>
        tpu.vector_store %arg9[%swap3A_495, %swap3A_496], %swap3A_499 {strides = array<i32>} : memref<200x64xf32, #tpu.memory_space<vmem>>, vector<1x16xf32>,
        %add3A_500 = arith.constant 1 : i32
        %add3A_501 = arith.addi %mul3A_361, %add3A_500 : i32
        %get3A_502 = arith.index_cast %add3A_501 : i32 to index
        %get3A_503 = arith.constant 48 : index
        %get3A_504 = tpu.vector_load %arg9[%get3A_502, %get3A_503] {strides = array<i32>} : memref<200x64xf32, #tpu.memory_space<vmem>>, vector<1x16xf32>,
        %get3A_505 = vector.shape_cast %get3A_504 : vector<1x16xf32> to vector<16xf32>
        %add3A_506 = arith.constant 1 : i32
        %add3A_507 = arith.addi %mul3A_361, %add3A_506 : i32
        %get3A_508 = arith.index_cast %add3A_507 : i32 to index
        %get3A_509 = arith.constant 48 : index
        %get3A_510 = tpu.vector_load %arg11[%get3A_508, %get3A_509] {strides = array<i32>} : memref<200x64xf32, #tpu.memory_space<vmem>>, vector<1x16xf32>,
        %get3A_511 = vector.shape_cast %get3A_510 : vector<1x16xf32> to vector<16xf32>
        %add3A_512 = arith.addf %get3A_505, %get3A_511 : vector<16xf32>
        %add3A_513 = arith.constant 1 : i32
        %add3A_514 = arith.addi %mul3A_361, %add3A_513 : i32
        %swap3A_515 = arith.index_cast %add3A_514 : i32 to index
        %swap3A_516 = arith.constant 48 : index
        %swap3A_517 = tpu.vector_load %arg9[%swap3A_515, %swap3A_516] {strides = array<i32>} : memref<200x64xf32, #tpu.memory_space<vmem>>, vector<1x16xf32>,
        %swap3A_518 = vector.shape_cast %swap3A_517 : vector<1x16xf32> to vector<16xf32>
        %swap3A_519 = vector.shape_cast %add3A_512 : vector<16xf32> to vector<1x16xf32>
        tpu.vector_store %arg9[%swap3A_515, %swap3A_516], %swap3A_519 {strides = array<i32>} : memref<200x64xf32, #tpu.memory_space<vmem>>, vector<1x16xf32>,
        %add3A_520 = arith.constant 2 : i32
        %add3A_521 = arith.addi %mul3A_361, %add3A_520 : i32
        %get3A_522 = arith.index_cast %add3A_521 : i32 to index
        %get3A_523 = arith.constant 0 : index
        %get3A_524 = tpu.vector_load %arg9[%get3A_522, %get3A_523] {strides = array<i32>} : memref<200x64xf32, #tpu.memory_space<vmem>>, vector<1x16xf32>,
        %get3A_525 = vector.shape_cast %get3A_524 : vector<1x16xf32> to vector<16xf32>
        %add3A_526 = arith.constant 2 : i32
        %add3A_527 = arith.addi %mul3A_361, %add3A_526 : i32
        %get3A_528 = arith.index_cast %add3A_527 : i32 to index
        %get3A_529 = arith.constant 0 : index
        %get3A_530 = tpu.vector_load %arg11[%get3A_528, %get3A_529] {strides = array<i32>} : memref<200x64xf32, #tpu.memory_space<vmem>>, vector<1x16xf32>,
        %get3A_531 = vector.shape_cast %get3A_530 : vector<1x16xf32> to vector<16xf32>
        %add3A_532 = arith.addf %get3A_525, %get3A_531 : vector<16xf32>
        %add3A_533 = arith.constant 2 : i32
        %add3A_534 = arith.addi %mul3A_361, %add3A_533 : i32
        %swap3A_535 = arith.index_cast %add3A_534 : i32 to index
        %swap3A_536 = arith.constant 0 : index
        %swap3A_537 = tpu.vector_load %arg9[%swap3A_535, %swap3A_536] {strides = array<i32>} : memref<200x64xf32, #tpu.memory_space<vmem>>, vector<1x16xf32>,
        %swap3A_538 = vector.shape_cast %swap3A_537 : vector<1x16xf32> to vector<16xf32>
        %swap3A_539 = vector.shape_cast %add3A_532 : vector<16xf32> to vector<1x16xf32>
        tpu.vector_store %arg9[%swap3A_535, %swap3A_536], %swap3A_539 {strides = array<i32>} : memref<200x64xf32, #tpu.memory_space<vmem>>, vector<1x16xf32>,
        %add3A_540 = arith.constant 2 : i32
        %add3A_541 = arith.addi %mul3A_361, %add3A_540 : i32
        %get3A_542 = arith.index_cast %add3A_541 : i32 to index
        %get3A_543 = arith.constant 16 : index
        %get3A_544 = tpu.vector_load %arg9[%get3A_542, %get3A_543] {strides = array<i32>} : memref<200x64xf32, #tpu.memory_space<vmem>>, vector<1x16xf32>,
        %get3A_545 = vector.shape_cast %get3A_544 : vector<1x16xf32> to vector<16xf32>
        %add3A_546 = arith.constant 2 : i32
        %add3A_547 = arith.addi %mul3A_361, %add3A_546 : i32
        %get3A_548 = arith.index_cast %add3A_547 : i32 to index
        %get3A_549 = arith.constant 16 : index
        %get3A_550 = tpu.vector_load %arg11[%get3A_548, %get3A_549] {strides = array<i32>} : memref<200x64xf32, #tpu.memory_space<vmem>>, vector<1x16xf32>,
        %get3A_551 = vector.shape_cast %get3A_550 : vector<1x16xf32> to vector<16xf32>
        %add3A_552 = arith.addf %get3A_545, %get3A_551 : vector<16xf32>
        %add3A_553 = arith.constant 2 : i32
        %add3A_554 = arith.addi %mul3A_361, %add3A_553 : i32
        %swap3A_555 = arith.index_cast %add3A_554 : i32 to index
        %swap3A_556 = arith.constant 16 : index
        %swap3A_557 = tpu.vector_load %arg9[%swap3A_555, %swap3A_556] {strides = array<i32>} : memref<200x64xf32, #tpu.memory_space<vmem>>, vector<1x16xf32>,
        %swap3A_558 = vector.shape_cast %swap3A_557 : vector<1x16xf32> to vector<16xf32>
        %swap3A_559 = vector.shape_cast %add3A_552 : vector<16xf32> to vector<1x16xf32>
        tpu.vector_store %arg9[%swap3A_555, %swap3A_556], %swap3A_559 {strides = array<i32>} : memref<200x64xf32, #tpu.memory_space<vmem>>, vector<1x16xf32>,
        %add3A_560 = arith.constant 2 : i32
        %add3A_561 = arith.addi %mul3A_361, %add3A_560 : i32
        %get3A_562 = arith.index_cast %add3A_561 : i32 to index
        %get3A_563 = arith.constant 32 : index
        %get3A_564 = tpu.vector_load %arg9[%get3A_562, %get3A_563] {strides = array<i32>} : memref<200x64xf32, #tpu.memory_space<vmem>>, vector<1x16xf32>,
        %get3A_565 = vector.shape_cast %get3A_564 : vector<1x16xf32> to vector<16xf32>
        %add3A_566 = arith.constant 2 : i32
        %add3A_567 = arith.addi %mul3A_361, %add3A_566 : i32
        %get3A_568 = arith.index_cast %add3A_567 : i32 to index
        %get3A_569 = arith.constant 32 : index
        %get3A_570 = tpu.vector_load %arg11[%get3A_568, %get3A_569] {strides = array<i32>} : memref<200x64xf32, #tpu.memory_space<vmem>>, vector<1x16xf32>,
        %get3A_571 = vector.shape_cast %get3A_570 : vector<1x16xf32> to vector<16xf32>
        %add3A_572 = arith.addf %get3A_565, %get3A_571 : vector<16xf32>
        %add3A_573 = arith.constant 2 : i32
        %add3A_574 = arith.addi %mul3A_361, %add3A_573 : i32
        %swap3A_575 = arith.index_cast %add3A_574 : i32 to index
        %swap3A_576 = arith.constant 32 : index
        %swap3A_577 = tpu.vector_load %arg9[%swap3A_575, %swap3A_576] {strides = array<i32>} : memref<200x64xf32, #tpu.memory_space<vmem>>, vector<1x16xf32>,
        %swap3A_578 = vector.shape_cast %swap3A_577 : vector<1x16xf32> to vector<16xf32>
        %swap3A_579 = vector.shape_cast %add3A_572 : vector<16xf32> to vector<1x16xf32>
        tpu.vector_store %arg9[%swap3A_575, %swap3A_576], %swap3A_579 {strides = array<i32>} : memref<200x64xf32, #tpu.memory_space<vmem>>, vector<1x16xf32>,
        %add3A_580 = arith.constant 2 : i32
        %add3A_581 = arith.addi %mul3A_361, %add3A_580 : i32
        %get3A_582 = arith.index_cast %add3A_581 : i32 to index
        %get3A_583 = arith.constant 48 : index
        %get3A_584 = tpu.vector_load %arg9[%get3A_582, %get3A_583] {strides = array<i32>} : memref<200x64xf32, #tpu.memory_space<vmem>>, vector<1x16xf32>,
        %get3A_585 = vector.shape_cast %get3A_584 : vector<1x16xf32> to vector<16xf32>
        %add3A_586 = arith.constant 2 : i32
        %add3A_587 = arith.addi %mul3A_361, %add3A_586 : i32
        %get3A_588 = arith.index_cast %add3A_587 : i32 to index
        %get3A_589 = arith.constant 48 : index
        %get3A_590 = tpu.vector_load %arg11[%get3A_588, %get3A_589] {strides = array<i32>} : memref<200x64xf32, #tpu.memory_space<vmem>>, vector<1x16xf32>,
        %get3A_591 = vector.shape_cast %get3A_590 : vector<1x16xf32> to vector<16xf32>
        %add3A_592 = arith.addf %get3A_585, %get3A_591 : vector<16xf32>
        %add3A_593 = arith.constant 2 : i32
        %add3A_594 = arith.addi %mul3A_361, %add3A_593 : i32
        %swap3A_595 = arith.index_cast %add3A_594 : i32 to index
        %swap3A_596 = arith.constant 48 : index
        %swap3A_597 = tpu.vector_load %arg9[%swap3A_595, %swap3A_596] {strides = array<i32>} : memref<200x64xf32, #tpu.memory_space<vmem>>, vector<1x16xf32>,
        %swap3A_598 = vector.shape_cast %swap3A_597 : vector<1x16xf32> to vector<16xf32>
        %swap3A_599 = vector.shape_cast %add3A_592 : vector<16xf32> to vector<1x16xf32>
        tpu.vector_store %arg9[%swap3A_595, %swap3A_596], %swap3A_599 {strides = array<i32>} : memref<200x64xf32, #tpu.memory_space<vmem>>, vector<1x16xf32>,
        %add3A_600 = arith.constant 3 : i32
        %add3A_601 = arith.addi %mul3A_361, %add3A_600 : i32
        %get3A_602 = arith.index_cast %add3A_601 : i32 to index
        %get3A_603 = arith.constant 0 : index
        %get3A_604 = tpu.vector_load %arg9[%get3A_602, %get3A_603] {strides = array<i32>} : memref<200x64xf32, #tpu.memory_space<vmem>>, vector<1x16xf32>,
        %get3A_605 = vector.shape_cast %get3A_604 : vector<1x16xf32> to vector<16xf32>
        %add3A_606 = arith.constant 3 : i32
        %add3A_607 = arith.addi %mul3A_361, %add3A_606 : i32
        %get3A_608 = arith.index_cast %add3A_607 : i32 to index
        %get3A_609 = arith.constant 0 : index
        %get3A_610 = tpu.vector_load %arg11[%get3A_608, %get3A_609] {strides = array<i32>} : memref<200x64xf32, #tpu.memory_space<vmem>>, vector<1x16xf32>,
        %get3A_611 = vector.shape_cast %get3A_610 : vector<1x16xf32> to vector<16xf32>
        %add3A_612 = arith.addf %get3A_605, %get3A_611 : vector<16xf32>
        %add3A_613 = arith.constant 3 : i32
        %add3A_614 = arith.addi %mul3A_361, %add3A_613 : i32
        %swap3A_615 = arith.index_cast %add3A_614 : i32 to index
        %swap3A_616 = arith.constant 0 : index
        %swap3A_617 = tpu.vector_load %arg9[%swap3A_615, %swap3A_616] {strides = array<i32>} : memref<200x64xf32, #tpu.memory_space<vmem>>, vector<1x16xf32>,
        %swap3A_618 = vector.shape_cast %swap3A_617 : vector<1x16xf32> to vector<16xf32>
        %swap3A_619 = vector.shape_cast %add3A_612 : vector<16xf32> to vector<1x16xf32>
        tpu.vector_store %arg9[%swap3A_615, %swap3A_616], %swap3A_619 {strides = array<i32>} : memref<200x64xf32, #tpu.memory_space<vmem>>, vector<1x16xf32>,
        %add3A_620 = arith.constant 3 : i32
        %add3A_621 = arith.addi %mul3A_361, %add3A_620 : i32
        %get3A_622 = arith.index_cast %add3A_621 : i32 to index
        %get3A_623 = arith.constant 16 : index
        %get3A_624 = tpu.vector_load %arg9[%get3A_622, %get3A_623] {strides = array<i32>} : memref<200x64xf32, #tpu.memory_space<vmem>>, vector<1x16xf32>,
        %get3A_625 = vector.shape_cast %get3A_624 : vector<1x16xf32> to vector<16xf32>
        %add3A_626 = arith.constant 3 : i32
        %add3A_627 = arith.addi %mul3A_361, %add3A_626 : i32
        %get3A_628 = arith.index_cast %add3A_627 : i32 to index
        %get3A_629 = arith.constant 16 : index
        %get3A_630 = tpu.vector_load %arg11[%get3A_628, %get3A_629] {strides = array<i32>} : memref<200x64xf32, #tpu.memory_space<vmem>>, vector<1x16xf32>,
        %get3A_631 = vector.shape_cast %get3A_630 : vector<1x16xf32> to vector<16xf32>
        %add3A_632 = arith.addf %get3A_625, %get3A_631 : vector<16xf32>
        %add3A_633 = arith.constant 3 : i32
        %add3A_634 = arith.addi %mul3A_361, %add3A_633 : i32
        %swap3A_635 = arith.index_cast %add3A_634 : i32 to index
        %swap3A_636 = arith.constant 16 : index
        %swap3A_637 = tpu.vector_load %arg9[%swap3A_635, %swap3A_636] {strides = array<i32>} : memref<200x64xf32, #tpu.memory_space<vmem>>, vector<1x16xf32>,
        %swap3A_638 = vector.shape_cast %swap3A_637 : vector<1x16xf32> to vector<16xf32>
        %swap3A_639 = vector.shape_cast %add3A_632 : vector<16xf32> to vector<1x16xf32>
        tpu.vector_store %arg9[%swap3A_635, %swap3A_636], %swap3A_639 {strides = array<i32>} : memref<200x64xf32, #tpu.memory_space<vmem>>, vector<1x16xf32>,
        %add3A_640 = arith.constant 3 : i32
        %add3A_641 = arith.addi %mul3A_361, %add3A_640 : i32
        %get3A_642 = arith.index_cast %add3A_641 : i32 to index
        %get3A_643 = arith.constant 32 : index
        %get3A_644 = tpu.vector_load %arg9[%get3A_642, %get3A_643] {strides = array<i32>} : memref<200x64xf32, #tpu.memory_space<vmem>>, vector<1x16xf32>,
        %get3A_645 = vector.shape_cast %get3A_644 : vector<1x16xf32> to vector<16xf32>
        %add3A_646 = arith.constant 3 : i32
        %add3A_647 = arith.addi %mul3A_361, %add3A_646 : i32
        %get3A_648 = arith.index_cast %add3A_647 : i32 to index
        %get3A_649 = arith.constant 32 : index
        %get3A_650 = tpu.vector_load %arg11[%get3A_648, %get3A_649] {strides = array<i32>} : memref<200x64xf32, #tpu.memory_space<vmem>>, vector<1x16xf32>,
        %get3A_651 = vector.shape_cast %get3A_650 : vector<1x16xf32> to vector<16xf32>
        %add3A_652 = arith.addf %get3A_645, %get3A_651 : vector<16xf32>
        %add3A_653 = arith.constant 3 : i32
        %add3A_654 = arith.addi %mul3A_361, %add3A_653 : i32
        %swap3A_655 = arith.index_cast %add3A_654 : i32 to index
        %swap3A_656 = arith.constant 32 : index
        %swap3A_657 = tpu.vector_load %arg9[%swap3A_655, %swap3A_656] {strides = array<i32>} : memref<200x64xf32, #tpu.memory_space<vmem>>, vector<1x16xf32>,
        %swap3A_658 = vector.shape_cast %swap3A_657 : vector<1x16xf32> to vector<16xf32>
        %swap3A_659 = vector.shape_cast %add3A_652 : vector<16xf32> to vector<1x16xf32>
        tpu.vector_store %arg9[%swap3A_655, %swap3A_656], %swap3A_659 {strides = array<i32>} : memref<200x64xf32, #tpu.memory_space<vmem>>, vector<1x16xf32>,
        %add3A_660 = arith.constant 3 : i32
        %add3A_661 = arith.addi %mul3A_361, %add3A_660 : i32
        %get3A_662 = arith.index_cast %add3A_661 : i32 to index
        %get3A_663 = arith.constant 48 : index
        %get3A_664 = tpu.vector_load %arg9[%get3A_662, %get3A_663] {strides = array<i32>} : memref<200x64xf32, #tpu.memory_space<vmem>>, vector<1x16xf32>,
        %get3A_665 = vector.shape_cast %get3A_664 : vector<1x16xf32> to vector<16xf32>
        %add3A_666 = arith.constant 3 : i32
        %add3A_667 = arith.addi %mul3A_361, %add3A_666 : i32
        %get3A_668 = arith.index_cast %add3A_667 : i32 to index
        %get3A_669 = arith.constant 48 : index
        %get3A_670 = tpu.vector_load %arg11[%get3A_668, %get3A_669] {strides = array<i32>} : memref<200x64xf32, #tpu.memory_space<vmem>>, vector<1x16xf32>,
        %get3A_671 = vector.shape_cast %get3A_670 : vector<1x16xf32> to vector<16xf32>
        %add3A_672 = arith.addf %get3A_665, %get3A_671 : vector<16xf32>
        %add3A_673 = arith.constant 3 : i32
        %add3A_674 = arith.addi %mul3A_361, %add3A_673 : i32
        %swap3A_675 = arith.index_cast %add3A_674 : i32 to index
        %swap3A_676 = arith.constant 48 : index
        %swap3A_677 = tpu.vector_load %arg9[%swap3A_675, %swap3A_676] {strides = array<i32>} : memref<200x64xf32, #tpu.memory_space<vmem>>, vector<1x16xf32>,
        %swap3A_678 = vector.shape_cast %swap3A_677 : vector<1x16xf32> to vector<16xf32>
        %swap3A_679 = vector.shape_cast %add3A_672 : vector<16xf32> to vector<1x16xf32>
        tpu.vector_store %arg9[%swap3A_675, %swap3A_676], %swap3A_679 {strides = array<i32>} : memref<200x64xf32, #tpu.memory_space<vmem>>, vector<1x16xf32>,
      }
      %scan3A_316 = arith.constant 50 : i32
      %mul3A_317 = arith.constant 200 : i32
      %mul3A_318 = arith.muli %add3A_290, %mul3A_317 : i32
      %add3A_319 = arith.addi %mul3A_2, %mul3A_318 : i32
      %dma_start3A_320 = arith.constant 0 : i32
      %dma_start3A_321 = tpu.memref_slice %arg5[%add3A_319, %dma_start3A_320] : memref<819200x64xf32, #tpu.memory_space<hbm>> -> memref<200x64xf32, #tpu.memory_space<hbm>>
      %dma_start3A_322 = arith.constant 0 : i32
      %dma_start3A_323 = tpu.memref_slice %arg5[%add3A_319, %dma_start3A_322] : memref<819200x64xf32, #tpu.memory_space<hbm>> -> memref<200x64xf32, #tpu.memory_space<hbm>>
      tpu.enqueue_dma source(%arg9 : memref<200x64xf32, #tpu.memory_space<vmem>>) target(%dma_start3A_323 : memref<200x64xf32, #tpu.memory_space<hbm>>) target_semaphore(%arg13 : memref<!tpu.dma_semaphore, #tpu.memory_space<semaphore_mem>>)
      %add3A_324 = arith.constant 3 : i32
      %add3A_325 = arith.addi %mul3A_219, %add3A_324 : i32
      %dma_wait3A_326 = arith.constant 0 : i32
      %dma_wait3A_327 = tpu.memref_slice %arg5[%mul3A_2, %dma_wait3A_326] : memref<819200x64xf32, #tpu.memory_space<hbm>> -> memref<200x64xf32, #tpu.memory_space<hbm>>
      %dma_wait3A_328 = arith.constant 0 : i32
      %dma_wait3A_329 = tpu.memref_slice %arg5[%mul3A_2, %dma_wait3A_328] : memref<819200x64xf32, #tpu.memory_space<hbm>> -> memref<200x64xf32, #tpu.memory_space<hbm>>
      tpu.wait_dma2 semaphore(%arg13 : memref<!tpu.dma_semaphore, #tpu.memory_space<semaphore_mem>>) src(%arg9 : memref<200x64xf32, #tpu.memory_space<vmem>>) dst(%dma_wait3A_329 : memref<200x64xf32, #tpu.memory_space<hbm>>)
      %add3A_330 = arith.constant 4 : i32
      %add3A_331 = arith.addi %add3A_325, %add3A_330 : i32
      %sub3A_332 = arith.constant 1 : i32
      %sub3A_333 = arith.subi %add3A_331, %sub3A_332 : i32
      %mul3A_334 = arith.constant 200 : i32
      %mul3A_335 = arith.muli %sub3A_333, %mul3A_334 : i32
      %dma_start3A_336 = tpu.memref_slice %arg6[%mul3A_335] : memref<25600xi32, #tpu.memory_space<vmem>> -> memref<200xi32, #tpu.memory_space<vmem>>
      %dma_start3A_337 = arith.constant 0 : i32
      %dma_start3A_338 = arith.constant 0 : i32
      %dma_start3A_339 = tpu.memref_slice %arg3[%dma_start3A_337, %dma_start3A_338] : memref<1000000x64xf32, #tpu.memory_space<hbm>> -> memref<1000000x64xf32, #tpu.memory_space<hbm>>
      tpu.enqueue_indirect_dma source(%dma_start3A_339 : memref<1000000x64xf32, #tpu.memory_space<hbm>>) target(%arg9 : memref<200x64xf32, #tpu.memory_space<vmem>>) offsets(%dma_start3A_336 : memref<200xi32, #tpu.memory_space<vmem>>) semaphore(%arg12 : memref<!tpu.dma_semaphore, #tpu.memory_space<semaphore_mem>>)
      %mul3A_340 = arith.constant 200 : i32
      %mul3A_341 = arith.muli %add3A_325, %mul3A_340 : i32
      %dma_wait3A_342 = tpu.memref_slice %arg6[%mul3A_341] : memref<25600xi32, #tpu.memory_space<vmem>> -> memref<200xi32, #tpu.memory_space<vmem>>
      %dma_wait3A_343 = arith.constant 0 : i32
      %dma_wait3A_344 = arith.constant 0 : i32
      %dma_wait3A_345 = tpu.memref_slice %arg3[%dma_wait3A_343, %dma_wait3A_344] : memref<1000000x64xf32, #tpu.memory_space<hbm>> -> memref<1000000x64xf32, #tpu.memory_space<hbm>>
      tpu.wait_indirect_dma semaphore(%arg12 : memref<!tpu.dma_semaphore, #tpu.memory_space<semaphore_mem>>) src(%dma_wait3A_345 : memref<1000000x64xf32, #tpu.memory_space<hbm>>) dst(%arg10 : memref<200x64xf32, #tpu.memory_space<vmem>>)
      %scan3A_346 = arith.constant 0 : i32
      %scan3A_347 = arith.constant 0 : i32
      %scan3A_348 = arith.constant 50 : i32
      %scan3A_349 = arith.addi %scan3A_347, %scan3A_348 : i32
      %scan3A_350 = arith.constant 1 : i32
      scf.for %scan3A_359 = %scan3A_347 to %scan3A_349 step %scan3A_350  : i32 {
        %mul3A_360 = arith.constant 4 : i32
        %mul3A_361 = arith.muli %scan3A_359, %mul3A_360 : i32
        %add3A_362 = arith.constant 0 : i32
        %add3A_363 = arith.addi %mul3A_361, %add3A_362 : i32
        %get3A = arith.index_cast %add3A_363 : i32 to index
        %get3A_364 = arith.constant 0 : index
        %get3A_365 = tpu.vector_load %arg10[%get3A, %get3A_364] {strides = array<i32>} : memref<200x64xf32, #tpu.memory_space<vmem>>, vector<1x16xf32>,
        %get3A_366 = vector.shape_cast %get3A_365 : vector<1x16xf32> to vector<16xf32>
        %add3A_367 = arith.constant 0 : i32
        %add3A_368 = arith.addi %mul3A_361, %add3A_367 : i32
        %get3A_369 = arith.index_cast %add3A_368 : i32 to index
        %get3A_370 = arith.constant 0 : index
        %get3A_371 = tpu.vector_load %arg11[%get3A_369, %get3A_370] {strides = array<i32>} : memref<200x64xf32, #tpu.memory_space<vmem>>, vector<1x16xf32>,
        %get3A_372 = vector.shape_cast %get3A_371 : vector<1x16xf32> to vector<16xf32>
        %add3A_373 = arith.addf %get3A_366, %get3A_372 : vector<16xf32>
        %add3A_374 = arith.constant 0 : i32
        %add3A_375 = arith.addi %mul3A_361, %add3A_374 : i32
        %swap3A = arith.index_cast %add3A_375 : i32 to index
        %swap3A_376 = arith.constant 0 : index
        %swap3A_377 = tpu.vector_load %arg10[%swap3A, %swap3A_376] {strides = array<i32>} : memref<200x64xf32, #tpu.memory_space<vmem>>, vector<1x16xf32>,
        %swap3A_378 = vector.shape_cast %swap3A_377 : vector<1x16xf32> to vector<16xf32>
        %swap3A_379 = vector.shape_cast %add3A_373 : vector<16xf32> to vector<1x16xf32>
        tpu.vector_store %arg10[%swap3A, %swap3A_376], %swap3A_379 {strides = array<i32>} : memref<200x64xf32, #tpu.memory_space<vmem>>, vector<1x16xf32>,
        %add3A_380 = arith.constant 0 : i32
        %add3A_381 = arith.addi %mul3A_361, %add3A_380 : i32
        %get3A_382 = arith.index_cast %add3A_381 : i32 to index
        %get3A_383 = arith.constant 16 : index
        %get3A_384 = tpu.vector_load %arg10[%get3A_382, %get3A_383] {strides = array<i32>} : memref<200x64xf32, #tpu.memory_space<vmem>>, vector<1x16xf32>,
        %get3A_385 = vector.shape_cast %get3A_384 : vector<1x16xf32> to vector<16xf32>
        %add3A_386 = arith.constant 0 : i32
        %add3A_387 = arith.addi %mul3A_361, %add3A_386 : i32
        %get3A_388 = arith.index_cast %add3A_387 : i32 to index
        %get3A_389 = arith.constant 16 : index
        %get3A_390 = tpu.vector_load %arg11[%get3A_388, %get3A_389] {strides = array<i32>} : memref<200x64xf32, #tpu.memory_space<vmem>>, vector<1x16xf32>,
        %get3A_391 = vector.shape_cast %get3A_390 : vector<1x16xf32> to vector<16xf32>
        %add3A_392 = arith.addf %get3A_385, %get3A_391 : vector<16xf32>
        %add3A_393 = arith.constant 0 : i32
        %add3A_394 = arith.addi %mul3A_361, %add3A_393 : i32
        %swap3A_395 = arith.index_cast %add3A_394 : i32 to index
        %swap3A_396 = arith.constant 16 : index
        %swap3A_397 = tpu.vector_load %arg10[%swap3A_395, %swap3A_396] {strides = array<i32>} : memref<200x64xf32, #tpu.memory_space<vmem>>, vector<1x16xf32>,
        %swap3A_398 = vector.shape_cast %swap3A_397 : vector<1x16xf32> to vector<16xf32>
        %swap3A_399 = vector.shape_cast %add3A_392 : vector<16xf32> to vector<1x16xf32>
        tpu.vector_store %arg10[%swap3A_395, %swap3A_396], %swap3A_399 {strides = array<i32>} : memref<200x64xf32, #tpu.memory_space<vmem>>, vector<1x16xf32>,
        %add3A_400 = arith.constant 0 : i32
        %add3A_401 = arith.addi %mul3A_361, %add3A_400 : i32
        %get3A_402 = arith.index_cast %add3A_401 : i32 to index
        %get3A_403 = arith.constant 32 : index
        %get3A_404 = tpu.vector_load %arg10[%get3A_402, %get3A_403] {strides = array<i32>} : memref<200x64xf32, #tpu.memory_space<vmem>>, vector<1x16xf32>,
        %get3A_405 = vector.shape_cast %get3A_404 : vector<1x16xf32> to vector<16xf32>
        %add3A_406 = arith.constant 0 : i32
        %add3A_407 = arith.addi %mul3A_361, %add3A_406 : i32
        %get3A_408 = arith.index_cast %add3A_407 : i32 to index
        %get3A_409 = arith.constant 32 : index
        %get3A_410 = tpu.vector_load %arg11[%get3A_408, %get3A_409] {strides = array<i32>} : memref<200x64xf32, #tpu.memory_space<vmem>>, vector<1x16xf32>,
        %get3A_411 = vector.shape_cast %get3A_410 : vector<1x16xf32> to vector<16xf32>
        %add3A_412 = arith.addf %get3A_405, %get3A_411 : vector<16xf32>
        %add3A_413 = arith.constant 0 : i32
        %add3A_414 = arith.addi %mul3A_361, %add3A_413 : i32
        %swap3A_415 = arith.index_cast %add3A_414 : i32 to index
        %swap3A_416 = arith.constant 32 : index
        %swap3A_417 = tpu.vector_load %arg10[%swap3A_415, %swap3A_416] {strides = array<i32>} : memref<200x64xf32, #tpu.memory_space<vmem>>, vector<1x16xf32>,
        %swap3A_418 = vector.shape_cast %swap3A_417 : vector<1x16xf32> to vector<16xf32>
        %swap3A_419 = vector.shape_cast %add3A_412 : vector<16xf32> to vector<1x16xf32>
        tpu.vector_store %arg10[%swap3A_415, %swap3A_416], %swap3A_419 {strides = array<i32>} : memref<200x64xf32, #tpu.memory_space<vmem>>, vector<1x16xf32>,
        %add3A_420 = arith.constant 0 : i32
        %add3A_421 = arith.addi %mul3A_361, %add3A_420 : i32
        %get3A_422 = arith.index_cast %add3A_421 : i32 to index
        %get3A_423 = arith.constant 48 : index
        %get3A_424 = tpu.vector_load %arg10[%get3A_422, %get3A_423] {strides = array<i32>} : memref<200x64xf32, #tpu.memory_space<vmem>>, vector<1x16xf32>,
        %get3A_425 = vector.shape_cast %get3A_424 : vector<1x16xf32> to vector<16xf32>
        %add3A_426 = arith.constant 0 : i32
        %add3A_427 = arith.addi %mul3A_361, %add3A_426 : i32
        %get3A_428 = arith.index_cast %add3A_427 : i32 to index
        %get3A_429 = arith.constant 48 : index
        %get3A_430 = tpu.vector_load %arg11[%get3A_428, %get3A_429] {strides = array<i32>} : memref<200x64xf32, #tpu.memory_space<vmem>>, vector<1x16xf32>,
        %get3A_431 = vector.shape_cast %get3A_430 : vector<1x16xf32> to vector<16xf32>
        %add3A_432 = arith.addf %get3A_425, %get3A_431 : vector<16xf32>
        %add3A_433 = arith.constant 0 : i32
        %add3A_434 = arith.addi %mul3A_361, %add3A_433 : i32
        %swap3A_435 = arith.index_cast %add3A_434 : i32 to index
        %swap3A_436 = arith.constant 48 : index
        %swap3A_437 = tpu.vector_load %arg10[%swap3A_435, %swap3A_436] {strides = array<i32>} : memref<200x64xf32, #tpu.memory_space<vmem>>, vector<1x16xf32>,
        %swap3A_438 = vector.shape_cast %swap3A_437 : vector<1x16xf32> to vector<16xf32>
        %swap3A_439 = vector.shape_cast %add3A_432 : vector<16xf32> to vector<1x16xf32>
        tpu.vector_store %arg10[%swap3A_435, %swap3A_436], %swap3A_439 {strides = array<i32>} : memref<200x64xf32, #tpu.memory_space<vmem>>, vector<1x16xf32>,
        %add3A_440 = arith.constant 1 : i32
        %add3A_441 = arith.addi %mul3A_361, %add3A_440 : i32
        %get3A_442 = arith.index_cast %add3A_441 : i32 to index
        %get3A_443 = arith.constant 0 : index
        %get3A_444 = tpu.vector_load %arg10[%get3A_442, %get3A_443] {strides = array<i32>} : memref<200x64xf32, #tpu.memory_space<vmem>>, vector<1x16xf32>,
        %get3A_445 = vector.shape_cast %get3A_444 : vector<1x16xf32> to vector<16xf32>
        %add3A_446 = arith.constant 1 : i32
        %add3A_447 = arith.addi %mul3A_361, %add3A_446 : i32
        %get3A_448 = arith.index_cast %add3A_447 : i32 to index
        %get3A_449 = arith.constant 0 : index
        %get3A_450 = tpu.vector_load %arg11[%get3A_448, %get3A_449] {strides = array<i32>} : memref<200x64xf32, #tpu.memory_space<vmem>>, vector<1x16xf32>,
        %get3A_451 = vector.shape_cast %get3A_450 : vector<1x16xf32> to vector<16xf32>
        %add3A_452 = arith.addf %get3A_445, %get3A_451 : vector<16xf32>
        %add3A_453 = arith.constant 1 : i32
        %add3A_454 = arith.addi %mul3A_361, %add3A_453 : i32
        %swap3A_455 = arith.index_cast %add3A_454 : i32 to index
        %swap3A_456 = arith.constant 0 : index
        %swap3A_457 = tpu.vector_load %arg10[%swap3A_455, %swap3A_456] {strides = array<i32>} : memref<200x64xf32, #tpu.memory_space<vmem>>, vector<1x16xf32>,
        %swap3A_458 = vector.shape_cast %swap3A_457 : vector<1x16xf32> to vector<16xf32>
        %swap3A_459 = vector.shape_cast %add3A_452 : vector<16xf32> to vector<1x16xf32>
        tpu.vector_store %arg10[%swap3A_455, %swap3A_456], %swap3A_459 {strides = array<i32>} : memref<200x64xf32, #tpu.memory_space<vmem>>, vector<1x16xf32>,
        %add3A_460 = arith.constant 1 : i32
        %add3A_461 = arith.addi %mul3A_361, %add3A_460 : i32
        %get3A_462 = arith.index_cast %add3A_461 : i32 to index
        %get3A_463 = arith.constant 16 : index
        %get3A_464 = tpu.vector_load %arg10[%get3A_462, %get3A_463] {strides = array<i32>} : memref<200x64xf32, #tpu.memory_space<vmem>>, vector<1x16xf32>,
        %get3A_465 = vector.shape_cast %get3A_464 : vector<1x16xf32> to vector<16xf32>
        %add3A_466 = arith.constant 1 : i32
        %add3A_467 = arith.addi %mul3A_361, %add3A_466 : i32
        %get3A_468 = arith.index_cast %add3A_467 : i32 to index
        %get3A_469 = arith.constant 16 : index
        %get3A_470 = tpu.vector_load %arg11[%get3A_468, %get3A_469] {strides = array<i32>} : memref<200x64xf32, #tpu.memory_space<vmem>>, vector<1x16xf32>,
        %get3A_471 = vector.shape_cast %get3A_470 : vector<1x16xf32> to vector<16xf32>
        %add3A_472 = arith.addf %get3A_465, %get3A_471 : vector<16xf32>
        %add3A_473 = arith.constant 1 : i32
        %add3A_474 = arith.addi %mul3A_361, %add3A_473 : i32
        %swap3A_475 = arith.index_cast %add3A_474 : i32 to index
        %swap3A_476 = arith.constant 16 : index
        %swap3A_477 = tpu.vector_load %arg10[%swap3A_475, %swap3A_476] {strides = array<i32>} : memref<200x64xf32, #tpu.memory_space<vmem>>, vector<1x16xf32>,
        %swap3A_478 = vector.shape_cast %swap3A_477 : vector<1x16xf32> to vector<16xf32>
        %swap3A_479 = vector.shape_cast %add3A_472 : vector<16xf32> to vector<1x16xf32>
        tpu.vector_store %arg10[%swap3A_475, %swap3A_476], %swap3A_479 {strides = array<i32>} : memref<200x64xf32, #tpu.memory_space<vmem>>, vector<1x16xf32>,
        %add3A_480 = arith.constant 1 : i32
        %add3A_481 = arith.addi %mul3A_361, %add3A_480 : i32
        %get3A_482 = arith.index_cast %add3A_481 : i32 to index
        %get3A_483 = arith.constant 32 : index
        %get3A_484 = tpu.vector_load %arg10[%get3A_482, %get3A_483] {strides = array<i32>} : memref<200x64xf32, #tpu.memory_space<vmem>>, vector<1x16xf32>,
        %get3A_485 = vector.shape_cast %get3A_484 : vector<1x16xf32> to vector<16xf32>
        %add3A_486 = arith.constant 1 : i32
        %add3A_487 = arith.addi %mul3A_361, %add3A_486 : i32
        %get3A_488 = arith.index_cast %add3A_487 : i32 to index
        %get3A_489 = arith.constant 32 : index
        %get3A_490 = tpu.vector_load %arg11[%get3A_488, %get3A_489] {strides = array<i32>} : memref<200x64xf32, #tpu.memory_space<vmem>>, vector<1x16xf32>,
        %get3A_491 = vector.shape_cast %get3A_490 : vector<1x16xf32> to vector<16xf32>
        %add3A_492 = arith.addf %get3A_485, %get3A_491 : vector<16xf32>
        %add3A_493 = arith.constant 1 : i32
        %add3A_494 = arith.addi %mul3A_361, %add3A_493 : i32
        %swap3A_495 = arith.index_cast %add3A_494 : i32 to index
        %swap3A_496 = arith.constant 32 : index
        %swap3A_497 = tpu.vector_load %arg10[%swap3A_495, %swap3A_496] {strides = array<i32>} : memref<200x64xf32, #tpu.memory_space<vmem>>, vector<1x16xf32>,
        %swap3A_498 = vector.shape_cast %swap3A_497 : vector<1x16xf32> to vector<16xf32>
        %swap3A_499 = vector.shape_cast %add3A_492 : vector<16xf32> to vector<1x16xf32>
        tpu.vector_store %arg10[%swap3A_495, %swap3A_496], %swap3A_499 {strides = array<i32>} : memref<200x64xf32, #tpu.memory_space<vmem>>, vector<1x16xf32>,
        %add3A_500 = arith.constant 1 : i32
        %add3A_501 = arith.addi %mul3A_361, %add3A_500 : i32
        %get3A_502 = arith.index_cast %add3A_501 : i32 to index
        %get3A_503 = arith.constant 48 : index
        %get3A_504 = tpu.vector_load %arg10[%get3A_502, %get3A_503] {strides = array<i32>} : memref<200x64xf32, #tpu.memory_space<vmem>>, vector<1x16xf32>,
        %get3A_505 = vector.shape_cast %get3A_504 : vector<1x16xf32> to vector<16xf32>
        %add3A_506 = arith.constant 1 : i32
        %add3A_507 = arith.addi %mul3A_361, %add3A_506 : i32
        %get3A_508 = arith.index_cast %add3A_507 : i32 to index
        %get3A_509 = arith.constant 48 : index
        %get3A_510 = tpu.vector_load %arg11[%get3A_508, %get3A_509] {strides = array<i32>} : memref<200x64xf32, #tpu.memory_space<vmem>>, vector<1x16xf32>,
        %get3A_511 = vector.shape_cast %get3A_510 : vector<1x16xf32> to vector<16xf32>
        %add3A_512 = arith.addf %get3A_505, %get3A_511 : vector<16xf32>
        %add3A_513 = arith.constant 1 : i32
        %add3A_514 = arith.addi %mul3A_361, %add3A_513 : i32
        %swap3A_515 = arith.index_cast %add3A_514 : i32 to index
        %swap3A_516 = arith.constant 48 : index
        %swap3A_517 = tpu.vector_load %arg10[%swap3A_515, %swap3A_516] {strides = array<i32>} : memref<200x64xf32, #tpu.memory_space<vmem>>, vector<1x16xf32>,
        %swap3A_518 = vector.shape_cast %swap3A_517 : vector<1x16xf32> to vector<16xf32>
        %swap3A_519 = vector.shape_cast %add3A_512 : vector<16xf32> to vector<1x16xf32>
        tpu.vector_store %arg10[%swap3A_515, %swap3A_516], %swap3A_519 {strides = array<i32>} : memref<200x64xf32, #tpu.memory_space<vmem>>, vector<1x16xf32>,
        %add3A_520 = arith.constant 2 : i32
        %add3A_521 = arith.addi %mul3A_361, %add3A_520 : i32
        %get3A_522 = arith.index_cast %add3A_521 : i32 to index
        %get3A_523 = arith.constant 0 : index
        %get3A_524 = tpu.vector_load %arg10[%get3A_522, %get3A_523] {strides = array<i32>} : memref<200x64xf32, #tpu.memory_space<vmem>>, vector<1x16xf32>,
        %get3A_525 = vector.shape_cast %get3A_524 : vector<1x16xf32> to vector<16xf32>
        %add3A_526 = arith.constant 2 : i32
        %add3A_527 = arith.addi %mul3A_361, %add3A_526 : i32
        %get3A_528 = arith.index_cast %add3A_527 : i32 to index
        %get3A_529 = arith.constant 0 : index
        %get3A_530 = tpu.vector_load %arg11[%get3A_528, %get3A_529] {strides = array<i32>} : memref<200x64xf32, #tpu.memory_space<vmem>>, vector<1x16xf32>,
        %get3A_531 = vector.shape_cast %get3A_530 : vector<1x16xf32> to vector<16xf32>
        %add3A_532 = arith.addf %get3A_525, %get3A_531 : vector<16xf32>
        %add3A_533 = arith.constant 2 : i32
        %add3A_534 = arith.addi %mul3A_361, %add3A_533 : i32
        %swap3A_535 = arith.index_cast %add3A_534 : i32 to index
        %swap3A_536 = arith.constant 0 : index
        %swap3A_537 = tpu.vector_load %arg10[%swap3A_535, %swap3A_536] {strides = array<i32>} : memref<200x64xf32, #tpu.memory_space<vmem>>, vector<1x16xf32>,
        %swap3A_538 = vector.shape_cast %swap3A_537 : vector<1x16xf32> to vector<16xf32>
        %swap3A_539 = vector.shape_cast %add3A_532 : vector<16xf32> to vector<1x16xf32>
        tpu.vector_store %arg10[%swap3A_535, %swap3A_536], %swap3A_539 {strides = array<i32>} : memref<200x64xf32, #tpu.memory_space<vmem>>, vector<1x16xf32>,
        %add3A_540 = arith.constant 2 : i32
        %add3A_541 = arith.addi %mul3A_361, %add3A_540 : i32
        %get3A_542 = arith.index_cast %add3A_541 : i32 to index
        %get3A_543 = arith.constant 16 : index
        %get3A_544 = tpu.vector_load %arg10[%get3A_542, %get3A_543] {strides = array<i32>} : memref<200x64xf32, #tpu.memory_space<vmem>>, vector<1x16xf32>,
        %get3A_545 = vector.shape_cast %get3A_544 : vector<1x16xf32> to vector<16xf32>
        %add3A_546 = arith.constant 2 : i32
        %add3A_547 = arith.addi %mul3A_361, %add3A_546 : i32
        %get3A_548 = arith.index_cast %add3A_547 : i32 to index
        %get3A_549 = arith.constant 16 : index
        %get3A_550 = tpu.vector_load %arg11[%get3A_548, %get3A_549] {strides = array<i32>} : memref<200x64xf32, #tpu.memory_space<vmem>>, vector<1x16xf32>,
        %get3A_551 = vector.shape_cast %get3A_550 : vector<1x16xf32> to vector<16xf32>
        %add3A_552 = arith.addf %get3A_545, %get3A_551 : vector<16xf32>
        %add3A_553 = arith.constant 2 : i32
        %add3A_554 = arith.addi %mul3A_361, %add3A_553 : i32
        %swap3A_555 = arith.index_cast %add3A_554 : i32 to index
        %swap3A_556 = arith.constant 16 : index
        %swap3A_557 = tpu.vector_load %arg10[%swap3A_555, %swap3A_556] {strides = array<i32>} : memref<200x64xf32, #tpu.memory_space<vmem>>, vector<1x16xf32>,
        %swap3A_558 = vector.shape_cast %swap3A_557 : vector<1x16xf32> to vector<16xf32>
        %swap3A_559 = vector.shape_cast %add3A_552 : vector<16xf32> to vector<1x16xf32>
        tpu.vector_store %arg10[%swap3A_555, %swap3A_556], %swap3A_559 {strides = array<i32>} : memref<200x64xf32, #tpu.memory_space<vmem>>, vector<1x16xf32>,
        %add3A_560 = arith.constant 2 : i32
        %add3A_561 = arith.addi %mul3A_361, %add3A_560 : i32
        %get3A_562 = arith.index_cast %add3A_561 : i32 to index
        %get3A_563 = arith.constant 32 : index
        %get3A_564 = tpu.vector_load %arg10[%get3A_562, %get3A_563] {strides = array<i32>} : memref<200x64xf32, #tpu.memory_space<vmem>>, vector<1x16xf32>,
        %get3A_565 = vector.shape_cast %get3A_564 : vector<1x16xf32> to vector<16xf32>
        %add3A_566 = arith.constant 2 : i32
        %add3A_567 = arith.addi %mul3A_361, %add3A_566 : i32
        %get3A_568 = arith.index_cast %add3A_567 : i32 to index
        %get3A_569 = arith.constant 32 : index
        %get3A_570 = tpu.vector_load %arg11[%get3A_568, %get3A_569] {strides = array<i32>} : memref<200x64xf32, #tpu.memory_space<vmem>>, vector<1x16xf32>,
        %get3A_571 = vector.shape_cast %get3A_570 : vector<1x16xf32> to vector<16xf32>
        %add3A_572 = arith.addf %get3A_565, %get3A_571 : vector<16xf32>
        %add3A_573 = arith.constant 2 : i32
        %add3A_574 = arith.addi %mul3A_361, %add3A_573 : i32
        %swap3A_575 = arith.index_cast %add3A_574 : i32 to index
        %swap3A_576 = arith.constant 32 : index
        %swap3A_577 = tpu.vector_load %arg10[%swap3A_575, %swap3A_576] {strides = array<i32>} : memref<200x64xf32, #tpu.memory_space<vmem>>, vector<1x16xf32>,
        %swap3A_578 = vector.shape_cast %swap3A_577 : vector<1x16xf32> to vector<16xf32>
        %swap3A_579 = vector.shape_cast %add3A_572 : vector<16xf32> to vector<1x16xf32>
        tpu.vector_store %arg10[%swap3A_575, %swap3A_576], %swap3A_579 {strides = array<i32>} : memref<200x64xf32, #tpu.memory_space<vmem>>, vector<1x16xf32>,
        %add3A_580 = arith.constant 2 : i32
        %add3A_581 = arith.addi %mul3A_361, %add3A_580 : i32
        %get3A_582 = arith.index_cast %add3A_581 : i32 to index
        %get3A_583 = arith.constant 48 : index
        %get3A_584 = tpu.vector_load %arg10[%get3A_582, %get3A_583] {strides = array<i32>} : memref<200x64xf32, #tpu.memory_space<vmem>>, vector<1x16xf32>,
        %get3A_585 = vector.shape_cast %get3A_584 : vector<1x16xf32> to vector<16xf32>
        %add3A_586 = arith.constant 2 : i32
        %add3A_587 = arith.addi %mul3A_361, %add3A_586 : i32
        %get3A_588 = arith.index_cast %add3A_587 : i32 to index
        %get3A_589 = arith.constant 48 : index
        %get3A_590 = tpu.vector_load %arg11[%get3A_588, %get3A_589] {strides = array<i32>} : memref<200x64xf32, #tpu.memory_space<vmem>>, vector<1x16xf32>,
        %get3A_591 = vector.shape_cast %get3A_590 : vector<1x16xf32> to vector<16xf32>
        %add3A_592 = arith.addf %get3A_585, %get3A_591 : vector<16xf32>
        %add3A_593 = arith.constant 2 : i32
        %add3A_594 = arith.addi %mul3A_361, %add3A_593 : i32
        %swap3A_595 = arith.index_cast %add3A_594 : i32 to index
        %swap3A_596 = arith.constant 48 : index
        %swap3A_597 = tpu.vector_load %arg10[%swap3A_595, %swap3A_596] {strides = array<i32>} : memref<200x64xf32, #tpu.memory_space<vmem>>, vector<1x16xf32>,
        %swap3A_598 = vector.shape_cast %swap3A_597 : vector<1x16xf32> to vector<16xf32>
        %swap3A_599 = vector.shape_cast %add3A_592 : vector<16xf32> to vector<1x16xf32>
        tpu.vector_store %arg10[%swap3A_595, %swap3A_596], %swap3A_599 {strides = array<i32>} : memref<200x64xf32, #tpu.memory_space<vmem>>, vector<1x16xf32>,
        %add3A_600 = arith.constant 3 : i32
        %add3A_601 = arith.addi %mul3A_361, %add3A_600 : i32
        %get3A_602 = arith.index_cast %add3A_601 : i32 to index
        %get3A_603 = arith.constant 0 : index
        %get3A_604 = tpu.vector_load %arg10[%get3A_602, %get3A_603] {strides = array<i32>} : memref<200x64xf32, #tpu.memory_space<vmem>>, vector<1x16xf32>,
        %get3A_605 = vector.shape_cast %get3A_604 : vector<1x16xf32> to vector<16xf32>
        %add3A_606 = arith.constant 3 : i32
        %add3A_607 = arith.addi %mul3A_361, %add3A_606 : i32
        %get3A_608 = arith.index_cast %add3A_607 : i32 to index
        %get3A_609 = arith.constant 0 : index
        %get3A_610 = tpu.vector_load %arg11[%get3A_608, %get3A_609] {strides = array<i32>} : memref<200x64xf32, #tpu.memory_space<vmem>>, vector<1x16xf32>,
        %get3A_611 = vector.shape_cast %get3A_610 : vector<1x16xf32> to vector<16xf32>
        %add3A_612 = arith.addf %get3A_605, %get3A_611 : vector<16xf32>
        %add3A_613 = arith.constant 3 : i32
        %add3A_614 = arith.addi %mul3A_361, %add3A_613 : i32
        %swap3A_615 = arith.index_cast %add3A_614 : i32 to index
        %swap3A_616 = arith.constant 0 : index
        %swap3A_617 = tpu.vector_load %arg10[%swap3A_615, %swap3A_616] {strides = array<i32>} : memref<200x64xf32, #tpu.memory_space<vmem>>, vector<1x16xf32>,
        %swap3A_618 = vector.shape_cast %swap3A_617 : vector<1x16xf32> to vector<16xf32>
        %swap3A_619 = vector.shape_cast %add3A_612 : vector<16xf32> to vector<1x16xf32>
        tpu.vector_store %arg10[%swap3A_615, %swap3A_616], %swap3A_619 {strides = array<i32>} : memref<200x64xf32, #tpu.memory_space<vmem>>, vector<1x16xf32>,
        %add3A_620 = arith.constant 3 : i32
        %add3A_621 = arith.addi %mul3A_361, %add3A_620 : i32
        %get3A_622 = arith.index_cast %add3A_621 : i32 to index
        %get3A_623 = arith.constant 16 : index
        %get3A_624 = tpu.vector_load %arg10[%get3A_622, %get3A_623] {strides = array<i32>} : memref<200x64xf32, #tpu.memory_space<vmem>>, vector<1x16xf32>,
        %get3A_625 = vector.shape_cast %get3A_624 : vector<1x16xf32> to vector<16xf32>
        %add3A_626 = arith.constant 3 : i32
        %add3A_627 = arith.addi %mul3A_361, %add3A_626 : i32
        %get3A_628 = arith.index_cast %add3A_627 : i32 to index
        %get3A_629 = arith.constant 16 : index
        %get3A_630 = tpu.vector_load %arg11[%get3A_628, %get3A_629] {strides = array<i32>} : memref<200x64xf32, #tpu.memory_space<vmem>>, vector<1x16xf32>,
        %get3A_631 = vector.shape_cast %get3A_630 : vector<1x16xf32> to vector<16xf32>
        %add3A_632 = arith.addf %get3A_625, %get3A_631 : vector<16xf32>
        %add3A_633 = arith.constant 3 : i32
        %add3A_634 = arith.addi %mul3A_361, %add3A_633 : i32
        %swap3A_635 = arith.index_cast %add3A_634 : i32 to index
        %swap3A_636 = arith.constant 16 : index
        %swap3A_637 = tpu.vector_load %arg10[%swap3A_635, %swap3A_636] {strides = array<i32>} : memref<200x64xf32, #tpu.memory_space<vmem>>, vector<1x16xf32>,
        %swap3A_638 = vector.shape_cast %swap3A_637 : vector<1x16xf32> to vector<16xf32>
        %swap3A_639 = vector.shape_cast %add3A_632 : vector<16xf32> to vector<1x16xf32>
        tpu.vector_store %arg10[%swap3A_635, %swap3A_636], %swap3A_639 {strides = array<i32>} : memref<200x64xf32, #tpu.memory_space<vmem>>, vector<1x16xf32>,
        %add3A_640 = arith.constant 3 : i32
        %add3A_641 = arith.addi %mul3A_361, %add3A_640 : i32
        %get3A_642 = arith.index_cast %add3A_641 : i32 to index
        %get3A_643 = arith.constant 32 : index
        %get3A_644 = tpu.vector_load %arg10[%get3A_642, %get3A_643] {strides = array<i32>} : memref<200x64xf32, #tpu.memory_space<vmem>>, vector<1x16xf32>,
        %get3A_645 = vector.shape_cast %get3A_644 : vector<1x16xf32> to vector<16xf32>
        %add3A_646 = arith.constant 3 : i32
        %add3A_647 = arith.addi %mul3A_361, %add3A_646 : i32
        %get3A_648 = arith.index_cast %add3A_647 : i32 to index
        %get3A_649 = arith.constant 32 : index
        %get3A_650 = tpu.vector_load %arg11[%get3A_648, %get3A_649] {strides = array<i32>} : memref<200x64xf32, #tpu.memory_space<vmem>>, vector<1x16xf32>,
        %get3A_651 = vector.shape_cast %get3A_650 : vector<1x16xf32> to vector<16xf32>
        %add3A_652 = arith.addf %get3A_645, %get3A_651 : vector<16xf32>
        %add3A_653 = arith.constant 3 : i32
        %add3A_654 = arith.addi %mul3A_361, %add3A_653 : i32
        %swap3A_655 = arith.index_cast %add3A_654 : i32 to index
        %swap3A_656 = arith.constant 32 : index
        %swap3A_657 = tpu.vector_load %arg10[%swap3A_655, %swap3A_656] {strides = array<i32>} : memref<200x64xf32, #tpu.memory_space<vmem>>, vector<1x16xf32>,
        %swap3A_658 = vector.shape_cast %swap3A_657 : vector<1x16xf32> to vector<16xf32>
        %swap3A_659 = vector.shape_cast %add3A_652 : vector<16xf32> to vector<1x16xf32>
        tpu.vector_store %arg10[%swap3A_655, %swap3A_656], %swap3A_659 {strides = array<i32>} : memref<200x64xf32, #tpu.memory_space<vmem>>, vector<1x16xf32>,
        %add3A_660 = arith.constant 3 : i32
        %add3A_661 = arith.addi %mul3A_361, %add3A_660 : i32
        %get3A_662 = arith.index_cast %add3A_661 : i32 to index
        %get3A_663 = arith.constant 48 : index
        %get3A_664 = tpu.vector_load %arg10[%get3A_662, %get3A_663] {strides = array<i32>} : memref<200x64xf32, #tpu.memory_space<vmem>>, vector<1x16xf32>,
        %get3A_665 = vector.shape_cast %get3A_664 : vector<1x16xf32> to vector<16xf32>
        %add3A_666 = arith.constant 3 : i32
        %add3A_667 = arith.addi %mul3A_361, %add3A_666 : i32
        %get3A_668 = arith.index_cast %add3A_667 : i32 to index
        %get3A_669 = arith.constant 48 : index
        %get3A_670 = tpu.vector_load %arg11[%get3A_668, %get3A_669] {strides = array<i32>} : memref<200x64xf32, #tpu.memory_space<vmem>>, vector<1x16xf32>,
        %get3A_671 = vector.shape_cast %get3A_670 : vector<1x16xf32> to vector<16xf32>
        %add3A_672 = arith.addf %get3A_665, %get3A_671 : vector<16xf32>
        %add3A_673 = arith.constant 3 : i32
        %add3A_674 = arith.addi %mul3A_361, %add3A_673 : i32
        %swap3A_675 = arith.index_cast %add3A_674 : i32 to index
        %swap3A_676 = arith.constant 48 : index
        %swap3A_677 = tpu.vector_load %arg10[%swap3A_675, %swap3A_676] {strides = array<i32>} : memref<200x64xf32, #tpu.memory_space<vmem>>, vector<1x16xf32>,
        %swap3A_678 = vector.shape_cast %swap3A_677 : vector<1x16xf32> to vector<16xf32>
        %swap3A_679 = vector.shape_cast %add3A_672 : vector<16xf32> to vector<1x16xf32>
        tpu.vector_store %arg10[%swap3A_675, %swap3A_676], %swap3A_679 {strides = array<i32>} : memref<200x64xf32, #tpu.memory_space<vmem>>, vector<1x16xf32>,
      }
      %scan3A_351 = arith.constant 50 : i32
      %mul3A_352 = arith.constant 200 : i32
      %mul3A_353 = arith.muli %add3A_325, %mul3A_352 : i32
      %add3A_354 = arith.addi %mul3A_2, %mul3A_353 : i32
      %dma_start3A_355 = arith.constant 0 : i32
      %dma_start3A_356 = tpu.memref_slice %arg5[%add3A_354, %dma_start3A_355] : memref<819200x64xf32, #tpu.memory_space<hbm>> -> memref<200x64xf32, #tpu.memory_space<hbm>>
      %dma_start3A_357 = arith.constant 0 : i32
      %dma_start3A_358 = tpu.memref_slice %arg5[%add3A_354, %dma_start3A_357] : memref<819200x64xf32, #tpu.memory_space<hbm>> -> memref<200x64xf32, #tpu.memory_space<hbm>>
      tpu.enqueue_dma source(%arg10 : memref<200x64xf32, #tpu.memory_space<vmem>>) target(%dma_start3A_358 : memref<200x64xf32, #tpu.memory_space<hbm>>) target_semaphore(%arg13 : memref<!tpu.dma_semaphore, #tpu.memory_space<semaphore_mem>>)
    }
    %scan3A_119 = arith.constant 30 : i32
    %dma_wait3A_120 = arith.constant 0 : i32
    %dma_wait3A_121 = tpu.memref_slice %arg5[%mul3A_2, %dma_wait3A_120] : memref<819200x64xf32, #tpu.memory_space<hbm>> -> memref<200x64xf32, #tpu.memory_space<hbm>>
    %dma_wait3A_122 = arith.constant 0 : i32
    %dma_wait3A_123 = tpu.memref_slice %arg5[%mul3A_2, %dma_wait3A_122] : memref<819200x64xf32, #tpu.memory_space<hbm>> -> memref<200x64xf32, #tpu.memory_space<hbm>>
    tpu.wait_dma2 semaphore(%arg13 : memref<!tpu.dma_semaphore, #tpu.memory_space<semaphore_mem>>) src(%arg10 : memref<200x64xf32, #tpu.memory_space<vmem>>) dst(%dma_wait3A_123 : memref<200x64xf32, #tpu.memory_space<hbm>>)
    %dma_start3A_124 = arith.constant 25400 : i32
    %dma_start3A_125 = tpu.memref_slice %arg6[%dma_start3A_124] : memref<25600xi32, #tpu.memory_space<vmem>> -> memref<200xi32, #tpu.memory_space<vmem>>
    %dma_start3A_126 = arith.constant 0 : i32
    %dma_start3A_127 = arith.constant 0 : i32
    %dma_start3A_128 = tpu.memref_slice %arg3[%dma_start3A_126, %dma_start3A_127] : memref<1000000x64xf32, #tpu.memory_space<hbm>> -> memref<1000000x64xf32, #tpu.memory_space<hbm>>
    tpu.enqueue_indirect_dma source(%dma_start3A_128 : memref<1000000x64xf32, #tpu.memory_space<hbm>>) target(%arg10 : memref<200x64xf32, #tpu.memory_space<vmem>>) offsets(%dma_start3A_125 : memref<200xi32, #tpu.memory_space<vmem>>) semaphore(%arg12 : memref<!tpu.dma_semaphore, #tpu.memory_space<semaphore_mem>>)
    %dma_wait3A_129 = arith.constant 24800 : i32
    %dma_wait3A_130 = tpu.memref_slice %arg6[%dma_wait3A_129] : memref<25600xi32, #tpu.memory_space<vmem>> -> memref<200xi32, #tpu.memory_space<vmem>>
    %dma_wait3A_131 = arith.constant 0 : i32
    %dma_wait3A_132 = arith.constant 0 : i32
    %dma_wait3A_133 = tpu.memref_slice %arg3[%dma_wait3A_131, %dma_wait3A_132] : memref<1000000x64xf32, #tpu.memory_space<hbm>> -> memref<1000000x64xf32, #tpu.memory_space<hbm>>
    tpu.wait_indirect_dma semaphore(%arg12 : memref<!tpu.dma_semaphore, #tpu.memory_space<semaphore_mem>>) src(%dma_wait3A_133 : memref<1000000x64xf32, #tpu.memory_space<hbm>>) dst(%arg7 : memref<200x64xf32, #tpu.memory_space<vmem>>)
    %scan3A_134 = arith.constant 0 : i32
    %scan3A_135 = arith.constant 0 : i32
    %scan3A_136 = arith.constant 50 : i32
    %scan3A_137 = arith.addi %scan3A_135, %scan3A_136 : i32
    %scan3A_138 = arith.constant 1 : i32
    scf.for %scan3A_213 = %scan3A_135 to %scan3A_137 step %scan3A_138  : i32 {
      %mul3A_214 = arith.constant 4 : i32
      %mul3A_215 = arith.muli %scan3A_213, %mul3A_214 : i32
      %add3A_216 = arith.constant 0 : i32
      %add3A_217 = arith.addi %mul3A_215, %add3A_216 : i32
      %get3A = arith.index_cast %add3A_217 : i32 to index
      %get3A_218 = arith.constant 0 : index
      %get3A_219 = tpu.vector_load %arg7[%get3A, %get3A_218] {strides = array<i32>} : memref<200x64xf32, #tpu.memory_space<vmem>>, vector<1x16xf32>,
      %get3A_220 = vector.shape_cast %get3A_219 : vector<1x16xf32> to vector<16xf32>
      %add3A_221 = arith.constant 0 : i32
      %add3A_222 = arith.addi %mul3A_215, %add3A_221 : i32
      %get3A_223 = arith.index_cast %add3A_222 : i32 to index
      %get3A_224 = arith.constant 0 : index
      %get3A_225 = tpu.vector_load %arg11[%get3A_223, %get3A_224] {strides = array<i32>} : memref<200x64xf32, #tpu.memory_space<vmem>>, vector<1x16xf32>,
      %get3A_226 = vector.shape_cast %get3A_225 : vector<1x16xf32> to vector<16xf32>
      %add3A_227 = arith.addf %get3A_220, %get3A_226 : vector<16xf32>
      %add3A_228 = arith.constant 0 : i32
      %add3A_229 = arith.addi %mul3A_215, %add3A_228 : i32
      %swap3A = arith.index_cast %add3A_229 : i32 to index
      %swap3A_230 = arith.constant 0 : index
      %swap3A_231 = tpu.vector_load %arg7[%swap3A, %swap3A_230] {strides = array<i32>} : memref<200x64xf32, #tpu.memory_space<vmem>>, vector<1x16xf32>,
      %swap3A_232 = vector.shape_cast %swap3A_231 : vector<1x16xf32> to vector<16xf32>
      %swap3A_233 = vector.shape_cast %add3A_227 : vector<16xf32> to vector<1x16xf32>
      tpu.vector_store %arg7[%swap3A, %swap3A_230], %swap3A_233 {strides = array<i32>} : memref<200x64xf32, #tpu.memory_space<vmem>>, vector<1x16xf32>,
      %add3A_234 = arith.constant 0 : i32
      %add3A_235 = arith.addi %mul3A_215, %add3A_234 : i32
      %get3A_236 = arith.index_cast %add3A_235 : i32 to index
      %get3A_237 = arith.constant 16 : index
      %get3A_238 = tpu.vector_load %arg7[%get3A_236, %get3A_237] {strides = array<i32>} : memref<200x64xf32, #tpu.memory_space<vmem>>, vector<1x16xf32>,
      %get3A_239 = vector.shape_cast %get3A_238 : vector<1x16xf32> to vector<16xf32>
      %add3A_240 = arith.constant 0 : i32
      %add3A_241 = arith.addi %mul3A_215, %add3A_240 : i32
      %get3A_242 = arith.index_cast %add3A_241 : i32 to index
      %get3A_243 = arith.constant 16 : index
      %get3A_244 = tpu.vector_load %arg11[%get3A_242, %get3A_243] {strides = array<i32>} : memref<200x64xf32, #tpu.memory_space<vmem>>, vector<1x16xf32>,
      %get3A_245 = vector.shape_cast %get3A_244 : vector<1x16xf32> to vector<16xf32>
      %add3A_246 = arith.addf %get3A_239, %get3A_245 : vector<16xf32>
      %add3A_247 = arith.constant 0 : i32
      %add3A_248 = arith.addi %mul3A_215, %add3A_247 : i32
      %swap3A_249 = arith.index_cast %add3A_248 : i32 to index
      %swap3A_250 = arith.constant 16 : index
      %swap3A_251 = tpu.vector_load %arg7[%swap3A_249, %swap3A_250] {strides = array<i32>} : memref<200x64xf32, #tpu.memory_space<vmem>>, vector<1x16xf32>,
      %swap3A_252 = vector.shape_cast %swap3A_251 : vector<1x16xf32> to vector<16xf32>
      %swap3A_253 = vector.shape_cast %add3A_246 : vector<16xf32> to vector<1x16xf32>
      tpu.vector_store %arg7[%swap3A_249, %swap3A_250], %swap3A_253 {strides = array<i32>} : memref<200x64xf32, #tpu.memory_space<vmem>>, vector<1x16xf32>,
      %add3A_254 = arith.constant 0 : i32
      %add3A_255 = arith.addi %mul3A_215, %add3A_254 : i32
      %get3A_256 = arith.index_cast %add3A_255 : i32 to index
      %get3A_257 = arith.constant 32 : index
      %get3A_258 = tpu.vector_load %arg7[%get3A_256, %get3A_257] {strides = array<i32>} : memref<200x64xf32, #tpu.memory_space<vmem>>, vector<1x16xf32>,
      %get3A_259 = vector.shape_cast %get3A_258 : vector<1x16xf32> to vector<16xf32>
      %add3A_260 = arith.constant 0 : i32
      %add3A_261 = arith.addi %mul3A_215, %add3A_260 : i32
      %get3A_262 = arith.index_cast %add3A_261 : i32 to index
      %get3A_263 = arith.constant 32 : index
      %get3A_264 = tpu.vector_load %arg11[%get3A_262, %get3A_263] {strides = array<i32>} : memref<200x64xf32, #tpu.memory_space<vmem>>, vector<1x16xf32>,
      %get3A_265 = vector.shape_cast %get3A_264 : vector<1x16xf32> to vector<16xf32>
      %add3A_266 = arith.addf %get3A_259, %get3A_265 : vector<16xf32>
      %add3A_267 = arith.constant 0 : i32
      %add3A_268 = arith.addi %mul3A_215, %add3A_267 : i32
      %swap3A_269 = arith.index_cast %add3A_268 : i32 to index
      %swap3A_270 = arith.constant 32 : index
      %swap3A_271 = tpu.vector_load %arg7[%swap3A_269, %swap3A_270] {strides = array<i32>} : memref<200x64xf32, #tpu.memory_space<vmem>>, vector<1x16xf32>,
      %swap3A_272 = vector.shape_cast %swap3A_271 : vector<1x16xf32> to vector<16xf32>
      %swap3A_273 = vector.shape_cast %add3A_266 : vector<16xf32> to vector<1x16xf32>
      tpu.vector_store %arg7[%swap3A_269, %swap3A_270], %swap3A_273 {strides = array<i32>} : memref<200x64xf32, #tpu.memory_space<vmem>>, vector<1x16xf32>,
      %add3A_274 = arith.constant 0 : i32
      %add3A_275 = arith.addi %mul3A_215, %add3A_274 : i32
      %get3A_276 = arith.index_cast %add3A_275 : i32 to index
      %get3A_277 = arith.constant 48 : index
      %get3A_278 = tpu.vector_load %arg7[%get3A_276, %get3A_277] {strides = array<i32>} : memref<200x64xf32, #tpu.memory_space<vmem>>, vector<1x16xf32>,
      %get3A_279 = vector.shape_cast %get3A_278 : vector<1x16xf32> to vector<16xf32>
      %add3A_280 = arith.constant 0 : i32
      %add3A_281 = arith.addi %mul3A_215, %add3A_280 : i32
      %get3A_282 = arith.index_cast %add3A_281 : i32 to index
      %get3A_283 = arith.constant 48 : index
      %get3A_284 = tpu.vector_load %arg11[%get3A_282, %get3A_283] {strides = array<i32>} : memref<200x64xf32, #tpu.memory_space<vmem>>, vector<1x16xf32>,
      %get3A_285 = vector.shape_cast %get3A_284 : vector<1x16xf32> to vector<16xf32>
      %add3A_286 = arith.addf %get3A_279, %get3A_285 : vector<16xf32>
      %add3A_287 = arith.constant 0 : i32
      %add3A_288 = arith.addi %mul3A_215, %add3A_287 : i32
      %swap3A_289 = arith.index_cast %add3A_288 : i32 to index
      %swap3A_290 = arith.constant 48 : index
      %swap3A_291 = tpu.vector_load %arg7[%swap3A_289, %swap3A_290] {strides = array<i32>} : memref<200x64xf32, #tpu.memory_space<vmem>>, vector<1x16xf32>,
      %swap3A_292 = vector.shape_cast %swap3A_291 : vector<1x16xf32> to vector<16xf32>
      %swap3A_293 = vector.shape_cast %add3A_286 : vector<16xf32> to vector<1x16xf32>
      tpu.vector_store %arg7[%swap3A_289, %swap3A_290], %swap3A_293 {strides = array<i32>} : memref<200x64xf32, #tpu.memory_space<vmem>>, vector<1x16xf32>,
      %add3A_294 = arith.constant 1 : i32
      %add3A_295 = arith.addi %mul3A_215, %add3A_294 : i32
      %get3A_296 = arith.index_cast %add3A_295 : i32 to index
      %get3A_297 = arith.constant 0 : index
      %get3A_298 = tpu.vector_load %arg7[%get3A_296, %get3A_297] {strides = array<i32>} : memref<200x64xf32, #tpu.memory_space<vmem>>, vector<1x16xf32>,
      %get3A_299 = vector.shape_cast %get3A_298 : vector<1x16xf32> to vector<16xf32>
      %add3A_300 = arith.constant 1 : i32
      %add3A_301 = arith.addi %mul3A_215, %add3A_300 : i32
      %get3A_302 = arith.index_cast %add3A_301 : i32 to index
      %get3A_303 = arith.constant 0 : index
      %get3A_304 = tpu.vector_load %arg11[%get3A_302, %get3A_303] {strides = array<i32>} : memref<200x64xf32, #tpu.memory_space<vmem>>, vector<1x16xf32>,
      %get3A_305 = vector.shape_cast %get3A_304 : vector<1x16xf32> to vector<16xf32>
      %add3A_306 = arith.addf %get3A_299, %get3A_305 : vector<16xf32>
      %add3A_307 = arith.constant 1 : i32
      %add3A_308 = arith.addi %mul3A_215, %add3A_307 : i32
      %swap3A_309 = arith.index_cast %add3A_308 : i32 to index
      %swap3A_310 = arith.constant 0 : index
      %swap3A_311 = tpu.vector_load %arg7[%swap3A_309, %swap3A_310] {strides = array<i32>} : memref<200x64xf32, #tpu.memory_space<vmem>>, vector<1x16xf32>,
      %swap3A_312 = vector.shape_cast %swap3A_311 : vector<1x16xf32> to vector<16xf32>
      %swap3A_313 = vector.shape_cast %add3A_306 : vector<16xf32> to vector<1x16xf32>
      tpu.vector_store %arg7[%swap3A_309, %swap3A_310], %swap3A_313 {strides = array<i32>} : memref<200x64xf32, #tpu.memory_space<vmem>>, vector<1x16xf32>,
      %add3A_314 = arith.constant 1 : i32
      %add3A_315 = arith.addi %mul3A_215, %add3A_314 : i32
      %get3A_316 = arith.index_cast %add3A_315 : i32 to index
      %get3A_317 = arith.constant 16 : index
      %get3A_318 = tpu.vector_load %arg7[%get3A_316, %get3A_317] {strides = array<i32>} : memref<200x64xf32, #tpu.memory_space<vmem>>, vector<1x16xf32>,
      %get3A_319 = vector.shape_cast %get3A_318 : vector<1x16xf32> to vector<16xf32>
      %add3A_320 = arith.constant 1 : i32
      %add3A_321 = arith.addi %mul3A_215, %add3A_320 : i32
      %get3A_322 = arith.index_cast %add3A_321 : i32 to index
      %get3A_323 = arith.constant 16 : index
      %get3A_324 = tpu.vector_load %arg11[%get3A_322, %get3A_323] {strides = array<i32>} : memref<200x64xf32, #tpu.memory_space<vmem>>, vector<1x16xf32>,
      %get3A_325 = vector.shape_cast %get3A_324 : vector<1x16xf32> to vector<16xf32>
      %add3A_326 = arith.addf %get3A_319, %get3A_325 : vector<16xf32>
      %add3A_327 = arith.constant 1 : i32
      %add3A_328 = arith.addi %mul3A_215, %add3A_327 : i32
      %swap3A_329 = arith.index_cast %add3A_328 : i32 to index
      %swap3A_330 = arith.constant 16 : index
      %swap3A_331 = tpu.vector_load %arg7[%swap3A_329, %swap3A_330] {strides = array<i32>} : memref<200x64xf32, #tpu.memory_space<vmem>>, vector<1x16xf32>,
      %swap3A_332 = vector.shape_cast %swap3A_331 : vector<1x16xf32> to vector<16xf32>
      %swap3A_333 = vector.shape_cast %add3A_326 : vector<16xf32> to vector<1x16xf32>
      tpu.vector_store %arg7[%swap3A_329, %swap3A_330], %swap3A_333 {strides = array<i32>} : memref<200x64xf32, #tpu.memory_space<vmem>>, vector<1x16xf32>,
      %add3A_334 = arith.constant 1 : i32
      %add3A_335 = arith.addi %mul3A_215, %add3A_334 : i32
      %get3A_336 = arith.index_cast %add3A_335 : i32 to index
      %get3A_337 = arith.constant 32 : index
      %get3A_338 = tpu.vector_load %arg7[%get3A_336, %get3A_337] {strides = array<i32>} : memref<200x64xf32, #tpu.memory_space<vmem>>, vector<1x16xf32>,
      %get3A_339 = vector.shape_cast %get3A_338 : vector<1x16xf32> to vector<16xf32>
      %add3A_340 = arith.constant 1 : i32
      %add3A_341 = arith.addi %mul3A_215, %add3A_340 : i32
      %get3A_342 = arith.index_cast %add3A_341 : i32 to index
      %get3A_343 = arith.constant 32 : index
      %get3A_344 = tpu.vector_load %arg11[%get3A_342, %get3A_343] {strides = array<i32>} : memref<200x64xf32, #tpu.memory_space<vmem>>, vector<1x16xf32>,
      %get3A_345 = vector.shape_cast %get3A_344 : vector<1x16xf32> to vector<16xf32>
      %add3A_346 = arith.addf %get3A_339, %get3A_345 : vector<16xf32>
      %add3A_347 = arith.constant 1 : i32
      %add3A_348 = arith.addi %mul3A_215, %add3A_347 : i32
      %swap3A_349 = arith.index_cast %add3A_348 : i32 to index
      %swap3A_350 = arith.constant 32 : index
      %swap3A_351 = tpu.vector_load %arg7[%swap3A_349, %swap3A_350] {strides = array<i32>} : memref<200x64xf32, #tpu.memory_space<vmem>>, vector<1x16xf32>,
      %swap3A_352 = vector.shape_cast %swap3A_351 : vector<1x16xf32> to vector<16xf32>
      %swap3A_353 = vector.shape_cast %add3A_346 : vector<16xf32> to vector<1x16xf32>
      tpu.vector_store %arg7[%swap3A_349, %swap3A_350], %swap3A_353 {strides = array<i32>} : memref<200x64xf32, #tpu.memory_space<vmem>>, vector<1x16xf32>,
      %add3A_354 = arith.constant 1 : i32
      %add3A_355 = arith.addi %mul3A_215, %add3A_354 : i32
      %get3A_356 = arith.index_cast %add3A_355 : i32 to index
      %get3A_357 = arith.constant 48 : index
      %get3A_358 = tpu.vector_load %arg7[%get3A_356, %get3A_357] {strides = array<i32>} : memref<200x64xf32, #tpu.memory_space<vmem>>, vector<1x16xf32>,
      %get3A_359 = vector.shape_cast %get3A_358 : vector<1x16xf32> to vector<16xf32>
      %add3A_360 = arith.constant 1 : i32
      %add3A_361 = arith.addi %mul3A_215, %add3A_360 : i32
      %get3A_362 = arith.index_cast %add3A_361 : i32 to index
      %get3A_363 = arith.constant 48 : index
      %get3A_364 = tpu.vector_load %arg11[%get3A_362, %get3A_363] {strides = array<i32>} : memref<200x64xf32, #tpu.memory_space<vmem>>, vector<1x16xf32>,
      %get3A_365 = vector.shape_cast %get3A_364 : vector<1x16xf32> to vector<16xf32>
      %add3A_366 = arith.addf %get3A_359, %get3A_365 : vector<16xf32>
      %add3A_367 = arith.constant 1 : i32
      %add3A_368 = arith.addi %mul3A_215, %add3A_367 : i32
      %swap3A_369 = arith.index_cast %add3A_368 : i32 to index
      %swap3A_370 = arith.constant 48 : index
      %swap3A_371 = tpu.vector_load %arg7[%swap3A_369, %swap3A_370] {strides = array<i32>} : memref<200x64xf32, #tpu.memory_space<vmem>>, vector<1x16xf32>,
      %swap3A_372 = vector.shape_cast %swap3A_371 : vector<1x16xf32> to vector<16xf32>
      %swap3A_373 = vector.shape_cast %add3A_366 : vector<16xf32> to vector<1x16xf32>
      tpu.vector_store %arg7[%swap3A_369, %swap3A_370], %swap3A_373 {strides = array<i32>} : memref<200x64xf32, #tpu.memory_space<vmem>>, vector<1x16xf32>,
      %add3A_374 = arith.constant 2 : i32
      %add3A_375 = arith.addi %mul3A_215, %add3A_374 : i32
      %get3A_376 = arith.index_cast %add3A_375 : i32 to index
      %get3A_377 = arith.constant 0 : index
      %get3A_378 = tpu.vector_load %arg7[%get3A_376, %get3A_377] {strides = array<i32>} : memref<200x64xf32, #tpu.memory_space<vmem>>, vector<1x16xf32>,
      %get3A_379 = vector.shape_cast %get3A_378 : vector<1x16xf32> to vector<16xf32>
      %add3A_380 = arith.constant 2 : i32
      %add3A_381 = arith.addi %mul3A_215, %add3A_380 : i32
      %get3A_382 = arith.index_cast %add3A_381 : i32 to index
      %get3A_383 = arith.constant 0 : index
      %get3A_384 = tpu.vector_load %arg11[%get3A_382, %get3A_383] {strides = array<i32>} : memref<200x64xf32, #tpu.memory_space<vmem>>, vector<1x16xf32>,
      %get3A_385 = vector.shape_cast %get3A_384 : vector<1x16xf32> to vector<16xf32>
      %add3A_386 = arith.addf %get3A_379, %get3A_385 : vector<16xf32>
      %add3A_387 = arith.constant 2 : i32
      %add3A_388 = arith.addi %mul3A_215, %add3A_387 : i32
      %swap3A_389 = arith.index_cast %add3A_388 : i32 to index
      %swap3A_390 = arith.constant 0 : index
      %swap3A_391 = tpu.vector_load %arg7[%swap3A_389, %swap3A_390] {strides = array<i32>} : memref<200x64xf32, #tpu.memory_space<vmem>>, vector<1x16xf32>,
      %swap3A_392 = vector.shape_cast %swap3A_391 : vector<1x16xf32> to vector<16xf32>
      %swap3A_393 = vector.shape_cast %add3A_386 : vector<16xf32> to vector<1x16xf32>
      tpu.vector_store %arg7[%swap3A_389, %swap3A_390], %swap3A_393 {strides = array<i32>} : memref<200x64xf32, #tpu.memory_space<vmem>>, vector<1x16xf32>,
      %add3A_394 = arith.constant 2 : i32
      %add3A_395 = arith.addi %mul3A_215, %add3A_394 : i32
      %get3A_396 = arith.index_cast %add3A_395 : i32 to index
      %get3A_397 = arith.constant 16 : index
      %get3A_398 = tpu.vector_load %arg7[%get3A_396, %get3A_397] {strides = array<i32>} : memref<200x64xf32, #tpu.memory_space<vmem>>, vector<1x16xf32>,
      %get3A_399 = vector.shape_cast %get3A_398 : vector<1x16xf32> to vector<16xf32>
      %add3A_400 = arith.constant 2 : i32
      %add3A_401 = arith.addi %mul3A_215, %add3A_400 : i32
      %get3A_402 = arith.index_cast %add3A_401 : i32 to index
      %get3A_403 = arith.constant 16 : index
      %get3A_404 = tpu.vector_load %arg11[%get3A_402, %get3A_403] {strides = array<i32>} : memref<200x64xf32, #tpu.memory_space<vmem>>, vector<1x16xf32>,
      %get3A_405 = vector.shape_cast %get3A_404 : vector<1x16xf32> to vector<16xf32>
      %add3A_406 = arith.addf %get3A_399, %get3A_405 : vector<16xf32>
      %add3A_407 = arith.constant 2 : i32
      %add3A_408 = arith.addi %mul3A_215, %add3A_407 : i32
      %swap3A_409 = arith.index_cast %add3A_408 : i32 to index
      %swap3A_410 = arith.constant 16 : index
      %swap3A_411 = tpu.vector_load %arg7[%swap3A_409, %swap3A_410] {strides = array<i32>} : memref<200x64xf32, #tpu.memory_space<vmem>>, vector<1x16xf32>,
      %swap3A_412 = vector.shape_cast %swap3A_411 : vector<1x16xf32> to vector<16xf32>
      %swap3A_413 = vector.shape_cast %add3A_406 : vector<16xf32> to vector<1x16xf32>
      tpu.vector_store %arg7[%swap3A_409, %swap3A_410], %swap3A_413 {strides = array<i32>} : memref<200x64xf32, #tpu.memory_space<vmem>>, vector<1x16xf32>,
      %add3A_414 = arith.constant 2 : i32
      %add3A_415 = arith.addi %mul3A_215, %add3A_414 : i32
      %get3A_416 = arith.index_cast %add3A_415 : i32 to index
      %get3A_417 = arith.constant 32 : index
      %get3A_418 = tpu.vector_load %arg7[%get3A_416, %get3A_417] {strides = array<i32>} : memref<200x64xf32, #tpu.memory_space<vmem>>, vector<1x16xf32>,
      %get3A_419 = vector.shape_cast %get3A_418 : vector<1x16xf32> to vector<16xf32>
      %add3A_420 = arith.constant 2 : i32
      %add3A_421 = arith.addi %mul3A_215, %add3A_420 : i32
      %get3A_422 = arith.index_cast %add3A_421 : i32 to index
      %get3A_423 = arith.constant 32 : index
      %get3A_424 = tpu.vector_load %arg11[%get3A_422, %get3A_423] {strides = array<i32>} : memref<200x64xf32, #tpu.memory_space<vmem>>, vector<1x16xf32>,
      %get3A_425 = vector.shape_cast %get3A_424 : vector<1x16xf32> to vector<16xf32>
      %add3A_426 = arith.addf %get3A_419, %get3A_425 : vector<16xf32>
      %add3A_427 = arith.constant 2 : i32
      %add3A_428 = arith.addi %mul3A_215, %add3A_427 : i32
      %swap3A_429 = arith.index_cast %add3A_428 : i32 to index
      %swap3A_430 = arith.constant 32 : index
      %swap3A_431 = tpu.vector_load %arg7[%swap3A_429, %swap3A_430] {strides = array<i32>} : memref<200x64xf32, #tpu.memory_space<vmem>>, vector<1x16xf32>,
      %swap3A_432 = vector.shape_cast %swap3A_431 : vector<1x16xf32> to vector<16xf32>
      %swap3A_433 = vector.shape_cast %add3A_426 : vector<16xf32> to vector<1x16xf32>
      tpu.vector_store %arg7[%swap3A_429, %swap3A_430], %swap3A_433 {strides = array<i32>} : memref<200x64xf32, #tpu.memory_space<vmem>>, vector<1x16xf32>,
      %add3A_434 = arith.constant 2 : i32
      %add3A_435 = arith.addi %mul3A_215, %add3A_434 : i32
      %get3A_436 = arith.index_cast %add3A_435 : i32 to index
      %get3A_437 = arith.constant 48 : index
      %get3A_438 = tpu.vector_load %arg7[%get3A_436, %get3A_437] {strides = array<i32>} : memref<200x64xf32, #tpu.memory_space<vmem>>, vector<1x16xf32>,
      %get3A_439 = vector.shape_cast %get3A_438 : vector<1x16xf32> to vector<16xf32>
      %add3A_440 = arith.constant 2 : i32
      %add3A_441 = arith.addi %mul3A_215, %add3A_440 : i32
      %get3A_442 = arith.index_cast %add3A_441 : i32 to index
      %get3A_443 = arith.constant 48 : index
      %get3A_444 = tpu.vector_load %arg11[%get3A_442, %get3A_443] {strides = array<i32>} : memref<200x64xf32, #tpu.memory_space<vmem>>, vector<1x16xf32>,
      %get3A_445 = vector.shape_cast %get3A_444 : vector<1x16xf32> to vector<16xf32>
      %add3A_446 = arith.addf %get3A_439, %get3A_445 : vector<16xf32>
      %add3A_447 = arith.constant 2 : i32
      %add3A_448 = arith.addi %mul3A_215, %add3A_447 : i32
      %swap3A_449 = arith.index_cast %add3A_448 : i32 to index
      %swap3A_450 = arith.constant 48 : index
      %swap3A_451 = tpu.vector_load %arg7[%swap3A_449, %swap3A_450] {strides = array<i32>} : memref<200x64xf32, #tpu.memory_space<vmem>>, vector<1x16xf32>,
      %swap3A_452 = vector.shape_cast %swap3A_451 : vector<1x16xf32> to vector<16xf32>
      %swap3A_453 = vector.shape_cast %add3A_446 : vector<16xf32> to vector<1x16xf32>
      tpu.vector_store %arg7[%swap3A_449, %swap3A_450], %swap3A_453 {strides = array<i32>} : memref<200x64xf32, #tpu.memory_space<vmem>>, vector<1x16xf32>,
      %add3A_454 = arith.constant 3 : i32
      %add3A_455 = arith.addi %mul3A_215, %add3A_454 : i32
      %get3A_456 = arith.index_cast %add3A_455 : i32 to index
      %get3A_457 = arith.constant 0 : index
      %get3A_458 = tpu.vector_load %arg7[%get3A_456, %get3A_457] {strides = array<i32>} : memref<200x64xf32, #tpu.memory_space<vmem>>, vector<1x16xf32>,
      %get3A_459 = vector.shape_cast %get3A_458 : vector<1x16xf32> to vector<16xf32>
      %add3A_460 = arith.constant 3 : i32
      %add3A_461 = arith.addi %mul3A_215, %add3A_460 : i32
      %get3A_462 = arith.index_cast %add3A_461 : i32 to index
      %get3A_463 = arith.constant 0 : index
      %get3A_464 = tpu.vector_load %arg11[%get3A_462, %get3A_463] {strides = array<i32>} : memref<200x64xf32, #tpu.memory_space<vmem>>, vector<1x16xf32>,
      %get3A_465 = vector.shape_cast %get3A_464 : vector<1x16xf32> to vector<16xf32>
      %add3A_466 = arith.addf %get3A_459, %get3A_465 : vector<16xf32>
      %add3A_467 = arith.constant 3 : i32
      %add3A_468 = arith.addi %mul3A_215, %add3A_467 : i32
      %swap3A_469 = arith.index_cast %add3A_468 : i32 to index
      %swap3A_470 = arith.constant 0 : index
      %swap3A_471 = tpu.vector_load %arg7[%swap3A_469, %swap3A_470] {strides = array<i32>} : memref<200x64xf32, #tpu.memory_space<vmem>>, vector<1x16xf32>,
      %swap3A_472 = vector.shape_cast %swap3A_471 : vector<1x16xf32> to vector<16xf32>
      %swap3A_473 = vector.shape_cast %add3A_466 : vector<16xf32> to vector<1x16xf32>
      tpu.vector_store %arg7[%swap3A_469, %swap3A_470], %swap3A_473 {strides = array<i32>} : memref<200x64xf32, #tpu.memory_space<vmem>>, vector<1x16xf32>,
      %add3A_474 = arith.constant 3 : i32
      %add3A_475 = arith.addi %mul3A_215, %add3A_474 : i32
      %get3A_476 = arith.index_cast %add3A_475 : i32 to index
      %get3A_477 = arith.constant 16 : index
      %get3A_478 = tpu.vector_load %arg7[%get3A_476, %get3A_477] {strides = array<i32>} : memref<200x64xf32, #tpu.memory_space<vmem>>, vector<1x16xf32>,
      %get3A_479 = vector.shape_cast %get3A_478 : vector<1x16xf32> to vector<16xf32>
      %add3A_480 = arith.constant 3 : i32
      %add3A_481 = arith.addi %mul3A_215, %add3A_480 : i32
      %get3A_482 = arith.index_cast %add3A_481 : i32 to index
      %get3A_483 = arith.constant 16 : index
      %get3A_484 = tpu.vector_load %arg11[%get3A_482, %get3A_483] {strides = array<i32>} : memref<200x64xf32, #tpu.memory_space<vmem>>, vector<1x16xf32>,
      %get3A_485 = vector.shape_cast %get3A_484 : vector<1x16xf32> to vector<16xf32>
      %add3A_486 = arith.addf %get3A_479, %get3A_485 : vector<16xf32>
      %add3A_487 = arith.constant 3 : i32
      %add3A_488 = arith.addi %mul3A_215, %add3A_487 : i32
      %swap3A_489 = arith.index_cast %add3A_488 : i32 to index
      %swap3A_490 = arith.constant 16 : index
      %swap3A_491 = tpu.vector_load %arg7[%swap3A_489, %swap3A_490] {strides = array<i32>} : memref<200x64xf32, #tpu.memory_space<vmem>>, vector<1x16xf32>,
      %swap3A_492 = vector.shape_cast %swap3A_491 : vector<1x16xf32> to vector<16xf32>
      %swap3A_493 = vector.shape_cast %add3A_486 : vector<16xf32> to vector<1x16xf32>
      tpu.vector_store %arg7[%swap3A_489, %swap3A_490], %swap3A_493 {strides = array<i32>} : memref<200x64xf32, #tpu.memory_space<vmem>>, vector<1x16xf32>,
      %add3A_494 = arith.constant 3 : i32
      %add3A_495 = arith.addi %mul3A_215, %add3A_494 : i32
      %get3A_496 = arith.index_cast %add3A_495 : i32 to index
      %get3A_497 = arith.constant 32 : index
      %get3A_498 = tpu.vector_load %arg7[%get3A_496, %get3A_497] {strides = array<i32>} : memref<200x64xf32, #tpu.memory_space<vmem>>, vector<1x16xf32>,
      %get3A_499 = vector.shape_cast %get3A_498 : vector<1x16xf32> to vector<16xf32>
      %add3A_500 = arith.constant 3 : i32
      %add3A_501 = arith.addi %mul3A_215, %add3A_500 : i32
      %get3A_502 = arith.index_cast %add3A_501 : i32 to index
      %get3A_503 = arith.constant 32 : index
      %get3A_504 = tpu.vector_load %arg11[%get3A_502, %get3A_503] {strides = array<i32>} : memref<200x64xf32, #tpu.memory_space<vmem>>, vector<1x16xf32>,
      %get3A_505 = vector.shape_cast %get3A_504 : vector<1x16xf32> to vector<16xf32>
      %add3A_506 = arith.addf %get3A_499, %get3A_505 : vector<16xf32>
      %add3A_507 = arith.constant 3 : i32
      %add3A_508 = arith.addi %mul3A_215, %add3A_507 : i32
      %swap3A_509 = arith.index_cast %add3A_508 : i32 to index
      %swap3A_510 = arith.constant 32 : index
      %swap3A_511 = tpu.vector_load %arg7[%swap3A_509, %swap3A_510] {strides = array<i32>} : memref<200x64xf32, #tpu.memory_space<vmem>>, vector<1x16xf32>,
      %swap3A_512 = vector.shape_cast %swap3A_511 : vector<1x16xf32> to vector<16xf32>
      %swap3A_513 = vector.shape_cast %add3A_506 : vector<16xf32> to vector<1x16xf32>
      tpu.vector_store %arg7[%swap3A_509, %swap3A_510], %swap3A_513 {strides = array<i32>} : memref<200x64xf32, #tpu.memory_space<vmem>>, vector<1x16xf32>,
      %add3A_514 = arith.constant 3 : i32
      %add3A_515 = arith.addi %mul3A_215, %add3A_514 : i32
      %get3A_516 = arith.index_cast %add3A_515 : i32 to index
      %get3A_517 = arith.constant 48 : index
      %get3A_518 = tpu.vector_load %arg7[%get3A_516, %get3A_517] {strides = array<i32>} : memref<200x64xf32, #tpu.memory_space<vmem>>, vector<1x16xf32>,
      %get3A_519 = vector.shape_cast %get3A_518 : vector<1x16xf32> to vector<16xf32>
      %add3A_520 = arith.constant 3 : i32
      %add3A_521 = arith.addi %mul3A_215, %add3A_520 : i32
      %get3A_522 = arith.index_cast %add3A_521 : i32 to index
      %get3A_523 = arith.constant 48 : index
      %get3A_524 = tpu.vector_load %arg11[%get3A_522, %get3A_523] {strides = array<i32>} : memref<200x64xf32, #tpu.memory_space<vmem>>, vector<1x16xf32>,
      %get3A_525 = vector.shape_cast %get3A_524 : vector<1x16xf32> to vector<16xf32>
      %add3A_526 = arith.addf %get3A_519, %get3A_525 : vector<16xf32>
      %add3A_527 = arith.constant 3 : i32
      %add3A_528 = arith.addi %mul3A_215, %add3A_527 : i32
      %swap3A_529 = arith.index_cast %add3A_528 : i32 to index
      %swap3A_530 = arith.constant 48 : index
      %swap3A_531 = tpu.vector_load %arg7[%swap3A_529, %swap3A_530] {strides = array<i32>} : memref<200x64xf32, #tpu.memory_space<vmem>>, vector<1x16xf32>,
      %swap3A_532 = vector.shape_cast %swap3A_531 : vector<1x16xf32> to vector<16xf32>
      %swap3A_533 = vector.shape_cast %add3A_526 : vector<16xf32> to vector<1x16xf32>
      tpu.vector_store %arg7[%swap3A_529, %swap3A_530], %swap3A_533 {strides = array<i32>} : memref<200x64xf32, #tpu.memory_space<vmem>>, vector<1x16xf32>,
    }
    %scan3A_139 = arith.constant 50 : i32
    %add3A_140 = arith.constant 24800 : i32
    %add3A_141 = arith.addi %mul3A_2, %add3A_140 : i32
    %dma_start3A_142 = arith.constant 0 : i32
    %dma_start3A_143 = tpu.memref_slice %arg5[%add3A_141, %dma_start3A_142] : memref<819200x64xf32, #tpu.memory_space<hbm>> -> memref<200x64xf32, #tpu.memory_space<hbm>>
    %dma_start3A_144 = arith.constant 0 : i32
    %dma_start3A_145 = tpu.memref_slice %arg5[%add3A_141, %dma_start3A_144] : memref<819200x64xf32, #tpu.memory_space<hbm>> -> memref<200x64xf32, #tpu.memory_space<hbm>>
    tpu.enqueue_dma source(%arg7 : memref<200x64xf32, #tpu.memory_space<vmem>>) target(%dma_start3A_145 : memref<200x64xf32, #tpu.memory_space<hbm>>) target_semaphore(%arg13 : memref<!tpu.dma_semaphore, #tpu.memory_space<semaphore_mem>>)
    %dma_wait3A_146 = arith.constant 0 : i32
    %dma_wait3A_147 = tpu.memref_slice %arg5[%mul3A_2, %dma_wait3A_146] : memref<819200x64xf32, #tpu.memory_space<hbm>> -> memref<200x64xf32, #tpu.memory_space<hbm>>
    %dma_wait3A_148 = arith.constant 0 : i32
    %dma_wait3A_149 = tpu.memref_slice %arg5[%mul3A_2, %dma_wait3A_148] : memref<819200x64xf32, #tpu.memory_space<hbm>> -> memref<200x64xf32, #tpu.memory_space<hbm>>
    tpu.wait_dma2 semaphore(%arg13 : memref<!tpu.dma_semaphore, #tpu.memory_space<semaphore_mem>>) src(%arg7 : memref<200x64xf32, #tpu.memory_space<vmem>>) dst(%dma_wait3A_149 : memref<200x64xf32, #tpu.memory_space<hbm>>)
    %dma_wait3A_150 = arith.constant 25000 : i32
    %dma_wait3A_151 = tpu.memref_slice %arg6[%dma_wait3A_150] : memref<25600xi32, #tpu.memory_space<vmem>> -> memref<200xi32, #tpu.memory_space<vmem>>
    %dma_wait3A_152 = arith.constant 0 : i32
    %dma_wait3A_153 = arith.constant 0 : i32
    %dma_wait3A_154 = tpu.memref_slice %arg3[%dma_wait3A_152, %dma_wait3A_153] : memref<1000000x64xf32, #tpu.memory_space<hbm>> -> memref<1000000x64xf32, #tpu.memory_space<hbm>>
    tpu.wait_indirect_dma semaphore(%arg12 : memref<!tpu.dma_semaphore, #tpu.memory_space<semaphore_mem>>) src(%dma_wait3A_154 : memref<1000000x64xf32, #tpu.memory_space<hbm>>) dst(%arg8 : memref<200x64xf32, #tpu.memory_space<vmem>>)
    %scan3A_155 = arith.constant 0 : i32
    %scan3A_156 = arith.constant 0 : i32
    %scan3A_157 = arith.constant 50 : i32
    %scan3A_158 = arith.addi %scan3A_156, %scan3A_157 : i32
    %scan3A_159 = arith.constant 1 : i32
    scf.for %scan3A_213 = %scan3A_156 to %scan3A_158 step %scan3A_159  : i32 {
      %mul3A_214 = arith.constant 4 : i32
      %mul3A_215 = arith.muli %scan3A_213, %mul3A_214 : i32
      %add3A_216 = arith.constant 0 : i32
      %add3A_217 = arith.addi %mul3A_215, %add3A_216 : i32
      %get3A = arith.index_cast %add3A_217 : i32 to index
      %get3A_218 = arith.constant 0 : index
      %get3A_219 = tpu.vector_load %arg8[%get3A, %get3A_218] {strides = array<i32>} : memref<200x64xf32, #tpu.memory_space<vmem>>, vector<1x16xf32>,
      %get3A_220 = vector.shape_cast %get3A_219 : vector<1x16xf32> to vector<16xf32>
      %add3A_221 = arith.constant 0 : i32
      %add3A_222 = arith.addi %mul3A_215, %add3A_221 : i32
      %get3A_223 = arith.index_cast %add3A_222 : i32 to index
      %get3A_224 = arith.constant 0 : index
      %get3A_225 = tpu.vector_load %arg11[%get3A_223, %get3A_224] {strides = array<i32>} : memref<200x64xf32, #tpu.memory_space<vmem>>, vector<1x16xf32>,
      %get3A_226 = vector.shape_cast %get3A_225 : vector<1x16xf32> to vector<16xf32>
      %add3A_227 = arith.addf %get3A_220, %get3A_226 : vector<16xf32>
      %add3A_228 = arith.constant 0 : i32
      %add3A_229 = arith.addi %mul3A_215, %add3A_228 : i32
      %swap3A = arith.index_cast %add3A_229 : i32 to index
      %swap3A_230 = arith.constant 0 : index
      %swap3A_231 = tpu.vector_load %arg8[%swap3A, %swap3A_230] {strides = array<i32>} : memref<200x64xf32, #tpu.memory_space<vmem>>, vector<1x16xf32>,
      %swap3A_232 = vector.shape_cast %swap3A_231 : vector<1x16xf32> to vector<16xf32>
      %swap3A_233 = vector.shape_cast %add3A_227 : vector<16xf32> to vector<1x16xf32>
      tpu.vector_store %arg8[%swap3A, %swap3A_230], %swap3A_233 {strides = array<i32>} : memref<200x64xf32, #tpu.memory_space<vmem>>, vector<1x16xf32>,
      %add3A_234 = arith.constant 0 : i32
      %add3A_235 = arith.addi %mul3A_215, %add3A_234 : i32
      %get3A_236 = arith.index_cast %add3A_235 : i32 to index
      %get3A_237 = arith.constant 16 : index
      %get3A_238 = tpu.vector_load %arg8[%get3A_236, %get3A_237] {strides = array<i32>} : memref<200x64xf32, #tpu.memory_space<vmem>>, vector<1x16xf32>,
      %get3A_239 = vector.shape_cast %get3A_238 : vector<1x16xf32> to vector<16xf32>
      %add3A_240 = arith.constant 0 : i32
      %add3A_241 = arith.addi %mul3A_215, %add3A_240 : i32
      %get3A_242 = arith.index_cast %add3A_241 : i32 to index
      %get3A_243 = arith.constant 16 : index
      %get3A_244 = tpu.vector_load %arg11[%get3A_242, %get3A_243] {strides = array<i32>} : memref<200x64xf32, #tpu.memory_space<vmem>>, vector<1x16xf32>,
      %get3A_245 = vector.shape_cast %get3A_244 : vector<1x16xf32> to vector<16xf32>
      %add3A_246 = arith.addf %get3A_239, %get3A_245 : vector<16xf32>
      %add3A_247 = arith.constant 0 : i32
      %add3A_248 = arith.addi %mul3A_215, %add3A_247 : i32
      %swap3A_249 = arith.index_cast %add3A_248 : i32 to index
      %swap3A_250 = arith.constant 16 : index
      %swap3A_251 = tpu.vector_load %arg8[%swap3A_249, %swap3A_250] {strides = array<i32>} : memref<200x64xf32, #tpu.memory_space<vmem>>, vector<1x16xf32>,
      %swap3A_252 = vector.shape_cast %swap3A_251 : vector<1x16xf32> to vector<16xf32>
      %swap3A_253 = vector.shape_cast %add3A_246 : vector<16xf32> to vector<1x16xf32>
      tpu.vector_store %arg8[%swap3A_249, %swap3A_250], %swap3A_253 {strides = array<i32>} : memref<200x64xf32, #tpu.memory_space<vmem>>, vector<1x16xf32>,
      %add3A_254 = arith.constant 0 : i32
      %add3A_255 = arith.addi %mul3A_215, %add3A_254 : i32
      %get3A_256 = arith.index_cast %add3A_255 : i32 to index
      %get3A_257 = arith.constant 32 : index
      %get3A_258 = tpu.vector_load %arg8[%get3A_256, %get3A_257] {strides = array<i32>} : memref<200x64xf32, #tpu.memory_space<vmem>>, vector<1x16xf32>,
      %get3A_259 = vector.shape_cast %get3A_258 : vector<1x16xf32> to vector<16xf32>
      %add3A_260 = arith.constant 0 : i32
      %add3A_261 = arith.addi %mul3A_215, %add3A_260 : i32
      %get3A_262 = arith.index_cast %add3A_261 : i32 to index
      %get3A_263 = arith.constant 32 : index
      %get3A_264 = tpu.vector_load %arg11[%get3A_262, %get3A_263] {strides = array<i32>} : memref<200x64xf32, #tpu.memory_space<vmem>>, vector<1x16xf32>,
      %get3A_265 = vector.shape_cast %get3A_264 : vector<1x16xf32> to vector<16xf32>
      %add3A_266 = arith.addf %get3A_259, %get3A_265 : vector<16xf32>
      %add3A_267 = arith.constant 0 : i32
      %add3A_268 = arith.addi %mul3A_215, %add3A_267 : i32
      %swap3A_269 = arith.index_cast %add3A_268 : i32 to index
      %swap3A_270 = arith.constant 32 : index
      %swap3A_271 = tpu.vector_load %arg8[%swap3A_269, %swap3A_270] {strides = array<i32>} : memref<200x64xf32, #tpu.memory_space<vmem>>, vector<1x16xf32>,
      %swap3A_272 = vector.shape_cast %swap3A_271 : vector<1x16xf32> to vector<16xf32>
      %swap3A_273 = vector.shape_cast %add3A_266 : vector<16xf32> to vector<1x16xf32>
      tpu.vector_store %arg8[%swap3A_269, %swap3A_270], %swap3A_273 {strides = array<i32>} : memref<200x64xf32, #tpu.memory_space<vmem>>, vector<1x16xf32>,
      %add3A_274 = arith.constant 0 : i32
      %add3A_275 = arith.addi %mul3A_215, %add3A_274 : i32
      %get3A_276 = arith.index_cast %add3A_275 : i32 to index
      %get3A_277 = arith.constant 48 : index
      %get3A_278 = tpu.vector_load %arg8[%get3A_276, %get3A_277] {strides = array<i32>} : memref<200x64xf32, #tpu.memory_space<vmem>>, vector<1x16xf32>,
      %get3A_279 = vector.shape_cast %get3A_278 : vector<1x16xf32> to vector<16xf32>
      %add3A_280 = arith.constant 0 : i32
      %add3A_281 = arith.addi %mul3A_215, %add3A_280 : i32
      %get3A_282 = arith.index_cast %add3A_281 : i32 to index
      %get3A_283 = arith.constant 48 : index
      %get3A_284 = tpu.vector_load %arg11[%get3A_282, %get3A_283] {strides = array<i32>} : memref<200x64xf32, #tpu.memory_space<vmem>>, vector<1x16xf32>,
      %get3A_285 = vector.shape_cast %get3A_284 : vector<1x16xf32> to vector<16xf32>
      %add3A_286 = arith.addf %get3A_279, %get3A_285 : vector<16xf32>
      %add3A_287 = arith.constant 0 : i32
      %add3A_288 = arith.addi %mul3A_215, %add3A_287 : i32
      %swap3A_289 = arith.index_cast %add3A_288 : i32 to index
      %swap3A_290 = arith.constant 48 : index
      %swap3A_291 = tpu.vector_load %arg8[%swap3A_289, %swap3A_290] {strides = array<i32>} : memref<200x64xf32, #tpu.memory_space<vmem>>, vector<1x16xf32>,
      %swap3A_292 = vector.shape_cast %swap3A_291 : vector<1x16xf32> to vector<16xf32>
      %swap3A_293 = vector.shape_cast %add3A_286 : vector<16xf32> to vector<1x16xf32>
      tpu.vector_store %arg8[%swap3A_289, %swap3A_290], %swap3A_293 {strides = array<i32>} : memref<200x64xf32, #tpu.memory_space<vmem>>, vector<1x16xf32>,
      %add3A_294 = arith.constant 1 : i32
      %add3A_295 = arith.addi %mul3A_215, %add3A_294 : i32
      %get3A_296 = arith.index_cast %add3A_295 : i32 to index
      %get3A_297 = arith.constant 0 : index
      %get3A_298 = tpu.vector_load %arg8[%get3A_296, %get3A_297] {strides = array<i32>} : memref<200x64xf32, #tpu.memory_space<vmem>>, vector<1x16xf32>,
      %get3A_299 = vector.shape_cast %get3A_298 : vector<1x16xf32> to vector<16xf32>
      %add3A_300 = arith.constant 1 : i32
      %add3A_301 = arith.addi %mul3A_215, %add3A_300 : i32
      %get3A_302 = arith.index_cast %add3A_301 : i32 to index
      %get3A_303 = arith.constant 0 : index
      %get3A_304 = tpu.vector_load %arg11[%get3A_302, %get3A_303] {strides = array<i32>} : memref<200x64xf32, #tpu.memory_space<vmem>>, vector<1x16xf32>,
      %get3A_305 = vector.shape_cast %get3A_304 : vector<1x16xf32> to vector<16xf32>
      %add3A_306 = arith.addf %get3A_299, %get3A_305 : vector<16xf32>
      %add3A_307 = arith.constant 1 : i32
      %add3A_308 = arith.addi %mul3A_215, %add3A_307 : i32
      %swap3A_309 = arith.index_cast %add3A_308 : i32 to index
      %swap3A_310 = arith.constant 0 : index
      %swap3A_311 = tpu.vector_load %arg8[%swap3A_309, %swap3A_310] {strides = array<i32>} : memref<200x64xf32, #tpu.memory_space<vmem>>, vector<1x16xf32>,
      %swap3A_312 = vector.shape_cast %swap3A_311 : vector<1x16xf32> to vector<16xf32>
      %swap3A_313 = vector.shape_cast %add3A_306 : vector<16xf32> to vector<1x16xf32>
      tpu.vector_store %arg8[%swap3A_309, %swap3A_310], %swap3A_313 {strides = array<i32>} : memref<200x64xf32, #tpu.memory_space<vmem>>, vector<1x16xf32>,
      %add3A_314 = arith.constant 1 : i32
      %add3A_315 = arith.addi %mul3A_215, %add3A_314 : i32
      %get3A_316 = arith.index_cast %add3A_315 : i32 to index
      %get3A_317 = arith.constant 16 : index
      %get3A_318 = tpu.vector_load %arg8[%get3A_316, %get3A_317] {strides = array<i32>} : memref<200x64xf32, #tpu.memory_space<vmem>>, vector<1x16xf32>,
      %get3A_319 = vector.shape_cast %get3A_318 : vector<1x16xf32> to vector<16xf32>
      %add3A_320 = arith.constant 1 : i32
      %add3A_321 = arith.addi %mul3A_215, %add3A_320 : i32
      %get3A_322 = arith.index_cast %add3A_321 : i32 to index
      %get3A_323 = arith.constant 16 : index
      %get3A_324 = tpu.vector_load %arg11[%get3A_322, %get3A_323] {strides = array<i32>} : memref<200x64xf32, #tpu.memory_space<vmem>>, vector<1x16xf32>,
      %get3A_325 = vector.shape_cast %get3A_324 : vector<1x16xf32> to vector<16xf32>
      %add3A_326 = arith.addf %get3A_319, %get3A_325 : vector<16xf32>
      %add3A_327 = arith.constant 1 : i32
      %add3A_328 = arith.addi %mul3A_215, %add3A_327 : i32
      %swap3A_329 = arith.index_cast %add3A_328 : i32 to index
      %swap3A_330 = arith.constant 16 : index
      %swap3A_331 = tpu.vector_load %arg8[%swap3A_329, %swap3A_330] {strides = array<i32>} : memref<200x64xf32, #tpu.memory_space<vmem>>, vector<1x16xf32>,
      %swap3A_332 = vector.shape_cast %swap3A_331 : vector<1x16xf32> to vector<16xf32>
      %swap3A_333 = vector.shape_cast %add3A_326 : vector<16xf32> to vector<1x16xf32>
      tpu.vector_store %arg8[%swap3A_329, %swap3A_330], %swap3A_333 {strides = array<i32>} : memref<200x64xf32, #tpu.memory_space<vmem>>, vector<1x16xf32>,
      %add3A_334 = arith.constant 1 : i32
      %add3A_335 = arith.addi %mul3A_215, %add3A_334 : i32
      %get3A_336 = arith.index_cast %add3A_335 : i32 to index
      %get3A_337 = arith.constant 32 : index
      %get3A_338 = tpu.vector_load %arg8[%get3A_336, %get3A_337] {strides = array<i32>} : memref<200x64xf32, #tpu.memory_space<vmem>>, vector<1x16xf32>,
      %get3A_339 = vector.shape_cast %get3A_338 : vector<1x16xf32> to vector<16xf32>
      %add3A_340 = arith.constant 1 : i32
      %add3A_341 = arith.addi %mul3A_215, %add3A_340 : i32
      %get3A_342 = arith.index_cast %add3A_341 : i32 to index
      %get3A_343 = arith.constant 32 : index
      %get3A_344 = tpu.vector_load %arg11[%get3A_342, %get3A_343] {strides = array<i32>} : memref<200x64xf32, #tpu.memory_space<vmem>>, vector<1x16xf32>,
      %get3A_345 = vector.shape_cast %get3A_344 : vector<1x16xf32> to vector<16xf32>
      %add3A_346 = arith.addf %get3A_339, %get3A_345 : vector<16xf32>
      %add3A_347 = arith.constant 1 : i32
      %add3A_348 = arith.addi %mul3A_215, %add3A_347 : i32
      %swap3A_349 = arith.index_cast %add3A_348 : i32 to index
      %swap3A_350 = arith.constant 32 : index
      %swap3A_351 = tpu.vector_load %arg8[%swap3A_349, %swap3A_350] {strides = array<i32>} : memref<200x64xf32, #tpu.memory_space<vmem>>, vector<1x16xf32>,
      %swap3A_352 = vector.shape_cast %swap3A_351 : vector<1x16xf32> to vector<16xf32>
      %swap3A_353 = vector.shape_cast %add3A_346 : vector<16xf32> to vector<1x16xf32>
      tpu.vector_store %arg8[%swap3A_349, %swap3A_350], %swap3A_353 {strides = array<i32>} : memref<200x64xf32, #tpu.memory_space<vmem>>, vector<1x16xf32>,
      %add3A_354 = arith.constant 1 : i32
      %add3A_355 = arith.addi %mul3A_215, %add3A_354 : i32
      %get3A_356 = arith.index_cast %add3A_355 : i32 to index
      %get3A_357 = arith.constant 48 : index
      %get3A_358 = tpu.vector_load %arg8[%get3A_356, %get3A_357] {strides = array<i32>} : memref<200x64xf32, #tpu.memory_space<vmem>>, vector<1x16xf32>,
      %get3A_359 = vector.shape_cast %get3A_358 : vector<1x16xf32> to vector<16xf32>
      %add3A_360 = arith.constant 1 : i32
      %add3A_361 = arith.addi %mul3A_215, %add3A_360 : i32
      %get3A_362 = arith.index_cast %add3A_361 : i32 to index
      %get3A_363 = arith.constant 48 : index
      %get3A_364 = tpu.vector_load %arg11[%get3A_362, %get3A_363] {strides = array<i32>} : memref<200x64xf32, #tpu.memory_space<vmem>>, vector<1x16xf32>,
      %get3A_365 = vector.shape_cast %get3A_364 : vector<1x16xf32> to vector<16xf32>
      %add3A_366 = arith.addf %get3A_359, %get3A_365 : vector<16xf32>
      %add3A_367 = arith.constant 1 : i32
      %add3A_368 = arith.addi %mul3A_215, %add3A_367 : i32
      %swap3A_369 = arith.index_cast %add3A_368 : i32 to index
      %swap3A_370 = arith.constant 48 : index
      %swap3A_371 = tpu.vector_load %arg8[%swap3A_369, %swap3A_370] {strides = array<i32>} : memref<200x64xf32, #tpu.memory_space<vmem>>, vector<1x16xf32>,
      %swap3A_372 = vector.shape_cast %swap3A_371 : vector<1x16xf32> to vector<16xf32>
      %swap3A_373 = vector.shape_cast %add3A_366 : vector<16xf32> to vector<1x16xf32>
      tpu.vector_store %arg8[%swap3A_369, %swap3A_370], %swap3A_373 {strides = array<i32>} : memref<200x64xf32, #tpu.memory_space<vmem>>, vector<1x16xf32>,
      %add3A_374 = arith.constant 2 : i32
      %add3A_375 = arith.addi %mul3A_215, %add3A_374 : i32
      %get3A_376 = arith.index_cast %add3A_375 : i32 to index
      %get3A_377 = arith.constant 0 : index
      %get3A_378 = tpu.vector_load %arg8[%get3A_376, %get3A_377] {strides = array<i32>} : memref<200x64xf32, #tpu.memory_space<vmem>>, vector<1x16xf32>,
      %get3A_379 = vector.shape_cast %get3A_378 : vector<1x16xf32> to vector<16xf32>
      %add3A_380 = arith.constant 2 : i32
      %add3A_381 = arith.addi %mul3A_215, %add3A_380 : i32
      %get3A_382 = arith.index_cast %add3A_381 : i32 to index
      %get3A_383 = arith.constant 0 : index
      %get3A_384 = tpu.vector_load %arg11[%get3A_382, %get3A_383] {strides = array<i32>} : memref<200x64xf32, #tpu.memory_space<vmem>>, vector<1x16xf32>,
      %get3A_385 = vector.shape_cast %get3A_384 : vector<1x16xf32> to vector<16xf32>
      %add3A_386 = arith.addf %get3A_379, %get3A_385 : vector<16xf32>
      %add3A_387 = arith.constant 2 : i32
      %add3A_388 = arith.addi %mul3A_215, %add3A_387 : i32
      %swap3A_389 = arith.index_cast %add3A_388 : i32 to index
      %swap3A_390 = arith.constant 0 : index
      %swap3A_391 = tpu.vector_load %arg8[%swap3A_389, %swap3A_390] {strides = array<i32>} : memref<200x64xf32, #tpu.memory_space<vmem>>, vector<1x16xf32>,
      %swap3A_392 = vector.shape_cast %swap3A_391 : vector<1x16xf32> to vector<16xf32>
      %swap3A_393 = vector.shape_cast %add3A_386 : vector<16xf32> to vector<1x16xf32>
      tpu.vector_store %arg8[%swap3A_389, %swap3A_390], %swap3A_393 {strides = array<i32>} : memref<200x64xf32, #tpu.memory_space<vmem>>, vector<1x16xf32>,
      %add3A_394 = arith.constant 2 : i32
      %add3A_395 = arith.addi %mul3A_215, %add3A_394 : i32
      %get3A_396 = arith.index_cast %add3A_395 : i32 to index
      %get3A_397 = arith.constant 16 : index
      %get3A_398 = tpu.vector_load %arg8[%get3A_396, %get3A_397] {strides = array<i32>} : memref<200x64xf32, #tpu.memory_space<vmem>>, vector<1x16xf32>,
      %get3A_399 = vector.shape_cast %get3A_398 : vector<1x16xf32> to vector<16xf32>
      %add3A_400 = arith.constant 2 : i32
      %add3A_401 = arith.addi %mul3A_215, %add3A_400 : i32
      %get3A_402 = arith.index_cast %add3A_401 : i32 to index
      %get3A_403 = arith.constant 16 : index
      %get3A_404 = tpu.vector_load %arg11[%get3A_402, %get3A_403] {strides = array<i32>} : memref<200x64xf32, #tpu.memory_space<vmem>>, vector<1x16xf32>,
      %get3A_405 = vector.shape_cast %get3A_404 : vector<1x16xf32> to vector<16xf32>
      %add3A_406 = arith.addf %get3A_399, %get3A_405 : vector<16xf32>
      %add3A_407 = arith.constant 2 : i32
      %add3A_408 = arith.addi %mul3A_215, %add3A_407 : i32
      %swap3A_409 = arith.index_cast %add3A_408 : i32 to index
      %swap3A_410 = arith.constant 16 : index
      %swap3A_411 = tpu.vector_load %arg8[%swap3A_409, %swap3A_410] {strides = array<i32>} : memref<200x64xf32, #tpu.memory_space<vmem>>, vector<1x16xf32>,
      %swap3A_412 = vector.shape_cast %swap3A_411 : vector<1x16xf32> to vector<16xf32>
      %swap3A_413 = vector.shape_cast %add3A_406 : vector<16xf32> to vector<1x16xf32>
      tpu.vector_store %arg8[%swap3A_409, %swap3A_410], %swap3A_413 {strides = array<i32>} : memref<200x64xf32, #tpu.memory_space<vmem>>, vector<1x16xf32>,
      %add3A_414 = arith.constant 2 : i32
      %add3A_415 = arith.addi %mul3A_215, %add3A_414 : i32
      %get3A_416 = arith.index_cast %add3A_415 : i32 to index
      %get3A_417 = arith.constant 32 : index
      %get3A_418 = tpu.vector_load %arg8[%get3A_416, %get3A_417] {strides = array<i32>} : memref<200x64xf32, #tpu.memory_space<vmem>>, vector<1x16xf32>,
      %get3A_419 = vector.shape_cast %get3A_418 : vector<1x16xf32> to vector<16xf32>
      %add3A_420 = arith.constant 2 : i32
      %add3A_421 = arith.addi %mul3A_215, %add3A_420 : i32
      %get3A_422 = arith.index_cast %add3A_421 : i32 to index
      %get3A_423 = arith.constant 32 : index
      %get3A_424 = tpu.vector_load %arg11[%get3A_422, %get3A_423] {strides = array<i32>} : memref<200x64xf32, #tpu.memory_space<vmem>>, vector<1x16xf32>,
      %get3A_425 = vector.shape_cast %get3A_424 : vector<1x16xf32> to vector<16xf32>
      %add3A_426 = arith.addf %get3A_419, %get3A_425 : vector<16xf32>
      %add3A_427 = arith.constant 2 : i32
      %add3A_428 = arith.addi %mul3A_215, %add3A_427 : i32
      %swap3A_429 = arith.index_cast %add3A_428 : i32 to index
      %swap3A_430 = arith.constant 32 : index
      %swap3A_431 = tpu.vector_load %arg8[%swap3A_429, %swap3A_430] {strides = array<i32>} : memref<200x64xf32, #tpu.memory_space<vmem>>, vector<1x16xf32>,
      %swap3A_432 = vector.shape_cast %swap3A_431 : vector<1x16xf32> to vector<16xf32>
      %swap3A_433 = vector.shape_cast %add3A_426 : vector<16xf32> to vector<1x16xf32>
      tpu.vector_store %arg8[%swap3A_429, %swap3A_430], %swap3A_433 {strides = array<i32>} : memref<200x64xf32, #tpu.memory_space<vmem>>, vector<1x16xf32>,
      %add3A_434 = arith.constant 2 : i32
      %add3A_435 = arith.addi %mul3A_215, %add3A_434 : i32
      %get3A_436 = arith.index_cast %add3A_435 : i32 to index
      %get3A_437 = arith.constant 48 : index
      %get3A_438 = tpu.vector_load %arg8[%get3A_436, %get3A_437] {strides = array<i32>} : memref<200x64xf32, #tpu.memory_space<vmem>>, vector<1x16xf32>,
      %get3A_439 = vector.shape_cast %get3A_438 : vector<1x16xf32> to vector<16xf32>
      %add3A_440 = arith.constant 2 : i32
      %add3A_441 = arith.addi %mul3A_215, %add3A_440 : i32
      %get3A_442 = arith.index_cast %add3A_441 : i32 to index
      %get3A_443 = arith.constant 48 : index
      %get3A_444 = tpu.vector_load %arg11[%get3A_442, %get3A_443] {strides = array<i32>} : memref<200x64xf32, #tpu.memory_space<vmem>>, vector<1x16xf32>,
      %get3A_445 = vector.shape_cast %get3A_444 : vector<1x16xf32> to vector<16xf32>
      %add3A_446 = arith.addf %get3A_439, %get3A_445 : vector<16xf32>
      %add3A_447 = arith.constant 2 : i32
      %add3A_448 = arith.addi %mul3A_215, %add3A_447 : i32
      %swap3A_449 = arith.index_cast %add3A_448 : i32 to index
      %swap3A_450 = arith.constant 48 : index
      %swap3A_451 = tpu.vector_load %arg8[%swap3A_449, %swap3A_450] {strides = array<i32>} : memref<200x64xf32, #tpu.memory_space<vmem>>, vector<1x16xf32>,
      %swap3A_452 = vector.shape_cast %swap3A_451 : vector<1x16xf32> to vector<16xf32>
      %swap3A_453 = vector.shape_cast %add3A_446 : vector<16xf32> to vector<1x16xf32>
      tpu.vector_store %arg8[%swap3A_449, %swap3A_450], %swap3A_453 {strides = array<i32>} : memref<200x64xf32, #tpu.memory_space<vmem>>, vector<1x16xf32>,
      %add3A_454 = arith.constant 3 : i32
      %add3A_455 = arith.addi %mul3A_215, %add3A_454 : i32
      %get3A_456 = arith.index_cast %add3A_455 : i32 to index
      %get3A_457 = arith.constant 0 : index
      %get3A_458 = tpu.vector_load %arg8[%get3A_456, %get3A_457] {strides = array<i32>} : memref<200x64xf32, #tpu.memory_space<vmem>>, vector<1x16xf32>,
      %get3A_459 = vector.shape_cast %get3A_458 : vector<1x16xf32> to vector<16xf32>
      %add3A_460 = arith.constant 3 : i32
      %add3A_461 = arith.addi %mul3A_215, %add3A_460 : i32
      %get3A_462 = arith.index_cast %add3A_461 : i32 to index
      %get3A_463 = arith.constant 0 : index
      %get3A_464 = tpu.vector_load %arg11[%get3A_462, %get3A_463] {strides = array<i32>} : memref<200x64xf32, #tpu.memory_space<vmem>>, vector<1x16xf32>,
      %get3A_465 = vector.shape_cast %get3A_464 : vector<1x16xf32> to vector<16xf32>
      %add3A_466 = arith.addf %get3A_459, %get3A_465 : vector<16xf32>
      %add3A_467 = arith.constant 3 : i32
      %add3A_468 = arith.addi %mul3A_215, %add3A_467 : i32
      %swap3A_469 = arith.index_cast %add3A_468 : i32 to index
      %swap3A_470 = arith.constant 0 : index
      %swap3A_471 = tpu.vector_load %arg8[%swap3A_469, %swap3A_470] {strides = array<i32>} : memref<200x64xf32, #tpu.memory_space<vmem>>, vector<1x16xf32>,
      %swap3A_472 = vector.shape_cast %swap3A_471 : vector<1x16xf32> to vector<16xf32>
      %swap3A_473 = vector.shape_cast %add3A_466 : vector<16xf32> to vector<1x16xf32>
      tpu.vector_store %arg8[%swap3A_469, %swap3A_470], %swap3A_473 {strides = array<i32>} : memref<200x64xf32, #tpu.memory_space<vmem>>, vector<1x16xf32>,
      %add3A_474 = arith.constant 3 : i32
      %add3A_475 = arith.addi %mul3A_215, %add3A_474 : i32
      %get3A_476 = arith.index_cast %add3A_475 : i32 to index
      %get3A_477 = arith.constant 16 : index
      %get3A_478 = tpu.vector_load %arg8[%get3A_476, %get3A_477] {strides = array<i32>} : memref<200x64xf32, #tpu.memory_space<vmem>>, vector<1x16xf32>,
      %get3A_479 = vector.shape_cast %get3A_478 : vector<1x16xf32> to vector<16xf32>
      %add3A_480 = arith.constant 3 : i32
      %add3A_481 = arith.addi %mul3A_215, %add3A_480 : i32
      %get3A_482 = arith.index_cast %add3A_481 : i32 to index
      %get3A_483 = arith.constant 16 : index
      %get3A_484 = tpu.vector_load %arg11[%get3A_482, %get3A_483] {strides = array<i32>} : memref<200x64xf32, #tpu.memory_space<vmem>>, vector<1x16xf32>,
      %get3A_485 = vector.shape_cast %get3A_484 : vector<1x16xf32> to vector<16xf32>
      %add3A_486 = arith.addf %get3A_479, %get3A_485 : vector<16xf32>
      %add3A_487 = arith.constant 3 : i32
      %add3A_488 = arith.addi %mul3A_215, %add3A_487 : i32
      %swap3A_489 = arith.index_cast %add3A_488 : i32 to index
      %swap3A_490 = arith.constant 16 : index
      %swap3A_491 = tpu.vector_load %arg8[%swap3A_489, %swap3A_490] {strides = array<i32>} : memref<200x64xf32, #tpu.memory_space<vmem>>, vector<1x16xf32>,
      %swap3A_492 = vector.shape_cast %swap3A_491 : vector<1x16xf32> to vector<16xf32>
      %swap3A_493 = vector.shape_cast %add3A_486 : vector<16xf32> to vector<1x16xf32>
      tpu.vector_store %arg8[%swap3A_489, %swap3A_490], %swap3A_493 {strides = array<i32>} : memref<200x64xf32, #tpu.memory_space<vmem>>, vector<1x16xf32>,
      %add3A_494 = arith.constant 3 : i32
      %add3A_495 = arith.addi %mul3A_215, %add3A_494 : i32
      %get3A_496 = arith.index_cast %add3A_495 : i32 to index
      %get3A_497 = arith.constant 32 : index
      %get3A_498 = tpu.vector_load %arg8[%get3A_496, %get3A_497] {strides = array<i32>} : memref<200x64xf32, #tpu.memory_space<vmem>>, vector<1x16xf32>,
      %get3A_499 = vector.shape_cast %get3A_498 : vector<1x16xf32> to vector<16xf32>
      %add3A_500 = arith.constant 3 : i32
      %add3A_501 = arith.addi %mul3A_215, %add3A_500 : i32
      %get3A_502 = arith.index_cast %add3A_501 : i32 to index
      %get3A_503 = arith.constant 32 : index
      %get3A_504 = tpu.vector_load %arg11[%get3A_502, %get3A_503] {strides = array<i32>} : memref<200x64xf32, #tpu.memory_space<vmem>>, vector<1x16xf32>,
      %get3A_505 = vector.shape_cast %get3A_504 : vector<1x16xf32> to vector<16xf32>
      %add3A_506 = arith.addf %get3A_499, %get3A_505 : vector<16xf32>
      %add3A_507 = arith.constant 3 : i32
      %add3A_508 = arith.addi %mul3A_215, %add3A_507 : i32
      %swap3A_509 = arith.index_cast %add3A_508 : i32 to index
      %swap3A_510 = arith.constant 32 : index
      %swap3A_511 = tpu.vector_load %arg8[%swap3A_509, %swap3A_510] {strides = array<i32>} : memref<200x64xf32, #tpu.memory_space<vmem>>, vector<1x16xf32>,
      %swap3A_512 = vector.shape_cast %swap3A_511 : vector<1x16xf32> to vector<16xf32>
      %swap3A_513 = vector.shape_cast %add3A_506 : vector<16xf32> to vector<1x16xf32>
      tpu.vector_store %arg8[%swap3A_509, %swap3A_510], %swap3A_513 {strides = array<i32>} : memref<200x64xf32, #tpu.memory_space<vmem>>, vector<1x16xf32>,
      %add3A_514 = arith.constant 3 : i32
      %add3A_515 = arith.addi %mul3A_215, %add3A_514 : i32
      %get3A_516 = arith.index_cast %add3A_515 : i32 to index
      %get3A_517 = arith.constant 48 : index
      %get3A_518 = tpu.vector_load %arg8[%get3A_516, %get3A_517] {strides = array<i32>} : memref<200x64xf32, #tpu.memory_space<vmem>>, vector<1x16xf32>,
      %get3A_519 = vector.shape_cast %get3A_518 : vector<1x16xf32> to vector<16xf32>
      %add3A_520 = arith.constant 3 : i32
      %add3A_521 = arith.addi %mul3A_215, %add3A_520 : i32
      %get3A_522 = arith.index_cast %add3A_521 : i32 to index
      %get3A_523 = arith.constant 48 : index
      %get3A_524 = tpu.vector_load %arg11[%get3A_522, %get3A_523] {strides = array<i32>} : memref<200x64xf32, #tpu.memory_space<vmem>>, vector<1x16xf32>,
      %get3A_525 = vector.shape_cast %get3A_524 : vector<1x16xf32> to vector<16xf32>
      %add3A_526 = arith.addf %get3A_519, %get3A_525 : vector<16xf32>
      %add3A_527 = arith.constant 3 : i32
      %add3A_528 = arith.addi %mul3A_215, %add3A_527 : i32
      %swap3A_529 = arith.index_cast %add3A_528 : i32 to index
      %swap3A_530 = arith.constant 48 : index
      %swap3A_531 = tpu.vector_load %arg8[%swap3A_529, %swap3A_530] {strides = array<i32>} : memref<200x64xf32, #tpu.memory_space<vmem>>, vector<1x16xf32>,
      %swap3A_532 = vector.shape_cast %swap3A_531 : vector<1x16xf32> to vector<16xf32>
      %swap3A_533 = vector.shape_cast %add3A_526 : vector<16xf32> to vector<1x16xf32>
      tpu.vector_store %arg8[%swap3A_529, %swap3A_530], %swap3A_533 {strides = array<i32>} : memref<200x64xf32, #tpu.memory_space<vmem>>, vector<1x16xf32>,
    }
    %scan3A_160 = arith.constant 50 : i32
    %add3A_161 = arith.constant 25000 : i32
    %add3A_162 = arith.addi %mul3A_2, %add3A_161 : i32
    %dma_start3A_163 = arith.constant 0 : i32
    %dma_start3A_164 = tpu.memref_slice %arg5[%add3A_162, %dma_start3A_163] : memref<819200x64xf32, #tpu.memory_space<hbm>> -> memref<200x64xf32, #tpu.memory_space<hbm>>
    %dma_start3A_165 = arith.constant 0 : i32
    %dma_start3A_166 = tpu.memref_slice %arg5[%add3A_162, %dma_start3A_165] : memref<819200x64xf32, #tpu.memory_space<hbm>> -> memref<200x64xf32, #tpu.memory_space<hbm>>
    tpu.enqueue_dma source(%arg8 : memref<200x64xf32, #tpu.memory_space<vmem>>) target(%dma_start3A_166 : memref<200x64xf32, #tpu.memory_space<hbm>>) target_semaphore(%arg13 : memref<!tpu.dma_semaphore, #tpu.memory_space<semaphore_mem>>)
    %dma_wait3A_167 = arith.constant 0 : i32
    %dma_wait3A_168 = tpu.memref_slice %arg5[%mul3A_2, %dma_wait3A_167] : memref<819200x64xf32, #tpu.memory_space<hbm>> -> memref<200x64xf32, #tpu.memory_space<hbm>>
    %dma_wait3A_169 = arith.constant 0 : i32
    %dma_wait3A_170 = tpu.memref_slice %arg5[%mul3A_2, %dma_wait3A_169] : memref<819200x64xf32, #tpu.memory_space<hbm>> -> memref<200x64xf32, #tpu.memory_space<hbm>>
    tpu.wait_dma2 semaphore(%arg13 : memref<!tpu.dma_semaphore, #tpu.memory_space<semaphore_mem>>) src(%arg8 : memref<200x64xf32, #tpu.memory_space<vmem>>) dst(%dma_wait3A_170 : memref<200x64xf32, #tpu.memory_space<hbm>>)
    %dma_wait3A_171 = arith.constant 25200 : i32
    %dma_wait3A_172 = tpu.memref_slice %arg6[%dma_wait3A_171] : memref<25600xi32, #tpu.memory_space<vmem>> -> memref<200xi32, #tpu.memory_space<vmem>>
    %dma_wait3A_173 = arith.constant 0 : i32
    %dma_wait3A_174 = arith.constant 0 : i32
    %dma_wait3A_175 = tpu.memref_slice %arg3[%dma_wait3A_173, %dma_wait3A_174] : memref<1000000x64xf32, #tpu.memory_space<hbm>> -> memref<1000000x64xf32, #tpu.memory_space<hbm>>
    tpu.wait_indirect_dma semaphore(%arg12 : memref<!tpu.dma_semaphore, #tpu.memory_space<semaphore_mem>>) src(%dma_wait3A_175 : memref<1000000x64xf32, #tpu.memory_space<hbm>>) dst(%arg9 : memref<200x64xf32, #tpu.memory_space<vmem>>)
    %scan3A_176 = arith.constant 0 : i32
    %scan3A_177 = arith.constant 0 : i32
    %scan3A_178 = arith.constant 50 : i32
    %scan3A_179 = arith.addi %scan3A_177, %scan3A_178 : i32
    %scan3A_180 = arith.constant 1 : i32
    scf.for %scan3A_213 = %scan3A_177 to %scan3A_179 step %scan3A_180  : i32 {
      %mul3A_214 = arith.constant 4 : i32
      %mul3A_215 = arith.muli %scan3A_213, %mul3A_214 : i32
      %add3A_216 = arith.constant 0 : i32
      %add3A_217 = arith.addi %mul3A_215, %add3A_216 : i32
      %get3A = arith.index_cast %add3A_217 : i32 to index
      %get3A_218 = arith.constant 0 : index
      %get3A_219 = tpu.vector_load %arg9[%get3A, %get3A_218] {strides = array<i32>} : memref<200x64xf32, #tpu.memory_space<vmem>>, vector<1x16xf32>,
      %get3A_220 = vector.shape_cast %get3A_219 : vector<1x16xf32> to vector<16xf32>
      %add3A_221 = arith.constant 0 : i32
      %add3A_222 = arith.addi %mul3A_215, %add3A_221 : i32
      %get3A_223 = arith.index_cast %add3A_222 : i32 to index
      %get3A_224 = arith.constant 0 : index
      %get3A_225 = tpu.vector_load %arg11[%get3A_223, %get3A_224] {strides = array<i32>} : memref<200x64xf32, #tpu.memory_space<vmem>>, vector<1x16xf32>,
      %get3A_226 = vector.shape_cast %get3A_225 : vector<1x16xf32> to vector<16xf32>
      %add3A_227 = arith.addf %get3A_220, %get3A_226 : vector<16xf32>
      %add3A_228 = arith.constant 0 : i32
      %add3A_229 = arith.addi %mul3A_215, %add3A_228 : i32
      %swap3A = arith.index_cast %add3A_229 : i32 to index
      %swap3A_230 = arith.constant 0 : index
      %swap3A_231 = tpu.vector_load %arg9[%swap3A, %swap3A_230] {strides = array<i32>} : memref<200x64xf32, #tpu.memory_space<vmem>>, vector<1x16xf32>,
      %swap3A_232 = vector.shape_cast %swap3A_231 : vector<1x16xf32> to vector<16xf32>
      %swap3A_233 = vector.shape_cast %add3A_227 : vector<16xf32> to vector<1x16xf32>
      tpu.vector_store %arg9[%swap3A, %swap3A_230], %swap3A_233 {strides = array<i32>} : memref<200x64xf32, #tpu.memory_space<vmem>>, vector<1x16xf32>,
      %add3A_234 = arith.constant 0 : i32
      %add3A_235 = arith.addi %mul3A_215, %add3A_234 : i32
      %get3A_236 = arith.index_cast %add3A_235 : i32 to index
      %get3A_237 = arith.constant 16 : index
      %get3A_238 = tpu.vector_load %arg9[%get3A_236, %get3A_237] {strides = array<i32>} : memref<200x64xf32, #tpu.memory_space<vmem>>, vector<1x16xf32>,
      %get3A_239 = vector.shape_cast %get3A_238 : vector<1x16xf32> to vector<16xf32>
      %add3A_240 = arith.constant 0 : i32
      %add3A_241 = arith.addi %mul3A_215, %add3A_240 : i32
      %get3A_242 = arith.index_cast %add3A_241 : i32 to index
      %get3A_243 = arith.constant 16 : index
      %get3A_244 = tpu.vector_load %arg11[%get3A_242, %get3A_243] {strides = array<i32>} : memref<200x64xf32, #tpu.memory_space<vmem>>, vector<1x16xf32>,
      %get3A_245 = vector.shape_cast %get3A_244 : vector<1x16xf32> to vector<16xf32>
      %add3A_246 = arith.addf %get3A_239, %get3A_245 : vector<16xf32>
      %add3A_247 = arith.constant 0 : i32
      %add3A_248 = arith.addi %mul3A_215, %add3A_247 : i32
      %swap3A_249 = arith.index_cast %add3A_248 : i32 to index
      %swap3A_250 = arith.constant 16 : index
      %swap3A_251 = tpu.vector_load %arg9[%swap3A_249, %swap3A_250] {strides = array<i32>} : memref<200x64xf32, #tpu.memory_space<vmem>>, vector<1x16xf32>,
      %swap3A_252 = vector.shape_cast %swap3A_251 : vector<1x16xf32> to vector<16xf32>
      %swap3A_253 = vector.shape_cast %add3A_246 : vector<16xf32> to vector<1x16xf32>
      tpu.vector_store %arg9[%swap3A_249, %swap3A_250], %swap3A_253 {strides = array<i32>} : memref<200x64xf32, #tpu.memory_space<vmem>>, vector<1x16xf32>,
      %add3A_254 = arith.constant 0 : i32
      %add3A_255 = arith.addi %mul3A_215, %add3A_254 : i32
      %get3A_256 = arith.index_cast %add3A_255 : i32 to index
      %get3A_257 = arith.constant 32 : index
      %get3A_258 = tpu.vector_load %arg9[%get3A_256, %get3A_257] {strides = array<i32>} : memref<200x64xf32, #tpu.memory_space<vmem>>, vector<1x16xf32>,
      %get3A_259 = vector.shape_cast %get3A_258 : vector<1x16xf32> to vector<16xf32>
      %add3A_260 = arith.constant 0 : i32
      %add3A_261 = arith.addi %mul3A_215, %add3A_260 : i32
      %get3A_262 = arith.index_cast %add3A_261 : i32 to index
      %get3A_263 = arith.constant 32 : index
      %get3A_264 = tpu.vector_load %arg11[%get3A_262, %get3A_263] {strides = array<i32>} : memref<200x64xf32, #tpu.memory_space<vmem>>, vector<1x16xf32>,
      %get3A_265 = vector.shape_cast %get3A_264 : vector<1x16xf32> to vector<16xf32>
      %add3A_266 = arith.addf %get3A_259, %get3A_265 : vector<16xf32>
      %add3A_267 = arith.constant 0 : i32
      %add3A_268 = arith.addi %mul3A_215, %add3A_267 : i32
      %swap3A_269 = arith.index_cast %add3A_268 : i32 to index
      %swap3A_270 = arith.constant 32 : index
      %swap3A_271 = tpu.vector_load %arg9[%swap3A_269, %swap3A_270] {strides = array<i32>} : memref<200x64xf32, #tpu.memory_space<vmem>>, vector<1x16xf32>,
      %swap3A_272 = vector.shape_cast %swap3A_271 : vector<1x16xf32> to vector<16xf32>
      %swap3A_273 = vector.shape_cast %add3A_266 : vector<16xf32> to vector<1x16xf32>
      tpu.vector_store %arg9[%swap3A_269, %swap3A_270], %swap3A_273 {strides = array<i32>} : memref<200x64xf32, #tpu.memory_space<vmem>>, vector<1x16xf32>,
      %add3A_274 = arith.constant 0 : i32
      %add3A_275 = arith.addi %mul3A_215, %add3A_274 : i32
      %get3A_276 = arith.index_cast %add3A_275 : i32 to index
      %get3A_277 = arith.constant 48 : index
      %get3A_278 = tpu.vector_load %arg9[%get3A_276, %get3A_277] {strides = array<i32>} : memref<200x64xf32, #tpu.memory_space<vmem>>, vector<1x16xf32>,
      %get3A_279 = vector.shape_cast %get3A_278 : vector<1x16xf32> to vector<16xf32>
      %add3A_280 = arith.constant 0 : i32
      %add3A_281 = arith.addi %mul3A_215, %add3A_280 : i32
      %get3A_282 = arith.index_cast %add3A_281 : i32 to index
      %get3A_283 = arith.constant 48 : index
      %get3A_284 = tpu.vector_load %arg11[%get3A_282, %get3A_283] {strides = array<i32>} : memref<200x64xf32, #tpu.memory_space<vmem>>, vector<1x16xf32>,
      %get3A_285 = vector.shape_cast %get3A_284 : vector<1x16xf32> to vector<16xf32>
      %add3A_286 = arith.addf %get3A_279, %get3A_285 : vector<16xf32>
      %add3A_287 = arith.constant 0 : i32
      %add3A_288 = arith.addi %mul3A_215, %add3A_287 : i32
      %swap3A_289 = arith.index_cast %add3A_288 : i32 to index
      %swap3A_290 = arith.constant 48 : index
      %swap3A_291 = tpu.vector_load %arg9[%swap3A_289, %swap3A_290] {strides = array<i32>} : memref<200x64xf32, #tpu.memory_space<vmem>>, vector<1x16xf32>,
      %swap3A_292 = vector.shape_cast %swap3A_291 : vector<1x16xf32> to vector<16xf32>
      %swap3A_293 = vector.shape_cast %add3A_286 : vector<16xf32> to vector<1x16xf32>
      tpu.vector_store %arg9[%swap3A_289, %swap3A_290], %swap3A_293 {strides = array<i32>} : memref<200x64xf32, #tpu.memory_space<vmem>>, vector<1x16xf32>,
      %add3A_294 = arith.constant 1 : i32
      %add3A_295 = arith.addi %mul3A_215, %add3A_294 : i32
      %get3A_296 = arith.index_cast %add3A_295 : i32 to index
      %get3A_297 = arith.constant 0 : index
      %get3A_298 = tpu.vector_load %arg9[%get3A_296, %get3A_297] {strides = array<i32>} : memref<200x64xf32, #tpu.memory_space<vmem>>, vector<1x16xf32>,
      %get3A_299 = vector.shape_cast %get3A_298 : vector<1x16xf32> to vector<16xf32>
      %add3A_300 = arith.constant 1 : i32
      %add3A_301 = arith.addi %mul3A_215, %add3A_300 : i32
      %get3A_302 = arith.index_cast %add3A_301 : i32 to index
      %get3A_303 = arith.constant 0 : index
      %get3A_304 = tpu.vector_load %arg11[%get3A_302, %get3A_303] {strides = array<i32>} : memref<200x64xf32, #tpu.memory_space<vmem>>, vector<1x16xf32>,
      %get3A_305 = vector.shape_cast %get3A_304 : vector<1x16xf32> to vector<16xf32>
      %add3A_306 = arith.addf %get3A_299, %get3A_305 : vector<16xf32>
      %add3A_307 = arith.constant 1 : i32
      %add3A_308 = arith.addi %mul3A_215, %add3A_307 : i32
      %swap3A_309 = arith.index_cast %add3A_308 : i32 to index
      %swap3A_310 = arith.constant 0 : index
      %swap3A_311 = tpu.vector_load %arg9[%swap3A_309, %swap3A_310] {strides = array<i32>} : memref<200x64xf32, #tpu.memory_space<vmem>>, vector<1x16xf32>,
      %swap3A_312 = vector.shape_cast %swap3A_311 : vector<1x16xf32> to vector<16xf32>
      %swap3A_313 = vector.shape_cast %add3A_306 : vector<16xf32> to vector<1x16xf32>
      tpu.vector_store %arg9[%swap3A_309, %swap3A_310], %swap3A_313 {strides = array<i32>} : memref<200x64xf32, #tpu.memory_space<vmem>>, vector<1x16xf32>,
      %add3A_314 = arith.constant 1 : i32
      %add3A_315 = arith.addi %mul3A_215, %add3A_314 : i32
      %get3A_316 = arith.index_cast %add3A_315 : i32 to index
      %get3A_317 = arith.constant 16 : index
      %get3A_318 = tpu.vector_load %arg9[%get3A_316, %get3A_317] {strides = array<i32>} : memref<200x64xf32, #tpu.memory_space<vmem>>, vector<1x16xf32>,
      %get3A_319 = vector.shape_cast %get3A_318 : vector<1x16xf32> to vector<16xf32>
      %add3A_320 = arith.constant 1 : i32
      %add3A_321 = arith.addi %mul3A_215, %add3A_320 : i32
      %get3A_322 = arith.index_cast %add3A_321 : i32 to index
      %get3A_323 = arith.constant 16 : index
      %get3A_324 = tpu.vector_load %arg11[%get3A_322, %get3A_323] {strides = array<i32>} : memref<200x64xf32, #tpu.memory_space<vmem>>, vector<1x16xf32>,
      %get3A_325 = vector.shape_cast %get3A_324 : vector<1x16xf32> to vector<16xf32>
      %add3A_326 = arith.addf %get3A_319, %get3A_325 : vector<16xf32>
      %add3A_327 = arith.constant 1 : i32
      %add3A_328 = arith.addi %mul3A_215, %add3A_327 : i32
      %swap3A_329 = arith.index_cast %add3A_328 : i32 to index
      %swap3A_330 = arith.constant 16 : index
      %swap3A_331 = tpu.vector_load %arg9[%swap3A_329, %swap3A_330] {strides = array<i32>} : memref<200x64xf32, #tpu.memory_space<vmem>>, vector<1x16xf32>,
      %swap3A_332 = vector.shape_cast %swap3A_331 : vector<1x16xf32> to vector<16xf32>
      %swap3A_333 = vector.shape_cast %add3A_326 : vector<16xf32> to vector<1x16xf32>
      tpu.vector_store %arg9[%swap3A_329, %swap3A_330], %swap3A_333 {strides = array<i32>} : memref<200x64xf32, #tpu.memory_space<vmem>>, vector<1x16xf32>,
      %add3A_334 = arith.constant 1 : i32
      %add3A_335 = arith.addi %mul3A_215, %add3A_334 : i32
      %get3A_336 = arith.index_cast %add3A_335 : i32 to index
      %get3A_337 = arith.constant 32 : index
      %get3A_338 = tpu.vector_load %arg9[%get3A_336, %get3A_337] {strides = array<i32>} : memref<200x64xf32, #tpu.memory_space<vmem>>, vector<1x16xf32>,
      %get3A_339 = vector.shape_cast %get3A_338 : vector<1x16xf32> to vector<16xf32>
      %add3A_340 = arith.constant 1 : i32
      %add3A_341 = arith.addi %mul3A_215, %add3A_340 : i32
      %get3A_342 = arith.index_cast %add3A_341 : i32 to index
      %get3A_343 = arith.constant 32 : index
      %get3A_344 = tpu.vector_load %arg11[%get3A_342, %get3A_343] {strides = array<i32>} : memref<200x64xf32, #tpu.memory_space<vmem>>, vector<1x16xf32>,
      %get3A_345 = vector.shape_cast %get3A_344 : vector<1x16xf32> to vector<16xf32>
      %add3A_346 = arith.addf %get3A_339, %get3A_345 : vector<16xf32>
      %add3A_347 = arith.constant 1 : i32
      %add3A_348 = arith.addi %mul3A_215, %add3A_347 : i32
      %swap3A_349 = arith.index_cast %add3A_348 : i32 to index
      %swap3A_350 = arith.constant 32 : index
      %swap3A_351 = tpu.vector_load %arg9[%swap3A_349, %swap3A_350] {strides = array<i32>} : memref<200x64xf32, #tpu.memory_space<vmem>>, vector<1x16xf32>,
      %swap3A_352 = vector.shape_cast %swap3A_351 : vector<1x16xf32> to vector<16xf32>
      %swap3A_353 = vector.shape_cast %add3A_346 : vector<16xf32> to vector<1x16xf32>
      tpu.vector_store %arg9[%swap3A_349, %swap3A_350], %swap3A_353 {strides = array<i32>} : memref<200x64xf32, #tpu.memory_space<vmem>>, vector<1x16xf32>,
      %add3A_354 = arith.constant 1 : i32
      %add3A_355 = arith.addi %mul3A_215, %add3A_354 : i32
      %get3A_356 = arith.index_cast %add3A_355 : i32 to index
      %get3A_357 = arith.constant 48 : index
      %get3A_358 = tpu.vector_load %arg9[%get3A_356, %get3A_357] {strides = array<i32>} : memref<200x64xf32, #tpu.memory_space<vmem>>, vector<1x16xf32>,
      %get3A_359 = vector.shape_cast %get3A_358 : vector<1x16xf32> to vector<16xf32>
      %add3A_360 = arith.constant 1 : i32
      %add3A_361 = arith.addi %mul3A_215, %add3A_360 : i32
      %get3A_362 = arith.index_cast %add3A_361 : i32 to index
      %get3A_363 = arith.constant 48 : index
      %get3A_364 = tpu.vector_load %arg11[%get3A_362, %get3A_363] {strides = array<i32>} : memref<200x64xf32, #tpu.memory_space<vmem>>, vector<1x16xf32>,
      %get3A_365 = vector.shape_cast %get3A_364 : vector<1x16xf32> to vector<16xf32>
      %add3A_366 = arith.addf %get3A_359, %get3A_365 : vector<16xf32>
      %add3A_367 = arith.constant 1 : i32
      %add3A_368 = arith.addi %mul3A_215, %add3A_367 : i32
      %swap3A_369 = arith.index_cast %add3A_368 : i32 to index
      %swap3A_370 = arith.constant 48 : index
      %swap3A_371 = tpu.vector_load %arg9[%swap3A_369, %swap3A_370] {strides = array<i32>} : memref<200x64xf32, #tpu.memory_space<vmem>>, vector<1x16xf32>,
      %swap3A_372 = vector.shape_cast %swap3A_371 : vector<1x16xf32> to vector<16xf32>
      %swap3A_373 = vector.shape_cast %add3A_366 : vector<16xf32> to vector<1x16xf32>
      tpu.vector_store %arg9[%swap3A_369, %swap3A_370], %swap3A_373 {strides = array<i32>} : memref<200x64xf32, #tpu.memory_space<vmem>>, vector<1x16xf32>,
      %add3A_374 = arith.constant 2 : i32
      %add3A_375 = arith.addi %mul3A_215, %add3A_374 : i32
      %get3A_376 = arith.index_cast %add3A_375 : i32 to index
      %get3A_377 = arith.constant 0 : index
      %get3A_378 = tpu.vector_load %arg9[%get3A_376, %get3A_377] {strides = array<i32>} : memref<200x64xf32, #tpu.memory_space<vmem>>, vector<1x16xf32>,
      %get3A_379 = vector.shape_cast %get3A_378 : vector<1x16xf32> to vector<16xf32>
      %add3A_380 = arith.constant 2 : i32
      %add3A_381 = arith.addi %mul3A_215, %add3A_380 : i32
      %get3A_382 = arith.index_cast %add3A_381 : i32 to index
      %get3A_383 = arith.constant 0 : index
      %get3A_384 = tpu.vector_load %arg11[%get3A_382, %get3A_383] {strides = array<i32>} : memref<200x64xf32, #tpu.memory_space<vmem>>, vector<1x16xf32>,
      %get3A_385 = vector.shape_cast %get3A_384 : vector<1x16xf32> to vector<16xf32>
      %add3A_386 = arith.addf %get3A_379, %get3A_385 : vector<16xf32>
      %add3A_387 = arith.constant 2 : i32
      %add3A_388 = arith.addi %mul3A_215, %add3A_387 : i32
      %swap3A_389 = arith.index_cast %add3A_388 : i32 to index
      %swap3A_390 = arith.constant 0 : index
      %swap3A_391 = tpu.vector_load %arg9[%swap3A_389, %swap3A_390] {strides = array<i32>} : memref<200x64xf32, #tpu.memory_space<vmem>>, vector<1x16xf32>,
      %swap3A_392 = vector.shape_cast %swap3A_391 : vector<1x16xf32> to vector<16xf32>
      %swap3A_393 = vector.shape_cast %add3A_386 : vector<16xf32> to vector<1x16xf32>
      tpu.vector_store %arg9[%swap3A_389, %swap3A_390], %swap3A_393 {strides = array<i32>} : memref<200x64xf32, #tpu.memory_space<vmem>>, vector<1x16xf32>,
      %add3A_394 = arith.constant 2 : i32
      %add3A_395 = arith.addi %mul3A_215, %add3A_394 : i32
      %get3A_396 = arith.index_cast %add3A_395 : i32 to index
      %get3A_397 = arith.constant 16 : index
      %get3A_398 = tpu.vector_load %arg9[%get3A_396, %get3A_397] {strides = array<i32>} : memref<200x64xf32, #tpu.memory_space<vmem>>, vector<1x16xf32>,
      %get3A_399 = vector.shape_cast %get3A_398 : vector<1x16xf32> to vector<16xf32>
      %add3A_400 = arith.constant 2 : i32
      %add3A_401 = arith.addi %mul3A_215, %add3A_400 : i32
      %get3A_402 = arith.index_cast %add3A_401 : i32 to index
      %get3A_403 = arith.constant 16 : index
      %get3A_404 = tpu.vector_load %arg11[%get3A_402, %get3A_403] {strides = array<i32>} : memref<200x64xf32, #tpu.memory_space<vmem>>, vector<1x16xf32>,
      %get3A_405 = vector.shape_cast %get3A_404 : vector<1x16xf32> to vector<16xf32>
      %add3A_406 = arith.addf %get3A_399, %get3A_405 : vector<16xf32>
      %add3A_407 = arith.constant 2 : i32
      %add3A_408 = arith.addi %mul3A_215, %add3A_407 : i32
      %swap3A_409 = arith.index_cast %add3A_408 : i32 to index
      %swap3A_410 = arith.constant 16 : index
      %swap3A_411 = tpu.vector_load %arg9[%swap3A_409, %swap3A_410] {strides = array<i32>} : memref<200x64xf32, #tpu.memory_space<vmem>>, vector<1x16xf32>,
      %swap3A_412 = vector.shape_cast %swap3A_411 : vector<1x16xf32> to vector<16xf32>
      %swap3A_413 = vector.shape_cast %add3A_406 : vector<16xf32> to vector<1x16xf32>
      tpu.vector_store %arg9[%swap3A_409, %swap3A_410], %swap3A_413 {strides = array<i32>} : memref<200x64xf32, #tpu.memory_space<vmem>>, vector<1x16xf32>,
      %add3A_414 = arith.constant 2 : i32
      %add3A_415 = arith.addi %mul3A_215, %add3A_414 : i32
      %get3A_416 = arith.index_cast %add3A_415 : i32 to index
      %get3A_417 = arith.constant 32 : index
      %get3A_418 = tpu.vector_load %arg9[%get3A_416, %get3A_417] {strides = array<i32>} : memref<200x64xf32, #tpu.memory_space<vmem>>, vector<1x16xf32>,
      %get3A_419 = vector.shape_cast %get3A_418 : vector<1x16xf32> to vector<16xf32>
      %add3A_420 = arith.constant 2 : i32
      %add3A_421 = arith.addi %mul3A_215, %add3A_420 : i32
      %get3A_422 = arith.index_cast %add3A_421 : i32 to index
      %get3A_423 = arith.constant 32 : index
      %get3A_424 = tpu.vector_load %arg11[%get3A_422, %get3A_423] {strides = array<i32>} : memref<200x64xf32, #tpu.memory_space<vmem>>, vector<1x16xf32>,
      %get3A_425 = vector.shape_cast %get3A_424 : vector<1x16xf32> to vector<16xf32>
      %add3A_426 = arith.addf %get3A_419, %get3A_425 : vector<16xf32>
      %add3A_427 = arith.constant 2 : i32
      %add3A_428 = arith.addi %mul3A_215, %add3A_427 : i32
      %swap3A_429 = arith.index_cast %add3A_428 : i32 to index
      %swap3A_430 = arith.constant 32 : index
      %swap3A_431 = tpu.vector_load %arg9[%swap3A_429, %swap3A_430] {strides = array<i32>} : memref<200x64xf32, #tpu.memory_space<vmem>>, vector<1x16xf32>,
      %swap3A_432 = vector.shape_cast %swap3A_431 : vector<1x16xf32> to vector<16xf32>
      %swap3A_433 = vector.shape_cast %add3A_426 : vector<16xf32> to vector<1x16xf32>
      tpu.vector_store %arg9[%swap3A_429, %swap3A_430], %swap3A_433 {strides = array<i32>} : memref<200x64xf32, #tpu.memory_space<vmem>>, vector<1x16xf32>,
      %add3A_434 = arith.constant 2 : i32
      %add3A_435 = arith.addi %mul3A_215, %add3A_434 : i32
      %get3A_436 = arith.index_cast %add3A_435 : i32 to index
      %get3A_437 = arith.constant 48 : index
      %get3A_438 = tpu.vector_load %arg9[%get3A_436, %get3A_437] {strides = array<i32>} : memref<200x64xf32, #tpu.memory_space<vmem>>, vector<1x16xf32>,
      %get3A_439 = vector.shape_cast %get3A_438 : vector<1x16xf32> to vector<16xf32>
      %add3A_440 = arith.constant 2 : i32
      %add3A_441 = arith.addi %mul3A_215, %add3A_440 : i32
      %get3A_442 = arith.index_cast %add3A_441 : i32 to index
      %get3A_443 = arith.constant 48 : index
      %get3A_444 = tpu.vector_load %arg11[%get3A_442, %get3A_443] {strides = array<i32>} : memref<200x64xf32, #tpu.memory_space<vmem>>, vector<1x16xf32>,
      %get3A_445 = vector.shape_cast %get3A_444 : vector<1x16xf32> to vector<16xf32>
      %add3A_446 = arith.addf %get3A_439, %get3A_445 : vector<16xf32>
      %add3A_447 = arith.constant 2 : i32
      %add3A_448 = arith.addi %mul3A_215, %add3A_447 : i32
      %swap3A_449 = arith.index_cast %add3A_448 : i32 to index
      %swap3A_450 = arith.constant 48 : index
      %swap3A_451 = tpu.vector_load %arg9[%swap3A_449, %swap3A_450] {strides = array<i32>} : memref<200x64xf32, #tpu.memory_space<vmem>>, vector<1x16xf32>,
      %swap3A_452 = vector.shape_cast %swap3A_451 : vector<1x16xf32> to vector<16xf32>
      %swap3A_453 = vector.shape_cast %add3A_446 : vector<16xf32> to vector<1x16xf32>
      tpu.vector_store %arg9[%swap3A_449, %swap3A_450], %swap3A_453 {strides = array<i32>} : memref<200x64xf32, #tpu.memory_space<vmem>>, vector<1x16xf32>,
      %add3A_454 = arith.constant 3 : i32
      %add3A_455 = arith.addi %mul3A_215, %add3A_454 : i32
      %get3A_456 = arith.index_cast %add3A_455 : i32 to index
      %get3A_457 = arith.constant 0 : index
      %get3A_458 = tpu.vector_load %arg9[%get3A_456, %get3A_457] {strides = array<i32>} : memref<200x64xf32, #tpu.memory_space<vmem>>, vector<1x16xf32>,
      %get3A_459 = vector.shape_cast %get3A_458 : vector<1x16xf32> to vector<16xf32>
      %add3A_460 = arith.constant 3 : i32
      %add3A_461 = arith.addi %mul3A_215, %add3A_460 : i32
      %get3A_462 = arith.index_cast %add3A_461 : i32 to index
      %get3A_463 = arith.constant 0 : index
      %get3A_464 = tpu.vector_load %arg11[%get3A_462, %get3A_463] {strides = array<i32>} : memref<200x64xf32, #tpu.memory_space<vmem>>, vector<1x16xf32>,
      %get3A_465 = vector.shape_cast %get3A_464 : vector<1x16xf32> to vector<16xf32>
      %add3A_466 = arith.addf %get3A_459, %get3A_465 : vector<16xf32>
      %add3A_467 = arith.constant 3 : i32
      %add3A_468 = arith.addi %mul3A_215, %add3A_467 : i32
      %swap3A_469 = arith.index_cast %add3A_468 : i32 to index
      %swap3A_470 = arith.constant 0 : index
      %swap3A_471 = tpu.vector_load %arg9[%swap3A_469, %swap3A_470] {strides = array<i32>} : memref<200x64xf32, #tpu.memory_space<vmem>>, vector<1x16xf32>,
      %swap3A_472 = vector.shape_cast %swap3A_471 : vector<1x16xf32> to vector<16xf32>
      %swap3A_473 = vector.shape_cast %add3A_466 : vector<16xf32> to vector<1x16xf32>
      tpu.vector_store %arg9[%swap3A_469, %swap3A_470], %swap3A_473 {strides = array<i32>} : memref<200x64xf32, #tpu.memory_space<vmem>>, vector<1x16xf32>,
      %add3A_474 = arith.constant 3 : i32
      %add3A_475 = arith.addi %mul3A_215, %add3A_474 : i32
      %get3A_476 = arith.index_cast %add3A_475 : i32 to index
      %get3A_477 = arith.constant 16 : index
      %get3A_478 = tpu.vector_load %arg9[%get3A_476, %get3A_477] {strides = array<i32>} : memref<200x64xf32, #tpu.memory_space<vmem>>, vector<1x16xf32>,
      %get3A_479 = vector.shape_cast %get3A_478 : vector<1x16xf32> to vector<16xf32>
      %add3A_480 = arith.constant 3 : i32
      %add3A_481 = arith.addi %mul3A_215, %add3A_480 : i32
      %get3A_482 = arith.index_cast %add3A_481 : i32 to index
      %get3A_483 = arith.constant 16 : index
      %get3A_484 = tpu.vector_load %arg11[%get3A_482, %get3A_483] {strides = array<i32>} : memref<200x64xf32, #tpu.memory_space<vmem>>, vector<1x16xf32>,
      %get3A_485 = vector.shape_cast %get3A_484 : vector<1x16xf32> to vector<16xf32>
      %add3A_486 = arith.addf %get3A_479, %get3A_485 : vector<16xf32>
      %add3A_487 = arith.constant 3 : i32
      %add3A_488 = arith.addi %mul3A_215, %add3A_487 : i32
      %swap3A_489 = arith.index_cast %add3A_488 : i32 to index
      %swap3A_490 = arith.constant 16 : index
      %swap3A_491 = tpu.vector_load %arg9[%swap3A_489, %swap3A_490] {strides = array<i32>} : memref<200x64xf32, #tpu.memory_space<vmem>>, vector<1x16xf32>,
      %swap3A_492 = vector.shape_cast %swap3A_491 : vector<1x16xf32> to vector<16xf32>
      %swap3A_493 = vector.shape_cast %add3A_486 : vector<16xf32> to vector<1x16xf32>
      tpu.vector_store %arg9[%swap3A_489, %swap3A_490], %swap3A_493 {strides = array<i32>} : memref<200x64xf32, #tpu.memory_space<vmem>>, vector<1x16xf32>,
      %add3A_494 = arith.constant 3 : i32
      %add3A_495 = arith.addi %mul3A_215, %add3A_494 : i32
      %get3A_496 = arith.index_cast %add3A_495 : i32 to index
      %get3A_497 = arith.constant 32 : index
      %get3A_498 = tpu.vector_load %arg9[%get3A_496, %get3A_497] {strides = array<i32>} : memref<200x64xf32, #tpu.memory_space<vmem>>, vector<1x16xf32>,
      %get3A_499 = vector.shape_cast %get3A_498 : vector<1x16xf32> to vector<16xf32>
      %add3A_500 = arith.constant 3 : i32
      %add3A_501 = arith.addi %mul3A_215, %add3A_500 : i32
      %get3A_502 = arith.index_cast %add3A_501 : i32 to index
      %get3A_503 = arith.constant 32 : index
      %get3A_504 = tpu.vector_load %arg11[%get3A_502, %get3A_503] {strides = array<i32>} : memref<200x64xf32, #tpu.memory_space<vmem>>, vector<1x16xf32>,
      %get3A_505 = vector.shape_cast %get3A_504 : vector<1x16xf32> to vector<16xf32>
      %add3A_506 = arith.addf %get3A_499, %get3A_505 : vector<16xf32>
      %add3A_507 = arith.constant 3 : i32
      %add3A_508 = arith.addi %mul3A_215, %add3A_507 : i32
      %swap3A_509 = arith.index_cast %add3A_508 : i32 to index
      %swap3A_510 = arith.constant 32 : index
      %swap3A_511 = tpu.vector_load %arg9[%swap3A_509, %swap3A_510] {strides = array<i32>} : memref<200x64xf32, #tpu.memory_space<vmem>>, vector<1x16xf32>,
      %swap3A_512 = vector.shape_cast %swap3A_511 : vector<1x16xf32> to vector<16xf32>
      %swap3A_513 = vector.shape_cast %add3A_506 : vector<16xf32> to vector<1x16xf32>
      tpu.vector_store %arg9[%swap3A_509, %swap3A_510], %swap3A_513 {strides = array<i32>} : memref<200x64xf32, #tpu.memory_space<vmem>>, vector<1x16xf32>,
      %add3A_514 = arith.constant 3 : i32
      %add3A_515 = arith.addi %mul3A_215, %add3A_514 : i32
      %get3A_516 = arith.index_cast %add3A_515 : i32 to index
      %get3A_517 = arith.constant 48 : index
      %get3A_518 = tpu.vector_load %arg9[%get3A_516, %get3A_517] {strides = array<i32>} : memref<200x64xf32, #tpu.memory_space<vmem>>, vector<1x16xf32>,
      %get3A_519 = vector.shape_cast %get3A_518 : vector<1x16xf32> to vector<16xf32>
      %add3A_520 = arith.constant 3 : i32
      %add3A_521 = arith.addi %mul3A_215, %add3A_520 : i32
      %get3A_522 = arith.index_cast %add3A_521 : i32 to index
      %get3A_523 = arith.constant 48 : index
      %get3A_524 = tpu.vector_load %arg11[%get3A_522, %get3A_523] {strides = array<i32>} : memref<200x64xf32, #tpu.memory_space<vmem>>, vector<1x16xf32>,
      %get3A_525 = vector.shape_cast %get3A_524 : vector<1x16xf32> to vector<16xf32>
      %add3A_526 = arith.addf %get3A_519, %get3A_525 : vector<16xf32>
      %add3A_527 = arith.constant 3 : i32
      %add3A_528 = arith.addi %mul3A_215, %add3A_527 : i32
      %swap3A_529 = arith.index_cast %add3A_528 : i32 to index
      %swap3A_530 = arith.constant 48 : index
      %swap3A_531 = tpu.vector_load %arg9[%swap3A_529, %swap3A_530] {strides = array<i32>} : memref<200x64xf32, #tpu.memory_space<vmem>>, vector<1x16xf32>,
      %swap3A_532 = vector.shape_cast %swap3A_531 : vector<1x16xf32> to vector<16xf32>
      %swap3A_533 = vector.shape_cast %add3A_526 : vector<16xf32> to vector<1x16xf32>
      tpu.vector_store %arg9[%swap3A_529, %swap3A_530], %swap3A_533 {strides = array<i32>} : memref<200x64xf32, #tpu.memory_space<vmem>>, vector<1x16xf32>,
    }
    %scan3A_181 = arith.constant 50 : i32
    %add3A_182 = arith.constant 25200 : i32
    %add3A_183 = arith.addi %mul3A_2, %add3A_182 : i32
    %dma_start3A_184 = arith.constant 0 : i32
    %dma_start3A_185 = tpu.memref_slice %arg5[%add3A_183, %dma_start3A_184] : memref<819200x64xf32, #tpu.memory_space<hbm>> -> memref<200x64xf32, #tpu.memory_space<hbm>>
    %dma_start3A_186 = arith.constant 0 : i32
    %dma_start3A_187 = tpu.memref_slice %arg5[%add3A_183, %dma_start3A_186] : memref<819200x64xf32, #tpu.memory_space<hbm>> -> memref<200x64xf32, #tpu.memory_space<hbm>>
    tpu.enqueue_dma source(%arg9 : memref<200x64xf32, #tpu.memory_space<vmem>>) target(%dma_start3A_187 : memref<200x64xf32, #tpu.memory_space<hbm>>) target_semaphore(%arg13 : memref<!tpu.dma_semaphore, #tpu.memory_space<semaphore_mem>>)
    %dma_wait3A_188 = arith.constant 0 : i32
    %dma_wait3A_189 = tpu.memref_slice %arg5[%mul3A_2, %dma_wait3A_188] : memref<819200x64xf32, #tpu.memory_space<hbm>> -> memref<200x64xf32, #tpu.memory_space<hbm>>
    %dma_wait3A_190 = arith.constant 0 : i32
    %dma_wait3A_191 = tpu.memref_slice %arg5[%mul3A_2, %dma_wait3A_190] : memref<819200x64xf32, #tpu.memory_space<hbm>> -> memref<200x64xf32, #tpu.memory_space<hbm>>
    tpu.wait_dma2 semaphore(%arg13 : memref<!tpu.dma_semaphore, #tpu.memory_space<semaphore_mem>>) src(%arg9 : memref<200x64xf32, #tpu.memory_space<vmem>>) dst(%dma_wait3A_191 : memref<200x64xf32, #tpu.memory_space<hbm>>)
    %dma_wait3A_192 = arith.constant 25400 : i32
    %dma_wait3A_193 = tpu.memref_slice %arg6[%dma_wait3A_192] : memref<25600xi32, #tpu.memory_space<vmem>> -> memref<200xi32, #tpu.memory_space<vmem>>
    %dma_wait3A_194 = arith.constant 0 : i32
    %dma_wait3A_195 = arith.constant 0 : i32
    %dma_wait3A_196 = tpu.memref_slice %arg3[%dma_wait3A_194, %dma_wait3A_195] : memref<1000000x64xf32, #tpu.memory_space<hbm>> -> memref<1000000x64xf32, #tpu.memory_space<hbm>>
    tpu.wait_indirect_dma semaphore(%arg12 : memref<!tpu.dma_semaphore, #tpu.memory_space<semaphore_mem>>) src(%dma_wait3A_196 : memref<1000000x64xf32, #tpu.memory_space<hbm>>) dst(%arg10 : memref<200x64xf32, #tpu.memory_space<vmem>>)
    %scan3A_197 = arith.constant 0 : i32
    %scan3A_198 = arith.constant 0 : i32
    %scan3A_199 = arith.constant 50 : i32
    %scan3A_200 = arith.addi %scan3A_198, %scan3A_199 : i32
    %scan3A_201 = arith.constant 1 : i32
    scf.for %scan3A_213 = %scan3A_198 to %scan3A_200 step %scan3A_201  : i32 {
      %mul3A_214 = arith.constant 4 : i32
      %mul3A_215 = arith.muli %scan3A_213, %mul3A_214 : i32
      %add3A_216 = arith.constant 0 : i32
      %add3A_217 = arith.addi %mul3A_215, %add3A_216 : i32
      %get3A = arith.index_cast %add3A_217 : i32 to index
      %get3A_218 = arith.constant 0 : index
      %get3A_219 = tpu.vector_load %arg10[%get3A, %get3A_218] {strides = array<i32>} : memref<200x64xf32, #tpu.memory_space<vmem>>, vector<1x16xf32>,
      %get3A_220 = vector.shape_cast %get3A_219 : vector<1x16xf32> to vector<16xf32>
      %add3A_221 = arith.constant 0 : i32
      %add3A_222 = arith.addi %mul3A_215, %add3A_221 : i32
      %get3A_223 = arith.index_cast %add3A_222 : i32 to index
      %get3A_224 = arith.constant 0 : index
      %get3A_225 = tpu.vector_load %arg11[%get3A_223, %get3A_224] {strides = array<i32>} : memref<200x64xf32, #tpu.memory_space<vmem>>, vector<1x16xf32>,
      %get3A_226 = vector.shape_cast %get3A_225 : vector<1x16xf32> to vector<16xf32>
      %add3A_227 = arith.addf %get3A_220, %get3A_226 : vector<16xf32>
      %add3A_228 = arith.constant 0 : i32
      %add3A_229 = arith.addi %mul3A_215, %add3A_228 : i32
      %swap3A = arith.index_cast %add3A_229 : i32 to index
      %swap3A_230 = arith.constant 0 : index
      %swap3A_231 = tpu.vector_load %arg10[%swap3A, %swap3A_230] {strides = array<i32>} : memref<200x64xf32, #tpu.memory_space<vmem>>, vector<1x16xf32>,
      %swap3A_232 = vector.shape_cast %swap3A_231 : vector<1x16xf32> to vector<16xf32>
      %swap3A_233 = vector.shape_cast %add3A_227 : vector<16xf32> to vector<1x16xf32>
      tpu.vector_store %arg10[%swap3A, %swap3A_230], %swap3A_233 {strides = array<i32>} : memref<200x64xf32, #tpu.memory_space<vmem>>, vector<1x16xf32>,
      %add3A_234 = arith.constant 0 : i32
      %add3A_235 = arith.addi %mul3A_215, %add3A_234 : i32
      %get3A_236 = arith.index_cast %add3A_235 : i32 to index
      %get3A_237 = arith.constant 16 : index
      %get3A_238 = tpu.vector_load %arg10[%get3A_236, %get3A_237] {strides = array<i32>} : memref<200x64xf32, #tpu.memory_space<vmem>>, vector<1x16xf32>,
      %get3A_239 = vector.shape_cast %get3A_238 : vector<1x16xf32> to vector<16xf32>
      %add3A_240 = arith.constant 0 : i32
      %add3A_241 = arith.addi %mul3A_215, %add3A_240 : i32
      %get3A_242 = arith.index_cast %add3A_241 : i32 to index
      %get3A_243 = arith.constant 16 : index
      %get3A_244 = tpu.vector_load %arg11[%get3A_242, %get3A_243] {strides = array<i32>} : memref<200x64xf32, #tpu.memory_space<vmem>>, vector<1x16xf32>,
      %get3A_245 = vector.shape_cast %get3A_244 : vector<1x16xf32> to vector<16xf32>
      %add3A_246 = arith.addf %get3A_239, %get3A_245 : vector<16xf32>
      %add3A_247 = arith.constant 0 : i32
      %add3A_248 = arith.addi %mul3A_215, %add3A_247 : i32
      %swap3A_249 = arith.index_cast %add3A_248 : i32 to index
      %swap3A_250 = arith.constant 16 : index
      %swap3A_251 = tpu.vector_load %arg10[%swap3A_249, %swap3A_250] {strides = array<i32>} : memref<200x64xf32, #tpu.memory_space<vmem>>, vector<1x16xf32>,
      %swap3A_252 = vector.shape_cast %swap3A_251 : vector<1x16xf32> to vector<16xf32>
      %swap3A_253 = vector.shape_cast %add3A_246 : vector<16xf32> to vector<1x16xf32>
      tpu.vector_store %arg10[%swap3A_249, %swap3A_250], %swap3A_253 {strides = array<i32>} : memref<200x64xf32, #tpu.memory_space<vmem>>, vector<1x16xf32>,
      %add3A_254 = arith.constant 0 : i32
      %add3A_255 = arith.addi %mul3A_215, %add3A_254 : i32
      %get3A_256 = arith.index_cast %add3A_255 : i32 to index
      %get3A_257 = arith.constant 32 : index
      %get3A_258 = tpu.vector_load %arg10[%get3A_256, %get3A_257] {strides = array<i32>} : memref<200x64xf32, #tpu.memory_space<vmem>>, vector<1x16xf32>,
      %get3A_259 = vector.shape_cast %get3A_258 : vector<1x16xf32> to vector<16xf32>
      %add3A_260 = arith.constant 0 : i32
      %add3A_261 = arith.addi %mul3A_215, %add3A_260 : i32
      %get3A_262 = arith.index_cast %add3A_261 : i32 to index
      %get3A_263 = arith.constant 32 : index
      %get3A_264 = tpu.vector_load %arg11[%get3A_262, %get3A_263] {strides = array<i32>} : memref<200x64xf32, #tpu.memory_space<vmem>>, vector<1x16xf32>,
      %get3A_265 = vector.shape_cast %get3A_264 : vector<1x16xf32> to vector<16xf32>
      %add3A_266 = arith.addf %get3A_259, %get3A_265 : vector<16xf32>
      %add3A_267 = arith.constant 0 : i32
      %add3A_268 = arith.addi %mul3A_215, %add3A_267 : i32
      %swap3A_269 = arith.index_cast %add3A_268 : i32 to index
      %swap3A_270 = arith.constant 32 : index
      %swap3A_271 = tpu.vector_load %arg10[%swap3A_269, %swap3A_270] {strides = array<i32>} : memref<200x64xf32, #tpu.memory_space<vmem>>, vector<1x16xf32>,
      %swap3A_272 = vector.shape_cast %swap3A_271 : vector<1x16xf32> to vector<16xf32>
      %swap3A_273 = vector.shape_cast %add3A_266 : vector<16xf32> to vector<1x16xf32>
      tpu.vector_store %arg10[%swap3A_269, %swap3A_270], %swap3A_273 {strides = array<i32>} : memref<200x64xf32, #tpu.memory_space<vmem>>, vector<1x16xf32>,
      %add3A_274 = arith.constant 0 : i32
      %add3A_275 = arith.addi %mul3A_215, %add3A_274 : i32
      %get3A_276 = arith.index_cast %add3A_275 : i32 to index
      %get3A_277 = arith.constant 48 : index
      %get3A_278 = tpu.vector_load %arg10[%get3A_276, %get3A_277] {strides = array<i32>} : memref<200x64xf32, #tpu.memory_space<vmem>>, vector<1x16xf32>,
      %get3A_279 = vector.shape_cast %get3A_278 : vector<1x16xf32> to vector<16xf32>
      %add3A_280 = arith.constant 0 : i32
      %add3A_281 = arith.addi %mul3A_215, %add3A_280 : i32
      %get3A_282 = arith.index_cast %add3A_281 : i32 to index
      %get3A_283 = arith.constant 48 : index
      %get3A_284 = tpu.vector_load %arg11[%get3A_282, %get3A_283] {strides = array<i32>} : memref<200x64xf32, #tpu.memory_space<vmem>>, vector<1x16xf32>,
      %get3A_285 = vector.shape_cast %get3A_284 : vector<1x16xf32> to vector<16xf32>
      %add3A_286 = arith.addf %get3A_279, %get3A_285 : vector<16xf32>
      %add3A_287 = arith.constant 0 : i32
      %add3A_288 = arith.addi %mul3A_215, %add3A_287 : i32
      %swap3A_289 = arith.index_cast %add3A_288 : i32 to index
      %swap3A_290 = arith.constant 48 : index
      %swap3A_291 = tpu.vector_load %arg10[%swap3A_289, %swap3A_290] {strides = array<i32>} : memref<200x64xf32, #tpu.memory_space<vmem>>, vector<1x16xf32>,
      %swap3A_292 = vector.shape_cast %swap3A_291 : vector<1x16xf32> to vector<16xf32>
      %swap3A_293 = vector.shape_cast %add3A_286 : vector<16xf32> to vector<1x16xf32>
      tpu.vector_store %arg10[%swap3A_289, %swap3A_290], %swap3A_293 {strides = array<i32>} : memref<200x64xf32, #tpu.memory_space<vmem>>, vector<1x16xf32>,
      %add3A_294 = arith.constant 1 : i32
      %add3A_295 = arith.addi %mul3A_215, %add3A_294 : i32
      %get3A_296 = arith.index_cast %add3A_295 : i32 to index
      %get3A_297 = arith.constant 0 : index
      %get3A_298 = tpu.vector_load %arg10[%get3A_296, %get3A_297] {strides = array<i32>} : memref<200x64xf32, #tpu.memory_space<vmem>>, vector<1x16xf32>,
      %get3A_299 = vector.shape_cast %get3A_298 : vector<1x16xf32> to vector<16xf32>
      %add3A_300 = arith.constant 1 : i32
      %add3A_301 = arith.addi %mul3A_215, %add3A_300 : i32
      %get3A_302 = arith.index_cast %add3A_301 : i32 to index
      %get3A_303 = arith.constant 0 : index
      %get3A_304 = tpu.vector_load %arg11[%get3A_302, %get3A_303] {strides = array<i32>} : memref<200x64xf32, #tpu.memory_space<vmem>>, vector<1x16xf32>,
      %get3A_305 = vector.shape_cast %get3A_304 : vector<1x16xf32> to vector<16xf32>
      %add3A_306 = arith.addf %get3A_299, %get3A_305 : vector<16xf32>
      %add3A_307 = arith.constant 1 : i32
      %add3A_308 = arith.addi %mul3A_215, %add3A_307 : i32
      %swap3A_309 = arith.index_cast %add3A_308 : i32 to index
      %swap3A_310 = arith.constant 0 : index
      %swap3A_311 = tpu.vector_load %arg10[%swap3A_309, %swap3A_310] {strides = array<i32>} : memref<200x64xf32, #tpu.memory_space<vmem>>, vector<1x16xf32>,
      %swap3A_312 = vector.shape_cast %swap3A_311 : vector<1x16xf32> to vector<16xf32>
      %swap3A_313 = vector.shape_cast %add3A_306 : vector<16xf32> to vector<1x16xf32>
      tpu.vector_store %arg10[%swap3A_309, %swap3A_310], %swap3A_313 {strides = array<i32>} : memref<200x64xf32, #tpu.memory_space<vmem>>, vector<1x16xf32>,
      %add3A_314 = arith.constant 1 : i32
      %add3A_315 = arith.addi %mul3A_215, %add3A_314 : i32
      %get3A_316 = arith.index_cast %add3A_315 : i32 to index
      %get3A_317 = arith.constant 16 : index
      %get3A_318 = tpu.vector_load %arg10[%get3A_316, %get3A_317] {strides = array<i32>} : memref<200x64xf32, #tpu.memory_space<vmem>>, vector<1x16xf32>,
      %get3A_319 = vector.shape_cast %get3A_318 : vector<1x16xf32> to vector<16xf32>
      %add3A_320 = arith.constant 1 : i32
      %add3A_321 = arith.addi %mul3A_215, %add3A_320 : i32
      %get3A_322 = arith.index_cast %add3A_321 : i32 to index
      %get3A_323 = arith.constant 16 : index
      %get3A_324 = tpu.vector_load %arg11[%get3A_322, %get3A_323] {strides = array<i32>} : memref<200x64xf32, #tpu.memory_space<vmem>>, vector<1x16xf32>,
      %get3A_325 = vector.shape_cast %get3A_324 : vector<1x16xf32> to vector<16xf32>
      %add3A_326 = arith.addf %get3A_319, %get3A_325 : vector<16xf32>
      %add3A_327 = arith.constant 1 : i32
      %add3A_328 = arith.addi %mul3A_215, %add3A_327 : i32
      %swap3A_329 = arith.index_cast %add3A_328 : i32 to index
      %swap3A_330 = arith.constant 16 : index
      %swap3A_331 = tpu.vector_load %arg10[%swap3A_329, %swap3A_330] {strides = array<i32>} : memref<200x64xf32, #tpu.memory_space<vmem>>, vector<1x16xf32>,
      %swap3A_332 = vector.shape_cast %swap3A_331 : vector<1x16xf32> to vector<16xf32>
      %swap3A_333 = vector.shape_cast %add3A_326 : vector<16xf32> to vector<1x16xf32>
      tpu.vector_store %arg10[%swap3A_329, %swap3A_330], %swap3A_333 {strides = array<i32>} : memref<200x64xf32, #tpu.memory_space<vmem>>, vector<1x16xf32>,
      %add3A_334 = arith.constant 1 : i32
      %add3A_335 = arith.addi %mul3A_215, %add3A_334 : i32
      %get3A_336 = arith.index_cast %add3A_335 : i32 to index
      %get3A_337 = arith.constant 32 : index
      %get3A_338 = tpu.vector_load %arg10[%get3A_336, %get3A_337] {strides = array<i32>} : memref<200x64xf32, #tpu.memory_space<vmem>>, vector<1x16xf32>,
      %get3A_339 = vector.shape_cast %get3A_338 : vector<1x16xf32> to vector<16xf32>
      %add3A_340 = arith.constant 1 : i32
      %add3A_341 = arith.addi %mul3A_215, %add3A_340 : i32
      %get3A_342 = arith.index_cast %add3A_341 : i32 to index
      %get3A_343 = arith.constant 32 : index
      %get3A_344 = tpu.vector_load %arg11[%get3A_342, %get3A_343] {strides = array<i32>} : memref<200x64xf32, #tpu.memory_space<vmem>>, vector<1x16xf32>,
      %get3A_345 = vector.shape_cast %get3A_344 : vector<1x16xf32> to vector<16xf32>
      %add3A_346 = arith.addf %get3A_339, %get3A_345 : vector<16xf32>
      %add3A_347 = arith.constant 1 : i32
      %add3A_348 = arith.addi %mul3A_215, %add3A_347 : i32
      %swap3A_349 = arith.index_cast %add3A_348 : i32 to index
      %swap3A_350 = arith.constant 32 : index
      %swap3A_351 = tpu.vector_load %arg10[%swap3A_349, %swap3A_350] {strides = array<i32>} : memref<200x64xf32, #tpu.memory_space<vmem>>, vector<1x16xf32>,
      %swap3A_352 = vector.shape_cast %swap3A_351 : vector<1x16xf32> to vector<16xf32>
      %swap3A_353 = vector.shape_cast %add3A_346 : vector<16xf32> to vector<1x16xf32>
      tpu.vector_store %arg10[%swap3A_349, %swap3A_350], %swap3A_353 {strides = array<i32>} : memref<200x64xf32, #tpu.memory_space<vmem>>, vector<1x16xf32>,
      %add3A_354 = arith.constant 1 : i32
      %add3A_355 = arith.addi %mul3A_215, %add3A_354 : i32
      %get3A_356 = arith.index_cast %add3A_355 : i32 to index
      %get3A_357 = arith.constant 48 : index
      %get3A_358 = tpu.vector_load %arg10[%get3A_356, %get3A_357] {strides = array<i32>} : memref<200x64xf32, #tpu.memory_space<vmem>>, vector<1x16xf32>,
      %get3A_359 = vector.shape_cast %get3A_358 : vector<1x16xf32> to vector<16xf32>
      %add3A_360 = arith.constant 1 : i32
      %add3A_361 = arith.addi %mul3A_215, %add3A_360 : i32
      %get3A_362 = arith.index_cast %add3A_361 : i32 to index
      %get3A_363 = arith.constant 48 : index
      %get3A_364 = tpu.vector_load %arg11[%get3A_362, %get3A_363] {strides = array<i32>} : memref<200x64xf32, #tpu.memory_space<vmem>>, vector<1x16xf32>,
      %get3A_365 = vector.shape_cast %get3A_364 : vector<1x16xf32> to vector<16xf32>
      %add3A_366 = arith.addf %get3A_359, %get3A_365 : vector<16xf32>
      %add3A_367 = arith.constant 1 : i32
      %add3A_368 = arith.addi %mul3A_215, %add3A_367 : i32
      %swap3A_369 = arith.index_cast %add3A_368 : i32 to index
      %swap3A_370 = arith.constant 48 : index
      %swap3A_371 = tpu.vector_load %arg10[%swap3A_369, %swap3A_370] {strides = array<i32>} : memref<200x64xf32, #tpu.memory_space<vmem>>, vector<1x16xf32>,
      %swap3A_372 = vector.shape_cast %swap3A_371 : vector<1x16xf32> to vector<16xf32>
      %swap3A_373 = vector.shape_cast %add3A_366 : vector<16xf32> to vector<1x16xf32>
      tpu.vector_store %arg10[%swap3A_369, %swap3A_370], %swap3A_373 {strides = array<i32>} : memref<200x64xf32, #tpu.memory_space<vmem>>, vector<1x16xf32>,
      %add3A_374 = arith.constant 2 : i32
      %add3A_375 = arith.addi %mul3A_215, %add3A_374 : i32
      %get3A_376 = arith.index_cast %add3A_375 : i32 to index
      %get3A_377 = arith.constant 0 : index
      %get3A_378 = tpu.vector_load %arg10[%get3A_376, %get3A_377] {strides = array<i32>} : memref<200x64xf32, #tpu.memory_space<vmem>>, vector<1x16xf32>,
      %get3A_379 = vector.shape_cast %get3A_378 : vector<1x16xf32> to vector<16xf32>
      %add3A_380 = arith.constant 2 : i32
      %add3A_381 = arith.addi %mul3A_215, %add3A_380 : i32
      %get3A_382 = arith.index_cast %add3A_381 : i32 to index
      %get3A_383 = arith.constant 0 : index
      %get3A_384 = tpu.vector_load %arg11[%get3A_382, %get3A_383] {strides = array<i32>} : memref<200x64xf32, #tpu.memory_space<vmem>>, vector<1x16xf32>,
      %get3A_385 = vector.shape_cast %get3A_384 : vector<1x16xf32> to vector<16xf32>
      %add3A_386 = arith.addf %get3A_379, %get3A_385 : vector<16xf32>
      %add3A_387 = arith.constant 2 : i32
      %add3A_388 = arith.addi %mul3A_215, %add3A_387 : i32
      %swap3A_389 = arith.index_cast %add3A_388 : i32 to index
      %swap3A_390 = arith.constant 0 : index
      %swap3A_391 = tpu.vector_load %arg10[%swap3A_389, %swap3A_390] {strides = array<i32>} : memref<200x64xf32, #tpu.memory_space<vmem>>, vector<1x16xf32>,
      %swap3A_392 = vector.shape_cast %swap3A_391 : vector<1x16xf32> to vector<16xf32>
      %swap3A_393 = vector.shape_cast %add3A_386 : vector<16xf32> to vector<1x16xf32>
      tpu.vector_store %arg10[%swap3A_389, %swap3A_390], %swap3A_393 {strides = array<i32>} : memref<200x64xf32, #tpu.memory_space<vmem>>, vector<1x16xf32>,
      %add3A_394 = arith.constant 2 : i32
      %add3A_395 = arith.addi %mul3A_215, %add3A_394 : i32
      %get3A_396 = arith.index_cast %add3A_395 : i32 to index
      %get3A_397 = arith.constant 16 : index
      %get3A_398 = tpu.vector_load %arg10[%get3A_396, %get3A_397] {strides = array<i32>} : memref<200x64xf32, #tpu.memory_space<vmem>>, vector<1x16xf32>,
      %get3A_399 = vector.shape_cast %get3A_398 : vector<1x16xf32> to vector<16xf32>
      %add3A_400 = arith.constant 2 : i32
      %add3A_401 = arith.addi %mul3A_215, %add3A_400 : i32
      %get3A_402 = arith.index_cast %add3A_401 : i32 to index
      %get3A_403 = arith.constant 16 : index
      %get3A_404 = tpu.vector_load %arg11[%get3A_402, %get3A_403] {strides = array<i32>} : memref<200x64xf32, #tpu.memory_space<vmem>>, vector<1x16xf32>,
      %get3A_405 = vector.shape_cast %get3A_404 : vector<1x16xf32> to vector<16xf32>
      %add3A_406 = arith.addf %get3A_399, %get3A_405 : vector<16xf32>
      %add3A_407 = arith.constant 2 : i32
      %add3A_408 = arith.addi %mul3A_215, %add3A_407 : i32
      %swap3A_409 = arith.index_cast %add3A_408 : i32 to index
      %swap3A_410 = arith.constant 16 : index
      %swap3A_411 = tpu.vector_load %arg10[%swap3A_409, %swap3A_410] {strides = array<i32>} : memref<200x64xf32, #tpu.memory_space<vmem>>, vector<1x16xf32>,
      %swap3A_412 = vector.shape_cast %swap3A_411 : vector<1x16xf32> to vector<16xf32>
      %swap3A_413 = vector.shape_cast %add3A_406 : vector<16xf32> to vector<1x16xf32>
      tpu.vector_store %arg10[%swap3A_409, %swap3A_410], %swap3A_413 {strides = array<i32>} : memref<200x64xf32, #tpu.memory_space<vmem>>, vector<1x16xf32>,
      %add3A_414 = arith.constant 2 : i32
      %add3A_415 = arith.addi %mul3A_215, %add3A_414 : i32
      %get3A_416 = arith.index_cast %add3A_415 : i32 to index
      %get3A_417 = arith.constant 32 : index
      %get3A_418 = tpu.vector_load %arg10[%get3A_416, %get3A_417] {strides = array<i32>} : memref<200x64xf32, #tpu.memory_space<vmem>>, vector<1x16xf32>,
      %get3A_419 = vector.shape_cast %get3A_418 : vector<1x16xf32> to vector<16xf32>
      %add3A_420 = arith.constant 2 : i32
      %add3A_421 = arith.addi %mul3A_215, %add3A_420 : i32
      %get3A_422 = arith.index_cast %add3A_421 : i32 to index
      %get3A_423 = arith.constant 32 : index
      %get3A_424 = tpu.vector_load %arg11[%get3A_422, %get3A_423] {strides = array<i32>} : memref<200x64xf32, #tpu.memory_space<vmem>>, vector<1x16xf32>,
      %get3A_425 = vector.shape_cast %get3A_424 : vector<1x16xf32> to vector<16xf32>
      %add3A_426 = arith.addf %get3A_419, %get3A_425 : vector<16xf32>
      %add3A_427 = arith.constant 2 : i32
      %add3A_428 = arith.addi %mul3A_215, %add3A_427 : i32
      %swap3A_429 = arith.index_cast %add3A_428 : i32 to index
      %swap3A_430 = arith.constant 32 : index
      %swap3A_431 = tpu.vector_load %arg10[%swap3A_429, %swap3A_430] {strides = array<i32>} : memref<200x64xf32, #tpu.memory_space<vmem>>, vector<1x16xf32>,
      %swap3A_432 = vector.shape_cast %swap3A_431 : vector<1x16xf32> to vector<16xf32>
      %swap3A_433 = vector.shape_cast %add3A_426 : vector<16xf32> to vector<1x16xf32>
      tpu.vector_store %arg10[%swap3A_429, %swap3A_430], %swap3A_433 {strides = array<i32>} : memref<200x64xf32, #tpu.memory_space<vmem>>, vector<1x16xf32>,
      %add3A_434 = arith.constant 2 : i32
      %add3A_435 = arith.addi %mul3A_215, %add3A_434 : i32
      %get3A_436 = arith.index_cast %add3A_435 : i32 to index
      %get3A_437 = arith.constant 48 : index
      %get3A_438 = tpu.vector_load %arg10[%get3A_436, %get3A_437] {strides = array<i32>} : memref<200x64xf32, #tpu.memory_space<vmem>>, vector<1x16xf32>,
      %get3A_439 = vector.shape_cast %get3A_438 : vector<1x16xf32> to vector<16xf32>
      %add3A_440 = arith.constant 2 : i32
      %add3A_441 = arith.addi %mul3A_215, %add3A_440 : i32
      %get3A_442 = arith.index_cast %add3A_441 : i32 to index
      %get3A_443 = arith.constant 48 : index
      %get3A_444 = tpu.vector_load %arg11[%get3A_442, %get3A_443] {strides = array<i32>} : memref<200x64xf32, #tpu.memory_space<vmem>>, vector<1x16xf32>,
      %get3A_445 = vector.shape_cast %get3A_444 : vector<1x16xf32> to vector<16xf32>
      %add3A_446 = arith.addf %get3A_439, %get3A_445 : vector<16xf32>
      %add3A_447 = arith.constant 2 : i32
      %add3A_448 = arith.addi %mul3A_215, %add3A_447 : i32
      %swap3A_449 = arith.index_cast %add3A_448 : i32 to index
      %swap3A_450 = arith.constant 48 : index
      %swap3A_451 = tpu.vector_load %arg10[%swap3A_449, %swap3A_450] {strides = array<i32>} : memref<200x64xf32, #tpu.memory_space<vmem>>, vector<1x16xf32>,
      %swap3A_452 = vector.shape_cast %swap3A_451 : vector<1x16xf32> to vector<16xf32>
      %swap3A_453 = vector.shape_cast %add3A_446 : vector<16xf32> to vector<1x16xf32>
      tpu.vector_store %arg10[%swap3A_449, %swap3A_450], %swap3A_453 {strides = array<i32>} : memref<200x64xf32, #tpu.memory_space<vmem>>, vector<1x16xf32>,
      %add3A_454 = arith.constant 3 : i32
      %add3A_455 = arith.addi %mul3A_215, %add3A_454 : i32
      %get3A_456 = arith.index_cast %add3A_455 : i32 to index
      %get3A_457 = arith.constant 0 : index
      %get3A_458 = tpu.vector_load %arg10[%get3A_456, %get3A_457] {strides = array<i32>} : memref<200x64xf32, #tpu.memory_space<vmem>>, vector<1x16xf32>,
      %get3A_459 = vector.shape_cast %get3A_458 : vector<1x16xf32> to vector<16xf32>
      %add3A_460 = arith.constant 3 : i32
      %add3A_461 = arith.addi %mul3A_215, %add3A_460 : i32
      %get3A_462 = arith.index_cast %add3A_461 : i32 to index
      %get3A_463 = arith.constant 0 : index
      %get3A_464 = tpu.vector_load %arg11[%get3A_462, %get3A_463] {strides = array<i32>} : memref<200x64xf32, #tpu.memory_space<vmem>>, vector<1x16xf32>,
      %get3A_465 = vector.shape_cast %get3A_464 : vector<1x16xf32> to vector<16xf32>
      %add3A_466 = arith.addf %get3A_459, %get3A_465 : vector<16xf32>
      %add3A_467 = arith.constant 3 : i32
      %add3A_468 = arith.addi %mul3A_215, %add3A_467 : i32
      %swap3A_469 = arith.index_cast %add3A_468 : i32 to index
      %swap3A_470 = arith.constant 0 : index
      %swap3A_471 = tpu.vector_load %arg10[%swap3A_469, %swap3A_470] {strides = array<i32>} : memref<200x64xf32, #tpu.memory_space<vmem>>, vector<1x16xf32>,
      %swap3A_472 = vector.shape_cast %swap3A_471 : vector<1x16xf32> to vector<16xf32>
      %swap3A_473 = vector.shape_cast %add3A_466 : vector<16xf32> to vector<1x16xf32>
      tpu.vector_store %arg10[%swap3A_469, %swap3A_470], %swap3A_473 {strides = array<i32>} : memref<200x64xf32, #tpu.memory_space<vmem>>, vector<1x16xf32>,
      %add3A_474 = arith.constant 3 : i32
      %add3A_475 = arith.addi %mul3A_215, %add3A_474 : i32
      %get3A_476 = arith.index_cast %add3A_475 : i32 to index
      %get3A_477 = arith.constant 16 : index
      %get3A_478 = tpu.vector_load %arg10[%get3A_476, %get3A_477] {strides = array<i32>} : memref<200x64xf32, #tpu.memory_space<vmem>>, vector<1x16xf32>,
      %get3A_479 = vector.shape_cast %get3A_478 : vector<1x16xf32> to vector<16xf32>
      %add3A_480 = arith.constant 3 : i32
      %add3A_481 = arith.addi %mul3A_215, %add3A_480 : i32
      %get3A_482 = arith.index_cast %add3A_481 : i32 to index
      %get3A_483 = arith.constant 16 : index
      %get3A_484 = tpu.vector_load %arg11[%get3A_482, %get3A_483] {strides = array<i32>} : memref<200x64xf32, #tpu.memory_space<vmem>>, vector<1x16xf32>,
      %get3A_485 = vector.shape_cast %get3A_484 : vector<1x16xf32> to vector<16xf32>
      %add3A_486 = arith.addf %get3A_479, %get3A_485 : vector<16xf32>
      %add3A_487 = arith.constant 3 : i32
      %add3A_488 = arith.addi %mul3A_215, %add3A_487 : i32
      %swap3A_489 = arith.index_cast %add3A_488 : i32 to index
      %swap3A_490 = arith.constant 16 : index
      %swap3A_491 = tpu.vector_load %arg10[%swap3A_489, %swap3A_490] {strides = array<i32>} : memref<200x64xf32, #tpu.memory_space<vmem>>, vector<1x16xf32>,
      %swap3A_492 = vector.shape_cast %swap3A_491 : vector<1x16xf32> to vector<16xf32>
      %swap3A_493 = vector.shape_cast %add3A_486 : vector<16xf32> to vector<1x16xf32>
      tpu.vector_store %arg10[%swap3A_489, %swap3A_490], %swap3A_493 {strides = array<i32>} : memref<200x64xf32, #tpu.memory_space<vmem>>, vector<1x16xf32>,
      %add3A_494 = arith.constant 3 : i32
      %add3A_495 = arith.addi %mul3A_215, %add3A_494 : i32
      %get3A_496 = arith.index_cast %add3A_495 : i32 to index
      %get3A_497 = arith.constant 32 : index
      %get3A_498 = tpu.vector_load %arg10[%get3A_496, %get3A_497] {strides = array<i32>} : memref<200x64xf32, #tpu.memory_space<vmem>>, vector<1x16xf32>,
      %get3A_499 = vector.shape_cast %get3A_498 : vector<1x16xf32> to vector<16xf32>
      %add3A_500 = arith.constant 3 : i32
      %add3A_501 = arith.addi %mul3A_215, %add3A_500 : i32
      %get3A_502 = arith.index_cast %add3A_501 : i32 to index
      %get3A_503 = arith.constant 32 : index
      %get3A_504 = tpu.vector_load %arg11[%get3A_502, %get3A_503] {strides = array<i32>} : memref<200x64xf32, #tpu.memory_space<vmem>>, vector<1x16xf32>,
      %get3A_505 = vector.shape_cast %get3A_504 : vector<1x16xf32> to vector<16xf32>
      %add3A_506 = arith.addf %get3A_499, %get3A_505 : vector<16xf32>
      %add3A_507 = arith.constant 3 : i32
      %add3A_508 = arith.addi %mul3A_215, %add3A_507 : i32
      %swap3A_509 = arith.index_cast %add3A_508 : i32 to index
      %swap3A_510 = arith.constant 32 : index
      %swap3A_511 = tpu.vector_load %arg10[%swap3A_509, %swap3A_510] {strides = array<i32>} : memref<200x64xf32, #tpu.memory_space<vmem>>, vector<1x16xf32>,
      %swap3A_512 = vector.shape_cast %swap3A_511 : vector<1x16xf32> to vector<16xf32>
      %swap3A_513 = vector.shape_cast %add3A_506 : vector<16xf32> to vector<1x16xf32>
      tpu.vector_store %arg10[%swap3A_509, %swap3A_510], %swap3A_513 {strides = array<i32>} : memref<200x64xf32, #tpu.memory_space<vmem>>, vector<1x16xf32>,
      %add3A_514 = arith.constant 3 : i32
      %add3A_515 = arith.addi %mul3A_215, %add3A_514 : i32
      %get3A_516 = arith.index_cast %add3A_515 : i32 to index
      %get3A_517 = arith.constant 48 : index
      %get3A_518 = tpu.vector_load %arg10[%get3A_516, %get3A_517] {strides = array<i32>} : memref<200x64xf32, #tpu.memory_space<vmem>>, vector<1x16xf32>,
      %get3A_519 = vector.shape_cast %get3A_518 : vector<1x16xf32> to vector<16xf32>
      %add3A_520 = arith.constant 3 : i32
      %add3A_521 = arith.addi %mul3A_215, %add3A_520 : i32
      %get3A_522 = arith.index_cast %add3A_521 : i32 to index
      %get3A_523 = arith.constant 48 : index
      %get3A_524 = tpu.vector_load %arg11[%get3A_522, %get3A_523] {strides = array<i32>} : memref<200x64xf32, #tpu.memory_space<vmem>>, vector<1x16xf32>,
      %get3A_525 = vector.shape_cast %get3A_524 : vector<1x16xf32> to vector<16xf32>
      %add3A_526 = arith.addf %get3A_519, %get3A_525 : vector<16xf32>
      %add3A_527 = arith.constant 3 : i32
      %add3A_528 = arith.addi %mul3A_215, %add3A_527 : i32
      %swap3A_529 = arith.index_cast %add3A_528 : i32 to index
      %swap3A_530 = arith.constant 48 : index
      %swap3A_531 = tpu.vector_load %arg10[%swap3A_529, %swap3A_530] {strides = array<i32>} : memref<200x64xf32, #tpu.memory_space<vmem>>, vector<1x16xf32>,
      %swap3A_532 = vector.shape_cast %swap3A_531 : vector<1x16xf32> to vector<16xf32>
      %swap3A_533 = vector.shape_cast %add3A_526 : vector<16xf32> to vector<1x16xf32>
      tpu.vector_store %arg10[%swap3A_529, %swap3A_530], %swap3A_533 {strides = array<i32>} : memref<200x64xf32, #tpu.memory_space<vmem>>, vector<1x16xf32>,
    }
    %scan3A_202 = arith.constant 50 : i32
    %add3A_203 = arith.constant 25400 : i32
    %add3A_204 = arith.addi %mul3A_2, %add3A_203 : i32
    %dma_start3A_205 = arith.constant 0 : i32
    %dma_start3A_206 = tpu.memref_slice %arg5[%add3A_204, %dma_start3A_205] : memref<819200x64xf32, #tpu.memory_space<hbm>> -> memref<200x64xf32, #tpu.memory_space<hbm>>
    %dma_start3A_207 = arith.constant 0 : i32
    %dma_start3A_208 = tpu.memref_slice %arg5[%add3A_204, %dma_start3A_207] : memref<819200x64xf32, #tpu.memory_space<hbm>> -> memref<200x64xf32, #tpu.memory_space<hbm>>
    tpu.enqueue_dma source(%arg10 : memref<200x64xf32, #tpu.memory_space<vmem>>) target(%dma_start3A_208 : memref<200x64xf32, #tpu.memory_space<hbm>>) target_semaphore(%arg13 : memref<!tpu.dma_semaphore, #tpu.memory_space<semaphore_mem>>)
    %dma_wait3A_209 = arith.constant 0 : i32
    %dma_wait3A_210 = tpu.memref_slice %arg5[%mul3A_2, %dma_wait3A_209] : memref<819200x64xf32, #tpu.memory_space<hbm>> -> memref<200x64xf32, #tpu.memory_space<hbm>>
    %dma_wait3A_211 = arith.constant 0 : i32
    %dma_wait3A_212 = tpu.memref_slice %arg5[%mul3A_2, %dma_wait3A_211] : memref<819200x64xf32, #tpu.memory_space<hbm>> -> memref<200x64xf32, #tpu.memory_space<hbm>>
    tpu.wait_dma2 semaphore(%arg13 : memref<!tpu.dma_semaphore, #tpu.memory_space<semaphore_mem>>) src(%arg10 : memref<200x64xf32, #tpu.memory_space<vmem>>) dst(%dma_wait3A_212 : memref<200x64xf32, #tpu.memory_space<hbm>>)
    return
  }
}

</mosaic_0001>

<sc_bundles>
// kernel: kernel.3.cloned.1.call-start
scs
__scs_entry_jumppad:
0x0: {  	(pc) =	sbr.rel $0x88, $3  }
0x1: {  	(tag) =	ssettag $0x0;
	lr =	simm.s32 $0x1  }
0x2: {  	[smem:$0x3F9E] =	sst lr;
	_ =	strace $0xD0000000  }
0x3: {  	_ = 	snop  }
0x4: {  	_ = 	snop  }
0x5: {  	_ = 	snop  }
0x6: {  	_ = 	snop  }
0x7: {  	_ = 	snop  }
__scs_overlays_trampoline_lowered:
0x8: {  	[smem:$0x3FAD] =	sst s0  }
0x9: {  	[smem:$0x3FAE] =	sst s1  }
0xa: {  	[smem:$0x3FAF] =	sst s2  }
0xb: {  	[smem:$0x3FB0] =	sst s3  }
0xc: {  	[smem:$0x3FB1] =	sst s4  }
0xd: {  	[smem:$0x3FB2] =	sst s5  }
0xe: {  	[smem:$0x3FB3] =	sst s6  }
0xf: {  	[smem:$0x3FB4] =	sst s7  }
0x10: {  	[smem:$0x3FB5] =	sst s8  }
0x11: {  	[smem:$0x3FB6] =	sst s9;
	s0 =	simm.s32 @!p0 $0x0  }
0x12: {  	s1 =	sld [smem:$0x3F9C];
	s0 =	simm.s32 @p0 $0x1  }
0x13: {  	[smem:$0x3FB7] =	sst s0;
	s0 =	simm.s32 @!p1 $0x0  }
0x14: {  	s2 =	sld [smem:$0x3F9B];
	s0 =	simm.s32 @p1 $0x1  }
0x15: {  	[smem:$0x3FB8] =	sst s0;
	s0 =	simm.s32 @!p2 $0x0  }
0x16: {  	s3 =	sld [smem:$0x3FDB];
	s0 =	simm.s32 @p2 $0x1  }
0x17: {  	s4 =	simm.s32 $0x1BF5;
	[smem:$0x3FBA] =	sst s0  }
0x18: {  	s0 =	sld [smem:$0x3F9D];
	_ =	swait.ge [sflag:s4], $0x0  }
0x19: {  	s7 =	sld [smem:$0x3F9E]  }
0x1a: {  	s8 =	sadd.s32 $0xFFFFE003, lr  }
0x1b: {  	s9 =	sadd.s32 $0xFFFFFEF7, lr;
	s5 =	simm.s32 $0xFFFFFFFF;
	p2 =	slt.u32 s8, $0xFFFFF086  }
0x1c: {  	p1 =	slt.u32 s9, $0xF7A;
	s5 =	simm.s32 @!p2 $0x0  }
0x1d: {  	s5 =	simm.s32 @p1 $0x1;
	p0 =	seq.s32 s7, s2  }
0x1e: {  	s7 =	smul.u32 @!p0 $0xF7A, s2;
	p2 =	seq.s32 @!p0 s5, $0x0  }
0x1f: {  	s9 =	smul.u32 $0xF7A, s1;
	s8 =	simm.s32 @!p0 $0x1BF5;
	p2 =	por !p2, p0  }
0x20: {  	[sflag:s8] =	ssyncset.s32 @!p0 $0xFFFFF086;
	s6 =	sadd.s32 @!p0 s3, s7;
	s7 =	simm.s32 @!p0 $0x108  }
0x21: {  	s3 =	sadd.s32 s3, s9;
	s6 =	sadd.s32 @!p0 $0x88, s6;
	s7 =	simm.s32 @p2 $0x1082  }
0x22: {  	[simem:s7], [sflag:s8] =	dma.local @!p0 [hbm:s6], $0xF7A  }
0x23: {  	s9 =	sor.u32 $0xD0000000, s2;
	s6 =	simm.s32 $0x108;
	_ =	swait.ge @!p0 [sflag:s8], $0x0  }
0x24: {  	s3 =	sadd.s32 $0x88, s3;
	s6 =	simm.s32 @!p1 $0x1082;
	[sflag:s4] =	ssyncset.s32 $0xFFFFF086  }
0x25: {  	[simem:s6], [sflag:s4] =	dma.local [hbm:s3], $0xF7A  }
0x26: {  	[smem:$0x3F9E] =	sst s1;
	(tag) =	ssettag s2;
	_ =	strace s9  }
0x27: {  	s1 =	sld [smem:$0x3FAE]  }
0x28: {  	s2 =	sld [smem:$0x3FAF]  }
0x29: {  	s4 =	sld [smem:$0x3FB1]  }
0x2a: {  	p0 =	seq.s32 s5, $0x0;
	s5 =	sld [smem:$0x3FB2]  }
0x2b: {  	s6 =	sld [smem:$0x3FB3]  }
0x2c: {  	s7 =	sld [smem:$0x3FB4]  }
0x2d: {  	s3 =	simm.s32 $0x108;
	s8 =	sld [smem:$0x3FB5]  }
0x2e: {  	s3 =	simm.s32 @!p0 $0x1082;
	s9 =	sld [smem:$0x3FB6]  }
0x2f: {  	lr =	sadd.s32 s0, s3;
	s0 =	sld [smem:$0x3FAD]  }
0x30: {  	s3 =	sld [smem:$0x3FB0]  }
0x31: {  	[smem:$0x3FB9] =	sst s10  }
0x32: {  	s10 =	sld [smem:$0x3FB7];
	_ =	sdelay $0x3  }
0x33: {  	p0 =	seq.s32 s10, $0x1;
	s10 =	sld [smem:$0x3FB9];
	_ =	sdelay $0x3  }
0x34: {  	[smem:$0x3FB9] =	sst s10  }
0x35: {  	s10 =	sld [smem:$0x3FB8];
	_ =	sdelay $0x3  }
0x36: {  	p1 =	seq.s32 s10, $0x1;
	s10 =	sld [smem:$0x3FB9];
	_ =	sdelay $0x3  }
0x37: {  	[smem:$0x3FB9] =	sst s10  }
0x38: {  	s10 =	sld [smem:$0x3FBA]  }
0x39: {  	_ = 	snop;
	(pc) =	sbr.ind lr, $3  }
0x3a: {  	_ = 	snop  }
0x3b: {  	_ = 	snop  }
0x3c: {  	p2 =	seq.s32 s10, $0x1;
	s10 =	sld [smem:$0x3FB9]  }
0x3d: {  	_ =	shalt  }
0x3e: {  	_ =	shalt  }
0x3f: {  	_ =	shalt  }
0x40: {  	_ =	shalt  }
0x41: {  	_ =	shalt  }
0x42: {  	_ =	shalt  }
0x43: {  	_ =	shalt  }
0x44: {  	_ =	shalt  }
0x45: {  	_ =	shalt  }
0x46: {  	_ =	shalt  }
0x47: {  	_ =	shalt  }
0x48: {  	_ =	shalt  }
0x49: {  	_ =	shalt  }
0x4a: {  	_ =	shalt  }
0x4b: {  	_ =	shalt  }
0x4c: {  	_ =	shalt  }
0x4d: {  	_ =	shalt  }
0x4e: {  	_ =	shalt  }
0x4f: {  	_ =	shalt  }
0x50: {  	_ =	shalt  }
0x51: {  	_ =	shalt  }
0x52: {  	_ =	shalt  }
0x53: {  	_ =	shalt  }
0x54: {  	_ =	shalt  }
0x55: {  	_ =	shalt  }
0x56: {  	_ =	shalt  }
0x57: {  	_ =	shalt  }
0x58: {  	_ =	shalt  }
0x59: {  	_ =	shalt  }
0x5a: {  	_ =	shalt  }
0x5b: {  	_ =	shalt  }
0x5c: {  	_ =	shalt  }
0x5d: {  	_ =	shalt  }
0x5e: {  	_ =	shalt  }
0x5f: {  	_ =	shalt  }
0x60: {  	_ =	shalt  }
0x61: {  	_ =	shalt  }
0x62: {  	_ =	shalt  }
0x63: {  	_ =	shalt  }
0x64: {  	_ =	shalt  }
0x65: {  	_ =	shalt  }
0x66: {  	_ =	shalt  }
0x67: {  	_ =	shalt  }
0x68: {  	_ =	shalt  }
0x69: {  	_ =	shalt  }
0x6a: {  	_ =	shalt  }
0x6b: {  	_ =	shalt  }
0x6c: {  	_ =	shalt  }
0x6d: {  	_ =	shalt  }
0x6e: {  	_ =	shalt  }
0x6f: {  	_ =	shalt  }
0x70: {  	_ =	shalt  }
0x71: {  	_ =	shalt  }
0x72: {  	_ =	shalt  }
0x73: {  	_ =	shalt  }
0x74: {  	_ =	shalt  }
0x75: {  	_ =	shalt  }
0x76: {  	_ =	shalt  }
0x77: {  	_ =	shalt  }
0x78: {  	_ =	shalt  }
0x79: {  	_ =	shalt  }
0x7a: {  	_ =	shalt  }
0x7b: {  	_ =	shalt  }
0x7c: {  	_ =	shalt  }
0x7d: {  	_ =	shalt  }
0x7e: {  	_ =	shalt  }
0x7f: {  	_ =	shalt  }
0x80: {  	_ =	shalt  }
0x81: {  	_ =	shalt  }
0x82: {  	_ =	shalt  }
0x83: {  	_ =	shalt  }
0x84: {  	_ =	shalt  }
0x85: {  	_ =	shalt  }
0x86: {  	_ =	shalt  }
0x87: {  	_ =	shalt  }
.Lfunc_end0:
.L_simem_size_0:
called_computation.1_lowered:
.L_overlay_start_0:
0x88: {  	s2 =	sld [smem:$0x3FD9]  }
0x89: {  	s3 =	sld [smem:$0x3FFE];
	_ =	sdelay $0x1  }
0x8a: {  	s1 =	srdreg.scid  }
0x8b: {  	s0 =	sand.u32 $0x1, s1  }
0x8c: {  	s17 =	sshll.u32 s0, $0xA;
	s2 =	sadd.s32 s3, s2  }
0x8d: {  	s2 =	sadd.s32 s2, s17  }
0x8e: {  	[smem:$0x3FC5] =	sst s2  }
0x8f: {  	_ = 	snop  }
0x90: {  	s2 =	sld [smem:$0x3FD0];
	(tm) =	ssettm $0x1  }
0x91: {  	s18 =	sld [smem:$0x3FFB];
	_ =	sdelay $0x3  }
0x92: {  	_ =	strace s18  }
0x93: {  	s3 =	sld [smem:$0x3FFC];
	_ =	sdelay $0x3  }
0x94: {  	_ =	strace s3  }
0x95: {  	s3 =	sld [smem:$0x3FFD];
	_ =	sdelay $0x3  }
0x96: {  	_ =	strace s3  }
0x97: {  	_ =	strace $0x8FFFFFFF  }
0x98: {  	s19 =	sld [smem:$0x3FDB];
	_ =	sdelay $0x1  }
0x99: {  	s4 =	simm.s32 $_scs_section_size  }
0x9a: {  	s5 =	simm.s32 $_size__tile_overlayer_lowered;
	s6 =	simm.s32 $_tile_overlayer_lowered  }
0x9b: {  	s22 =	simm.s32 $0x1BFF;
	s21 =	sshll.u32 s6, $0x1;
	s3 =	sadd.s32 s4, s19  }
0x9c: {  	s7 =	simm.s32 $0x0;
	s20 =	sshll.u32 s5, $0x1;
	s5 =	sadd.s32 s21, s3  }
0x9d: {  	[timem:s7], [sflag:s22] =	dma.local [hbm:s5], s20  }
0x9e: {  	_ =	swait.ge [sflag:s22], s20  }
0x9f: {  	s4 =	ssub.s32 $0x0, s20;
	[sflag:s22] =	ssyncset.done $0x0  }
0xa0: {  	[sflag:s22] =	ssyncadd.s32 s4;
	_ =	sdelay $0x1  }
0xa1: {  	s23 =	simm.s32 $0x1B8B  }
0xa2: {  	_ =	swait.ge [sflag:s23], $0x1  }
0xa3: {  	[sflag:s23] =	ssyncset.done $0x0  }
0xa4: {  	s25 =	simm.s32 $0x1B8E;
	s24 =	sld [smem:$0x3FFE];
	[sflag:s23] =	ssyncadd.s32 $0xFFFFFFFF  }
0xa5: {  	s26 =	simm.s32 $execute0_lowered;
	[smem:$0x3FD2] =	sst s25  }
0xa6: {  	s5 =	sshll.u32 s26, $0x1;
	_ =	strace $0x80000046;
	[dreg:$0x1] =	wrdreg $0xFFFFFFFF  }
0xa7: {  	s28 =	simm.s32 $_size_execute0_lowered;
	s3 =	sadd.s32 s3, s5;
	[dreg:$0x0] =	wrdreg $0x0  }
0xa8: {  	s5 =	sshll.u32 s28, $0x1;
	[dreg:$0x2] =	wrdreg s3  }
0xa9: {  	[dreg:$0x3] =	wrdreg s5  }
0xaa: {  	[dreg:$0x4] =	wrdreg $0xC0  }
0xab: {  	_ =	task [dreg:s7], $0x5FFFF  }
0xac: {  	[dreg:$0x1] =	wrdreg $0xFFFFFFFF  }
0xad: {  	[dreg:$0x0] =	wrdreg $0x60  }
0xae: {  	[dreg:$0x2] =	wrdreg s24  }
0xaf: {  	[dreg:$0x3] =	wrdreg s2  }
0xb0: {  	[dreg:$0x4] =	wrdreg $0x9  }
0xb1: {  	_ =	task.clear_ibuf [dreg:s7], $0x5FFFF;
	_ =	strace $0x90000046  }
0xb2: {  	s29 =	simm.s32 $0x9;
	_ =	strace $0x80000048  }
0xb3: {  	_ =	swait.ge [sflag:s29], $0x1  }
0xb4: {  	[sflag:s29] =	ssyncadd.s32 $0xFFFFFFFF  }
0xb5: {  	_ =	strace $0x90000048  }
0xb6: {  	_ =	sfence  }
0xb7: {  	s30 =	sld [smem:$0x0];
	_ =	sdelay $0x2  }
0xb8: {  	s31 =	sshll.u32 s1, $0xD;
	s1 =	sshrl.u32 s1, $0x2  }
0xb9: {  	s3 =	sand.u32 $0x4000, s31;
	s1 =	sadd.s32 s1, s30  }
0xba: {  	s0 =	sor.u32 s3, s0;
	s1 =	sshll.u32 s1, $0x11  }
0xbb: {  	s0 =	sor.u32 s1, s0  }
0xbc: {  	s0 =	sadd.s32 $0x8F2B, s0  }
0xbd: {  	[sflag:s0] =	ssyncadd.remote.s32 $0x1  }
0xbe: {  	_ =	sfence.sel $0xFFFF  }
0xbf: {  	[dreg:$0x0] =	wrdreg $0xFFFFFFFF;
	(pc) =	sbr.abs _section_cstart, $3  }
0xc0: {  	[dreg:$0x1] =	wrdreg $0xFFFFFFFF  }
0xc1: {  	_ =	task.clear_ibuf [dreg:s7], $0x2FFFF;
	_ =	strace $0x9FFFFFFF  }
0xc2: {  	(tm) =	ssettm $0x7FFFFFFF  }
0xc3: {  	_ =	shalt  }
tec
execute0_lowered:
.L_overlay_start_1:
0x0: {  	(tag) =	ssettag $0x1  }
0x1: {  	s0 =	srdreg.scid  }
0x2: {  	s1 =	stileid.u32;
	s6 =	rddreg [dreg:$0x0]  }
0x3: {  	s2 =	rddreg [dreg:$0x1];
	s4 =	simm.s32 $0x0;
	s20 =	simm.s32 $0x3  }
0x4: {  	s21 =	simm.s32 $0xC8;
	s22 =	simm.s32 $0x6400;
	s23 =	simm.s32 $0x9600  }
0x5: {  	s25 =	simm.s32 $0xC800;
	s0 =	sand.u32 $0x1, s0;
	s1 =	sshll.u32 s1, $0x1  }
0x6: {  	s28 =	simm.s32 $0xFA00;
	s29 =	simm.s32 $0x1;
	s1 =	sor.u32 s0, s1  }
0x7: {  	s30 =	simm.s32 $0x2;
	s24 =	simm.s32 $0x0;
	s3 =	smul.u32 $0x6400, s1  }
0x8: {  	[smem:$0x7FF] =	sst s4;
	s0 =	ssub.s32 $0x2, s0;
	s7 =	smul.u32 $0x32000, s1  }
0x9: {  	_ =	strace $0x80000047;
	s26 =	sshrl.u32 s0, $0x1;
	s1 =	smul.u32 $0x190000, s1  }
0xa: {  	s0 =	ssub.s32 s0, s26;
	s5 =	sshrl.u32 s3, $0x3;
	s7 =	sadd.s32 s2, s7  }
0xb: {  	s1 =	sshrl.u32 s1, $0x3;
	s12 =	sor.u32 $0xC8, s3;
	s13 =	sor.u32 $0x190, s3  }
0xc: {  	s18 =	smax.u32 s0, $0x1;
	s8 =	sadd.s32 s5, s6;
	s5 =	sadd.s32 $0xF43000, s6  }
0xd: {  	s6 =	sadd.s32 $0x19C00, s6;
	s9 =	sadd.s32 $0x640, s7;
	s10 =	sadd.s32 $0xC80, s7  }
0xe: {  	s11 =	sadd.s32 $0x12C0, s7;
	s1 =	sadd.s32 s2, s1;
	[dreg:$0x3] =	wrdreg s6  }
0xf: {  	s31 =	sadd.s32 $0xC00, s8;
	s14 =	sadd.s32 $0x30700, s1;
	s15 =	sadd.s32 $0x30D40, s1  }
0x10: {  	s16 =	sadd.s32 $0x31380, s1;
	s17 =	sadd.s32 $0x319C0, s1;
	[dreg:$0x4] =	wrdreg s31  }
.LBB2_1:
0x11: {  	s0 =	rddreg [dreg:$0x3];
	s1 =	simm.s32 $0x12C00  }
0x12: {  	[tilespmem:s1], [sflag:$0x3] =	stream.linear.gather [hbm4b:s0+s4], $0x3200, $0x38;
	[tilespmem:$0x15E00] =	vst v63  }
0x13: {  	_ =	swait.ge [sflag:s20], $0x3200  }
0x14: {  	[sflag:s20] =	ssyncset.done $0x0  }
0x15: {  	s19 =	rddreg [dreg:$0x4];
	[sflag:s20] =	ssyncadd.s32 $0xFFFFCE00  }
0x16: {  	[tilespmem:s4], [sflag:$0x3] =	stream.linear.gather [hbm4b:s19+s4], $0x6400, $0x38;
	[tilespmem:$0x15E00] =	vst v63  }
0x17: {  	_ =	swait.ge [sflag:s20], $0x6400  }
0x18: {  	[sflag:s20] =	ssyncset.done $0x0  }
0x19: {  	[sflag:s20] =	ssyncadd.s32 $0xFFFF9C00  }
0x1a: {  	[tilespmem:s22], [sflag:$0x1] =	stream.indirect.gather [hbm4b:s5+s21], $0x40, s4, s21, $0xb8;
	[tilespmem:$0x15E00] =	vst v63  }
0x1b: {  	_ = 	snop  }
0x1c: {  	[tilespmem:s23], [sflag:$0x1] =	stream.indirect.gather [hbm4b:s5+s21], $0x40, s21, s21, $0xb8;
	[tilespmem:$0x15E00] =	vst v63  }
0x1d: {  	s26 =	simm.s32 $0x190  }
0x1e: {  	[tilespmem:s25], [sflag:$0x1] =	stream.indirect.gather [hbm4b:s5+s21], $0x40, s26, s21, $0xb8;
	[tilespmem:$0x15E00] =	vst v63  }
0x1f: {  	s31 =	simm.s32 $0x258  }
0x20: {  	[tilespmem:s28], [sflag:$0x1] =	stream.indirect.gather [hbm4b:s5+s21], $0x40, s31, s21, $0xb8;
	[tilespmem:$0x15E00] =	vst v63  }
0x21: {  	_ =	swait.ge [sflag:s29], $0x3200  }
0x22: {  	[sflag:s29] =	ssyncset.done $0x0  }
0x23: {  	s0 =	simm.s32 $0x0;
	[sflag:s29] =	ssyncadd.s32 $0xFFFFCE00  }
0x24: {  	v6 =	vld [tilespmem:s0+$0x12C00]  }
0x25: {  	v7 =	vld [tilespmem:s0+$0x12C10]  }
0x26: {  	v8 =	vld [tilespmem:s0+$0x12C20]  }
0x27: {  	v9 =	vld [tilespmem:s0+$0x12C30]  }
0x28: {  	v10 =	vld [tilespmem:s0+$0x12C40]  }
0x29: {  	v11 =	vld [tilespmem:s0+$0x12C50]  }
0x2a: {  	v12 =	vld [tilespmem:s0+$0x12C60]  }
0x2b: {  	v13 =	vld [tilespmem:s0+$0x12C70]  }
0x2c: {  	v14 =	vld [tilespmem:s0+$0x12C80]  }
0x2d: {  	v15 =	vld [tilespmem:s0+$0x12C90]  }
0x2e: {  	v5 =	vld [tilespmem:s0+$0x12CA0]  }
0x2f: {  	v4 =	vld [tilespmem:s0+$0x12CB0]  }
0x30: {  	v3 =	vld [tilespmem:s0+$0x12CC0]  }
0x31: {  	v2 =	vld [tilespmem:s0+$0x12CD0]  }
0x32: {  	v1 =	vld [tilespmem:s0+$0x12CE0]  }
0x33: {  	v0 =	vld [tilespmem:s0+$0x12CF0]  }
0x34: {  	v16 =	vld [tilespmem:s0+$0x6400]  }
0x35: {  	v17 =	vld [tilespmem:s0+$0x6410]  }
0x36: {  	v18 =	vld [tilespmem:s0+$0x6420]  }
0x37: {  	v19 =	vld [tilespmem:s0+$0x6430]  }
0x38: {  	v20 =	vld [tilespmem:s0+$0x6440]  }
0x39: {  	v60 =	vld [tilespmem:s0+$0x6450];
	v6 =	vadd.f32 v6, v16  }
0x3a: {  	v21 =	vld [tilespmem:s0+$0x6460];
	v7 =	vadd.f32 v7, v17  }
0x3b: {  	v61 =	vld [tilespmem:s0+$0x6470];
	[tilespmem:s0+$0x6400] =	vst v6;
	v6 =	vadd.f32 v8, v18  }
0x3c: {  	v62 =	vld [tilespmem:s0+$0x6480];
	[tilespmem:s0+$0x6410] =	vst v7;
	v7 =	vadd.f32 v9, v19  }
0x3d: {  	v63 =	vld [tilespmem:s0+$0x6490];
	[tilespmem:s0+$0x6420] =	vst v6;
	v6 =	vadd.f32 v10, v20  }
0x3e: {  	v8 =	vadd.f32 v11, v60;
	[tilespmem:s0+$0x6430] =	vst v7;
	v7 =	vld [tilespmem:s0+$0x64A0]  }
0x3f: {  	v9 =	vadd.f32 v12, v21;
	[tilespmem:s0+$0x6440] =	vst v6;
	v6 =	vld [tilespmem:s0+$0x64B0]  }
0x40: {  	[tilespmem:s0+$0x6450] =	vst v8;
	v8 =	vld [tilespmem:s0+$0x64C0];
	v10 =	vadd.f32 v13, v61  }
0x41: {  	v12 =	vadd.f32 v14, v62;
	[tilespmem:s0+$0x6460] =	vst v9;
	v9 =	vld [tilespmem:s0+$0x64D0]  }
0x42: {  	s1 =	simm.s32 $0x400;
	v11 =	vadd.f32 v15, v63;
	[tilespmem:s0+$0x6470] =	vst v10;
	v10 =	vld [tilespmem:s0+$0x64E0]  }
.LBB2_2:
0x43: {  	s6 =	sshra.s32 s1, $0x2;
	p0 =	sne.s32 s1, $0xC400;
	[tilespmem:s0+$0x6480] =	vst v12;
	v5 =	vadd.f32 v5, v7;
	v7 =	vld [tilespmem:s0+$0x64F0]  }
0x44: {  	v12 =	vld [tilespmem:s6+$0x12C00];
	[tilespmem:s0+$0x6490] =	vst v11;
	v4 =	vadd.f32 v4, v6  }
0x45: {  	v6 =	vld [tilespmem:s6+$0x12C10];
	[tilespmem:s0+$0x64A0] =	vst v5;
	v3 =	vadd.f32 v3, v8  }
0x46: {  	v8 =	vld [tilespmem:s6+$0x12C20];
	[tilespmem:s0+$0x64B0] =	vst v4;
	v2 =	vadd.f32 v2, v9  }
0x47: {  	v9 =	vld [tilespmem:s6+$0x12C30];
	[tilespmem:s0+$0x64C0] =	vst v3;
	v1 =	vadd.f32 v1, v10  }
0x48: {  	v10 =	vld [tilespmem:s6+$0x12C40];
	[tilespmem:s0+$0x64D0] =	vst v2;
	v0 =	vadd.f32 v0, v7  }
0x49: {  	v7 =	vld [tilespmem:s6+$0x12C50];
	[tilespmem:s0+$0x64E0] =	vst v1  }
0x4a: {  	v11 =	vld [tilespmem:s6+$0x12C60];
	[tilespmem:s0+$0x64F0] =	vst v0;
	s0 =	smov.u32 s6  }
0x4b: {  	v13 =	vld [tilespmem:s0+$0x12C70]  }
0x4c: {  	v14 =	vld [tilespmem:s0+$0x12C80]  }
0x4d: {  	v15 =	vld [tilespmem:s0+$0x12C90]  }
0x4e: {  	v5 =	vld [tilespmem:s0+$0x12CA0]  }
0x4f: {  	v4 =	vld [tilespmem:s0+$0x12CB0]  }
0x50: {  	v3 =	vld [tilespmem:s0+$0x12CC0]  }
0x51: {  	v2 =	vld [tilespmem:s0+$0x12CD0]  }
0x52: {  	v1 =	vld [tilespmem:s0+$0x12CE0]  }
0x53: {  	v0 =	vld [tilespmem:s0+$0x12CF0]  }
0x54: {  	v16 =	vld [tilespmem:s0+$0x6400]  }
0x55: {  	v17 =	vld [tilespmem:s0+$0x6410]  }
0x56: {  	v18 =	vld [tilespmem:s0+$0x6420]  }
0x57: {  	v19 =	vld [tilespmem:s0+$0x6430]  }
0x58: {  	v20 =	vld [tilespmem:s0+$0x6440]  }
0x59: {  	v12 =	vadd.f32 v12, v16;
	v16 =	vld [tilespmem:s0+$0x6450]  }
0x5a: {  	v6 =	vadd.f32 v6, v17;
	v17 =	vld [tilespmem:s0+$0x6460]  }
0x5b: {  	[tilespmem:s0+$0x6400] =	vst v12;
	v8 =	vadd.f32 v8, v18;
	v12 =	vld [tilespmem:s0+$0x6470]  }
0x5c: {  	[tilespmem:s0+$0x6410] =	vst v6;
	v6 =	vadd.f32 v9, v19;
	v9 =	vld [tilespmem:s0+$0x6480]  }
0x5d: {  	[tilespmem:s0+$0x6420] =	vst v8;
	v8 =	vadd.f32 v10, v20;
	v10 =	vld [tilespmem:s0+$0x6490]  }
.Ltmp0:
0x5e: {  	[tilespmem:s0+$0x6430] =	vst v6;
	v16 =	vadd.f32 v7, v16;
	v7 =	vld [tilespmem:s0+$0x64A0];
	(pc) =	sbr.rel @p0 .LBB2_2-.Ltmp0, $4  }
0x5f: {  	[tilespmem:s0+$0x6440] =	vst v8;
	v11 =	vadd.f32 v11, v17;
	v6 =	vld [tilespmem:s0+$0x64B0]  }
0x60: {  	[tilespmem:s0+$0x6450] =	vst v16;
	v13 =	vadd.f32 v13, v12;
	v8 =	vld [tilespmem:s0+$0x64C0]  }
0x61: {  	[tilespmem:s0+$0x6460] =	vst v11;
	v12 =	vadd.f32 v14, v9;
	v9 =	vld [tilespmem:s0+$0x64D0]  }
0x62: {  	s1 =	sadd.s32 $0x400, s1;
	[tilespmem:s0+$0x6470] =	vst v13;
	v11 =	vadd.f32 v15, v10;
	v10 =	vld [tilespmem:s0+$0x64E0]  }
0x63: {  	[tilespmem:s0+$0x6480] =	vst v12;
	v5 =	vadd.f32 v5, v7;
	v7 =	vld [tilespmem:s0+$0x64F0]  }
0x64: {  	[tilespmem:s0+$0x6490] =	vst v11;
	v4 =	vadd.f32 v4, v6  }
0x65: {  	[tilespmem:s0+$0x64A0] =	vst v5;
	v3 =	vadd.f32 v3, v8  }
0x66: {  	[tilespmem:s0+$0x64B0] =	vst v4;
	v2 =	vadd.f32 v2, v9  }
0x67: {  	[tilespmem:s0+$0x64C0] =	vst v3;
	v1 =	vadd.f32 v1, v10  }
0x68: {  	[tilespmem:s0+$0x64D0] =	vst v2;
	v0 =	vadd.f32 v0, v7  }
0x69: {  	[tilespmem:s0+$0x64E0] =	vst v1  }
0x6a: {  	s26 =	simm.s32 $0x0;
	[tilespmem:s0+$0x64F0] =	vst v0  }
0x6b: {  	[hbm4b:s7+s26] =	stream.linear.scatter [tilespmem:s22], [sflag:$0x2], $0x3200, $0x38;
	[tilespmem:$0x15E00] =	vst v63  }
0x6c: {  	_ =	swait.ge [sflag:s30], $0x3200  }
0x6d: {  	[sflag:s30] =	ssyncset.done $0x0  }
0x6e: {  	s31 =	simm.s32 $0x320;
	[sflag:s30] =	ssyncadd.s32 $0xFFFFCE00  }
0x6f: {  	[tilespmem:s22], [sflag:$0x1] =	stream.indirect.gather [hbm4b:s5+s21], $0x40, s31, s21, $0xb8;
	[tilespmem:$0x15E00] =	vst v63  }
0x70: {  	_ =	swait.ge [sflag:s29], $0x3200  }
0x71: {  	[sflag:s29] =	ssyncset.done $0x0  }
0x72: {  	s0 =	simm.s32 $0x0;
	[sflag:s29] =	ssyncadd.s32 $0xFFFFCE00  }
0x73: {  	v6 =	vld [tilespmem:s0+$0x12C00]  }
0x74: {  	v7 =	vld [tilespmem:s0+$0x12C10]  }
0x75: {  	v8 =	vld [tilespmem:s0+$0x12C20]  }
0x76: {  	v9 =	vld [tilespmem:s0+$0x12C30]  }
0x77: {  	v10 =	vld [tilespmem:s0+$0x12C40]  }
0x78: {  	v11 =	vld [tilespmem:s0+$0x12C50]  }
0x79: {  	v12 =	vld [tilespmem:s0+$0x12C60]  }
0x7a: {  	v13 =	vld [tilespmem:s0+$0x12C70]  }
0x7b: {  	v14 =	vld [tilespmem:s0+$0x12C80]  }
0x7c: {  	v15 =	vld [tilespmem:s0+$0x12C90]  }
0x7d: {  	v5 =	vld [tilespmem:s0+$0x12CA0]  }
0x7e: {  	v4 =	vld [tilespmem:s0+$0x12CB0]  }
0x7f: {  	v3 =	vld [tilespmem:s0+$0x12CC0]  }
0x80: {  	v2 =	vld [tilespmem:s0+$0x12CD0]  }
0x81: {  	v1 =	vld [tilespmem:s0+$0x12CE0]  }
0x82: {  	v0 =	vld [tilespmem:s0+$0x12CF0]  }
0x83: {  	v16 =	vld [tilespmem:s0+$0x9600]  }
0x84: {  	v17 =	vld [tilespmem:s0+$0x9610]  }
0x85: {  	v18 =	vld [tilespmem:s0+$0x9620]  }
0x86: {  	v19 =	vld [tilespmem:s0+$0x9630]  }
0x87: {  	v20 =	vld [tilespmem:s0+$0x9640]  }
0x88: {  	v60 =	vld [tilespmem:s0+$0x9650];
	v6 =	vadd.f32 v6, v16  }
0x89: {  	v21 =	vld [tilespmem:s0+$0x9660];
	v7 =	vadd.f32 v7, v17  }
0x8a: {  	v61 =	vld [tilespmem:s0+$0x9670];
	[tilespmem:s0+$0x9600] =	vst v6;
	v6 =	vadd.f32 v8, v18  }
0x8b: {  	v62 =	vld [tilespmem:s0+$0x9680];
	[tilespmem:s0+$0x9610] =	vst v7;
	v7 =	vadd.f32 v9, v19  }
0x8c: {  	v63 =	vld [tilespmem:s0+$0x9690];
	[tilespmem:s0+$0x9620] =	vst v6;
	v6 =	vadd.f32 v10, v20  }
0x8d: {  	v8 =	vadd.f32 v11, v60;
	[tilespmem:s0+$0x9630] =	vst v7;
	v7 =	vld [tilespmem:s0+$0x96A0]  }
0x8e: {  	v9 =	vadd.f32 v12, v21;
	[tilespmem:s0+$0x9640] =	vst v6;
	v6 =	vld [tilespmem:s0+$0x96B0]  }
0x8f: {  	[tilespmem:s0+$0x9650] =	vst v8;
	v8 =	vld [tilespmem:s0+$0x96C0];
	v10 =	vadd.f32 v13, v61  }
0x90: {  	v12 =	vadd.f32 v14, v62;
	[tilespmem:s0+$0x9660] =	vst v9;
	v9 =	vld [tilespmem:s0+$0x96D0]  }
0x91: {  	s1 =	simm.s32 $0x400;
	v11 =	vadd.f32 v15, v63;
	[tilespmem:s0+$0x9670] =	vst v10;
	v10 =	vld [tilespmem:s0+$0x96E0]  }
.LBB2_4:
0x92: {  	s6 =	sshra.s32 s1, $0x2;
	p0 =	sne.s32 s1, $0xC400;
	[tilespmem:s0+$0x9680] =	vst v12;
	v5 =	vadd.f32 v5, v7;
	v7 =	vld [tilespmem:s0+$0x96F0]  }
0x93: {  	v12 =	vld [tilespmem:s6+$0x12C00];
	[tilespmem:s0+$0x9690] =	vst v11;
	v4 =	vadd.f32 v4, v6  }
0x94: {  	v6 =	vld [tilespmem:s6+$0x12C10];
	[tilespmem:s0+$0x96A0] =	vst v5;
	v3 =	vadd.f32 v3, v8  }
0x95: {  	v8 =	vld [tilespmem:s6+$0x12C20];
	[tilespmem:s0+$0x96B0] =	vst v4;
	v2 =	vadd.f32 v2, v9  }
0x96: {  	v9 =	vld [tilespmem:s6+$0x12C30];
	[tilespmem:s0+$0x96C0] =	vst v3;
	v1 =	vadd.f32 v1, v10  }
0x97: {  	v10 =	vld [tilespmem:s6+$0x12C40];
	[tilespmem:s0+$0x96D0] =	vst v2;
	v0 =	vadd.f32 v0, v7  }
0x98: {  	v7 =	vld [tilespmem:s6+$0x12C50];
	[tilespmem:s0+$0x96E0] =	vst v1  }
0x99: {  	v11 =	vld [tilespmem:s6+$0x12C60];
	[tilespmem:s0+$0x96F0] =	vst v0;
	s0 =	smov.u32 s6  }
0x9a: {  	v13 =	vld [tilespmem:s0+$0x12C70]  }
0x9b: {  	v14 =	vld [tilespmem:s0+$0x12C80]  }
0x9c: {  	v15 =	vld [tilespmem:s0+$0x12C90]  }
0x9d: {  	v5 =	vld [tilespmem:s0+$0x12CA0]  }
0x9e: {  	v4 =	vld [tilespmem:s0+$0x12CB0]  }
0x9f: {  	v3 =	vld [tilespmem:s0+$0x12CC0]  }
0xa0: {  	v2 =	vld [tilespmem:s0+$0x12CD0]  }
0xa1: {  	v1 =	vld [tilespmem:s0+$0x12CE0]  }
0xa2: {  	v0 =	vld [tilespmem:s0+$0x12CF0]  }
0xa3: {  	v16 =	vld [tilespmem:s0+$0x9600]  }
0xa4: {  	v17 =	vld [tilespmem:s0+$0x9610]  }
0xa5: {  	v18 =	vld [tilespmem:s0+$0x9620]  }
0xa6: {  	v19 =	vld [tilespmem:s0+$0x9630]  }
0xa7: {  	v20 =	vld [tilespmem:s0+$0x9640]  }
0xa8: {  	v12 =	vadd.f32 v12, v16;
	v16 =	vld [tilespmem:s0+$0x9650]  }
0xa9: {  	v6 =	vadd.f32 v6, v17;
	v17 =	vld [tilespmem:s0+$0x9660]  }
0xaa: {  	[tilespmem:s0+$0x9600] =	vst v12;
	v8 =	vadd.f32 v8, v18;
	v12 =	vld [tilespmem:s0+$0x9670]  }
0xab: {  	[tilespmem:s0+$0x9610] =	vst v6;
	v6 =	vadd.f32 v9, v19;
	v9 =	vld [tilespmem:s0+$0x9680]  }
0xac: {  	[tilespmem:s0+$0x9620] =	vst v8;
	v8 =	vadd.f32 v10, v20;
	v10 =	vld [tilespmem:s0+$0x9690]  }
.Ltmp1:
0xad: {  	[tilespmem:s0+$0x9630] =	vst v6;
	v16 =	vadd.f32 v7, v16;
	v7 =	vld [tilespmem:s0+$0x96A0];
	(pc) =	sbr.rel @p0 .LBB2_4-.Ltmp1, $4  }
0xae: {  	[tilespmem:s0+$0x9640] =	vst v8;
	v11 =	vadd.f32 v11, v17;
	v6 =	vld [tilespmem:s0+$0x96B0]  }
0xaf: {  	[tilespmem:s0+$0x9650] =	vst v16;
	v13 =	vadd.f32 v13, v12;
	v8 =	vld [tilespmem:s0+$0x96C0]  }
0xb0: {  	[tilespmem:s0+$0x9660] =	vst v11;
	v12 =	vadd.f32 v14, v9;
	v9 =	vld [tilespmem:s0+$0x96D0]  }
0xb1: {  	s1 =	sadd.s32 $0x400, s1;
	[tilespmem:s0+$0x9670] =	vst v13;
	v11 =	vadd.f32 v15, v10;
	v10 =	vld [tilespmem:s0+$0x96E0]  }
0xb2: {  	[tilespmem:s0+$0x9680] =	vst v12;
	v5 =	vadd.f32 v5, v7;
	v7 =	vld [tilespmem:s0+$0x96F0]  }
0xb3: {  	[tilespmem:s0+$0x9690] =	vst v11;
	v4 =	vadd.f32 v4, v6  }
0xb4: {  	[tilespmem:s0+$0x96A0] =	vst v5;
	v3 =	vadd.f32 v3, v8  }
0xb5: {  	[tilespmem:s0+$0x96B0] =	vst v4;
	v2 =	vadd.f32 v2, v9  }
0xb6: {  	[tilespmem:s0+$0x96C0] =	vst v3;
	v1 =	vadd.f32 v1, v10  }
0xb7: {  	[tilespmem:s0+$0x96D0] =	vst v2;
	v0 =	vadd.f32 v0, v7  }
0xb8: {  	[tilespmem:s0+$0x96E0] =	vst v1  }
0xb9: {  	s26 =	simm.s32 $0x0;
	[tilespmem:s0+$0x96F0] =	vst v0  }
0xba: {  	[hbm4b:s9+s26] =	stream.linear.scatter [tilespmem:s23], [sflag:$0x2], $0x3200, $0x38;
	[tilespmem:$0x15E00] =	vst v63  }
0xbb: {  	_ =	swait.ge [sflag:s30], $0x3200  }
0xbc: {  	[sflag:s30] =	ssyncset.done $0x0  }
0xbd: {  	s31 =	simm.s32 $0x3E8;
	[sflag:s30] =	ssyncadd.s32 $0xFFFFCE00  }
0xbe: {  	[tilespmem:s23], [sflag:$0x1] =	stream.indirect.gather [hbm4b:s5+s21], $0x40, s31, s21, $0xb8;
	[tilespmem:$0x15E00] =	vst v63  }
0xbf: {  	_ =	swait.ge [sflag:s29], $0x3200  }
0xc0: {  	[sflag:s29] =	ssyncset.done $0x0  }
0xc1: {  	s0 =	simm.s32 $0x0;
	[sflag:s29] =	ssyncadd.s32 $0xFFFFCE00  }
0xc2: {  	v6 =	vld [tilespmem:s0+$0x12C00]  }
0xc3: {  	v7 =	vld [tilespmem:s0+$0x12C10]  }
0xc4: {  	v8 =	vld [tilespmem:s0+$0x12C20]  }
0xc5: {  	v9 =	vld [tilespmem:s0+$0x12C30]  }
0xc6: {  	v10 =	vld [tilespmem:s0+$0x12C40]  }
0xc7: {  	v11 =	vld [tilespmem:s0+$0x12C50]  }
0xc8: {  	v12 =	vld [tilespmem:s0+$0x12C60]  }
0xc9: {  	v13 =	vld [tilespmem:s0+$0x12C70]  }
0xca: {  	v14 =	vld [tilespmem:s0+$0x12C80]  }
0xcb: {  	v15 =	vld [tilespmem:s0+$0x12C90]  }
0xcc: {  	v5 =	vld [tilespmem:s0+$0x12CA0]  }
0xcd: {  	v4 =	vld [tilespmem:s0+$0x12CB0]  }
0xce: {  	v3 =	vld [tilespmem:s0+$0x12CC0]  }
0xcf: {  	v2 =	vld [tilespmem:s0+$0x12CD0]  }
0xd0: {  	v1 =	vld [tilespmem:s0+$0x12CE0]  }
0xd1: {  	v0 =	vld [tilespmem:s0+$0x12CF0]  }
0xd2: {  	v16 =	vld [tilespmem:s0+$0xC800]  }
0xd3: {  	v17 =	vld [tilespmem:s0+$0xC810]  }
0xd4: {  	v18 =	vld [tilespmem:s0+$0xC820]  }
0xd5: {  	v19 =	vld [tilespmem:s0+$0xC830]  }
0xd6: {  	v20 =	vld [tilespmem:s0+$0xC840]  }
0xd7: {  	v60 =	vld [tilespmem:s0+$0xC850];
	v6 =	vadd.f32 v6, v16  }
0xd8: {  	v21 =	vld [tilespmem:s0+$0xC860];
	v7 =	vadd.f32 v7, v17  }
0xd9: {  	v61 =	vld [tilespmem:s0+$0xC870];
	[tilespmem:s0+$0xC800] =	vst v6;
	v6 =	vadd.f32 v8, v18  }
0xda: {  	v62 =	vld [tilespmem:s0+$0xC880];
	[tilespmem:s0+$0xC810] =	vst v7;
	v7 =	vadd.f32 v9, v19  }
0xdb: {  	v63 =	vld [tilespmem:s0+$0xC890];
	[tilespmem:s0+$0xC820] =	vst v6;
	v6 =	vadd.f32 v10, v20  }
0xdc: {  	v8 =	vadd.f32 v11, v60;
	[tilespmem:s0+$0xC830] =	vst v7;
	v7 =	vld [tilespmem:s0+$0xC8A0]  }
0xdd: {  	v9 =	vadd.f32 v12, v21;
	[tilespmem:s0+$0xC840] =	vst v6;
	v6 =	vld [tilespmem:s0+$0xC8B0]  }
0xde: {  	[tilespmem:s0+$0xC850] =	vst v8;
	v8 =	vld [tilespmem:s0+$0xC8C0];
	v10 =	vadd.f32 v13, v61  }
0xdf: {  	v12 =	vadd.f32 v14, v62;
	[tilespmem:s0+$0xC860] =	vst v9;
	v9 =	vld [tilespmem:s0+$0xC8D0]  }
0xe0: {  	s1 =	simm.s32 $0x400;
	v11 =	vadd.f32 v15, v63;
	[tilespmem:s0+$0xC870] =	vst v10;
	v10 =	vld [tilespmem:s0+$0xC8E0]  }
.LBB2_6:
0xe1: {  	s6 =	sshra.s32 s1, $0x2;
	p0 =	sne.s32 s1, $0xC400;
	[tilespmem:s0+$0xC880] =	vst v12;
	v5 =	vadd.f32 v5, v7;
	v7 =	vld [tilespmem:s0+$0xC8F0]  }
0xe2: {  	v12 =	vld [tilespmem:s6+$0x12C00];
	[tilespmem:s0+$0xC890] =	vst v11;
	v4 =	vadd.f32 v4, v6  }
0xe3: {  	v6 =	vld [tilespmem:s6+$0x12C10];
	[tilespmem:s0+$0xC8A0] =	vst v5;
	v3 =	vadd.f32 v3, v8  }
0xe4: {  	v8 =	vld [tilespmem:s6+$0x12C20];
	[tilespmem:s0+$0xC8B0] =	vst v4;
	v2 =	vadd.f32 v2, v9  }
0xe5: {  	v9 =	vld [tilespmem:s6+$0x12C30];
	[tilespmem:s0+$0xC8C0] =	vst v3;
	v1 =	vadd.f32 v1, v10  }
0xe6: {  	v10 =	vld [tilespmem:s6+$0x12C40];
	[tilespmem:s0+$0xC8D0] =	vst v2;
	v0 =	vadd.f32 v0, v7  }
0xe7: {  	v7 =	vld [tilespmem:s6+$0x12C50];
	[tilespmem:s0+$0xC8E0] =	vst v1  }
0xe8: {  	v11 =	vld [tilespmem:s6+$0x12C60];
	[tilespmem:s0+$0xC8F0] =	vst v0;
	s0 =	smov.u32 s6  }
0xe9: {  	v13 =	vld [tilespmem:s0+$0x12C70]  }
0xea: {  	v14 =	vld [tilespmem:s0+$0x12C80]  }
0xeb: {  	v15 =	vld [tilespmem:s0+$0x12C90]  }
0xec: {  	v5 =	vld [tilespmem:s0+$0x12CA0]  }
0xed: {  	v4 =	vld [tilespmem:s0+$0x12CB0]  }
0xee: {  	v3 =	vld [tilespmem:s0+$0x12CC0]  }
0xef: {  	v2 =	vld [tilespmem:s0+$0x12CD0]  }
0xf0: {  	v1 =	vld [tilespmem:s0+$0x12CE0]  }
0xf1: {  	v0 =	vld [tilespmem:s0+$0x12CF0]  }
0xf2: {  	v16 =	vld [tilespmem:s0+$0xC800]  }
0xf3: {  	v17 =	vld [tilespmem:s0+$0xC810]  }
0xf4: {  	v18 =	vld [tilespmem:s0+$0xC820]  }
0xf5: {  	v19 =	vld [tilespmem:s0+$0xC830]  }
0xf6: {  	v20 =	vld [tilespmem:s0+$0xC840]  }
0xf7: {  	v12 =	vadd.f32 v12, v16;
	v16 =	vld [tilespmem:s0+$0xC850]  }
0xf8: {  	v6 =	vadd.f32 v6, v17;
	v17 =	vld [tilespmem:s0+$0xC860]  }
0xf9: {  	[tilespmem:s0+$0xC800] =	vst v12;
	v8 =	vadd.f32 v8, v18;
	v12 =	vld [tilespmem:s0+$0xC870]  }
0xfa: {  	[tilespmem:s0+$0xC810] =	vst v6;
	v6 =	vadd.f32 v9, v19;
	v9 =	vld [tilespmem:s0+$0xC880]  }
0xfb: {  	[tilespmem:s0+$0xC820] =	vst v8;
	v8 =	vadd.f32 v10, v20;
	v10 =	vld [tilespmem:s0+$0xC890]  }
.Ltmp2:
0xfc: {  	[tilespmem:s0+$0xC830] =	vst v6;
	v16 =	vadd.f32 v7, v16;
	v7 =	vld [tilespmem:s0+$0xC8A0];
	(pc) =	sbr.rel @p0 .LBB2_6-.Ltmp2, $4  }
0xfd: {  	[tilespmem:s0+$0xC840] =	vst v8;
	v11 =	vadd.f32 v11, v17;
	v6 =	vld [tilespmem:s0+$0xC8B0]  }
0xfe: {  	[tilespmem:s0+$0xC850] =	vst v16;
	v13 =	vadd.f32 v13, v12;
	v8 =	vld [tilespmem:s0+$0xC8C0]  }
0xff: {  	[tilespmem:s0+$0xC860] =	vst v11;
	v12 =	vadd.f32 v14, v9;
	v9 =	vld [tilespmem:s0+$0xC8D0]  }
0x100: {  	s1 =	sadd.s32 $0x400, s1;
	[tilespmem:s0+$0xC870] =	vst v13;
	v11 =	vadd.f32 v15, v10;
	v10 =	vld [tilespmem:s0+$0xC8E0]  }
0x101: {  	[tilespmem:s0+$0xC880] =	vst v12;
	v5 =	vadd.f32 v5, v7;
	v7 =	vld [tilespmem:s0+$0xC8F0]  }
0x102: {  	[tilespmem:s0+$0xC890] =	vst v11;
	v4 =	vadd.f32 v4, v6  }
0x103: {  	[tilespmem:s0+$0xC8A0] =	vst v5;
	v3 =	vadd.f32 v3, v8  }
0x104: {  	[tilespmem:s0+$0xC8B0] =	vst v4;
	v2 =	vadd.f32 v2, v9  }
0x105: {  	[tilespmem:s0+$0xC8C0] =	vst v3;
	v1 =	vadd.f32 v1, v10  }
0x106: {  	[tilespmem:s0+$0xC8D0] =	vst v2;
	v0 =	vadd.f32 v0, v7  }
0x107: {  	[tilespmem:s0+$0xC8E0] =	vst v1  }
0x108: {  	s26 =	simm.s32 $0x0;
	[tilespmem:s0+$0xC8F0] =	vst v0  }
0x109: {  	[hbm4b:s10+s26] =	stream.linear.scatter [tilespmem:s25], [sflag:$0x2], $0x3200, $0x38;
	[tilespmem:$0x15E00] =	vst v63  }
0x10a: {  	_ =	swait.ge [sflag:s30], $0x3200  }
0x10b: {  	[sflag:s30] =	ssyncset.done $0x0  }
0x10c: {  	s31 =	simm.s32 $0x4B0;
	[sflag:s30] =	ssyncadd.s32 $0xFFFFCE00  }
0x10d: {  	[tilespmem:s25], [sflag:$0x1] =	stream.indirect.gather [hbm4b:s5+s21], $0x40, s31, s21, $0xb8;
	[tilespmem:$0x15E00] =	vst v63  }
0x10e: {  	_ =	swait.ge [sflag:s29], $0x3200  }
0x10f: {  	[sflag:s29] =	ssyncset.done $0x0  }
0x110: {  	s0 =	simm.s32 $0x0;
	[sflag:s29] =	ssyncadd.s32 $0xFFFFCE00  }
0x111: {  	v6 =	vld [tilespmem:s0+$0x12C00]  }
0x112: {  	v7 =	vld [tilespmem:s0+$0x12C10]  }
0x113: {  	v8 =	vld [tilespmem:s0+$0x12C20]  }
0x114: {  	v9 =	vld [tilespmem:s0+$0x12C30]  }
0x115: {  	v10 =	vld [tilespmem:s0+$0x12C40]  }
0x116: {  	v11 =	vld [tilespmem:s0+$0x12C50]  }
0x117: {  	v12 =	vld [tilespmem:s0+$0x12C60]  }
0x118: {  	v13 =	vld [tilespmem:s0+$0x12C70]  }
0x119: {  	v14 =	vld [tilespmem:s0+$0x12C80]  }
0x11a: {  	v15 =	vld [tilespmem:s0+$0x12C90]  }
0x11b: {  	v5 =	vld [tilespmem:s0+$0x12CA0]  }
0x11c: {  	v4 =	vld [tilespmem:s0+$0x12CB0]  }
0x11d: {  	v3 =	vld [tilespmem:s0+$0x12CC0]  }
0x11e: {  	v2 =	vld [tilespmem:s0+$0x12CD0]  }
0x11f: {  	v1 =	vld [tilespmem:s0+$0x12CE0]  }
0x120: {  	v0 =	vld [tilespmem:s0+$0x12CF0]  }
0x121: {  	v16 =	vld [tilespmem:s0+$0xFA00]  }
0x122: {  	v17 =	vld [tilespmem:s0+$0xFA10]  }
0x123: {  	v18 =	vld [tilespmem:s0+$0xFA20]  }
0x124: {  	v19 =	vld [tilespmem:s0+$0xFA30]  }
0x125: {  	v20 =	vld [tilespmem:s0+$0xFA40]  }
0x126: {  	v60 =	vld [tilespmem:s0+$0xFA50];
	v6 =	vadd.f32 v6, v16  }
0x127: {  	v21 =	vld [tilespmem:s0+$0xFA60];
	v7 =	vadd.f32 v7, v17  }
0x128: {  	v61 =	vld [tilespmem:s0+$0xFA70];
	[tilespmem:s0+$0xFA00] =	vst v6;
	v6 =	vadd.f32 v8, v18  }
0x129: {  	v62 =	vld [tilespmem:s0+$0xFA80];
	[tilespmem:s0+$0xFA10] =	vst v7;
	v7 =	vadd.f32 v9, v19  }
0x12a: {  	v63 =	vld [tilespmem:s0+$0xFA90];
	[tilespmem:s0+$0xFA20] =	vst v6;
	v6 =	vadd.f32 v10, v20  }
0x12b: {  	v8 =	vadd.f32 v11, v60;
	[tilespmem:s0+$0xFA30] =	vst v7;
	v7 =	vld [tilespmem:s0+$0xFAA0]  }
0x12c: {  	v9 =	vadd.f32 v12, v21;
	[tilespmem:s0+$0xFA40] =	vst v6;
	v6 =	vld [tilespmem:s0+$0xFAB0]  }
0x12d: {  	[tilespmem:s0+$0xFA50] =	vst v8;
	v8 =	vld [tilespmem:s0+$0xFAC0];
	v10 =	vadd.f32 v13, v61  }
0x12e: {  	v12 =	vadd.f32 v14, v62;
	[tilespmem:s0+$0xFA60] =	vst v9;
	v9 =	vld [tilespmem:s0+$0xFAD0]  }
0x12f: {  	s1 =	simm.s32 $0x400;
	v11 =	vadd.f32 v15, v63;
	[tilespmem:s0+$0xFA70] =	vst v10;
	v10 =	vld [tilespmem:s0+$0xFAE0]  }
.LBB2_8:
0x130: {  	s6 =	sshra.s32 s1, $0x2;
	p0 =	sne.s32 s1, $0xC400;
	[tilespmem:s0+$0xFA80] =	vst v12;
	v5 =	vadd.f32 v5, v7;
	v7 =	vld [tilespmem:s0+$0xFAF0]  }
0x131: {  	v12 =	vld [tilespmem:s6+$0x12C00];
	[tilespmem:s0+$0xFA90] =	vst v11;
	v4 =	vadd.f32 v4, v6  }
0x132: {  	v6 =	vld [tilespmem:s6+$0x12C10];
	[tilespmem:s0+$0xFAA0] =	vst v5;
	v3 =	vadd.f32 v3, v8  }
0x133: {  	v8 =	vld [tilespmem:s6+$0x12C20];
	[tilespmem:s0+$0xFAB0] =	vst v4;
	v2 =	vadd.f32 v2, v9  }
0x134: {  	v9 =	vld [tilespmem:s6+$0x12C30];
	[tilespmem:s0+$0xFAC0] =	vst v3;
	v1 =	vadd.f32 v1, v10  }
0x135: {  	v10 =	vld [tilespmem:s6+$0x12C40];
	[tilespmem:s0+$0xFAD0] =	vst v2;
	v0 =	vadd.f32 v0, v7  }
0x136: {  	v7 =	vld [tilespmem:s6+$0x12C50];
	[tilespmem:s0+$0xFAE0] =	vst v1  }
0x137: {  	v11 =	vld [tilespmem:s6+$0x12C60];
	[tilespmem:s0+$0xFAF0] =	vst v0;
	s0 =	smov.u32 s6  }
0x138: {  	v13 =	vld [tilespmem:s0+$0x12C70]  }
0x139: {  	v14 =	vld [tilespmem:s0+$0x12C80]  }
0x13a: {  	v15 =	vld [tilespmem:s0+$0x12C90]  }
0x13b: {  	v5 =	vld [tilespmem:s0+$0x12CA0]  }
0x13c: {  	v4 =	vld [tilespmem:s0+$0x12CB0]  }
0x13d: {  	v3 =	vld [tilespmem:s0+$0x12CC0]  }
0x13e: {  	v2 =	vld [tilespmem:s0+$0x12CD0]  }
0x13f: {  	v1 =	vld [tilespmem:s0+$0x12CE0]  }
0x140: {  	v0 =	vld [tilespmem:s0+$0x12CF0]  }
0x141: {  	v16 =	vld [tilespmem:s0+$0xFA00]  }
0x142: {  	v17 =	vld [tilespmem:s0+$0xFA10]  }
0x143: {  	v18 =	vld [tilespmem:s0+$0xFA20]  }
0x144: {  	v19 =	vld [tilespmem:s0+$0xFA30]  }
0x145: {  	v20 =	vld [tilespmem:s0+$0xFA40]  }
0x146: {  	v12 =	vadd.f32 v12, v16;
	v16 =	vld [tilespmem:s0+$0xFA50]  }
0x147: {  	v6 =	vadd.f32 v6, v17;
	v17 =	vld [tilespmem:s0+$0xFA60]  }
0x148: {  	[tilespmem:s0+$0xFA00] =	vst v12;
	v8 =	vadd.f32 v8, v18;
	v12 =	vld [tilespmem:s0+$0xFA70]  }
0x149: {  	[tilespmem:s0+$0xFA10] =	vst v6;
	v6 =	vadd.f32 v9, v19;
	v9 =	vld [tilespmem:s0+$0xFA80]  }
0x14a: {  	[tilespmem:s0+$0xFA20] =	vst v8;
	v8 =	vadd.f32 v10, v20;
	v10 =	vld [tilespmem:s0+$0xFA90]  }
.Ltmp3:
0x14b: {  	[tilespmem:s0+$0xFA30] =	vst v6;
	v16 =	vadd.f32 v7, v16;
	v7 =	vld [tilespmem:s0+$0xFAA0];
	(pc) =	sbr.rel @p0 .LBB2_8-.Ltmp3, $4  }
0x14c: {  	[tilespmem:s0+$0xFA40] =	vst v8;
	v11 =	vadd.f32 v11, v17;
	v6 =	vld [tilespmem:s0+$0xFAB0]  }
0x14d: {  	[tilespmem:s0+$0xFA50] =	vst v16;
	v13 =	vadd.f32 v13, v12;
	v8 =	vld [tilespmem:s0+$0xFAC0]  }
0x14e: {  	[tilespmem:s0+$0xFA60] =	vst v11;
	v12 =	vadd.f32 v14, v9;
	v9 =	vld [tilespmem:s0+$0xFAD0]  }
0x14f: {  	s1 =	sadd.s32 $0x400, s1;
	[tilespmem:s0+$0xFA70] =	vst v13;
	v11 =	vadd.f32 v15, v10;
	v10 =	vld [tilespmem:s0+$0xFAE0]  }
0x150: {  	[tilespmem:s0+$0xFA80] =	vst v12;
	v5 =	vadd.f32 v5, v7;
	v63 =	vld [tilespmem:s0+$0xFAF0]  }
0x151: {  	[tilespmem:s0+$0xFA90] =	vst v11;
	v4 =	vadd.f32 v4, v6  }
0x152: {  	[tilespmem:s0+$0xFAA0] =	vst v5;
	v3 =	vadd.f32 v3, v8  }
0x153: {  	[tilespmem:s0+$0xFAB0] =	vst v4;
	v2 =	vadd.f32 v2, v9  }
0x154: {  	[tilespmem:s0+$0xFAC0] =	vst v3;
	v1 =	vadd.f32 v1, v10  }
0x155: {  	[tilespmem:s0+$0xFAD0] =	vst v2;
	v0 =	vadd.f32 v0, v63  }
0x156: {  	[tilespmem:s0+$0xFAE0] =	vst v1  }
0x157: {  	s26 =	simm.s32 $0x0;
	[tilespmem:s0+$0xFAF0] =	vst v0  }
0x158: {  	[hbm4b:s11+s26] =	stream.linear.scatter [tilespmem:s28], [sflag:$0x2], $0x3200, $0x38;
	[tilespmem:$0x15E00] =	vst v63  }
.LBB2_10:
0x159: {  	s26 =	sadd.s32 $0x1, s26  }
0x15a: {  	_ =	swait.ge [sflag:s30], $0x3200;
	s1 =	smul.u32 $0x320, s26  }
0x15b: {  	[sflag:s30] =	ssyncset.done $0x0  }
0x15c: {  	[sflag:s30] =	ssyncadd.s32 $0xFFFFCE00;
	s31 =	sadd.s32 $0x258, s1  }
0x15d: {  	[tilespmem:s28], [sflag:$0x1] =	stream.indirect.gather [hbm4b:s5+s21], $0x40, s31, s21, $0xb8;
	[tilespmem:$0x15E00] =	vst v63  }
0x15e: {  	_ =	swait.ge [sflag:s29], $0x3200  }
0x15f: {  	[sflag:s29] =	ssyncset.done $0x0  }
0x160: {  	s0 =	simm.s32 $0x0;
	[sflag:s29] =	ssyncadd.s32 $0xFFFFCE00  }
0x161: {  	v6 =	vld [tilespmem:s0+$0x12C00]  }
0x162: {  	v7 =	vld [tilespmem:s0+$0x12C10]  }
0x163: {  	v8 =	vld [tilespmem:s0+$0x12C20]  }
0x164: {  	v9 =	vld [tilespmem:s0+$0x12C30]  }
0x165: {  	v10 =	vld [tilespmem:s0+$0x12C40]  }
0x166: {  	v11 =	vld [tilespmem:s0+$0x12C50]  }
0x167: {  	v12 =	vld [tilespmem:s0+$0x12C60]  }
0x168: {  	v13 =	vld [tilespmem:s0+$0x12C70]  }
0x169: {  	v14 =	vld [tilespmem:s0+$0x12C80]  }
0x16a: {  	v15 =	vld [tilespmem:s0+$0x12C90]  }
0x16b: {  	v5 =	vld [tilespmem:s0+$0x12CA0]  }
0x16c: {  	v4 =	vld [tilespmem:s0+$0x12CB0]  }
0x16d: {  	v3 =	vld [tilespmem:s0+$0x12CC0]  }
0x16e: {  	v2 =	vld [tilespmem:s0+$0x12CD0]  }
0x16f: {  	v1 =	vld [tilespmem:s0+$0x12CE0]  }
0x170: {  	v0 =	vld [tilespmem:s0+$0x12CF0]  }
0x171: {  	v16 =	vld [tilespmem:s0+$0x6400]  }
0x172: {  	v17 =	vld [tilespmem:s0+$0x6410]  }
0x173: {  	v18 =	vld [tilespmem:s0+$0x6420]  }
0x174: {  	v19 =	vld [tilespmem:s0+$0x6430]  }
0x175: {  	v20 =	vld [tilespmem:s0+$0x6440]  }
0x176: {  	v60 =	vld [tilespmem:s0+$0x6450];
	v6 =	vadd.f32 v6, v16  }
0x177: {  	v21 =	vld [tilespmem:s0+$0x6460];
	v7 =	vadd.f32 v7, v17  }
0x178: {  	v61 =	vld [tilespmem:s0+$0x6470];
	[tilespmem:s0+$0x6400] =	vst v6;
	v6 =	vadd.f32 v8, v18  }
0x179: {  	v62 =	vld [tilespmem:s0+$0x6480];
	[tilespmem:s0+$0x6410] =	vst v7;
	v7 =	vadd.f32 v9, v19  }
0x17a: {  	v63 =	vld [tilespmem:s0+$0x6490];
	[tilespmem:s0+$0x6420] =	vst v6;
	v6 =	vadd.f32 v10, v20  }
0x17b: {  	v8 =	vadd.f32 v11, v60;
	[tilespmem:s0+$0x6430] =	vst v7;
	v7 =	vld [tilespmem:s0+$0x64A0]  }
0x17c: {  	v9 =	vadd.f32 v12, v21;
	[tilespmem:s0+$0x6440] =	vst v6;
	v6 =	vld [tilespmem:s0+$0x64B0]  }
0x17d: {  	[tilespmem:s0+$0x6450] =	vst v8;
	v8 =	vld [tilespmem:s0+$0x64C0];
	v10 =	vadd.f32 v13, v61  }
0x17e: {  	v12 =	vadd.f32 v14, v62;
	[tilespmem:s0+$0x6460] =	vst v9;
	v9 =	vld [tilespmem:s0+$0x64D0]  }
0x17f: {  	s19 =	simm.s32 $0x400;
	v11 =	vadd.f32 v15, v63;
	[tilespmem:s0+$0x6470] =	vst v10;
	v10 =	vld [tilespmem:s0+$0x64E0]  }
.LBB2_11:
0x180: {  	s6 =	sshra.s32 s19, $0x2;
	p0 =	sne.s32 s19, $0xC400;
	[tilespmem:s0+$0x6480] =	vst v12;
	v5 =	vadd.f32 v5, v7;
	v7 =	vld [tilespmem:s0+$0x64F0]  }
0x181: {  	v12 =	vld [tilespmem:s6+$0x12C00];
	[tilespmem:s0+$0x6490] =	vst v11;
	v4 =	vadd.f32 v4, v6  }
0x182: {  	v6 =	vld [tilespmem:s6+$0x12C10];
	[tilespmem:s0+$0x64A0] =	vst v5;
	v3 =	vadd.f32 v3, v8  }
0x183: {  	v8 =	vld [tilespmem:s6+$0x12C20];
	[tilespmem:s0+$0x64B0] =	vst v4;
	v2 =	vadd.f32 v2, v9  }
0x184: {  	v9 =	vld [tilespmem:s6+$0x12C30];
	[tilespmem:s0+$0x64C0] =	vst v3;
	v1 =	vadd.f32 v1, v10  }
0x185: {  	v10 =	vld [tilespmem:s6+$0x12C40];
	[tilespmem:s0+$0x64D0] =	vst v2;
	v0 =	vadd.f32 v0, v7  }
0x186: {  	v7 =	vld [tilespmem:s6+$0x12C50];
	[tilespmem:s0+$0x64E0] =	vst v1  }
0x187: {  	v11 =	vld [tilespmem:s6+$0x12C60];
	[tilespmem:s0+$0x64F0] =	vst v0;
	s0 =	smov.u32 s6  }
0x188: {  	v13 =	vld [tilespmem:s0+$0x12C70]  }
0x189: {  	v14 =	vld [tilespmem:s0+$0x12C80]  }
0x18a: {  	v15 =	vld [tilespmem:s0+$0x12C90]  }
0x18b: {  	v5 =	vld [tilespmem:s0+$0x12CA0]  }
0x18c: {  	v4 =	vld [tilespmem:s0+$0x12CB0]  }
0x18d: {  	v3 =	vld [tilespmem:s0+$0x12CC0]  }
0x18e: {  	v2 =	vld [tilespmem:s0+$0x12CD0]  }
0x18f: {  	v1 =	vld [tilespmem:s0+$0x12CE0]  }
0x190: {  	v0 =	vld [tilespmem:s0+$0x12CF0]  }
0x191: {  	v16 =	vld [tilespmem:s0+$0x6400]  }
0x192: {  	v17 =	vld [tilespmem:s0+$0x6410]  }
0x193: {  	v18 =	vld [tilespmem:s0+$0x6420]  }
0x194: {  	v19 =	vld [tilespmem:s0+$0x6430]  }
0x195: {  	v20 =	vld [tilespmem:s0+$0x6440]  }
0x196: {  	v12 =	vadd.f32 v12, v16;
	v16 =	vld [tilespmem:s0+$0x6450]  }
0x197: {  	v6 =	vadd.f32 v6, v17;
	v17 =	vld [tilespmem:s0+$0x6460]  }
0x198: {  	[tilespmem:s0+$0x6400] =	vst v12;
	v8 =	vadd.f32 v8, v18;
	v12 =	vld [tilespmem:s0+$0x6470]  }
0x199: {  	[tilespmem:s0+$0x6410] =	vst v6;
	v6 =	vadd.f32 v9, v19;
	v9 =	vld [tilespmem:s0+$0x6480]  }
0x19a: {  	[tilespmem:s0+$0x6420] =	vst v8;
	v8 =	vadd.f32 v10, v20;
	v10 =	vld [tilespmem:s0+$0x6490]  }
.Ltmp4:
0x19b: {  	[tilespmem:s0+$0x6430] =	vst v6;
	v16 =	vadd.f32 v7, v16;
	v7 =	vld [tilespmem:s0+$0x64A0];
	(pc) =	sbr.rel @p0 .LBB2_11-.Ltmp4, $4  }
0x19c: {  	[tilespmem:s0+$0x6440] =	vst v8;
	v11 =	vadd.f32 v11, v17;
	v6 =	vld [tilespmem:s0+$0x64B0]  }
0x19d: {  	[tilespmem:s0+$0x6450] =	vst v16;
	v13 =	vadd.f32 v13, v12;
	v8 =	vld [tilespmem:s0+$0x64C0]  }
0x19e: {  	[tilespmem:s0+$0x6460] =	vst v11;
	v12 =	vadd.f32 v14, v9;
	v9 =	vld [tilespmem:s0+$0x64D0]  }
0x19f: {  	s19 =	sadd.s32 $0x400, s19;
	[tilespmem:s0+$0x6470] =	vst v13;
	v11 =	vadd.f32 v15, v10;
	v10 =	vld [tilespmem:s0+$0x64E0]  }
0x1a0: {  	[tilespmem:s0+$0x6480] =	vst v12;
	v5 =	vadd.f32 v5, v7;
	v7 =	vld [tilespmem:s0+$0x64F0]  }
0x1a1: {  	[tilespmem:s0+$0x6490] =	vst v11;
	v4 =	vadd.f32 v4, v6  }
0x1a2: {  	[tilespmem:s0+$0x64A0] =	vst v5;
	v3 =	vadd.f32 v3, v8  }
0x1a3: {  	[tilespmem:s0+$0x64B0] =	vst v4;
	v2 =	vadd.f32 v2, v9  }
0x1a4: {  	s6 =	sadd.s32 s3, s1;
	[tilespmem:s0+$0x64C0] =	vst v3;
	v1 =	vadd.f32 v1, v10  }
0x1a5: {  	s6 =	sshll.u32 s6, $0x3;
	[tilespmem:s0+$0x64D0] =	vst v2;
	v0 =	vadd.f32 v0, v7  }
0x1a6: {  	s6 =	sand.u32 $0x1FFFFF00, s6;
	[tilespmem:s0+$0x64E0] =	vst v1  }
0x1a7: {  	s19 =	simm.s32 $0x0;
	s8 =	sadd.s32 s2, s6;
	[tilespmem:s0+$0x64F0] =	vst v0  }
0x1a8: {  	[hbm4b:s8+s19] =	stream.linear.scatter [tilespmem:s22], [sflag:$0x2], $0x3200, $0x38;
	[tilespmem:$0x15E00] =	vst v63  }
0x1a9: {  	s8 =	smul.u32 $0xC80, s26  }
0x1aa: {  	_ =	swait.ge [sflag:s30], $0x3200  }
0x1ab: {  	[sflag:s30] =	ssyncset.done $0x0;
	s0 =	sshra.s32 s8, $0x2  }
0x1ac: {  	[sflag:s30] =	ssyncadd.s32 $0xFFFFCE00;
	s19 =	sadd.s32 $0x320, s0  }
0x1ad: {  	[tilespmem:s22], [sflag:$0x1] =	stream.indirect.gather [hbm4b:s5+s21], $0x40, s19, s21, $0xb8;
	[tilespmem:$0x15E00] =	vst v63  }
0x1ae: {  	_ =	swait.ge [sflag:s29], $0x3200  }
0x1af: {  	[sflag:s29] =	ssyncset.done $0x0  }
0x1b0: {  	s19 =	simm.s32 $0x0;
	[sflag:s29] =	ssyncadd.s32 $0xFFFFCE00  }
0x1b1: {  	v6 =	vld [tilespmem:s19+$0x12C00]  }
0x1b2: {  	v7 =	vld [tilespmem:s19+$0x12C10]  }
0x1b3: {  	v8 =	vld [tilespmem:s19+$0x12C20]  }
0x1b4: {  	v9 =	vld [tilespmem:s19+$0x12C30]  }
0x1b5: {  	v10 =	vld [tilespmem:s19+$0x12C40]  }
0x1b6: {  	v11 =	vld [tilespmem:s19+$0x12C50]  }
0x1b7: {  	v12 =	vld [tilespmem:s19+$0x12C60]  }
0x1b8: {  	v13 =	vld [tilespmem:s19+$0x12C70]  }
0x1b9: {  	v14 =	vld [tilespmem:s19+$0x12C80]  }
0x1ba: {  	v15 =	vld [tilespmem:s19+$0x12C90]  }
0x1bb: {  	v5 =	vld [tilespmem:s19+$0x12CA0]  }
0x1bc: {  	v4 =	vld [tilespmem:s19+$0x12CB0]  }
0x1bd: {  	v3 =	vld [tilespmem:s19+$0x12CC0]  }
0x1be: {  	v2 =	vld [tilespmem:s19+$0x12CD0]  }
0x1bf: {  	v1 =	vld [tilespmem:s19+$0x12CE0]  }
0x1c0: {  	v0 =	vld [tilespmem:s19+$0x12CF0]  }
0x1c1: {  	v16 =	vld [tilespmem:s19+$0x9600]  }
0x1c2: {  	v17 =	vld [tilespmem:s19+$0x9610]  }
0x1c3: {  	v18 =	vld [tilespmem:s19+$0x9620]  }
0x1c4: {  	v19 =	vld [tilespmem:s19+$0x9630]  }
0x1c5: {  	v20 =	vld [tilespmem:s19+$0x9640]  }
0x1c6: {  	v60 =	vld [tilespmem:s19+$0x9650];
	v6 =	vadd.f32 v6, v16  }
0x1c7: {  	v21 =	vld [tilespmem:s19+$0x9660];
	v7 =	vadd.f32 v7, v17  }
0x1c8: {  	v61 =	vld [tilespmem:s19+$0x9670];
	[tilespmem:s19+$0x9600] =	vst v6;
	v6 =	vadd.f32 v8, v18  }
0x1c9: {  	v62 =	vld [tilespmem:s19+$0x9680];
	[tilespmem:s19+$0x9610] =	vst v7;
	v7 =	vadd.f32 v9, v19  }
0x1ca: {  	v63 =	vld [tilespmem:s19+$0x9690];
	[tilespmem:s19+$0x9620] =	vst v6;
	v6 =	vadd.f32 v10, v20  }
0x1cb: {  	v8 =	vadd.f32 v11, v60;
	[tilespmem:s19+$0x9630] =	vst v7;
	v7 =	vld [tilespmem:s19+$0x96A0]  }
0x1cc: {  	v9 =	vadd.f32 v12, v21;
	[tilespmem:s19+$0x9640] =	vst v6;
	v6 =	vld [tilespmem:s19+$0x96B0]  }
0x1cd: {  	[tilespmem:s19+$0x9650] =	vst v8;
	v8 =	vld [tilespmem:s19+$0x96C0];
	v10 =	vadd.f32 v13, v61  }
0x1ce: {  	v12 =	vadd.f32 v14, v62;
	[tilespmem:s19+$0x9660] =	vst v9;
	v9 =	vld [tilespmem:s19+$0x96D0]  }
0x1cf: {  	s6 =	simm.s32 $0x400;
	v11 =	vadd.f32 v15, v63;
	[tilespmem:s19+$0x9670] =	vst v10;
	v10 =	vld [tilespmem:s19+$0x96E0]  }
.LBB2_13:
0x1d0: {  	s8 =	sshra.s32 s6, $0x2;
	p0 =	sne.s32 s6, $0xC400;
	[tilespmem:s19+$0x9680] =	vst v12;
	v5 =	vadd.f32 v5, v7;
	v7 =	vld [tilespmem:s19+$0x96F0]  }
0x1d1: {  	v12 =	vld [tilespmem:s8+$0x12C00];
	[tilespmem:s19+$0x9690] =	vst v11;
	v4 =	vadd.f32 v4, v6  }
0x1d2: {  	v6 =	vld [tilespmem:s8+$0x12C10];
	[tilespmem:s19+$0x96A0] =	vst v5;
	v3 =	vadd.f32 v3, v8  }
0x1d3: {  	v8 =	vld [tilespmem:s8+$0x12C20];
	[tilespmem:s19+$0x96B0] =	vst v4;
	v2 =	vadd.f32 v2, v9  }
0x1d4: {  	v9 =	vld [tilespmem:s8+$0x12C30];
	[tilespmem:s19+$0x96C0] =	vst v3;
	v1 =	vadd.f32 v1, v10  }
0x1d5: {  	v10 =	vld [tilespmem:s8+$0x12C40];
	[tilespmem:s19+$0x96D0] =	vst v2;
	v0 =	vadd.f32 v0, v7  }
0x1d6: {  	v7 =	vld [tilespmem:s8+$0x12C50];
	[tilespmem:s19+$0x96E0] =	vst v1  }
0x1d7: {  	v11 =	vld [tilespmem:s8+$0x12C60];
	[tilespmem:s19+$0x96F0] =	vst v0;
	s19 =	smov.u32 s8  }
0x1d8: {  	v13 =	vld [tilespmem:s19+$0x12C70]  }
0x1d9: {  	v14 =	vld [tilespmem:s19+$0x12C80]  }
0x1da: {  	v15 =	vld [tilespmem:s19+$0x12C90]  }
0x1db: {  	v5 =	vld [tilespmem:s19+$0x12CA0]  }
0x1dc: {  	v4 =	vld [tilespmem:s19+$0x12CB0]  }
0x1dd: {  	v3 =	vld [tilespmem:s19+$0x12CC0]  }
0x1de: {  	v2 =	vld [tilespmem:s19+$0x12CD0]  }
0x1df: {  	v1 =	vld [tilespmem:s19+$0x12CE0]  }
0x1e0: {  	v0 =	vld [tilespmem:s19+$0x12CF0]  }
0x1e1: {  	v16 =	vld [tilespmem:s19+$0x9600]  }
0x1e2: {  	v17 =	vld [tilespmem:s19+$0x9610]  }
0x1e3: {  	v18 =	vld [tilespmem:s19+$0x9620]  }
0x1e4: {  	v19 =	vld [tilespmem:s19+$0x9630]  }
0x1e5: {  	v20 =	vld [tilespmem:s19+$0x9640]  }
0x1e6: {  	v12 =	vadd.f32 v12, v16;
	v16 =	vld [tilespmem:s19+$0x9650]  }
0x1e7: {  	v6 =	vadd.f32 v6, v17;
	v17 =	vld [tilespmem:s19+$0x9660]  }
0x1e8: {  	[tilespmem:s19+$0x9600] =	vst v12;
	v8 =	vadd.f32 v8, v18;
	v12 =	vld [tilespmem:s19+$0x9670]  }
0x1e9: {  	[tilespmem:s19+$0x9610] =	vst v6;
	v6 =	vadd.f32 v9, v19;
	v9 =	vld [tilespmem:s19+$0x9680]  }
0x1ea: {  	[tilespmem:s19+$0x9620] =	vst v8;
	v8 =	vadd.f32 v10, v20;
	v10 =	vld [tilespmem:s19+$0x9690]  }
.Ltmp5:
0x1eb: {  	[tilespmem:s19+$0x9630] =	vst v6;
	v16 =	vadd.f32 v7, v16;
	v7 =	vld [tilespmem:s19+$0x96A0];
	(pc) =	sbr.rel @p0 .LBB2_13-.Ltmp5, $4  }
0x1ec: {  	[tilespmem:s19+$0x9640] =	vst v8;
	v11 =	vadd.f32 v11, v17;
	v6 =	vld [tilespmem:s19+$0x96B0]  }
0x1ed: {  	[tilespmem:s19+$0x9650] =	vst v16;
	v13 =	vadd.f32 v13, v12;
	v8 =	vld [tilespmem:s19+$0x96C0]  }
0x1ee: {  	[tilespmem:s19+$0x9660] =	vst v11;
	v12 =	vadd.f32 v14, v9;
	v9 =	vld [tilespmem:s19+$0x96D0]  }
0x1ef: {  	s6 =	sadd.s32 $0x400, s6;
	[tilespmem:s19+$0x9670] =	vst v13;
	v11 =	vadd.f32 v15, v10;
	v10 =	vld [tilespmem:s19+$0x96E0]  }
0x1f0: {  	[tilespmem:s19+$0x9680] =	vst v12;
	v5 =	vadd.f32 v5, v7;
	v7 =	vld [tilespmem:s19+$0x96F0]  }
0x1f1: {  	[tilespmem:s19+$0x9690] =	vst v11;
	v4 =	vadd.f32 v4, v6  }
0x1f2: {  	[tilespmem:s19+$0x96A0] =	vst v5;
	v3 =	vadd.f32 v3, v8  }
0x1f3: {  	[tilespmem:s19+$0x96B0] =	vst v4;
	v2 =	vadd.f32 v2, v9  }
0x1f4: {  	s6 =	sadd.s32 s1, s12;
	[tilespmem:s19+$0x96C0] =	vst v3;
	v1 =	vadd.f32 v1, v10  }
0x1f5: {  	s6 =	sshll.u32 s6, $0x3;
	[tilespmem:s19+$0x96D0] =	vst v2;
	v0 =	vadd.f32 v0, v7  }
0x1f6: {  	s6 =	sand.u32 $0x1FFFFF40, s6;
	[tilespmem:s19+$0x96E0] =	vst v1  }
0x1f7: {  	s8 =	simm.s32 $0x0;
	s6 =	sadd.s32 s2, s6;
	[tilespmem:s19+$0x96F0] =	vst v0  }
0x1f8: {  	[hbm4b:s6+s8] =	stream.linear.scatter [tilespmem:s23], [sflag:$0x2], $0x3200, $0x38;
	[tilespmem:$0x15E00] =	vst v63  }
0x1f9: {  	_ =	swait.ge [sflag:s30], $0x3200  }
0x1fa: {  	[sflag:s30] =	ssyncset.done $0x0  }
0x1fb: {  	s19 =	sadd.s32 $0x3E8, s0;
	[sflag:s30] =	ssyncadd.s32 $0xFFFFCE00  }
0x1fc: {  	[tilespmem:s23], [sflag:$0x1] =	stream.indirect.gather [hbm4b:s5+s21], $0x40, s19, s21, $0xb8;
	[tilespmem:$0x15E00] =	vst v63  }
0x1fd: {  	_ =	swait.ge [sflag:s29], $0x3200  }
0x1fe: {  	[sflag:s29] =	ssyncset.done $0x0  }
0x1ff: {  	s19 =	simm.s32 $0x0;
	[sflag:s29] =	ssyncadd.s32 $0xFFFFCE00  }
0x200: {  	v6 =	vld [tilespmem:s19+$0x12C00]  }
0x201: {  	v7 =	vld [tilespmem:s19+$0x12C10]  }
0x202: {  	v8 =	vld [tilespmem:s19+$0x12C20]  }
0x203: {  	v9 =	vld [tilespmem:s19+$0x12C30]  }
0x204: {  	v10 =	vld [tilespmem:s19+$0x12C40]  }
0x205: {  	v11 =	vld [tilespmem:s19+$0x12C50]  }
0x206: {  	v12 =	vld [tilespmem:s19+$0x12C60]  }
0x207: {  	v13 =	vld [tilespmem:s19+$0x12C70]  }
0x208: {  	v14 =	vld [tilespmem:s19+$0x12C80]  }
0x209: {  	v15 =	vld [tilespmem:s19+$0x12C90]  }
0x20a: {  	v5 =	vld [tilespmem:s19+$0x12CA0]  }
0x20b: {  	v4 =	vld [tilespmem:s19+$0x12CB0]  }
0x20c: {  	v3 =	vld [tilespmem:s19+$0x12CC0]  }
0x20d: {  	v2 =	vld [tilespmem:s19+$0x12CD0]  }
0x20e: {  	v1 =	vld [tilespmem:s19+$0x12CE0]  }
0x20f: {  	v0 =	vld [tilespmem:s19+$0x12CF0]  }
0x210: {  	v16 =	vld [tilespmem:s19+$0xC800]  }
0x211: {  	v17 =	vld [tilespmem:s19+$0xC810]  }
0x212: {  	v18 =	vld [tilespmem:s19+$0xC820]  }
0x213: {  	v19 =	vld [tilespmem:s19+$0xC830]  }
0x214: {  	v20 =	vld [tilespmem:s19+$0xC840]  }
0x215: {  	v60 =	vld [tilespmem:s19+$0xC850];
	v6 =	vadd.f32 v6, v16  }
0x216: {  	v21 =	vld [tilespmem:s19+$0xC860];
	v7 =	vadd.f32 v7, v17  }
0x217: {  	v61 =	vld [tilespmem:s19+$0xC870];
	[tilespmem:s19+$0xC800] =	vst v6;
	v6 =	vadd.f32 v8, v18  }
0x218: {  	v62 =	vld [tilespmem:s19+$0xC880];
	[tilespmem:s19+$0xC810] =	vst v7;
	v7 =	vadd.f32 v9, v19  }
0x219: {  	v63 =	vld [tilespmem:s19+$0xC890];
	[tilespmem:s19+$0xC820] =	vst v6;
	v6 =	vadd.f32 v10, v20  }
0x21a: {  	v8 =	vadd.f32 v11, v60;
	[tilespmem:s19+$0xC830] =	vst v7;
	v7 =	vld [tilespmem:s19+$0xC8A0]  }
0x21b: {  	v9 =	vadd.f32 v12, v21;
	[tilespmem:s19+$0xC840] =	vst v6;
	v6 =	vld [tilespmem:s19+$0xC8B0]  }
0x21c: {  	[tilespmem:s19+$0xC850] =	vst v8;
	v8 =	vld [tilespmem:s19+$0xC8C0];
	v10 =	vadd.f32 v13, v61  }
0x21d: {  	v12 =	vadd.f32 v14, v62;
	[tilespmem:s19+$0xC860] =	vst v9;
	v9 =	vld [tilespmem:s19+$0xC8D0]  }
0x21e: {  	s6 =	simm.s32 $0x400;
	v11 =	vadd.f32 v15, v63;
	[tilespmem:s19+$0xC870] =	vst v10;
	v10 =	vld [tilespmem:s19+$0xC8E0]  }
.LBB2_15:
0x21f: {  	s8 =	sshra.s32 s6, $0x2;
	p0 =	sne.s32 s6, $0xC400;
	[tilespmem:s19+$0xC880] =	vst v12;
	v5 =	vadd.f32 v5, v7;
	v7 =	vld [tilespmem:s19+$0xC8F0]  }
0x220: {  	v12 =	vld [tilespmem:s8+$0x12C00];
	[tilespmem:s19+$0xC890] =	vst v11;
	v4 =	vadd.f32 v4, v6  }
0x221: {  	v6 =	vld [tilespmem:s8+$0x12C10];
	[tilespmem:s19+$0xC8A0] =	vst v5;
	v3 =	vadd.f32 v3, v8  }
0x222: {  	v8 =	vld [tilespmem:s8+$0x12C20];
	[tilespmem:s19+$0xC8B0] =	vst v4;
	v2 =	vadd.f32 v2, v9  }
0x223: {  	v9 =	vld [tilespmem:s8+$0x12C30];
	[tilespmem:s19+$0xC8C0] =	vst v3;
	v1 =	vadd.f32 v1, v10  }
0x224: {  	v10 =	vld [tilespmem:s8+$0x12C40];
	[tilespmem:s19+$0xC8D0] =	vst v2;
	v0 =	vadd.f32 v0, v7  }
0x225: {  	v7 =	vld [tilespmem:s8+$0x12C50];
	[tilespmem:s19+$0xC8E0] =	vst v1  }
0x226: {  	v11 =	vld [tilespmem:s8+$0x12C60];
	[tilespmem:s19+$0xC8F0] =	vst v0;
	s19 =	smov.u32 s8  }
0x227: {  	v13 =	vld [tilespmem:s19+$0x12C70]  }
0x228: {  	v14 =	vld [tilespmem:s19+$0x12C80]  }
0x229: {  	v15 =	vld [tilespmem:s19+$0x12C90]  }
0x22a: {  	v5 =	vld [tilespmem:s19+$0x12CA0]  }
0x22b: {  	v4 =	vld [tilespmem:s19+$0x12CB0]  }
0x22c: {  	v3 =	vld [tilespmem:s19+$0x12CC0]  }
0x22d: {  	v2 =	vld [tilespmem:s19+$0x12CD0]  }
0x22e: {  	v1 =	vld [tilespmem:s19+$0x12CE0]  }
0x22f: {  	v0 =	vld [tilespmem:s19+$0x12CF0]  }
0x230: {  	v16 =	vld [tilespmem:s19+$0xC800]  }
0x231: {  	v17 =	vld [tilespmem:s19+$0xC810]  }
0x232: {  	v18 =	vld [tilespmem:s19+$0xC820]  }
0x233: {  	v19 =	vld [tilespmem:s19+$0xC830]  }
0x234: {  	v20 =	vld [tilespmem:s19+$0xC840]  }
0x235: {  	v12 =	vadd.f32 v12, v16;
	v16 =	vld [tilespmem:s19+$0xC850]  }
0x236: {  	v6 =	vadd.f32 v6, v17;
	v17 =	vld [tilespmem:s19+$0xC860]  }
0x237: {  	[tilespmem:s19+$0xC800] =	vst v12;
	v8 =	vadd.f32 v8, v18;
	v12 =	vld [tilespmem:s19+$0xC870]  }
0x238: {  	[tilespmem:s19+$0xC810] =	vst v6;
	v6 =	vadd.f32 v9, v19;
	v9 =	vld [tilespmem:s19+$0xC880]  }
0x239: {  	[tilespmem:s19+$0xC820] =	vst v8;
	v8 =	vadd.f32 v10, v20;
	v10 =	vld [tilespmem:s19+$0xC890]  }
.Ltmp6:
0x23a: {  	[tilespmem:s19+$0xC830] =	vst v6;
	v16 =	vadd.f32 v7, v16;
	v7 =	vld [tilespmem:s19+$0xC8A0];
	(pc) =	sbr.rel @p0 .LBB2_15-.Ltmp6, $4  }
0x23b: {  	[tilespmem:s19+$0xC840] =	vst v8;
	v11 =	vadd.f32 v11, v17;
	v6 =	vld [tilespmem:s19+$0xC8B0]  }
0x23c: {  	[tilespmem:s19+$0xC850] =	vst v16;
	v13 =	vadd.f32 v13, v12;
	v8 =	vld [tilespmem:s19+$0xC8C0]  }
0x23d: {  	[tilespmem:s19+$0xC860] =	vst v11;
	v12 =	vadd.f32 v14, v9;
	v9 =	vld [tilespmem:s19+$0xC8D0]  }
0x23e: {  	s6 =	sadd.s32 $0x400, s6;
	[tilespmem:s19+$0xC870] =	vst v13;
	v11 =	vadd.f32 v15, v10;
	v10 =	vld [tilespmem:s19+$0xC8E0]  }
0x23f: {  	[tilespmem:s19+$0xC880] =	vst v12;
	v5 =	vadd.f32 v5, v7;
	v7 =	vld [tilespmem:s19+$0xC8F0]  }
0x240: {  	[tilespmem:s19+$0xC890] =	vst v11;
	v4 =	vadd.f32 v4, v6  }
0x241: {  	[tilespmem:s19+$0xC8A0] =	vst v5;
	v3 =	vadd.f32 v3, v8  }
0x242: {  	[tilespmem:s19+$0xC8B0] =	vst v4;
	v2 =	vadd.f32 v2, v9  }
0x243: {  	s1 =	sadd.s32 s1, s13;
	[tilespmem:s19+$0xC8C0] =	vst v3;
	v1 =	vadd.f32 v1, v10  }
0x244: {  	s1 =	sshll.u32 s1, $0x3;
	[tilespmem:s19+$0xC8D0] =	vst v2;
	v0 =	vadd.f32 v0, v7  }
0x245: {  	s1 =	sand.u32 $0x1FFFFF80, s1;
	[tilespmem:s19+$0xC8E0] =	vst v1  }
0x246: {  	s6 =	simm.s32 $0x0;
	s1 =	sadd.s32 s2, s1;
	[tilespmem:s19+$0xC8F0] =	vst v0  }
0x247: {  	[hbm4b:s1+s6] =	stream.linear.scatter [tilespmem:s25], [sflag:$0x2], $0x3200, $0x38;
	[tilespmem:$0x15E00] =	vst v63  }
0x248: {  	_ =	swait.ge [sflag:s30], $0x3200  }
0x249: {  	[sflag:s30] =	ssyncset.done $0x0  }
0x24a: {  	s0 =	sadd.s32 $0x4B0, s0;
	[sflag:s30] =	ssyncadd.s32 $0xFFFFCE00  }
0x24b: {  	[tilespmem:s25], [sflag:$0x1] =	stream.indirect.gather [hbm4b:s5+s21], $0x40, s0, s21, $0xb8;
	[tilespmem:$0x15E00] =	vst v63  }
0x24c: {  	_ =	swait.ge [sflag:s29], $0x3200  }
0x24d: {  	[sflag:s29] =	ssyncset.done $0x0  }
0x24e: {  	s0 =	simm.s32 $0x0;
	[sflag:s29] =	ssyncadd.s32 $0xFFFFCE00  }
0x24f: {  	v6 =	vld [tilespmem:s0+$0x12C00]  }
0x250: {  	v7 =	vld [tilespmem:s0+$0x12C10]  }
0x251: {  	v8 =	vld [tilespmem:s0+$0x12C20]  }
0x252: {  	v9 =	vld [tilespmem:s0+$0x12C30]  }
0x253: {  	v10 =	vld [tilespmem:s0+$0x12C40]  }
0x254: {  	v11 =	vld [tilespmem:s0+$0x12C50]  }
0x255: {  	v12 =	vld [tilespmem:s0+$0x12C60]  }
0x256: {  	v13 =	vld [tilespmem:s0+$0x12C70]  }
0x257: {  	v14 =	vld [tilespmem:s0+$0x12C80]  }
0x258: {  	v15 =	vld [tilespmem:s0+$0x12C90]  }
0x259: {  	v5 =	vld [tilespmem:s0+$0x12CA0]  }
0x25a: {  	v4 =	vld [tilespmem:s0+$0x12CB0]  }
0x25b: {  	v3 =	vld [tilespmem:s0+$0x12CC0]  }
0x25c: {  	v2 =	vld [tilespmem:s0+$0x12CD0]  }
0x25d: {  	v1 =	vld [tilespmem:s0+$0x12CE0]  }
0x25e: {  	v0 =	vld [tilespmem:s0+$0x12CF0]  }
0x25f: {  	v16 =	vld [tilespmem:s0+$0xFA00]  }
0x260: {  	v17 =	vld [tilespmem:s0+$0xFA10]  }
0x261: {  	v18 =	vld [tilespmem:s0+$0xFA20]  }
0x262: {  	v19 =	vld [tilespmem:s0+$0xFA30]  }
0x263: {  	v20 =	vld [tilespmem:s0+$0xFA40]  }
0x264: {  	v60 =	vld [tilespmem:s0+$0xFA50];
	v6 =	vadd.f32 v6, v16  }
0x265: {  	v21 =	vld [tilespmem:s0+$0xFA60];
	v7 =	vadd.f32 v7, v17  }
0x266: {  	v61 =	vld [tilespmem:s0+$0xFA70];
	[tilespmem:s0+$0xFA00] =	vst v6;
	v6 =	vadd.f32 v8, v18  }
0x267: {  	v62 =	vld [tilespmem:s0+$0xFA80];
	[tilespmem:s0+$0xFA10] =	vst v7;
	v7 =	vadd.f32 v9, v19  }
0x268: {  	v63 =	vld [tilespmem:s0+$0xFA90];
	[tilespmem:s0+$0xFA20] =	vst v6;
	v6 =	vadd.f32 v10, v20  }
0x269: {  	v8 =	vadd.f32 v11, v60;
	[tilespmem:s0+$0xFA30] =	vst v7;
	v7 =	vld [tilespmem:s0+$0xFAA0]  }
0x26a: {  	v9 =	vadd.f32 v12, v21;
	[tilespmem:s0+$0xFA40] =	vst v6;
	v6 =	vld [tilespmem:s0+$0xFAB0]  }
0x26b: {  	[tilespmem:s0+$0xFA50] =	vst v8;
	v8 =	vld [tilespmem:s0+$0xFAC0];
	v10 =	vadd.f32 v13, v61  }
0x26c: {  	v12 =	vadd.f32 v14, v62;
	[tilespmem:s0+$0xFA60] =	vst v9;
	v9 =	vld [tilespmem:s0+$0xFAD0]  }
0x26d: {  	s1 =	simm.s32 $0x400;
	v11 =	vadd.f32 v15, v63;
	[tilespmem:s0+$0xFA70] =	vst v10;
	v10 =	vld [tilespmem:s0+$0xFAE0]  }
.LBB2_17:
0x26e: {  	s6 =	sshra.s32 s1, $0x2;
	p0 =	sne.s32 s1, $0xC400;
	[tilespmem:s0+$0xFA80] =	vst v12;
	v5 =	vadd.f32 v5, v7;
	v7 =	vld [tilespmem:s0+$0xFAF0]  }
0x26f: {  	v12 =	vld [tilespmem:s6+$0x12C00];
	[tilespmem:s0+$0xFA90] =	vst v11;
	v4 =	vadd.f32 v4, v6  }
0x270: {  	v6 =	vld [tilespmem:s6+$0x12C10];
	[tilespmem:s0+$0xFAA0] =	vst v5;
	v3 =	vadd.f32 v3, v8  }
0x271: {  	v8 =	vld [tilespmem:s6+$0x12C20];
	[tilespmem:s0+$0xFAB0] =	vst v4;
	v2 =	vadd.f32 v2, v9  }
0x272: {  	v9 =	vld [tilespmem:s6+$0x12C30];
	[tilespmem:s0+$0xFAC0] =	vst v3;
	v1 =	vadd.f32 v1, v10  }
0x273: {  	v10 =	vld [tilespmem:s6+$0x12C40];
	[tilespmem:s0+$0xFAD0] =	vst v2;
	v0 =	vadd.f32 v0, v7  }
0x274: {  	v7 =	vld [tilespmem:s6+$0x12C50];
	[tilespmem:s0+$0xFAE0] =	vst v1  }
0x275: {  	v11 =	vld [tilespmem:s6+$0x12C60];
	[tilespmem:s0+$0xFAF0] =	vst v0;
	s0 =	smov.u32 s6  }
0x276: {  	v13 =	vld [tilespmem:s0+$0x12C70]  }
0x277: {  	v14 =	vld [tilespmem:s0+$0x12C80]  }
0x278: {  	v15 =	vld [tilespmem:s0+$0x12C90]  }
0x279: {  	v5 =	vld [tilespmem:s0+$0x12CA0]  }
0x27a: {  	v4 =	vld [tilespmem:s0+$0x12CB0]  }
0x27b: {  	v3 =	vld [tilespmem:s0+$0x12CC0]  }
0x27c: {  	v2 =	vld [tilespmem:s0+$0x12CD0]  }
0x27d: {  	v1 =	vld [tilespmem:s0+$0x12CE0]  }
0x27e: {  	v0 =	vld [tilespmem:s0+$0x12CF0]  }
0x27f: {  	v16 =	vld [tilespmem:s0+$0xFA00]  }
0x280: {  	v17 =	vld [tilespmem:s0+$0xFA10]  }
0x281: {  	v18 =	vld [tilespmem:s0+$0xFA20]  }
0x282: {  	v19 =	vld [tilespmem:s0+$0xFA30]  }
0x283: {  	v20 =	vld [tilespmem:s0+$0xFA40]  }
0x284: {  	v12 =	vadd.f32 v12, v16;
	v16 =	vld [tilespmem:s0+$0xFA50]  }
0x285: {  	v6 =	vadd.f32 v6, v17;
	v17 =	vld [tilespmem:s0+$0xFA60]  }
0x286: {  	[tilespmem:s0+$0xFA00] =	vst v12;
	v8 =	vadd.f32 v8, v18;
	v12 =	vld [tilespmem:s0+$0xFA70]  }
0x287: {  	[tilespmem:s0+$0xFA10] =	vst v6;
	v6 =	vadd.f32 v9, v19;
	v9 =	vld [tilespmem:s0+$0xFA80]  }
0x288: {  	[tilespmem:s0+$0xFA20] =	vst v8;
	v8 =	vadd.f32 v10, v20;
	v10 =	vld [tilespmem:s0+$0xFA90]  }
.Ltmp7:
0x289: {  	[tilespmem:s0+$0xFA30] =	vst v6;
	v16 =	vadd.f32 v7, v16;
	v7 =	vld [tilespmem:s0+$0xFAA0];
	(pc) =	sbr.rel @p0 .LBB2_17-.Ltmp7, $4  }
0x28a: {  	[tilespmem:s0+$0xFA40] =	vst v8;
	v11 =	vadd.f32 v11, v17;
	v6 =	vld [tilespmem:s0+$0xFAB0]  }
0x28b: {  	[tilespmem:s0+$0xFA50] =	vst v16;
	v13 =	vadd.f32 v13, v12;
	v8 =	vld [tilespmem:s0+$0xFAC0]  }
0x28c: {  	[tilespmem:s0+$0xFA60] =	vst v11;
	v12 =	vadd.f32 v14, v9;
	v9 =	vld [tilespmem:s0+$0xFAD0]  }
0x28d: {  	s1 =	sadd.s32 $0x400, s1;
	[tilespmem:s0+$0xFA70] =	vst v13;
	v11 =	vadd.f32 v15, v10;
	v10 =	vld [tilespmem:s0+$0xFAE0]  }
0x28e: {  	[tilespmem:s0+$0xFA80] =	vst v12;
	v5 =	vadd.f32 v5, v7;
	v63 =	vld [tilespmem:s0+$0xFAF0]  }
0x28f: {  	[tilespmem:s0+$0xFA90] =	vst v11;
	v4 =	vadd.f32 v4, v6  }
0x290: {  	[tilespmem:s0+$0xFAA0] =	vst v5;
	v3 =	vadd.f32 v3, v8  }
0x291: {  	p0 =	sne.s32 s26, $0x1E;
	[tilespmem:s0+$0xFAB0] =	vst v4;
	v2 =	vadd.f32 v2, v9  }
.Ltmp8:
0x292: {  	s1 =	sadd.s32 s3, s31;
	[tilespmem:s0+$0xFAC0] =	vst v3;
	v1 =	vadd.f32 v1, v10;
	(pc) =	sbr.rel @p0 .LBB2_10-.Ltmp8, $4  }
0x293: {  	s1 =	sshll.u32 s1, $0x3;
	[tilespmem:s0+$0xFAD0] =	vst v2;
	v0 =	vadd.f32 v0, v63  }
0x294: {  	s1 =	sand.u32 $0x1FFFFFC0, s1;
	[tilespmem:s0+$0xFAE0] =	vst v1  }
0x295: {  	s31 =	sadd.s32 s2, s1;
	[tilespmem:s0+$0xFAF0] =	vst v0  }
0x296: {  	[hbm4b:s31+s4] =	stream.linear.scatter [tilespmem:s28], [sflag:$0x2], $0x3200, $0x38;
	[tilespmem:$0x15E00] =	vst v63  }
0x297: {  	_ =	swait.ge [sflag:s30], $0x3200  }
0x298: {  	[sflag:s30] =	ssyncset.done $0x0  }
0x299: {  	s0 =	simm.s32 $0x6338;
	[sflag:s30] =	ssyncadd.s32 $0xFFFFCE00  }
0x29a: {  	[tilespmem:s28], [sflag:$0x1] =	stream.indirect.gather [hbm4b:s5+s21], $0x40, s0, s21, $0xb8;
	[tilespmem:$0x15E00] =	vst v63  }
0x29b: {  	_ =	swait.ge [sflag:s29], $0x3200  }
0x29c: {  	[sflag:s29] =	ssyncset.done $0x0  }
0x29d: {  	s0 =	simm.s32 $0x0;
	[sflag:s29] =	ssyncadd.s32 $0xFFFFCE00  }
0x29e: {  	v6 =	vld [tilespmem:s0+$0x12C00]  }
0x29f: {  	v7 =	vld [tilespmem:s0+$0x12C10]  }
0x2a0: {  	v8 =	vld [tilespmem:s0+$0x12C20]  }
0x2a1: {  	v9 =	vld [tilespmem:s0+$0x12C30]  }
0x2a2: {  	v10 =	vld [tilespmem:s0+$0x12C40]  }
0x2a3: {  	v11 =	vld [tilespmem:s0+$0x12C50]  }
0x2a4: {  	v12 =	vld [tilespmem:s0+$0x12C60]  }
0x2a5: {  	v13 =	vld [tilespmem:s0+$0x12C70]  }
0x2a6: {  	v14 =	vld [tilespmem:s0+$0x12C80]  }
0x2a7: {  	v15 =	vld [tilespmem:s0+$0x12C90]  }
0x2a8: {  	v5 =	vld [tilespmem:s0+$0x12CA0]  }
0x2a9: {  	v4 =	vld [tilespmem:s0+$0x12CB0]  }
0x2aa: {  	v3 =	vld [tilespmem:s0+$0x12CC0]  }
0x2ab: {  	v2 =	vld [tilespmem:s0+$0x12CD0]  }
0x2ac: {  	v1 =	vld [tilespmem:s0+$0x12CE0]  }
0x2ad: {  	v0 =	vld [tilespmem:s0+$0x12CF0]  }
0x2ae: {  	v16 =	vld [tilespmem:s0+$0x6400]  }
0x2af: {  	v17 =	vld [tilespmem:s0+$0x6410]  }
0x2b0: {  	v18 =	vld [tilespmem:s0+$0x6420]  }
0x2b1: {  	v19 =	vld [tilespmem:s0+$0x6430]  }
0x2b2: {  	v20 =	vld [tilespmem:s0+$0x6440]  }
0x2b3: {  	v60 =	vld [tilespmem:s0+$0x6450];
	v6 =	vadd.f32 v6, v16  }
0x2b4: {  	v21 =	vld [tilespmem:s0+$0x6460];
	v7 =	vadd.f32 v7, v17  }
0x2b5: {  	v61 =	vld [tilespmem:s0+$0x6470];
	[tilespmem:s0+$0x6400] =	vst v6;
	v6 =	vadd.f32 v8, v18  }
0x2b6: {  	v62 =	vld [tilespmem:s0+$0x6480];
	[tilespmem:s0+$0x6410] =	vst v7;
	v7 =	vadd.f32 v9, v19  }
0x2b7: {  	v63 =	vld [tilespmem:s0+$0x6490];
	[tilespmem:s0+$0x6420] =	vst v6;
	v6 =	vadd.f32 v10, v20  }
0x2b8: {  	v8 =	vadd.f32 v11, v60;
	[tilespmem:s0+$0x6430] =	vst v7;
	v7 =	vld [tilespmem:s0+$0x64A0]  }
0x2b9: {  	v9 =	vadd.f32 v12, v21;
	[tilespmem:s0+$0x6440] =	vst v6;
	v6 =	vld [tilespmem:s0+$0x64B0]  }
0x2ba: {  	[tilespmem:s0+$0x6450] =	vst v8;
	v8 =	vld [tilespmem:s0+$0x64C0];
	v10 =	vadd.f32 v13, v61  }
0x2bb: {  	v12 =	vadd.f32 v14, v62;
	[tilespmem:s0+$0x6460] =	vst v9;
	v9 =	vld [tilespmem:s0+$0x64D0]  }
0x2bc: {  	s1 =	simm.s32 $0x400;
	v11 =	vadd.f32 v15, v63;
	[tilespmem:s0+$0x6470] =	vst v10;
	v10 =	vld [tilespmem:s0+$0x64E0]  }
.LBB2_20:
0x2bd: {  	s6 =	sshra.s32 s1, $0x2;
	p0 =	sne.s32 s1, $0xC400;
	[tilespmem:s0+$0x6480] =	vst v12;
	v5 =	vadd.f32 v5, v7;
	v7 =	vld [tilespmem:s0+$0x64F0]  }
0x2be: {  	v12 =	vld [tilespmem:s6+$0x12C00];
	[tilespmem:s0+$0x6490] =	vst v11;
	v4 =	vadd.f32 v4, v6  }
0x2bf: {  	v6 =	vld [tilespmem:s6+$0x12C10];
	[tilespmem:s0+$0x64A0] =	vst v5;
	v3 =	vadd.f32 v3, v8  }
0x2c0: {  	v8 =	vld [tilespmem:s6+$0x12C20];
	[tilespmem:s0+$0x64B0] =	vst v4;
	v2 =	vadd.f32 v2, v9  }
0x2c1: {  	v9 =	vld [tilespmem:s6+$0x12C30];
	[tilespmem:s0+$0x64C0] =	vst v3;
	v1 =	vadd.f32 v1, v10  }
0x2c2: {  	v10 =	vld [tilespmem:s6+$0x12C40];
	[tilespmem:s0+$0x64D0] =	vst v2;
	v0 =	vadd.f32 v0, v7  }
0x2c3: {  	v7 =	vld [tilespmem:s6+$0x12C50];
	[tilespmem:s0+$0x64E0] =	vst v1  }
0x2c4: {  	v11 =	vld [tilespmem:s6+$0x12C60];
	[tilespmem:s0+$0x64F0] =	vst v0;
	s0 =	smov.u32 s6  }
0x2c5: {  	v13 =	vld [tilespmem:s0+$0x12C70]  }
0x2c6: {  	v14 =	vld [tilespmem:s0+$0x12C80]  }
0x2c7: {  	v15 =	vld [tilespmem:s0+$0x12C90]  }
0x2c8: {  	v5 =	vld [tilespmem:s0+$0x12CA0]  }
0x2c9: {  	v4 =	vld [tilespmem:s0+$0x12CB0]  }
0x2ca: {  	v3 =	vld [tilespmem:s0+$0x12CC0]  }
0x2cb: {  	v2 =	vld [tilespmem:s0+$0x12CD0]  }
0x2cc: {  	v1 =	vld [tilespmem:s0+$0x12CE0]  }
0x2cd: {  	v0 =	vld [tilespmem:s0+$0x12CF0]  }
0x2ce: {  	v16 =	vld [tilespmem:s0+$0x6400]  }
0x2cf: {  	v17 =	vld [tilespmem:s0+$0x6410]  }
0x2d0: {  	v18 =	vld [tilespmem:s0+$0x6420]  }
0x2d1: {  	v19 =	vld [tilespmem:s0+$0x6430]  }
0x2d2: {  	v20 =	vld [tilespmem:s0+$0x6440]  }
0x2d3: {  	v12 =	vadd.f32 v12, v16;
	v16 =	vld [tilespmem:s0+$0x6450]  }
0x2d4: {  	v6 =	vadd.f32 v6, v17;
	v17 =	vld [tilespmem:s0+$0x6460]  }
0x2d5: {  	[tilespmem:s0+$0x6400] =	vst v12;
	v8 =	vadd.f32 v8, v18;
	v12 =	vld [tilespmem:s0+$0x6470]  }
0x2d6: {  	[tilespmem:s0+$0x6410] =	vst v6;
	v6 =	vadd.f32 v9, v19;
	v9 =	vld [tilespmem:s0+$0x6480]  }
0x2d7: {  	[tilespmem:s0+$0x6420] =	vst v8;
	v8 =	vadd.f32 v10, v20;
	v10 =	vld [tilespmem:s0+$0x6490]  }
.Ltmp9:
0x2d8: {  	[tilespmem:s0+$0x6430] =	vst v6;
	v16 =	vadd.f32 v7, v16;
	v7 =	vld [tilespmem:s0+$0x64A0];
	(pc) =	sbr.rel @p0 .LBB2_20-.Ltmp9, $4  }
0x2d9: {  	[tilespmem:s0+$0x6440] =	vst v8;
	v11 =	vadd.f32 v11, v17;
	v6 =	vld [tilespmem:s0+$0x64B0]  }
0x2da: {  	[tilespmem:s0+$0x6450] =	vst v16;
	v13 =	vadd.f32 v13, v12;
	v8 =	vld [tilespmem:s0+$0x64C0]  }
0x2db: {  	[tilespmem:s0+$0x6460] =	vst v11;
	v12 =	vadd.f32 v14, v9;
	v9 =	vld [tilespmem:s0+$0x64D0]  }
0x2dc: {  	s1 =	sadd.s32 $0x400, s1;
	[tilespmem:s0+$0x6470] =	vst v13;
	v11 =	vadd.f32 v15, v10;
	v10 =	vld [tilespmem:s0+$0x64E0]  }
0x2dd: {  	[tilespmem:s0+$0x6480] =	vst v12;
	v5 =	vadd.f32 v5, v7;
	v7 =	vld [tilespmem:s0+$0x64F0]  }
0x2de: {  	[tilespmem:s0+$0x6490] =	vst v11;
	v4 =	vadd.f32 v4, v6  }
0x2df: {  	[tilespmem:s0+$0x64A0] =	vst v5;
	v3 =	vadd.f32 v3, v8  }
0x2e0: {  	[tilespmem:s0+$0x64B0] =	vst v4;
	v2 =	vadd.f32 v2, v9  }
0x2e1: {  	[tilespmem:s0+$0x64C0] =	vst v3;
	v1 =	vadd.f32 v1, v10  }
0x2e2: {  	[tilespmem:s0+$0x64D0] =	vst v2;
	v0 =	vadd.f32 v0, v7  }
0x2e3: {  	[tilespmem:s0+$0x64E0] =	vst v1  }
0x2e4: {  	s31 =	simm.s32 $0x0;
	[tilespmem:s0+$0x64F0] =	vst v0  }
0x2e5: {  	[hbm4b:s14+s31] =	stream.linear.scatter [tilespmem:s22], [sflag:$0x2], $0x3200, $0x38;
	[tilespmem:$0x15E00] =	vst v63  }
0x2e6: {  	_ =	swait.ge [sflag:s30], $0x3200  }
0x2e7: {  	[sflag:s30] =	ssyncset.done $0x0  }
0x2e8: {  	[sflag:s30] =	ssyncadd.s32 $0xFFFFCE00  }
0x2e9: {  	_ =	swait.ge [sflag:s29], $0x3200  }
0x2ea: {  	[sflag:s29] =	ssyncset.done $0x0  }
0x2eb: {  	s0 =	simm.s32 $0x0;
	[sflag:s29] =	ssyncadd.s32 $0xFFFFCE00  }
0x2ec: {  	v6 =	vld [tilespmem:s0+$0x12C00]  }
0x2ed: {  	v7 =	vld [tilespmem:s0+$0x12C10]  }
0x2ee: {  	v8 =	vld [tilespmem:s0+$0x12C20]  }
0x2ef: {  	v9 =	vld [tilespmem:s0+$0x12C30]  }
0x2f0: {  	v10 =	vld [tilespmem:s0+$0x12C40]  }
0x2f1: {  	v11 =	vld [tilespmem:s0+$0x12C50]  }
0x2f2: {  	v12 =	vld [tilespmem:s0+$0x12C60]  }
0x2f3: {  	v13 =	vld [tilespmem:s0+$0x12C70]  }
0x2f4: {  	v14 =	vld [tilespmem:s0+$0x12C80]  }
0x2f5: {  	v15 =	vld [tilespmem:s0+$0x12C90]  }
0x2f6: {  	v5 =	vld [tilespmem:s0+$0x12CA0]  }
0x2f7: {  	v4 =	vld [tilespmem:s0+$0x12CB0]  }
0x2f8: {  	v3 =	vld [tilespmem:s0+$0x12CC0]  }
0x2f9: {  	v2 =	vld [tilespmem:s0+$0x12CD0]  }
0x2fa: {  	v1 =	vld [tilespmem:s0+$0x12CE0]  }
0x2fb: {  	v0 =	vld [tilespmem:s0+$0x12CF0]  }
0x2fc: {  	v16 =	vld [tilespmem:s0+$0x9600]  }
0x2fd: {  	v17 =	vld [tilespmem:s0+$0x9610]  }
0x2fe: {  	v18 =	vld [tilespmem:s0+$0x9620]  }
0x2ff: {  	v19 =	vld [tilespmem:s0+$0x9630]  }
0x300: {  	v20 =	vld [tilespmem:s0+$0x9640]  }
0x301: {  	v60 =	vld [tilespmem:s0+$0x9650];
	v6 =	vadd.f32 v6, v16  }
0x302: {  	v21 =	vld [tilespmem:s0+$0x9660];
	v7 =	vadd.f32 v7, v17  }
0x303: {  	v61 =	vld [tilespmem:s0+$0x9670];
	[tilespmem:s0+$0x9600] =	vst v6;
	v6 =	vadd.f32 v8, v18  }
0x304: {  	v62 =	vld [tilespmem:s0+$0x9680];
	[tilespmem:s0+$0x9610] =	vst v7;
	v7 =	vadd.f32 v9, v19  }
0x305: {  	v63 =	vld [tilespmem:s0+$0x9690];
	[tilespmem:s0+$0x9620] =	vst v6;
	v6 =	vadd.f32 v10, v20  }
0x306: {  	v8 =	vadd.f32 v11, v60;
	[tilespmem:s0+$0x9630] =	vst v7;
	v7 =	vld [tilespmem:s0+$0x96A0]  }
0x307: {  	v9 =	vadd.f32 v12, v21;
	[tilespmem:s0+$0x9640] =	vst v6;
	v6 =	vld [tilespmem:s0+$0x96B0]  }
0x308: {  	[tilespmem:s0+$0x9650] =	vst v8;
	v8 =	vld [tilespmem:s0+$0x96C0];
	v10 =	vadd.f32 v13, v61  }
0x309: {  	v12 =	vadd.f32 v14, v62;
	[tilespmem:s0+$0x9660] =	vst v9;
	v9 =	vld [tilespmem:s0+$0x96D0]  }
0x30a: {  	s1 =	simm.s32 $0x400;
	v11 =	vadd.f32 v15, v63;
	[tilespmem:s0+$0x9670] =	vst v10;
	v10 =	vld [tilespmem:s0+$0x96E0]  }
.LBB2_22:
0x30b: {  	s6 =	sshra.s32 s1, $0x2;
	p0 =	sne.s32 s1, $0xC400;
	[tilespmem:s0+$0x9680] =	vst v12;
	v5 =	vadd.f32 v5, v7;
	v7 =	vld [tilespmem:s0+$0x96F0]  }
0x30c: {  	v12 =	vld [tilespmem:s6+$0x12C00];
	[tilespmem:s0+$0x9690] =	vst v11;
	v4 =	vadd.f32 v4, v6  }
0x30d: {  	v6 =	vld [tilespmem:s6+$0x12C10];
	[tilespmem:s0+$0x96A0] =	vst v5;
	v3 =	vadd.f32 v3, v8  }
0x30e: {  	v8 =	vld [tilespmem:s6+$0x12C20];
	[tilespmem:s0+$0x96B0] =	vst v4;
	v2 =	vadd.f32 v2, v9  }
0x30f: {  	v9 =	vld [tilespmem:s6+$0x12C30];
	[tilespmem:s0+$0x96C0] =	vst v3;
	v1 =	vadd.f32 v1, v10  }
0x310: {  	v10 =	vld [tilespmem:s6+$0x12C40];
	[tilespmem:s0+$0x96D0] =	vst v2;
	v0 =	vadd.f32 v0, v7  }
0x311: {  	v7 =	vld [tilespmem:s6+$0x12C50];
	[tilespmem:s0+$0x96E0] =	vst v1  }
0x312: {  	v11 =	vld [tilespmem:s6+$0x12C60];
	[tilespmem:s0+$0x96F0] =	vst v0;
	s0 =	smov.u32 s6  }
0x313: {  	v13 =	vld [tilespmem:s0+$0x12C70]  }
0x314: {  	v14 =	vld [tilespmem:s0+$0x12C80]  }
0x315: {  	v15 =	vld [tilespmem:s0+$0x12C90]  }
0x316: {  	v5 =	vld [tilespmem:s0+$0x12CA0]  }
0x317: {  	v4 =	vld [tilespmem:s0+$0x12CB0]  }
0x318: {  	v3 =	vld [tilespmem:s0+$0x12CC0]  }
0x319: {  	v2 =	vld [tilespmem:s0+$0x12CD0]  }
0x31a: {  	v1 =	vld [tilespmem:s0+$0x12CE0]  }
0x31b: {  	v0 =	vld [tilespmem:s0+$0x12CF0]  }
0x31c: {  	v16 =	vld [tilespmem:s0+$0x9600]  }
0x31d: {  	v17 =	vld [tilespmem:s0+$0x9610]  }
0x31e: {  	v18 =	vld [tilespmem:s0+$0x9620]  }
0x31f: {  	v19 =	vld [tilespmem:s0+$0x9630]  }
0x320: {  	v20 =	vld [tilespmem:s0+$0x9640]  }
0x321: {  	v12 =	vadd.f32 v12, v16;
	v16 =	vld [tilespmem:s0+$0x9650]  }
0x322: {  	v6 =	vadd.f32 v6, v17;
	v17 =	vld [tilespmem:s0+$0x9660]  }
0x323: {  	[tilespmem:s0+$0x9600] =	vst v12;
	v8 =	vadd.f32 v8, v18;
	v12 =	vld [tilespmem:s0+$0x9670]  }
0x324: {  	[tilespmem:s0+$0x9610] =	vst v6;
	v6 =	vadd.f32 v9, v19;
	v9 =	vld [tilespmem:s0+$0x9680]  }
0x325: {  	[tilespmem:s0+$0x9620] =	vst v8;
	v8 =	vadd.f32 v10, v20;
	v10 =	vld [tilespmem:s0+$0x9690]  }
.Ltmp10:
0x326: {  	[tilespmem:s0+$0x9630] =	vst v6;
	v16 =	vadd.f32 v7, v16;
	v7 =	vld [tilespmem:s0+$0x96A0];
	(pc) =	sbr.rel @p0 .LBB2_22-.Ltmp10, $4  }
0x327: {  	[tilespmem:s0+$0x9640] =	vst v8;
	v11 =	vadd.f32 v11, v17;
	v6 =	vld [tilespmem:s0+$0x96B0]  }
0x328: {  	[tilespmem:s0+$0x9650] =	vst v16;
	v13 =	vadd.f32 v13, v12;
	v8 =	vld [tilespmem:s0+$0x96C0]  }
0x329: {  	[tilespmem:s0+$0x9660] =	vst v11;
	v12 =	vadd.f32 v14, v9;
	v9 =	vld [tilespmem:s0+$0x96D0]  }
0x32a: {  	s1 =	sadd.s32 $0x400, s1;
	[tilespmem:s0+$0x9670] =	vst v13;
	v11 =	vadd.f32 v15, v10;
	v10 =	vld [tilespmem:s0+$0x96E0]  }
0x32b: {  	[tilespmem:s0+$0x9680] =	vst v12;
	v5 =	vadd.f32 v5, v7;
	v7 =	vld [tilespmem:s0+$0x96F0]  }
0x32c: {  	[tilespmem:s0+$0x9690] =	vst v11;
	v4 =	vadd.f32 v4, v6  }
0x32d: {  	[tilespmem:s0+$0x96A0] =	vst v5;
	v3 =	vadd.f32 v3, v8  }
0x32e: {  	[tilespmem:s0+$0x96B0] =	vst v4;
	v2 =	vadd.f32 v2, v9  }
0x32f: {  	[tilespmem:s0+$0x96C0] =	vst v3;
	v1 =	vadd.f32 v1, v10  }
0x330: {  	[tilespmem:s0+$0x96D0] =	vst v2;
	v0 =	vadd.f32 v0, v7  }
0x331: {  	[tilespmem:s0+$0x96E0] =	vst v1  }
0x332: {  	s31 =	simm.s32 $0x0;
	[tilespmem:s0+$0x96F0] =	vst v0  }
0x333: {  	[hbm4b:s15+s31] =	stream.linear.scatter [tilespmem:s23], [sflag:$0x2], $0x3200, $0x38;
	[tilespmem:$0x15E00] =	vst v63  }
0x334: {  	_ =	swait.ge [sflag:s30], $0x3200  }
0x335: {  	[sflag:s30] =	ssyncset.done $0x0  }
0x336: {  	[sflag:s30] =	ssyncadd.s32 $0xFFFFCE00  }
0x337: {  	_ =	swait.ge [sflag:s29], $0x3200  }
0x338: {  	[sflag:s29] =	ssyncset.done $0x0  }
0x339: {  	s0 =	simm.s32 $0x0;
	[sflag:s29] =	ssyncadd.s32 $0xFFFFCE00  }
0x33a: {  	v6 =	vld [tilespmem:s0+$0x12C00]  }
0x33b: {  	v7 =	vld [tilespmem:s0+$0x12C10]  }
0x33c: {  	v8 =	vld [tilespmem:s0+$0x12C20]  }
0x33d: {  	v9 =	vld [tilespmem:s0+$0x12C30]  }
0x33e: {  	v10 =	vld [tilespmem:s0+$0x12C40]  }
0x33f: {  	v11 =	vld [tilespmem:s0+$0x12C50]  }
0x340: {  	v12 =	vld [tilespmem:s0+$0x12C60]  }
0x341: {  	v13 =	vld [tilespmem:s0+$0x12C70]  }
0x342: {  	v14 =	vld [tilespmem:s0+$0x12C80]  }
0x343: {  	v15 =	vld [tilespmem:s0+$0x12C90]  }
0x344: {  	v5 =	vld [tilespmem:s0+$0x12CA0]  }
0x345: {  	v4 =	vld [tilespmem:s0+$0x12CB0]  }
0x346: {  	v3 =	vld [tilespmem:s0+$0x12CC0]  }
0x347: {  	v2 =	vld [tilespmem:s0+$0x12CD0]  }
0x348: {  	v1 =	vld [tilespmem:s0+$0x12CE0]  }
0x349: {  	v0 =	vld [tilespmem:s0+$0x12CF0]  }
0x34a: {  	v16 =	vld [tilespmem:s0+$0xC800]  }
0x34b: {  	v17 =	vld [tilespmem:s0+$0xC810]  }
0x34c: {  	v18 =	vld [tilespmem:s0+$0xC820]  }
0x34d: {  	v19 =	vld [tilespmem:s0+$0xC830]  }
0x34e: {  	v20 =	vld [tilespmem:s0+$0xC840]  }
0x34f: {  	v60 =	vld [tilespmem:s0+$0xC850];
	v6 =	vadd.f32 v6, v16  }
0x350: {  	v21 =	vld [tilespmem:s0+$0xC860];
	v7 =	vadd.f32 v7, v17  }
0x351: {  	v61 =	vld [tilespmem:s0+$0xC870];
	[tilespmem:s0+$0xC800] =	vst v6;
	v6 =	vadd.f32 v8, v18  }
0x352: {  	v62 =	vld [tilespmem:s0+$0xC880];
	[tilespmem:s0+$0xC810] =	vst v7;
	v7 =	vadd.f32 v9, v19  }
0x353: {  	v63 =	vld [tilespmem:s0+$0xC890];
	[tilespmem:s0+$0xC820] =	vst v6;
	v6 =	vadd.f32 v10, v20  }
0x354: {  	v8 =	vadd.f32 v11, v60;
	[tilespmem:s0+$0xC830] =	vst v7;
	v7 =	vld [tilespmem:s0+$0xC8A0]  }
0x355: {  	v9 =	vadd.f32 v12, v21;
	[tilespmem:s0+$0xC840] =	vst v6;
	v6 =	vld [tilespmem:s0+$0xC8B0]  }
0x356: {  	[tilespmem:s0+$0xC850] =	vst v8;
	v8 =	vld [tilespmem:s0+$0xC8C0];
	v10 =	vadd.f32 v13, v61  }
0x357: {  	v12 =	vadd.f32 v14, v62;
	[tilespmem:s0+$0xC860] =	vst v9;
	v9 =	vld [tilespmem:s0+$0xC8D0]  }
0x358: {  	s1 =	simm.s32 $0x400;
	v11 =	vadd.f32 v15, v63;
	[tilespmem:s0+$0xC870] =	vst v10;
	v10 =	vld [tilespmem:s0+$0xC8E0]  }
.LBB2_24:
0x359: {  	s6 =	sshra.s32 s1, $0x2;
	p0 =	sne.s32 s1, $0xC400;
	[tilespmem:s0+$0xC880] =	vst v12;
	v5 =	vadd.f32 v5, v7;
	v7 =	vld [tilespmem:s0+$0xC8F0]  }
0x35a: {  	v12 =	vld [tilespmem:s6+$0x12C00];
	[tilespmem:s0+$0xC890] =	vst v11;
	v4 =	vadd.f32 v4, v6  }
0x35b: {  	v6 =	vld [tilespmem:s6+$0x12C10];
	[tilespmem:s0+$0xC8A0] =	vst v5;
	v3 =	vadd.f32 v3, v8  }
0x35c: {  	v8 =	vld [tilespmem:s6+$0x12C20];
	[tilespmem:s0+$0xC8B0] =	vst v4;
	v2 =	vadd.f32 v2, v9  }
0x35d: {  	v9 =	vld [tilespmem:s6+$0x12C30];
	[tilespmem:s0+$0xC8C0] =	vst v3;
	v1 =	vadd.f32 v1, v10  }
0x35e: {  	v10 =	vld [tilespmem:s6+$0x12C40];
	[tilespmem:s0+$0xC8D0] =	vst v2;
	v0 =	vadd.f32 v0, v7  }
0x35f: {  	v7 =	vld [tilespmem:s6+$0x12C50];
	[tilespmem:s0+$0xC8E0] =	vst v1  }
0x360: {  	v11 =	vld [tilespmem:s6+$0x12C60];
	[tilespmem:s0+$0xC8F0] =	vst v0;
	s0 =	smov.u32 s6  }
0x361: {  	v13 =	vld [tilespmem:s0+$0x12C70]  }
0x362: {  	v14 =	vld [tilespmem:s0+$0x12C80]  }
0x363: {  	v15 =	vld [tilespmem:s0+$0x12C90]  }
0x364: {  	v5 =	vld [tilespmem:s0+$0x12CA0]  }
0x365: {  	v4 =	vld [tilespmem:s0+$0x12CB0]  }
0x366: {  	v3 =	vld [tilespmem:s0+$0x12CC0]  }
0x367: {  	v2 =	vld [tilespmem:s0+$0x12CD0]  }
0x368: {  	v1 =	vld [tilespmem:s0+$0x12CE0]  }
0x369: {  	v0 =	vld [tilespmem:s0+$0x12CF0]  }
0x36a: {  	v16 =	vld [tilespmem:s0+$0xC800]  }
0x36b: {  	v17 =	vld [tilespmem:s0+$0xC810]  }
0x36c: {  	v18 =	vld [tilespmem:s0+$0xC820]  }
0x36d: {  	v19 =	vld [tilespmem:s0+$0xC830]  }
0x36e: {  	v20 =	vld [tilespmem:s0+$0xC840]  }
0x36f: {  	v12 =	vadd.f32 v12, v16;
	v16 =	vld [tilespmem:s0+$0xC850]  }
0x370: {  	v6 =	vadd.f32 v6, v17;
	v17 =	vld [tilespmem:s0+$0xC860]  }
0x371: {  	[tilespmem:s0+$0xC800] =	vst v12;
	v8 =	vadd.f32 v8, v18;
	v12 =	vld [tilespmem:s0+$0xC870]  }
0x372: {  	[tilespmem:s0+$0xC810] =	vst v6;
	v6 =	vadd.f32 v9, v19;
	v9 =	vld [tilespmem:s0+$0xC880]  }
0x373: {  	[tilespmem:s0+$0xC820] =	vst v8;
	v8 =	vadd.f32 v10, v20;
	v10 =	vld [tilespmem:s0+$0xC890]  }
.Ltmp11:
0x374: {  	[tilespmem:s0+$0xC830] =	vst v6;
	v16 =	vadd.f32 v7, v16;
	v7 =	vld [tilespmem:s0+$0xC8A0];
	(pc) =	sbr.rel @p0 .LBB2_24-.Ltmp11, $4  }
0x375: {  	[tilespmem:s0+$0xC840] =	vst v8;
	v11 =	vadd.f32 v11, v17;
	v6 =	vld [tilespmem:s0+$0xC8B0]  }
0x376: {  	[tilespmem:s0+$0xC850] =	vst v16;
	v13 =	vadd.f32 v13, v12;
	v8 =	vld [tilespmem:s0+$0xC8C0]  }
0x377: {  	[tilespmem:s0+$0xC860] =	vst v11;
	v12 =	vadd.f32 v14, v9;
	v9 =	vld [tilespmem:s0+$0xC8D0]  }
0x378: {  	s1 =	sadd.s32 $0x400, s1;
	[tilespmem:s0+$0xC870] =	vst v13;
	v11 =	vadd.f32 v15, v10;
	v10 =	vld [tilespmem:s0+$0xC8E0]  }
0x379: {  	[tilespmem:s0+$0xC880] =	vst v12;
	v5 =	vadd.f32 v5, v7;
	v7 =	vld [tilespmem:s0+$0xC8F0]  }
0x37a: {  	[tilespmem:s0+$0xC890] =	vst v11;
	v4 =	vadd.f32 v4, v6  }
0x37b: {  	[tilespmem:s0+$0xC8A0] =	vst v5;
	v3 =	vadd.f32 v3, v8  }
0x37c: {  	[tilespmem:s0+$0xC8B0] =	vst v4;
	v2 =	vadd.f32 v2, v9  }
0x37d: {  	[tilespmem:s0+$0xC8C0] =	vst v3;
	v1 =	vadd.f32 v1, v10  }
0x37e: {  	[tilespmem:s0+$0xC8D0] =	vst v2;
	v0 =	vadd.f32 v0, v7  }
0x37f: {  	[tilespmem:s0+$0xC8E0] =	vst v1  }
0x380: {  	s31 =	simm.s32 $0x0;
	[tilespmem:s0+$0xC8F0] =	vst v0  }
0x381: {  	[hbm4b:s16+s31] =	stream.linear.scatter [tilespmem:s25], [sflag:$0x2], $0x3200, $0x38;
	[tilespmem:$0x15E00] =	vst v63  }
0x382: {  	_ =	swait.ge [sflag:s30], $0x3200  }
0x383: {  	[sflag:s30] =	ssyncset.done $0x0  }
0x384: {  	[sflag:s30] =	ssyncadd.s32 $0xFFFFCE00  }
0x385: {  	_ =	swait.ge [sflag:s29], $0x3200  }
0x386: {  	[sflag:s29] =	ssyncset.done $0x0  }
0x387: {  	s0 =	simm.s32 $0x0;
	[sflag:s29] =	ssyncadd.s32 $0xFFFFCE00  }
0x388: {  	v6 =	vld [tilespmem:s0+$0x12C00]  }
0x389: {  	v7 =	vld [tilespmem:s0+$0x12C10]  }
0x38a: {  	v8 =	vld [tilespmem:s0+$0x12C20]  }
0x38b: {  	v9 =	vld [tilespmem:s0+$0x12C30]  }
0x38c: {  	v10 =	vld [tilespmem:s0+$0x12C40]  }
0x38d: {  	v11 =	vld [tilespmem:s0+$0x12C50]  }
0x38e: {  	v12 =	vld [tilespmem:s0+$0x12C60]  }
0x38f: {  	v13 =	vld [tilespmem:s0+$0x12C70]  }
0x390: {  	v14 =	vld [tilespmem:s0+$0x12C80]  }
0x391: {  	v15 =	vld [tilespmem:s0+$0x12C90]  }
0x392: {  	v5 =	vld [tilespmem:s0+$0x12CA0]  }
0x393: {  	v4 =	vld [tilespmem:s0+$0x12CB0]  }
0x394: {  	v3 =	vld [tilespmem:s0+$0x12CC0]  }
0x395: {  	v2 =	vld [tilespmem:s0+$0x12CD0]  }
0x396: {  	v1 =	vld [tilespmem:s0+$0x12CE0]  }
0x397: {  	v0 =	vld [tilespmem:s0+$0x12CF0]  }
0x398: {  	v16 =	vld [tilespmem:s0+$0xFA00]  }
0x399: {  	v17 =	vld [tilespmem:s0+$0xFA10]  }
0x39a: {  	v18 =	vld [tilespmem:s0+$0xFA20]  }
0x39b: {  	v19 =	vld [tilespmem:s0+$0xFA30]  }
0x39c: {  	v20 =	vld [tilespmem:s0+$0xFA40]  }
0x39d: {  	v60 =	vld [tilespmem:s0+$0xFA50];
	v6 =	vadd.f32 v6, v16  }
0x39e: {  	v21 =	vld [tilespmem:s0+$0xFA60];
	v7 =	vadd.f32 v7, v17  }
0x39f: {  	v61 =	vld [tilespmem:s0+$0xFA70];
	[tilespmem:s0+$0xFA00] =	vst v6;
	v6 =	vadd.f32 v8, v18  }
0x3a0: {  	v62 =	vld [tilespmem:s0+$0xFA80];
	[tilespmem:s0+$0xFA10] =	vst v7;
	v7 =	vadd.f32 v9, v19  }
0x3a1: {  	v63 =	vld [tilespmem:s0+$0xFA90];
	[tilespmem:s0+$0xFA20] =	vst v6;
	v6 =	vadd.f32 v10, v20  }
0x3a2: {  	v8 =	vadd.f32 v11, v60;
	[tilespmem:s0+$0xFA30] =	vst v7;
	v7 =	vld [tilespmem:s0+$0xFAA0]  }
0x3a3: {  	v9 =	vadd.f32 v12, v21;
	[tilespmem:s0+$0xFA40] =	vst v6;
	v6 =	vld [tilespmem:s0+$0xFAB0]  }
0x3a4: {  	[tilespmem:s0+$0xFA50] =	vst v8;
	v8 =	vld [tilespmem:s0+$0xFAC0];
	v10 =	vadd.f32 v13, v61  }
0x3a5: {  	v12 =	vadd.f32 v14, v62;
	[tilespmem:s0+$0xFA60] =	vst v9;
	v9 =	vld [tilespmem:s0+$0xFAD0]  }
0x3a6: {  	s1 =	simm.s32 $0x400;
	v11 =	vadd.f32 v15, v63;
	[tilespmem:s0+$0xFA70] =	vst v10;
	v10 =	vld [tilespmem:s0+$0xFAE0]  }
.LBB2_26:
0x3a7: {  	s6 =	sshra.s32 s1, $0x2;
	p0 =	sne.s32 s1, $0xC400;
	[tilespmem:s0+$0xFA80] =	vst v12;
	v5 =	vadd.f32 v5, v7;
	v7 =	vld [tilespmem:s0+$0xFAF0]  }
0x3a8: {  	v12 =	vld [tilespmem:s6+$0x12C00];
	[tilespmem:s0+$0xFA90] =	vst v11;
	v4 =	vadd.f32 v4, v6  }
0x3a9: {  	v6 =	vld [tilespmem:s6+$0x12C10];
	[tilespmem:s0+$0xFAA0] =	vst v5;
	v3 =	vadd.f32 v3, v8  }
0x3aa: {  	v8 =	vld [tilespmem:s6+$0x12C20];
	[tilespmem:s0+$0xFAB0] =	vst v4;
	v2 =	vadd.f32 v2, v9  }
0x3ab: {  	v9 =	vld [tilespmem:s6+$0x12C30];
	[tilespmem:s0+$0xFAC0] =	vst v3;
	v1 =	vadd.f32 v1, v10  }
0x3ac: {  	v10 =	vld [tilespmem:s6+$0x12C40];
	[tilespmem:s0+$0xFAD0] =	vst v2;
	v0 =	vadd.f32 v0, v7  }
0x3ad: {  	v7 =	vld [tilespmem:s6+$0x12C50];
	[tilespmem:s0+$0xFAE0] =	vst v1  }
0x3ae: {  	v11 =	vld [tilespmem:s6+$0x12C60];
	[tilespmem:s0+$0xFAF0] =	vst v0;
	s0 =	smov.u32 s6  }
0x3af: {  	v13 =	vld [tilespmem:s0+$0x12C70]  }
0x3b0: {  	v14 =	vld [tilespmem:s0+$0x12C80]  }
0x3b1: {  	v15 =	vld [tilespmem:s0+$0x12C90]  }
0x3b2: {  	v5 =	vld [tilespmem:s0+$0x12CA0]  }
0x3b3: {  	v4 =	vld [tilespmem:s0+$0x12CB0]  }
0x3b4: {  	v3 =	vld [tilespmem:s0+$0x12CC0]  }
0x3b5: {  	v2 =	vld [tilespmem:s0+$0x12CD0]  }
0x3b6: {  	v1 =	vld [tilespmem:s0+$0x12CE0]  }
0x3b7: {  	v0 =	vld [tilespmem:s0+$0x12CF0]  }
0x3b8: {  	v16 =	vld [tilespmem:s0+$0xFA00]  }
0x3b9: {  	v17 =	vld [tilespmem:s0+$0xFA10]  }
0x3ba: {  	v18 =	vld [tilespmem:s0+$0xFA20]  }
0x3bb: {  	v19 =	vld [tilespmem:s0+$0xFA30]  }
0x3bc: {  	v20 =	vld [tilespmem:s0+$0xFA40]  }
0x3bd: {  	v12 =	vadd.f32 v12, v16;
	v16 =	vld [tilespmem:s0+$0xFA50]  }
0x3be: {  	v6 =	vadd.f32 v6, v17;
	v17 =	vld [tilespmem:s0+$0xFA60]  }
0x3bf: {  	[tilespmem:s0+$0xFA00] =	vst v12;
	v8 =	vadd.f32 v8, v18;
	v12 =	vld [tilespmem:s0+$0xFA70]  }
0x3c0: {  	[tilespmem:s0+$0xFA10] =	vst v6;
	v6 =	vadd.f32 v9, v19;
	v9 =	vld [tilespmem:s0+$0xFA80]  }
0x3c1: {  	[tilespmem:s0+$0xFA20] =	vst v8;
	v8 =	vadd.f32 v10, v20;
	v10 =	vld [tilespmem:s0+$0xFA90]  }
.Ltmp12:
0x3c2: {  	[tilespmem:s0+$0xFA30] =	vst v6;
	v16 =	vadd.f32 v7, v16;
	v7 =	vld [tilespmem:s0+$0xFAA0];
	(pc) =	sbr.rel @p0 .LBB2_26-.Ltmp12, $4  }
0x3c3: {  	[tilespmem:s0+$0xFA40] =	vst v8;
	v11 =	vadd.f32 v11, v17;
	v6 =	vld [tilespmem:s0+$0xFAB0]  }
0x3c4: {  	[tilespmem:s0+$0xFA50] =	vst v16;
	v13 =	vadd.f32 v13, v12;
	v8 =	vld [tilespmem:s0+$0xFAC0]  }
0x3c5: {  	[tilespmem:s0+$0xFA60] =	vst v11;
	v12 =	vadd.f32 v14, v9;
	v9 =	vld [tilespmem:s0+$0xFAD0]  }
0x3c6: {  	s1 =	sadd.s32 $0x400, s1;
	[tilespmem:s0+$0xFA70] =	vst v13;
	v11 =	vadd.f32 v15, v10;
	v10 =	vld [tilespmem:s0+$0xFAE0]  }
0x3c7: {  	[tilespmem:s0+$0xFA80] =	vst v12;
	v5 =	vadd.f32 v5, v7;
	v63 =	vld [tilespmem:s0+$0xFAF0]  }
0x3c8: {  	[tilespmem:s0+$0xFA90] =	vst v11;
	v4 =	vadd.f32 v4, v6  }
0x3c9: {  	[tilespmem:s0+$0xFAA0] =	vst v5;
	v3 =	vadd.f32 v3, v8  }
0x3ca: {  	[tilespmem:s0+$0xFAB0] =	vst v4;
	v2 =	vadd.f32 v2, v9  }
0x3cb: {  	[tilespmem:s0+$0xFAC0] =	vst v3;
	v1 =	vadd.f32 v1, v10  }
0x3cc: {  	s24 =	sadd.s32 $0x1, s24;
	[tilespmem:s0+$0xFAD0] =	vst v2;
	v0 =	vadd.f32 v0, v63  }
0x3cd: {  	p0 =	sne.s32 s24, s18;
	[tilespmem:s0+$0xFAE0] =	vst v1  }
.Ltmp13:
0x3ce: {  	[tilespmem:s0+$0xFAF0] =	vst v0;
	(pc) =	sbr.rel @p0 .LBB2_1-.Ltmp13, $4  }
0x3cf: {  	[hbm4b:s17+s4] =	stream.linear.scatter [tilespmem:s28], [sflag:$0x2], $0x3200, $0x38;
	[tilespmem:$0x15E00] =	vst v63  }
0x3d0: {  	_ =	swait.ge [sflag:s30], $0x3200  }
0x3d1: {  	[sflag:s30] =	ssyncset.done $0x0  }
0x3d2: {  	[sflag:s30] =	ssyncadd.s32 $0xFFFFCE00  }
0x3d3: {  	_ =	sfence.sel $0x180000  }
0x3d4: {  	[bflag:$0x0] =	sbarrier.arrive $0xFFFF  }
0x3d5: {  	_ =	strace $0x90000047  }
0x3d6: {  	s0 =	stileid.u32;
	[bflag:$0x2] =	sbarrier.arrive $0xFFFF  }
0x3d7: {  	p0 =	sne.s32 s0, $0x0;
	s0 =	rddreg [dreg:$0x2]  }
0x3d8: {  	s0 =	sadd.s32 @!p0 $0x100000, s0  }
0x3d9: {  	[sflag:s0] =	ssyncadd.tile.s32 @!p0 $0x1;
	_ =	shalt  }
.Lfunc_end2:
_tile_overlayer_lowered:
.L_overlay_start_2:
0x3da: {  	(tag) =	ssettag $0x2  }
0x3db: {  	s0 =	rddreg [dreg:$0x0];
	s2 =	stileid.u32  }
0x3dc: {  	s1 =	rddreg [dreg:$0x1];
	p0 =	sne.s32 s2, $0x0  }
0x3dd: {  	s3 =	rddreg [dreg:$0x2];
	[bflag:$0x3] =	sbarrier.arrive $0xFFFF;
	s2 =	simm.s32 @!p0 $0x1C03  }
0x3de: {  	[timem:s3], [sflag:s2] =	dma.local @!p0 [hbm:s0], s1  }
0x3df: {  	s0 =	simm.s32 @!p0 $0x3  }
0x3e0: {  	_ =	swait.ge @!p0 [sflag:s0], s1  }
0x3e1: {  	s1 =	ssub.s32 @!p0 $0x0, s1;
	[sflag:s0] =	ssyncset.done @!p0 $0x0  }
0x3e2: {  	[sflag:s0] =	ssyncadd.s32 @!p0 s1  }
0x3e3: {  	[bflag:$0x3] =	sbarrier.arrive $0xFFFF  }
0x3e4: {  	_ =	shalt  }

// kernel: sparse-core-data-format-call.cloned.1.call-start
scs
called_computation_lowered:
.L_overlay_start_0:
0x0: {  	s2 =	sld [smem:$0x3FD9]  }
0x1: {  	s3 =	sld [smem:$0x3FFE];
	_ =	sdelay $0x1  }
0x2: {  	s1 =	srdreg.scid  }
0x3: {  	s0 =	sand.u32 $0x1, s1  }
0x4: {  	s18 =	sshll.u32 s0, $0xA;
	s2 =	sadd.s32 s3, s2  }
0x5: {  	s2 =	sadd.s32 s2, s18  }
0x6: {  	[smem:$0x3FC5] =	sst s2  }
0x7: {  	_ = 	snop  }
0x8: {  	s2 =	sld [smem:$0x3FD0];
	(tm) =	ssettm $0x1  }
0x9: {  	s19 =	sld [smem:$0x3FFB];
	_ =	sdelay $0x3  }
0xa: {  	_ =	strace s19  }
0xb: {  	s3 =	sld [smem:$0x3FFC];
	_ =	sdelay $0x3  }
0xc: {  	_ =	strace s3  }
0xd: {  	s3 =	sld [smem:$0x3FFD];
	_ =	sdelay $0x3  }
0xe: {  	_ =	strace s3  }
0xf: {  	_ =	strace $0x8FFFFFFF  }
0x10: {  	s20 =	sld [smem:$0x3FDB];
	_ =	sdelay $0x1  }
0x11: {  	s4 =	simm.s32 $_scs_section_size  }
0x12: {  	s5 =	simm.s32 $_size__tile_overlayer_lowered;
	s6 =	simm.s32 $_tile_overlayer_lowered  }
0x13: {  	s23 =	simm.s32 $0x1BFF;
	s22 =	sshll.u32 s6, $0x1;
	s3 =	sadd.s32 s4, s20  }
0x14: {  	s7 =	simm.s32 $0x0;
	s21 =	sshll.u32 s5, $0x1;
	s5 =	sadd.s32 s22, s3  }
0x15: {  	[timem:s7], [sflag:s23] =	dma.local [hbm:s5], s21  }
0x16: {  	_ =	swait.ge [sflag:s23], s21  }
0x17: {  	s4 =	ssub.s32 $0x0, s21;
	[sflag:s23] =	ssyncset.done $0x0  }
0x18: {  	[sflag:s23] =	ssyncadd.s32 s4;
	_ =	sdelay $0x1  }
0x19: {  	s24 =	simm.s32 $0x1B8B  }
0x1a: {  	_ =	swait.ge [sflag:s24], $0x1  }
0x1b: {  	[sflag:s24] =	ssyncset.done $0x0  }
0x1c: {  	s26 =	simm.s32 $0x1B8E;
	s25 =	sld [smem:$0x3FFE];
	[sflag:s24] =	ssyncadd.s32 $0xFFFFFFFF  }
0x1d: {  	s27 =	simm.s32 $execute0_lowered;
	[smem:$0x3FD2] =	sst s26  }
0x1e: {  	s5 =	sshll.u32 s27, $0x1;
	_ =	strace $0x80000049;
	[dreg:$0x1] =	wrdreg $0xFFFFFFFF  }
0x1f: {  	s28 =	simm.s32 $_size_execute0_lowered;
	s3 =	sadd.s32 s3, s5;
	[dreg:$0x0] =	wrdreg $0x0  }
0x20: {  	s5 =	sshll.u32 s28, $0x1;
	[dreg:$0x2] =	wrdreg s3  }
0x21: {  	[dreg:$0x3] =	wrdreg s5  }
0x22: {  	[dreg:$0x4] =	wrdreg $0xC0  }
0x23: {  	_ =	task [dreg:s7], $0x5FFFF  }
0x24: {  	[dreg:$0x1] =	wrdreg $0xFFFFFFFF  }
0x25: {  	[dreg:$0x0] =	wrdreg $0x60  }
0x26: {  	[dreg:$0x2] =	wrdreg s25  }
0x27: {  	[dreg:$0x3] =	wrdreg s2  }
0x28: {  	[dreg:$0x4] =	wrdreg $0x9  }
0x29: {  	_ =	task.clear_ibuf [dreg:s7], $0x5FFFF;
	_ =	strace $0x90000049  }
0x2a: {  	s29 =	simm.s32 $0x9;
	_ =	strace $0x8000004B  }
0x2b: {  	_ =	swait.ge [sflag:s29], $0x1  }
0x2c: {  	[sflag:s29] =	ssyncadd.s32 $0xFFFFFFFF  }
0x2d: {  	_ =	strace $0x9000004B  }
0x2e: {  	_ =	sfence  }
0x2f: {  	s30 =	sld [smem:$0x0];
	_ =	sdelay $0x2  }
0x30: {  	s31 =	sshll.u32 s1, $0xD;
	s1 =	sshrl.u32 s1, $0x2  }
0x31: {  	s3 =	sand.u32 $0x4000, s31;
	s1 =	sadd.s32 s1, s30  }
0x32: {  	s0 =	sor.u32 s3, s0;
	s1 =	sshll.u32 s1, $0x11  }
0x33: {  	s0 =	sor.u32 s1, s0  }
0x34: {  	s0 =	sadd.s32 $0x8F2B, s0  }
0x35: {  	[sflag:s0] =	ssyncadd.remote.s32 $0x1  }
0x36: {  	_ =	sfence.sel $0xFFFF  }
0x37: {  	[dreg:$0x0] =	wrdreg $0xFFFFFFFF;
	(pc) =	sbr.abs _section_cstart, $3  }
0x38: {  	[dreg:$0x1] =	wrdreg $0xFFFFFFFF  }
0x39: {  	_ =	task.clear_ibuf [dreg:s7], $0x2FFFF;
	_ =	strace $0x9FFFFFFF  }
0x3a: {  	(tm) =	ssettm $0x7FFFFFFF  }
0x3b: {  	_ =	shalt  }
tec
execute0_lowered:
.L_overlay_start_1:
0x0: {  	(tag) =	ssettag $0x1  }
0x1: {  	s0 =	srdreg.scid  }
0x2: {  	s1 =	sshll.u32 s0, $0x4  }
0x3: {  	s0 =	stileid.u32;
	s1 =	sand.u32 $0x10, s1  }
0x4: {  	s1 =	sor.u32 s0, s1  }
0x5: {  	s6 =	rddreg [dreg:$0x0];
	s4 =	simm.s32 $0x1;
	s2 =	sshll.u32 s1, $0x7  }
0x6: {  	s7 =	simm.s32 $0x2;
	s12 =	simm.s32 $0x0;
	s1 =	ssub.s32 $0x1000, s2  }
0x7: {  	s8 =	simm.s32 $0x8000;
	s13 =	simm.s32 $0x0;
	s3 =	sand.u32 $0xF80, s1  }
0x8: {  	s9 =	simm.s32 $0x0;
	s5 =	sshrl.u32 s1, $0xC;
	p0 =	sne.s32 s3, $0x0  }
.Ltmp0:
0x9: {  	s1 =	rddreg [dreg:$0x2];
	s4 =	simm.s32 @!p0 $0x0;
	(pc) =	sbr.rel .LBB1_1-.Ltmp0, $4  }
0xa: {  	s11 =	simm.s32 $0x0;
	s3 =	rddreg [dreg:$0x1];
	s5 =	sadd.s32 s4, s5  }
0xb: {  	_ =	strace $0x8000004A;
	s4 =	simm.s32 $0x1;
	s5 =	smul.u32 $0xC8, s5  }
0xc: {  	s6 =	sadd.s32 $0xC00, s6;
	s10 =	smov.u32 s2;
	[sflag:s4] =	ssyncpa.u1 $0x0  }
0xd: {  	p0 =	por $0x0, $0x0;
	[sflag:s7] =	ssyncpa.u1 $0x0;
	s7 =	sor.u32 $0x1, s5  }
.LBB1_4:
0xe: {  	s16 =	sshll.u32 s13, $0x3;
	s17 =	sand.u32 $0x78, s13  }
0xf: {  	s30 =	sand.u32 $0x7E00, s13;
	s12 =	sshll.u32 s12, $0xF;
	s16 =	sand.u32 $0xC00, s16  }
0x10: {  	[tilespmem:s15+$0x810 ss:$0x81] =	vst.msk $0xffff, v2;
	s31 =	sand.u32 $0x7, s13;
	s16 =	sor.u32 s17, s16;
	s17 =	sadd.s32 s3, s30  }
0x11: {  	[tilespmem:s15+$0x1020 ss:$0x81] =	vst.msk $0xffff, v0;
	s13 =	sshll.u32 s31, $0x12;
	s12 =	sadd.s32 s12, s17;
	s16 =	sshrl.u32 s16, $0x3  }
0x12: {  	[tilespmem:s15+$0x0 ss:$0x81] =	vst.msk $0xffff, v1;
	s13 =	sor.u32 $0x400, s13;
	s12 =	sadd.s32 s16, s12  }
0x13: {  	[hbm4b:s12+s13] =	stream.strided.scatter [tilespmem:s14], [sflag:$0x2], $0x2000, s8, s13, $0x20;
	[tilespmem:$0x8080] =	vst v63  }
.LBB1_5:
0x14: {  	s14 =	sadd.s32 $0x1, s9  }
0x15: {  	s12 =	sadd.s32 $0x1000, s10;
	s16 =	smov.u32 s10;
	p2 =	sgt.s32 s14, $0xC7  }
0x16: {  	s16 =	smov.u32 @p2 s12  }
0x17: {  	s14 =	simm.s32 @p2 $0x0;
	p2 =	sgt.s32 s16, $0xFFF  }
0x18: {  	s16 =	smov.u32 @p2 s2;
	p2 =	sne.s32 s11, s7  }
.Ltmp1:
0x19: {  	p1 =	slt.u32 s11, $0x2;
	(pc) =	sbr.rel @!p2 .LBB1_6-.Ltmp1, $4  }
0x1a: {  	s15 =	simm.s32 @!p1 $0x2  }
0x1b: {  	s13 =	smov.u32 s10;
	p0 =	por !p0, !p0;
	_ =	swait.ge @!p1 [sflag:s15], $0x2000  }
0x1c: {  	s12 =	smov.u32 s9;
	[sflag:s15] =	ssyncset.done @!p1 $0x0;
	s9 =	smov.u32 s14  }
0x1d: {  	s11 =	sadd.s32 $0x1, s11;
	[sflag:s15] =	ssyncadd.s32 @!p1 $0xFFFFE000;
	s10 =	smov.u32 s16  }
.LBB1_1:
0x1e: {  	p1 =	sge.u32 s11, s5  }
0x1f: {  	s14 =	sand.u32 @!p1 $0x1FFFFFF, s9  }
0x20: {  	s15 =	smulhi.u32 @!p1 $0x147AE15, s14;
	_ =	sdelay $0x1  }
0x21: {  	s15 =	smul.u32 @!p1 $0xC8, s15  }
0x22: {  	s16 =	sxor.u32 @!p1 $0xFFFFFFFF, s11;
	s17 =	smul.u32 @!p1 $0xC80, s10  }
0x23: {  	s31 =	sadd.s32 $0xFFFFFFFF, s11;
	s16 =	sshll.u32 @!p1 s16, $0xD;
	s14 =	ssub.s32 @!p1 s14, s15  }
0x24: {  	s15 =	sand.u32 @!p1 $0x2000, s16;
	s16 =	sadd.s32 @!p1 s6, s17;
	s14 =	sshll.u32 @!p1 s14, $0x4  }
0x25: {  	s17 =	simm.s32 @!p1 $0x6400;
	s14 =	sadd.s32 @!p1 s14, s16;
	s16 =	simm.s32 @!p1 $0x40  }
0x26: {  	[tilespmem:s15], [sflag:$0x1] =	stream.strided.gather @!p1 [hbm4b:s14+s16], $0x2000, s17, s16, $0x38;
	[tilespmem:$0x8080] =	vst v63  }
0x27: {  	p1 =	sge.u32 s31, s5  }
.Ltmp2:
0x28: {  	_ = 	snop;
	(pc) =	sbr.rel @p1 .LBB1_5-.Ltmp2, $1  }
0x29: {  	_ =	sdelay $0x3  }
0x2a: {  	s14 =	simm.s32 $0x1  }
0x2b: {  	_ =	swait.ge [sflag:s4], $0x2000;
	s14 =	simm.s32 @!p0 $0x0  }
0x2c: {  	[sflag:s4] =	ssyncset.done $0x0;
	s15 =	sshll.u32 s14, $0xD  }
0x2d: {  	[sflag:s4] =	ssyncadd.s32 $0xFFFFE000;
	s18 =	sor.u32 $0x20, s15  }
0x2e: {  	s14 =	smul.u32 $0x8100, s14;
	v3 =	vld [tilespmem:s18+$0x10]  }
0x2f: {  	s30 =	sand.u32 $0x1, s11;
	v2 =	vld [tilespmem:s18+$0xFFFFFFF0]  }
0x30: {  	s15 =	smul.u32 $0x8100, s30;
	s14 =	sshrl.u32 s14, $0x2;
	v0 =	vld [tilespmem:s18+$0x0]  }
0x31: {  	v1 =	vld [tilespmem:s18+$0xFFFFFFE0];
	s16 =	sor.u32 $0x4000, s14  }
0x32: {  	s31 =	sshrl.u32 s15, $0x2;
	s15 =	sadd.s32 $0x0, s16  }
0x33: {  	s17 =	simm.s32 $0x4;
	s18 =	sadd.s32 $0x40, s18;
	s14 =	sor.u32 $0x4000, s31;
	[tilespmem:s15+$0x1830 ss:$0x81] =	vst.msk $0xffff, v3  }
.LBB1_3:
0x34: {  	v3 =	vld [tilespmem:s18+$0x10];
	p1 =	sne.s32 s17, $0x1FC;
	[tilespmem:s15+$0x810 ss:$0x81] =	vst.msk $0xffff, v2;
	s19 =	smov.u32 s17;
	s17 =	sadd.s32 $0x4, s17  }
.Ltmp3:
0x35: {  	v2 =	vld [tilespmem:s18+$0xFFFFFFF0];
	[tilespmem:s15+$0x1020 ss:$0x81] =	vst.msk $0xffff, v0;
	(pc) =	sbr.rel @p1 .LBB1_3-.Ltmp3, $4  }
0x36: {  	v0 =	vld [tilespmem:s18+$0x0];
	[tilespmem:s15+$0x0 ss:$0x81] =	vst.msk $0xffff, v1  }
0x37: {  	s15 =	sshra.s32 s19, $0x2;
	v1 =	vld [tilespmem:s18+$0xFFFFFFE0]  }
0x38: {  	s15 =	sadd.s32 s15, s16  }
0x39: {  	s18 =	sadd.s32 $0x40, s18;
	[tilespmem:s15+$0x1830 ss:$0x81] =	vst.msk $0xffff, v3  }
.Ltmp4:
0x3a: {  	_ = 	snop;
	(pc) =	sbr.rel .LBB1_4-.Ltmp4, $1  }
0x3b: {  	_ =	sdelay $0x3  }
.LBB1_6:
0x3c: {  	_ =	sfence.sel $0x180000  }
0x3d: {  	s2 =	simm.s32 $0x1;
	[bflag:$0x0] =	sbarrier.arrive $0xFFFF  }
0x3e: {  	s31 =	simm.s32 $0x2;
	[sflag:s2] =	ssyncpa.u1 $0x1  }
0x3f: {  	[sflag:s31] =	ssyncpa.u1 $0x1  }
0x40: {  	p0 =	sne.s32 s0, $0x0;
	_ =	strace $0x9000004A  }
0x41: {  	s0 =	sadd.s32 @!p0 $0x100000, s1;
	[bflag:$0x2] =	sbarrier.arrive $0xFFFF  }
0x42: {  	[sflag:s0] =	ssyncadd.tile.s32 @!p0 $0x1;
	_ =	shalt  }
.Lfunc_end1:
_tile_overlayer_lowered:
.L_overlay_start_2:
0x43: {  	(tag) =	ssettag $0x2  }
0x44: {  	s0 =	rddreg [dreg:$0x0];
	s2 =	stileid.u32  }
0x45: {  	s1 =	rddreg [dreg:$0x1];
	p0 =	sne.s32 s2, $0x0  }
0x46: {  	s3 =	rddreg [dreg:$0x2];
	[bflag:$0x3] =	sbarrier.arrive $0xFFFF;
	s2 =	simm.s32 @!p0 $0x1C01  }
0x47: {  	[timem:s3], [sflag:s2] =	dma.local @!p0 [hbm:s0], s1  }
0x48: {  	s0 =	simm.s32 @!p0 $0x1  }
0x49: {  	_ =	swait.ge @!p0 [sflag:s0], s1  }
0x4a: {  	s1 =	ssub.s32 @!p0 $0x0, s1;
	[sflag:s0] =	ssyncset.done @!p0 $0x0  }
0x4b: {  	[sflag:s0] =	ssyncadd.s32 @!p0 s1  }
0x4c: {  	[bflag:$0x3] =	sbarrier.arrive $0xFFFF  }
0x4d: {  	_ =	shalt  }

</sc_bundles>
